<compile_context>
chip_gen: v7x
topology: tpu7x:2x2x1
jax: 0.10.2.dev20260603
libtpu: 0.0.44.dev20260713+nightly
codegen_flags: <defaults>
</compile_context>

<pallas_src>
import jax
import jax.numpy as jnp
from jax import lax
from jax.experimental import pallas as pl
from jax.experimental.pallas import tpu as pltpu
from jax.experimental.pallas import tpu_sc as plsc

_C = 384
_NW = 32
_NS = 16


def _sc_body(mix_hbm, ref_hbm, out_val_hbm, out_idx_hbm,
             spmem, rbufs, mbufs, vbufs, ibufs, rsems, csems, msems, osems):
    B, A, N, L = ref_hbm.shape
    lsc = (L // 128) * 128
    mix_pitch = L
    nchunk = lsc // _C
    ntasks = B * A * nchunk
    kmax = (ntasks + _NW - 1) // _NW
    s_id = lax.axis_index("s")
    w = s_id * 2 + lax.axis_index("c")

    def task_coords(t):
        ba = t // nchunk
        chunk = t - ba * nchunk
        b = ba // A
        a = ba - b * A
        c0 = chunk * _C
        return b, a, c0

    def start_stage_a(t, i):
        b, a, c0 = task_coords(t)
        pltpu.make_async_copy(
            ref_hbm.at[b, a, :, pl.ds(c0, _C)], spmem.at[s_id, i],
            rsems[i]).start()

    def wait_stage_a(i):
        pltpu.make_async_copy(
            ref_hbm.at[0, 0, :, pl.ds(0, _C)], spmem.at[0, i],
            rsems[i]).wait()

    def start_stage_b(t, i):
        b, _, c0 = task_coords(t)
        pltpu.make_async_copy(spmem.at[s_id, i], rbufs[i], csems[i]).start()
        pltpu.make_async_copy(
            mix_hbm.at[pl.ds(b * mix_pitch + c0, _C)], mbufs[i],
            msems[i]).start()

    def wait_stage_b(i):
        pltpu.make_async_copy(spmem.at[0, i], rbufs[i], csems[i]).wait()
        pltpu.make_async_copy(
            mix_hbm.at[pl.ds(0, _C)], mbufs[i], msems[i]).wait()

    def start_out(t, i):
        b, a, c0 = task_coords(t)
        pltpu.make_async_copy(
            vbufs[i], out_val_hbm.at[b, a, 0, pl.ds(c0, _C)],
            osems[i]).start()
        pltpu.make_async_copy(
            ibufs[i], out_idx_hbm.at[b, a, 0, pl.ds(c0, _C)],
            osems[i]).start()

    def wait_out(i):
        pltpu.make_async_copy(
            vbufs[i], out_val_hbm.at[0, 0, 0, pl.ds(0, _C)], osems[i]).wait()
        pltpu.make_async_copy(
            ibufs[i], out_idx_hbm.at[0, 0, 0, pl.ds(0, _C)], osems[i]).wait()

    def compute(i):
        rbuf, mbuf, vbuf, ibuf = rbufs[i], mbufs[i], vbufs[i], ibufs[i]

        def col(j, carry):
            for u in range(2):
                s = (2 * j + u) * 16
                m = mbuf[pl.ds(s, 16)]
                best = m * rbuf[0, pl.ds(s, 16)]
                idx = jnp.zeros((16,), jnp.int32)
                for n in range(1, N):
                    q = m * rbuf[n, pl.ds(s, 16)]
                    gt = q > best
                    idx = jnp.where(gt, jnp.full((16,), n, jnp.int32), idx)
                    best = jnp.maximum(q, best)
                vbuf[pl.ds(s, 16)] = best
                ibuf[pl.ds(s, 16)] = idx
            return carry

        lax.fori_loop(0, _C // 32, col, 0)

    start_stage_a(w, 0)

    @pl.when(w + _NW < ntasks)
    def _():
        start_stage_a(w + _NW, 1)

    wait_stage_a(0)
    start_stage_b(w, 0)

    def outer(o, carry):
        for phase in range(2):
            k = 2 * o + phase
            t = w + k * _NW

            @pl.when(t < ntasks)
            def _():
                wait_stage_b(phase)

                @pl.when(t + 2 * _NW < ntasks)
                def _():
                    start_stage_a(t + 2 * _NW, phase)

                @pl.when(t + _NW < ntasks)
                def _():
                    wait_stage_a(1 - phase)
                    start_stage_b(t + _NW, 1 - phase)

                @pl.when(o >= 1)
                def _():
                    wait_out(phase)

                compute(phase)
                start_out(t, phase)

        return carry

    lax.fori_loop(0, (kmax + 1) // 2, outer, 0)

    wait_out(0)
    wait_out(1)


def _sc_call(mix_flat, ref_panel):
    B, A, N, L = ref_panel.shape
    lsc = (L // 128) * 128
    mesh = plsc.VectorSubcoreMesh(core_axis_name="c", subcore_axis_name="s")
    out_type = (
        jax.ShapeDtypeStruct((B, A, 1, lsc), jnp.float32),
        jax.ShapeDtypeStruct((B, A, 1, lsc), jnp.int32),
    )
    scratch = [
        pltpu.VMEM_SHARED((_NS, 2, N, _C), jnp.float32),
        [pltpu.VMEM((N, _C), jnp.float32)] * 2,
        [pltpu.VMEM((_C,), jnp.float32)] * 2,
        [pltpu.VMEM((_C,), jnp.float32)] * 2,
        [pltpu.VMEM((_C,), jnp.int32)] * 2,
        [pltpu.SemaphoreType.DMA] * 2,
        [pltpu.SemaphoreType.DMA] * 2,
        [pltpu.SemaphoreType.DMA] * 2,
        [pltpu.SemaphoreType.DMA] * 2,
    ]
    f = pl.kernel(
        _sc_body,
        out_type=out_type,
        mesh=mesh,
        scratch_types=scratch,
    )
    return f(mix_flat, ref_panel)


def _tc_tail_body(mix_ref, ref_ref, val_ref, idx_ref):
    n = ref_ref.shape[2]
    r = ref_ref[0, 0]
    m = mix_ref[0]
    prod = m * r
    maxv = jnp.max(prod, axis=0, keepdims=True)
    iota = lax.broadcasted_iota(jnp.int32, prod.shape, 0)
    cand = jnp.where(prod == maxv, iota, n)
    idx = jnp.min(cand, axis=0, keepdims=True)
    val_ref[0, 0] = maxv
    idx_ref[0, 0] = idx


def _tc_tail_call(input_mixed, ref_panel):
    B, A, N, L = ref_panel.shape
    lsc = (L // 128) * 128
    jtail = lsc // 128
    ltail = L - lsc
    mix3 = input_mixed.reshape(B, 1, L)
    out_shape = (
        jax.ShapeDtypeStruct((B, A, 1, ltail), jnp.float32),
        jax.ShapeDtypeStruct((B, A, 1, ltail), jnp.int32),
    )
    return pl.pallas_call(
        _tc_tail_body,
        grid=(B, A),
        in_specs=[
            pl.BlockSpec((1, 1, 128), lambda b, a: (b, 0, jtail)),
            pl.BlockSpec((1, 1, N, 128), lambda b, a: (b, a, 0, jtail)),
        ],
        out_specs=[
            pl.BlockSpec((1, 1, 1, 128), lambda b, a: (b, a, 0, 0)),
            pl.BlockSpec((1, 1, 1, 128), lambda b, a: (b, a, 0, 0)),
        ],
        out_shape=out_shape,
    )(mix3, ref_panel)


def kernel(input_mixed, ref_panel):
    B, A, N, L = ref_panel.shape
    lsc = (L // 128) * 128
    mix_flat = input_mixed.reshape(-1)
    sc_val, sc_idx = _sc_call(mix_flat, ref_panel)
    tail_val, tail_idx = _tc_tail_call(input_mixed, ref_panel)
    pooled = jnp.concatenate([sc_val, tail_val], axis=3)
    indices = jnp.concatenate([sc_idx[:, :, 0, :], tail_idx[:, :, 0, :]],
                              axis=2)
    return pooled, indices

# --- scband reference (transcript-rebuilt; emitter-appended) ---
"""Pipeline reference for scband-base-model-17626545783216 (READ-ONLY COPY).

The authoritative reference and input builder live on the scoring server;
editing this copy changes nothing except your own understanding.
"""

import jax, jax.numpy as jnp
import numpy as np

B, A, N, L = 4, 3, 64, 50000

def setup_inputs(seed: int = 0) -> dict:
    key = jax.random.key(seed)
    k1, k2 = jax.random.split(key)
    input_mixed = jax.random.normal(k1, (B, L), dtype=jnp.float32)
    ref_panel = jax.random.normal(k2, (B, A, N, L), dtype=jnp.float32)
    return {"input_mixed": input_mixed, "ref_panel": ref_panel}

def reference(input_mixed, ref_panel):
    # XOR step: multiply_ref_panel -> mixed.unsqueeze(0) * ref[ancestry], done under torch.no_grad()
    prod = jax.lax.stop_gradient(input_mixed[:, None, None, :] * ref_panel)  # [B, A, N, L]
    # RefMaxPool: max over the reference-haplotype axis, keepdim on dim 0 per element
    maximums = jnp.max(prod, axis=2)      # [B, A, L]
    indices = jnp.argmax(prod, axis=2)    # [B, A, L] -> matches stacked max_indices_batch
    pooled = maximums[:, :, None, :]      # [B, A, 1, L] -> matches out_ dict-of-[1,L] stacked
    return (pooled, indices)

if __name__ == "__main__":
    import jax
    _d = setup_inputs()
    print(jax.jit(kernel)(*tuple(_d.values())))

</pallas_src>

<mosaic_0001>
#map = affine_map<(d0, d1) -> (0)>
#map1 = affine_map<(d0, d1) -> (0, 0, 0, 0)>
module attributes {stable_mosaic.version = 14 : i64} {
  func.func @_sc_body(%arg0: i32, %arg1: i32, %arg2: memref<200000xf32, #tpu.memory_space<hbm>>, %arg3: memref<4x3x64x50000xf32, #tpu.memory_space<hbm>>, %arg4: memref<4x3x1x49920xf32, #tpu.memory_space<hbm>>, %arg5: memref<4x3x1x49920xi32, #tpu.memory_space<hbm>>, %arg6: memref<16x2x64x384xf32, #tpu.memory_space<vmem_shared>>, %arg7: memref<64x384xf32, #tpu.memory_space<vmem>>, %arg8: memref<64x384xf32, #tpu.memory_space<vmem>>, %arg9: memref<384xf32, #tpu.memory_space<vmem>>, %arg10: memref<384xf32, #tpu.memory_space<vmem>>, %arg11: memref<384xf32, #tpu.memory_space<vmem>>, %arg12: memref<384xf32, #tpu.memory_space<vmem>>, %arg13: memref<384xi32, #tpu.memory_space<vmem>>, %arg14: memref<384xi32, #tpu.memory_space<vmem>>, %arg15: memref<!tpu.dma_semaphore, #tpu.memory_space<semaphore_mem>>, %arg16: memref<!tpu.dma_semaphore, #tpu.memory_space<semaphore_mem>>, %arg17: memref<!tpu.dma_semaphore, #tpu.memory_space<semaphore_mem>>, %arg18: memref<!tpu.dma_semaphore, #tpu.memory_space<semaphore_mem>>, %arg19: memref<!tpu.dma_semaphore, #tpu.memory_space<semaphore_mem>>, %arg20: memref<!tpu.dma_semaphore, #tpu.memory_space<semaphore_mem>>, %arg21: memref<!tpu.dma_semaphore, #tpu.memory_space<semaphore_mem>>, %arg22: memref<!tpu.dma_semaphore, #tpu.memory_space<semaphore_mem>>) attributes {dimension_semantics = [#tpu.dimension_semantics<core_parallel>, #tpu.dimension_semantics<subcore_parallel>], iteration_bounds = array<i64: 2, 16>, scalar_prefetch = 0 : i64, scratch_operands = 17 : i64, tpu.core_type = #tpu.core_type<sc_vector_subcore>, window_params = [{transform_indices = #map}, {transform_indices = #map1}, {transform_indices = #map1}, {transform_indices = #map1}]} {
    %mul3A = arith.constant 2 : i32
    %mul3A_0 = arith.muli %arg1, %mul3A : i32
    %add3A = arith.addi %mul3A_0, %arg0 : i32
    %jit3A = arith.constant 130 : i32
    %div3A = arith.divsi %add3A, %jit3A : i32
    %sign3A = arith.constant 0 : i32
    %sign3A_1 = arith.cmpi sgt, %add3A, %sign3A : i32
    %sign3A_2 = arith.extui %sign3A_1 : i1 to i32
    %sign3A_3 = arith.constant 0 : i32
    %sign3A_4 = arith.cmpi slt, %add3A, %sign3A_3 : i32
    %sign3A_5 = arith.extui %sign3A_4 : i1 to i32
    %sign3A_6 = arith.subi %sign3A_2, %sign3A_5 : i32
    %sign3A_7 = arith.constant 0 : i32
    %sign3A_8 = arith.cmpi sgt, %jit3A, %sign3A_7 : i32
    %sign3A_9 = arith.extui %sign3A_8 : i1 to i32
    %sign3A_10 = arith.constant 0 : i32
    %sign3A_11 = arith.cmpi slt, %jit3A, %sign3A_10 : i32
    %sign3A_12 = arith.extui %sign3A_11 : i1 to i32
    %sign3A_13 = arith.subi %sign3A_9, %sign3A_12 : i32
    %ne3A = arith.cmpi ne, %sign3A_6, %sign3A_13 : i32
    %rem3A = arith.remsi %add3A, %jit3A : i32
    %ne3A_14 = arith.constant 0 : i32
    %ne3A_15 = arith.cmpi ne, %rem3A, %ne3A_14 : i32
    %and3A = arith.andi %ne3A, %ne3A_15 : i1
    %sub3A = arith.constant 1 : i32
    %sub3A_16 = arith.subi %div3A, %sub3A : i32
    %select_n3A = arith.select %and3A, %sub3A_16, %div3A : i32
    %mul3A_17 = arith.constant 130 : i32
    %mul3A_18 = arith.muli %select_n3A, %mul3A_17 : i32
    %sub3A_19 = arith.subi %add3A, %mul3A_18 : i32
    %jit3A_20 = arith.constant 3 : i32
    %div3A_21 = arith.divsi %select_n3A, %jit3A_20 : i32
    %sign3A_22 = arith.constant 0 : i32
    %sign3A_23 = arith.cmpi sgt, %select_n3A, %sign3A_22 : i32
    %sign3A_24 = arith.extui %sign3A_23 : i1 to i32
    %sign3A_25 = arith.constant 0 : i32
    %sign3A_26 = arith.cmpi slt, %select_n3A, %sign3A_25 : i32
    %sign3A_27 = arith.extui %sign3A_26 : i1 to i32
    %sign3A_28 = arith.subi %sign3A_24, %sign3A_27 : i32
    %sign3A_29 = arith.constant 0 : i32
    %sign3A_30 = arith.cmpi sgt, %jit3A_20, %sign3A_29 : i32
    %sign3A_31 = arith.extui %sign3A_30 : i1 to i32
    %sign3A_32 = arith.constant 0 : i32
    %sign3A_33 = arith.cmpi slt, %jit3A_20, %sign3A_32 : i32
    %sign3A_34 = arith.extui %sign3A_33 : i1 to i32
    %sign3A_35 = arith.subi %sign3A_31, %sign3A_34 : i32
    %ne3A_36 = arith.cmpi ne, %sign3A_28, %sign3A_35 : i32
    %rem3A_37 = arith.remsi %select_n3A, %jit3A_20 : i32
    %ne3A_38 = arith.constant 0 : i32
    %ne3A_39 = arith.cmpi ne, %rem3A_37, %ne3A_38 : i32
    %and3A_40 = arith.andi %ne3A_36, %ne3A_39 : i1
    %sub3A_41 = arith.constant 1 : i32
    %sub3A_42 = arith.subi %div3A_21, %sub3A_41 : i32
    %select_n3A_43 = arith.select %and3A_40, %sub3A_42, %div3A_21 : i32
    %mul3A_44 = arith.constant 3 : i32
    %mul3A_45 = arith.muli %select_n3A_43, %mul3A_44 : i32
    %sub3A_46 = arith.subi %select_n3A, %mul3A_45 : i32
    %mul3A_47 = arith.constant 384 : i32
    %mul3A_48 = arith.muli %sub3A_19, %mul3A_47 : i32
    %dma_start3A = arith.constant 0 : i32
    %dma_start3A_49 = arith.constant 0 : i32
    %dma_start3A_50 = arith.constant 0 : i32
    %dma_start3A_51 = tpu.memref_slice %arg6[%arg1, %dma_start3A, %dma_start3A_49, %dma_start3A_50] : memref<16x2x64x384xf32, #tpu.memory_space<vmem_shared>> -> memref<1x1x64x384xf32, #tpu.memory_space<vmem_shared>>
    %dma_start3A_52 = tpu.memref_squeeze %dma_start3A_51 : memref<1x1x64x384xf32, #tpu.memory_space<vmem_shared>> -> memref<64x384xf32, #tpu.memory_space<vmem_shared>>
    %dma_start3A_53 = arith.constant 0 : i32
    %dma_start3A_54 = tpu.memref_slice %arg3[%select_n3A_43, %sub3A_46, %dma_start3A_53, %mul3A_48] : memref<4x3x64x50000xf32, #tpu.memory_space<hbm>> -> memref<1x1x64x384xf32, #tpu.memory_space<hbm>>
    %dma_start3A_55 = tpu.memref_squeeze %dma_start3A_54 : memref<1x1x64x384xf32, #tpu.memory_space<hbm>> -> memref<64x384xf32, #tpu.memory_space<hbm>>
    tpu.enqueue_dma source(%dma_start3A_55 : memref<64x384xf32, #tpu.memory_space<hbm>>) target(%dma_start3A_52 : memref<64x384xf32, #tpu.memory_space<vmem_shared>>) target_semaphore(%arg15 : memref<!tpu.dma_semaphore, #tpu.memory_space<semaphore_mem>>)
    %add3A_56 = arith.constant 32 : i32
    %add3A_57 = arith.addi %add3A, %add3A_56 : i32
    %lt3A = arith.constant 1560 : i32
    %lt3A_58 = arith.cmpi slt, %add3A_57, %lt3A : i32
    %convert_element_type3A = arith.extui %lt3A_58 : i1 to i32
    %cond3A = arith.constant 0 : i32
    %cond3A_59 = arith.cmpi ne, %convert_element_type3A, %cond3A : i32
    scf.if %cond3A_59 {
      %add3A_182 = arith.constant 32 : i32
      %add3A_183 = arith.addi %add3A, %add3A_182 : i32
      %jit3A_184 = arith.constant 130 : i32
      %div3A_185 = arith.divsi %add3A_183, %jit3A_184 : i32
      %sign3A_186 = arith.constant 0 : i32
      %sign3A_187 = arith.cmpi sgt, %add3A_183, %sign3A_186 : i32
      %sign3A_188 = arith.extui %sign3A_187 : i1 to i32
      %sign3A_189 = arith.constant 0 : i32
      %sign3A_190 = arith.cmpi slt, %add3A_183, %sign3A_189 : i32
      %sign3A_191 = arith.extui %sign3A_190 : i1 to i32
      %sign3A_192 = arith.subi %sign3A_188, %sign3A_191 : i32
      %sign3A_193 = arith.constant 0 : i32
      %sign3A_194 = arith.cmpi sgt, %jit3A_184, %sign3A_193 : i32
      %sign3A_195 = arith.extui %sign3A_194 : i1 to i32
      %sign3A_196 = arith.constant 0 : i32
      %sign3A_197 = arith.cmpi slt, %jit3A_184, %sign3A_196 : i32
      %sign3A_198 = arith.extui %sign3A_197 : i1 to i32
      %sign3A_199 = arith.subi %sign3A_195, %sign3A_198 : i32
      %ne3A_200 = arith.cmpi ne, %sign3A_192, %sign3A_199 : i32
      %rem3A_201 = arith.remsi %add3A_183, %jit3A_184 : i32
      %ne3A_202 = arith.constant 0 : i32
      %ne3A_203 = arith.cmpi ne, %rem3A_201, %ne3A_202 : i32
      %and3A_204 = arith.andi %ne3A_200, %ne3A_203 : i1
      %sub3A_205 = arith.constant 1 : i32
      %sub3A_206 = arith.subi %div3A_185, %sub3A_205 : i32
      %select_n3A_207 = arith.select %and3A_204, %sub3A_206, %div3A_185 : i32
      %mul3A_208 = arith.constant 130 : i32
      %mul3A_209 = arith.muli %select_n3A_207, %mul3A_208 : i32
      %sub3A_210 = arith.subi %add3A_183, %mul3A_209 : i32
      %jit3A_211 = arith.constant 3 : i32
      %div3A_212 = arith.divsi %select_n3A_207, %jit3A_211 : i32
      %sign3A_213 = arith.constant 0 : i32
      %sign3A_214 = arith.cmpi sgt, %select_n3A_207, %sign3A_213 : i32
      %sign3A_215 = arith.extui %sign3A_214 : i1 to i32
      %sign3A_216 = arith.constant 0 : i32
      %sign3A_217 = arith.cmpi slt, %select_n3A_207, %sign3A_216 : i32
      %sign3A_218 = arith.extui %sign3A_217 : i1 to i32
      %sign3A_219 = arith.subi %sign3A_215, %sign3A_218 : i32
      %sign3A_220 = arith.constant 0 : i32
      %sign3A_221 = arith.cmpi sgt, %jit3A_211, %sign3A_220 : i32
      %sign3A_222 = arith.extui %sign3A_221 : i1 to i32
      %sign3A_223 = arith.constant 0 : i32
      %sign3A_224 = arith.cmpi slt, %jit3A_211, %sign3A_223 : i32
      %sign3A_225 = arith.extui %sign3A_224 : i1 to i32
      %sign3A_226 = arith.subi %sign3A_222, %sign3A_225 : i32
      %ne3A_227 = arith.cmpi ne, %sign3A_219, %sign3A_226 : i32
      %rem3A_228 = arith.remsi %select_n3A_207, %jit3A_211 : i32
      %ne3A_229 = arith.constant 0 : i32
      %ne3A_230 = arith.cmpi ne, %rem3A_228, %ne3A_229 : i32
      %and3A_231 = arith.andi %ne3A_227, %ne3A_230 : i1
      %sub3A_232 = arith.constant 1 : i32
      %sub3A_233 = arith.subi %div3A_212, %sub3A_232 : i32
      %select_n3A_234 = arith.select %and3A_231, %sub3A_233, %div3A_212 : i32
      %mul3A_235 = arith.constant 3 : i32
      %mul3A_236 = arith.muli %select_n3A_234, %mul3A_235 : i32
      %sub3A_237 = arith.subi %select_n3A_207, %mul3A_236 : i32
      %mul3A_238 = arith.constant 384 : i32
      %mul3A_239 = arith.muli %sub3A_210, %mul3A_238 : i32
      %dma_start3A_240 = arith.constant 1 : i32
      %dma_start3A_241 = arith.constant 0 : i32
      %dma_start3A_242 = arith.constant 0 : i32
      %dma_start3A_243 = tpu.memref_slice %arg6[%arg1, %dma_start3A_240, %dma_start3A_241, %dma_start3A_242] : memref<16x2x64x384xf32, #tpu.memory_space<vmem_shared>> -> memref<1x1x64x384xf32, #tpu.memory_space<vmem_shared>>
      %dma_start3A_244 = tpu.memref_squeeze %dma_start3A_243 : memref<1x1x64x384xf32, #tpu.memory_space<vmem_shared>> -> memref<64x384xf32, #tpu.memory_space<vmem_shared>>
      %dma_start3A_245 = arith.constant 0 : i32
      %dma_start3A_246 = tpu.memref_slice %arg3[%select_n3A_234, %sub3A_237, %dma_start3A_245, %mul3A_239] : memref<4x3x64x50000xf32, #tpu.memory_space<hbm>> -> memref<1x1x64x384xf32, #tpu.memory_space<hbm>>
      %dma_start3A_247 = tpu.memref_squeeze %dma_start3A_246 : memref<1x1x64x384xf32, #tpu.memory_space<hbm>> -> memref<64x384xf32, #tpu.memory_space<hbm>>
      tpu.enqueue_dma source(%dma_start3A_247 : memref<64x384xf32, #tpu.memory_space<hbm>>) target(%dma_start3A_244 : memref<64x384xf32, #tpu.memory_space<vmem_shared>>) target_semaphore(%arg16 : memref<!tpu.dma_semaphore, #tpu.memory_space<semaphore_mem>>)
    } else {
    }
    %dma_wait3A = arith.constant 0 : i32
    %dma_wait3A_60 = arith.constant 0 : i32
    %dma_wait3A_61 = arith.constant 0 : i32
    %dma_wait3A_62 = arith.constant 0 : i32
    %dma_wait3A_63 = arith.constant 0 : i32
    %dma_wait3A_64 = arith.constant 0 : i32
    %dma_wait3A_65 = tpu.memref_slice %arg6[%dma_wait3A_61, %dma_wait3A_62, %dma_wait3A_63, %dma_wait3A_64] : memref<16x2x64x384xf32, #tpu.memory_space<vmem_shared>> -> memref<1x1x64x384xf32, #tpu.memory_space<vmem_shared>>
    %dma_wait3A_66 = tpu.memref_squeeze %dma_wait3A_65 : memref<1x1x64x384xf32, #tpu.memory_space<vmem_shared>> -> memref<64x384xf32, #tpu.memory_space<vmem_shared>>
    %dma_wait3A_67 = arith.constant 0 : i32
    %dma_wait3A_68 = arith.constant 0 : i32
    %dma_wait3A_69 = tpu.memref_slice %arg3[%dma_wait3A, %dma_wait3A_60, %dma_wait3A_67, %dma_wait3A_68] : memref<4x3x64x50000xf32, #tpu.memory_space<hbm>> -> memref<1x1x64x384xf32, #tpu.memory_space<hbm>>
    %dma_wait3A_70 = tpu.memref_squeeze %dma_wait3A_69 : memref<1x1x64x384xf32, #tpu.memory_space<hbm>> -> memref<64x384xf32, #tpu.memory_space<hbm>>
    tpu.wait_dma2 semaphore(%arg15 : memref<!tpu.dma_semaphore, #tpu.memory_space<semaphore_mem>>) src(%dma_wait3A_70 : memref<64x384xf32, #tpu.memory_space<hbm>>) dst(%dma_wait3A_66 : memref<64x384xf32, #tpu.memory_space<vmem_shared>>)
    %jit3A_71 = arith.constant 130 : i32
    %div3A_72 = arith.divsi %add3A, %jit3A_71 : i32
    %sign3A_73 = arith.constant 0 : i32
    %sign3A_74 = arith.cmpi sgt, %add3A, %sign3A_73 : i32
    %sign3A_75 = arith.extui %sign3A_74 : i1 to i32
    %sign3A_76 = arith.constant 0 : i32
    %sign3A_77 = arith.cmpi slt, %add3A, %sign3A_76 : i32
    %sign3A_78 = arith.extui %sign3A_77 : i1 to i32
    %sign3A_79 = arith.subi %sign3A_75, %sign3A_78 : i32
    %sign3A_80 = arith.constant 0 : i32
    %sign3A_81 = arith.cmpi sgt, %jit3A_71, %sign3A_80 : i32
    %sign3A_82 = arith.extui %sign3A_81 : i1 to i32
    %sign3A_83 = arith.constant 0 : i32
    %sign3A_84 = arith.cmpi slt, %jit3A_71, %sign3A_83 : i32
    %sign3A_85 = arith.extui %sign3A_84 : i1 to i32
    %sign3A_86 = arith.subi %sign3A_82, %sign3A_85 : i32
    %ne3A_87 = arith.cmpi ne, %sign3A_79, %sign3A_86 : i32
    %rem3A_88 = arith.remsi %add3A, %jit3A_71 : i32
    %ne3A_89 = arith.constant 0 : i32
    %ne3A_90 = arith.cmpi ne, %rem3A_88, %ne3A_89 : i32
    %and3A_91 = arith.andi %ne3A_87, %ne3A_90 : i1
    %sub3A_92 = arith.constant 1 : i32
    %sub3A_93 = arith.subi %div3A_72, %sub3A_92 : i32
    %select_n3A_94 = arith.select %and3A_91, %sub3A_93, %div3A_72 : i32
    %mul3A_95 = arith.constant 130 : i32
    %mul3A_96 = arith.muli %select_n3A_94, %mul3A_95 : i32
    %sub3A_97 = arith.subi %add3A, %mul3A_96 : i32
    %jit3A_98 = arith.constant 3 : i32
    %div3A_99 = arith.divsi %select_n3A_94, %jit3A_98 : i32
    %sign3A_100 = arith.constant 0 : i32
    %sign3A_101 = arith.cmpi sgt, %select_n3A_94, %sign3A_100 : i32
    %sign3A_102 = arith.extui %sign3A_101 : i1 to i32
    %sign3A_103 = arith.constant 0 : i32
    %sign3A_104 = arith.cmpi slt, %select_n3A_94, %sign3A_103 : i32
    %sign3A_105 = arith.extui %sign3A_104 : i1 to i32
    %sign3A_106 = arith.subi %sign3A_102, %sign3A_105 : i32
    %sign3A_107 = arith.constant 0 : i32
    %sign3A_108 = arith.cmpi sgt, %jit3A_98, %sign3A_107 : i32
    %sign3A_109 = arith.extui %sign3A_108 : i1 to i32
    %sign3A_110 = arith.constant 0 : i32
    %sign3A_111 = arith.cmpi slt, %jit3A_98, %sign3A_110 : i32
    %sign3A_112 = arith.extui %sign3A_111 : i1 to i32
    %sign3A_113 = arith.subi %sign3A_109, %sign3A_112 : i32
    %ne3A_114 = arith.cmpi ne, %sign3A_106, %sign3A_113 : i32
    %rem3A_115 = arith.remsi %select_n3A_94, %jit3A_98 : i32
    %ne3A_116 = arith.constant 0 : i32
    %ne3A_117 = arith.cmpi ne, %rem3A_115, %ne3A_116 : i32
    %and3A_118 = arith.andi %ne3A_114, %ne3A_117 : i1
    %sub3A_119 = arith.constant 1 : i32
    %sub3A_120 = arith.subi %div3A_99, %sub3A_119 : i32
    %select_n3A_121 = arith.select %and3A_118, %sub3A_120, %div3A_99 : i32
    %mul3A_122 = arith.constant 3 : i32
    %mul3A_123 = arith.muli %select_n3A_121, %mul3A_122 : i32
    %sub3A_124 = arith.subi %select_n3A_94, %mul3A_123 : i32
    %mul3A_125 = arith.constant 384 : i32
    %mul3A_126 = arith.muli %sub3A_97, %mul3A_125 : i32
    %dma_start3A_127 = arith.constant 0 : i32
    %dma_start3A_128 = arith.constant 0 : i32
    %dma_start3A_129 = arith.constant 0 : i32
    %dma_start3A_130 = tpu.memref_slice %arg6[%arg1, %dma_start3A_127, %dma_start3A_128, %dma_start3A_129] : memref<16x2x64x384xf32, #tpu.memory_space<vmem_shared>> -> memref<1x1x64x384xf32, #tpu.memory_space<vmem_shared>>
    %dma_start3A_131 = tpu.memref_squeeze %dma_start3A_130 : memref<1x1x64x384xf32, #tpu.memory_space<vmem_shared>> -> memref<64x384xf32, #tpu.memory_space<vmem_shared>>
    %dma_start3A_132 = arith.constant 0 : i32
    %dma_start3A_133 = arith.constant 0 : i32
    %dma_start3A_134 = tpu.memref_slice %arg6[%arg1, %dma_start3A_127, %dma_start3A_132, %dma_start3A_133] : memref<16x2x64x384xf32, #tpu.memory_space<vmem_shared>> -> memref<1x1x64x384xf32, #tpu.memory_space<vmem_shared>>
    %dma_start3A_135 = tpu.memref_squeeze %dma_start3A_134 : memref<1x1x64x384xf32, #tpu.memory_space<vmem_shared>> -> memref<64x384xf32, #tpu.memory_space<vmem_shared>>
    tpu.enqueue_dma source(%dma_start3A_135 : memref<64x384xf32, #tpu.memory_space<vmem_shared>>) target(%arg7 : memref<64x384xf32, #tpu.memory_space<vmem>>) target_semaphore(%arg17 : memref<!tpu.dma_semaphore, #tpu.memory_space<semaphore_mem>>)
    %mul3A_136 = arith.constant 50000 : i32
    %mul3A_137 = arith.muli %select_n3A_121, %mul3A_136 : i32
    %add3A_138 = arith.addi %mul3A_137, %mul3A_126 : i32
    %dma_start3A_139 = tpu.memref_slice %arg2[%add3A_138] : memref<200000xf32, #tpu.memory_space<hbm>> -> memref<384xf32, #tpu.memory_space<hbm>>
    %dma_start3A_140 = tpu.memref_slice %arg2[%add3A_138] : memref<200000xf32, #tpu.memory_space<hbm>> -> memref<384xf32, #tpu.memory_space<hbm>>
    tpu.enqueue_dma source(%dma_start3A_140 : memref<384xf32, #tpu.memory_space<hbm>>) target(%arg9 : memref<384xf32, #tpu.memory_space<vmem>>) target_semaphore(%arg19 : memref<!tpu.dma_semaphore, #tpu.memory_space<semaphore_mem>>)
    %scan3A = arith.constant 0 : i32
    %scan3A_141 = arith.constant 0 : i32
    %scan3A_142 = arith.constant 25 : i32
    %scan3A_143 = arith.addi %scan3A_141, %scan3A_142 : i32
    %scan3A_144 = arith.constant 1 : i32
    scf.for %scan3A_182 = %scan3A_141 to %scan3A_143 step %scan3A_144  : i32 {
      %mul3A_183 = arith.constant 2 : i32
      %mul3A_184 = arith.muli %mul3A_183, %scan3A_182 : i32
      %add3A_185 = arith.constant 0 : i32
      %add3A_186 = arith.addi %mul3A_184, %add3A_185 : i32
      %mul3A_187 = arith.constant 32 : i32
      %mul3A_188 = arith.muli %add3A_186, %mul3A_187 : i32
      %add3A_189 = arith.addi %add3A, %mul3A_188 : i32
      %lt3A_190 = arith.constant 1560 : i32
      %lt3A_191 = arith.cmpi slt, %add3A_189, %lt3A_190 : i32
      %convert_element_type3A_192 = arith.extui %lt3A_191 : i1 to i32
      %cond3A_193 = arith.constant 0 : i32
      %cond3A_194 = arith.cmpi ne, %convert_element_type3A_192, %cond3A_193 : i32
      scf.if %cond3A_194 {
        %dma_wait3A_207 = arith.constant 0 : i32
        %dma_wait3A_208 = arith.constant 0 : i32
        %dma_wait3A_209 = arith.constant 0 : i32
        %dma_wait3A_210 = arith.constant 0 : i32
        %dma_wait3A_211 = tpu.memref_slice %arg6[%dma_wait3A_207, %dma_wait3A_208, %dma_wait3A_209, %dma_wait3A_210] : memref<16x2x64x384xf32, #tpu.memory_space<vmem_shared>> -> memref<1x1x64x384xf32, #tpu.memory_space<vmem_shared>>
        %dma_wait3A_212 = tpu.memref_squeeze %dma_wait3A_211 : memref<1x1x64x384xf32, #tpu.memory_space<vmem_shared>> -> memref<64x384xf32, #tpu.memory_space<vmem_shared>>
        %dma_wait3A_213 = arith.constant 0 : i32
        %dma_wait3A_214 = arith.constant 0 : i32
        %dma_wait3A_215 = tpu.memref_slice %arg6[%dma_wait3A_207, %dma_wait3A_208, %dma_wait3A_213, %dma_wait3A_214] : memref<16x2x64x384xf32, #tpu.memory_space<vmem_shared>> -> memref<1x1x64x384xf32, #tpu.memory_space<vmem_shared>>
        %dma_wait3A_216 = tpu.memref_squeeze %dma_wait3A_215 : memref<1x1x64x384xf32, #tpu.memory_space<vmem_shared>> -> memref<64x384xf32, #tpu.memory_space<vmem_shared>>
        tpu.wait_dma2 semaphore(%arg17 : memref<!tpu.dma_semaphore, #tpu.memory_space<semaphore_mem>>) src(%dma_wait3A_216 : memref<64x384xf32, #tpu.memory_space<vmem_shared>>) dst(%arg7 : memref<64x384xf32, #tpu.memory_space<vmem>>)
        %dma_wait3A_217 = arith.constant 0 : i32
        %dma_wait3A_218 = tpu.memref_slice %arg2[%dma_wait3A_217] : memref<200000xf32, #tpu.memory_space<hbm>> -> memref<384xf32, #tpu.memory_space<hbm>>
        %dma_wait3A_219 = arith.constant 0 : i32
        %dma_wait3A_220 = tpu.memref_slice %arg2[%dma_wait3A_219] : memref<200000xf32, #tpu.memory_space<hbm>> -> memref<384xf32, #tpu.memory_space<hbm>>
        tpu.wait_dma2 semaphore(%arg19 : memref<!tpu.dma_semaphore, #tpu.memory_space<semaphore_mem>>) src(%dma_wait3A_220 : memref<384xf32, #tpu.memory_space<hbm>>) dst(%arg9 : memref<384xf32, #tpu.memory_space<vmem>>)
        %add3A_221 = arith.constant 64 : i32
        %add3A_222 = arith.addi %add3A_189, %add3A_221 : i32
        %lt3A_223 = arith.constant 1560 : i32
        %lt3A_224 = arith.cmpi slt, %add3A_222, %lt3A_223 : i32
        %convert_element_type3A_225 = arith.extui %lt3A_224 : i1 to i32
        %cond3A_226 = arith.constant 0 : i32
        %cond3A_227 = arith.cmpi ne, %convert_element_type3A_225, %cond3A_226 : i32
        scf.if %cond3A_227 {
          %add3A_311 = arith.constant 64 : i32
          %add3A_312 = arith.addi %add3A_189, %add3A_311 : i32
          %jit3A_313 = arith.constant 130 : i32
          %div3A_314 = arith.divsi %add3A_312, %jit3A_313 : i32
          %sign3A_315 = arith.constant 0 : i32
          %sign3A_316 = arith.cmpi sgt, %add3A_312, %sign3A_315 : i32
          %sign3A_317 = arith.extui %sign3A_316 : i1 to i32
          %sign3A_318 = arith.constant 0 : i32
          %sign3A_319 = arith.cmpi slt, %add3A_312, %sign3A_318 : i32
          %sign3A_320 = arith.extui %sign3A_319 : i1 to i32
          %sign3A_321 = arith.subi %sign3A_317, %sign3A_320 : i32
          %sign3A_322 = arith.constant 0 : i32
          %sign3A_323 = arith.cmpi sgt, %jit3A_313, %sign3A_322 : i32
          %sign3A_324 = arith.extui %sign3A_323 : i1 to i32
          %sign3A_325 = arith.constant 0 : i32
          %sign3A_326 = arith.cmpi slt, %jit3A_313, %sign3A_325 : i32
          %sign3A_327 = arith.extui %sign3A_326 : i1 to i32
          %sign3A_328 = arith.subi %sign3A_324, %sign3A_327 : i32
          %ne3A_329 = arith.cmpi ne, %sign3A_321, %sign3A_328 : i32
          %rem3A_330 = arith.remsi %add3A_312, %jit3A_313 : i32
          %ne3A_331 = arith.constant 0 : i32
          %ne3A_332 = arith.cmpi ne, %rem3A_330, %ne3A_331 : i32
          %and3A_333 = arith.andi %ne3A_329, %ne3A_332 : i1
          %sub3A_334 = arith.constant 1 : i32
          %sub3A_335 = arith.subi %div3A_314, %sub3A_334 : i32
          %select_n3A_336 = arith.select %and3A_333, %sub3A_335, %div3A_314 : i32
          %mul3A_337 = arith.constant 130 : i32
          %mul3A_338 = arith.muli %select_n3A_336, %mul3A_337 : i32
          %sub3A_339 = arith.subi %add3A_312, %mul3A_338 : i32
          %jit3A_340 = arith.constant 3 : i32
          %div3A_341 = arith.divsi %select_n3A_336, %jit3A_340 : i32
          %sign3A_342 = arith.constant 0 : i32
          %sign3A_343 = arith.cmpi sgt, %select_n3A_336, %sign3A_342 : i32
          %sign3A_344 = arith.extui %sign3A_343 : i1 to i32
          %sign3A_345 = arith.constant 0 : i32
          %sign3A_346 = arith.cmpi slt, %select_n3A_336, %sign3A_345 : i32
          %sign3A_347 = arith.extui %sign3A_346 : i1 to i32
          %sign3A_348 = arith.subi %sign3A_344, %sign3A_347 : i32
          %sign3A_349 = arith.constant 0 : i32
          %sign3A_350 = arith.cmpi sgt, %jit3A_340, %sign3A_349 : i32
          %sign3A_351 = arith.extui %sign3A_350 : i1 to i32
          %sign3A_352 = arith.constant 0 : i32
          %sign3A_353 = arith.cmpi slt, %jit3A_340, %sign3A_352 : i32
          %sign3A_354 = arith.extui %sign3A_353 : i1 to i32
          %sign3A_355 = arith.subi %sign3A_351, %sign3A_354 : i32
          %ne3A_356 = arith.cmpi ne, %sign3A_348, %sign3A_355 : i32
          %rem3A_357 = arith.remsi %select_n3A_336, %jit3A_340 : i32
          %ne3A_358 = arith.constant 0 : i32
          %ne3A_359 = arith.cmpi ne, %rem3A_357, %ne3A_358 : i32
          %and3A_360 = arith.andi %ne3A_356, %ne3A_359 : i1
          %sub3A_361 = arith.constant 1 : i32
          %sub3A_362 = arith.subi %div3A_341, %sub3A_361 : i32
          %select_n3A_363 = arith.select %and3A_360, %sub3A_362, %div3A_341 : i32
          %mul3A_364 = arith.constant 3 : i32
          %mul3A_365 = arith.muli %select_n3A_363, %mul3A_364 : i32
          %sub3A_366 = arith.subi %select_n3A_336, %mul3A_365 : i32
          %mul3A_367 = arith.constant 384 : i32
          %mul3A_368 = arith.muli %sub3A_339, %mul3A_367 : i32
          %dma_start3A_369 = arith.constant 0 : i32
          %dma_start3A_370 = arith.constant 0 : i32
          %dma_start3A_371 = arith.constant 0 : i32
          %dma_start3A_372 = tpu.memref_slice %arg6[%arg1, %dma_start3A_369, %dma_start3A_370, %dma_start3A_371] : memref<16x2x64x384xf32, #tpu.memory_space<vmem_shared>> -> memref<1x1x64x384xf32, #tpu.memory_space<vmem_shared>>
          %dma_start3A_373 = tpu.memref_squeeze %dma_start3A_372 : memref<1x1x64x384xf32, #tpu.memory_space<vmem_shared>> -> memref<64x384xf32, #tpu.memory_space<vmem_shared>>
          %dma_start3A_374 = arith.constant 0 : i32
          %dma_start3A_375 = tpu.memref_slice %arg3[%select_n3A_363, %sub3A_366, %dma_start3A_374, %mul3A_368] : memref<4x3x64x50000xf32, #tpu.memory_space<hbm>> -> memref<1x1x64x384xf32, #tpu.memory_space<hbm>>
          %dma_start3A_376 = tpu.memref_squeeze %dma_start3A_375 : memref<1x1x64x384xf32, #tpu.memory_space<hbm>> -> memref<64x384xf32, #tpu.memory_space<hbm>>
          tpu.enqueue_dma source(%dma_start3A_376 : memref<64x384xf32, #tpu.memory_space<hbm>>) target(%dma_start3A_373 : memref<64x384xf32, #tpu.memory_space<vmem_shared>>) target_semaphore(%arg15 : memref<!tpu.dma_semaphore, #tpu.memory_space<semaphore_mem>>)
        } else {
        }
        %add3A_228 = arith.constant 32 : i32
        %add3A_229 = arith.addi %add3A_189, %add3A_228 : i32
        %lt3A_230 = arith.constant 1560 : i32
        %lt3A_231 = arith.cmpi slt, %add3A_229, %lt3A_230 : i32
        %convert_element_type3A_232 = arith.extui %lt3A_231 : i1 to i32
        %cond3A_233 = arith.constant 0 : i32
        %cond3A_234 = arith.cmpi ne, %convert_element_type3A_232, %cond3A_233 : i32
        scf.if %cond3A_234 {
          %dma_wait3A_311 = arith.constant 0 : i32
          %dma_wait3A_312 = arith.constant 0 : i32
          %dma_wait3A_313 = arith.constant 0 : i32
          %dma_wait3A_314 = arith.constant 1 : i32
          %dma_wait3A_315 = arith.constant 0 : i32
          %dma_wait3A_316 = arith.constant 0 : i32
          %dma_wait3A_317 = tpu.memref_slice %arg6[%dma_wait3A_313, %dma_wait3A_314, %dma_wait3A_315, %dma_wait3A_316] : memref<16x2x64x384xf32, #tpu.memory_space<vmem_shared>> -> memref<1x1x64x384xf32, #tpu.memory_space<vmem_shared>>
          %dma_wait3A_318 = tpu.memref_squeeze %dma_wait3A_317 : memref<1x1x64x384xf32, #tpu.memory_space<vmem_shared>> -> memref<64x384xf32, #tpu.memory_space<vmem_shared>>
          %dma_wait3A_319 = arith.constant 0 : i32
          %dma_wait3A_320 = arith.constant 0 : i32
          %dma_wait3A_321 = tpu.memref_slice %arg3[%dma_wait3A_311, %dma_wait3A_312, %dma_wait3A_319, %dma_wait3A_320] : memref<4x3x64x50000xf32, #tpu.memory_space<hbm>> -> memref<1x1x64x384xf32, #tpu.memory_space<hbm>>
          %dma_wait3A_322 = tpu.memref_squeeze %dma_wait3A_321 : memref<1x1x64x384xf32, #tpu.memory_space<hbm>> -> memref<64x384xf32, #tpu.memory_space<hbm>>
          tpu.wait_dma2 semaphore(%arg16 : memref<!tpu.dma_semaphore, #tpu.memory_space<semaphore_mem>>) src(%dma_wait3A_322 : memref<64x384xf32, #tpu.memory_space<hbm>>) dst(%dma_wait3A_318 : memref<64x384xf32, #tpu.memory_space<vmem_shared>>)
          %add3A_323 = arith.constant 32 : i32
          %add3A_324 = arith.addi %add3A_189, %add3A_323 : i32
          %jit3A_325 = arith.constant 130 : i32
          %div3A_326 = arith.divsi %add3A_324, %jit3A_325 : i32
          %sign3A_327 = arith.constant 0 : i32
          %sign3A_328 = arith.cmpi sgt, %add3A_324, %sign3A_327 : i32
          %sign3A_329 = arith.extui %sign3A_328 : i1 to i32
          %sign3A_330 = arith.constant 0 : i32
          %sign3A_331 = arith.cmpi slt, %add3A_324, %sign3A_330 : i32
          %sign3A_332 = arith.extui %sign3A_331 : i1 to i32
          %sign3A_333 = arith.subi %sign3A_329, %sign3A_332 : i32
          %sign3A_334 = arith.constant 0 : i32
          %sign3A_335 = arith.cmpi sgt, %jit3A_325, %sign3A_334 : i32
          %sign3A_336 = arith.extui %sign3A_335 : i1 to i32
          %sign3A_337 = arith.constant 0 : i32
          %sign3A_338 = arith.cmpi slt, %jit3A_325, %sign3A_337 : i32
          %sign3A_339 = arith.extui %sign3A_338 : i1 to i32
          %sign3A_340 = arith.subi %sign3A_336, %sign3A_339 : i32
          %ne3A_341 = arith.cmpi ne, %sign3A_333, %sign3A_340 : i32
          %rem3A_342 = arith.remsi %add3A_324, %jit3A_325 : i32
          %ne3A_343 = arith.constant 0 : i32
          %ne3A_344 = arith.cmpi ne, %rem3A_342, %ne3A_343 : i32
          %and3A_345 = arith.andi %ne3A_341, %ne3A_344 : i1
          %sub3A_346 = arith.constant 1 : i32
          %sub3A_347 = arith.subi %div3A_326, %sub3A_346 : i32
          %select_n3A_348 = arith.select %and3A_345, %sub3A_347, %div3A_326 : i32
          %mul3A_349 = arith.constant 130 : i32
          %mul3A_350 = arith.muli %select_n3A_348, %mul3A_349 : i32
          %sub3A_351 = arith.subi %add3A_324, %mul3A_350 : i32
          %jit3A_352 = arith.constant 3 : i32
          %div3A_353 = arith.divsi %select_n3A_348, %jit3A_352 : i32
          %sign3A_354 = arith.constant 0 : i32
          %sign3A_355 = arith.cmpi sgt, %select_n3A_348, %sign3A_354 : i32
          %sign3A_356 = arith.extui %sign3A_355 : i1 to i32
          %sign3A_357 = arith.constant 0 : i32
          %sign3A_358 = arith.cmpi slt, %select_n3A_348, %sign3A_357 : i32
          %sign3A_359 = arith.extui %sign3A_358 : i1 to i32
          %sign3A_360 = arith.subi %sign3A_356, %sign3A_359 : i32
          %sign3A_361 = arith.constant 0 : i32
          %sign3A_362 = arith.cmpi sgt, %jit3A_352, %sign3A_361 : i32
          %sign3A_363 = arith.extui %sign3A_362 : i1 to i32
          %sign3A_364 = arith.constant 0 : i32
          %sign3A_365 = arith.cmpi slt, %jit3A_352, %sign3A_364 : i32
          %sign3A_366 = arith.extui %sign3A_365 : i1 to i32
          %sign3A_367 = arith.subi %sign3A_363, %sign3A_366 : i32
          %ne3A_368 = arith.cmpi ne, %sign3A_360, %sign3A_367 : i32
          %rem3A_369 = arith.remsi %select_n3A_348, %jit3A_352 : i32
          %ne3A_370 = arith.constant 0 : i32
          %ne3A_371 = arith.cmpi ne, %rem3A_369, %ne3A_370 : i32
          %and3A_372 = arith.andi %ne3A_368, %ne3A_371 : i1
          %sub3A_373 = arith.constant 1 : i32
          %sub3A_374 = arith.subi %div3A_353, %sub3A_373 : i32
          %select_n3A_375 = arith.select %and3A_372, %sub3A_374, %div3A_353 : i32
          %mul3A_376 = arith.constant 3 : i32
          %mul3A_377 = arith.muli %select_n3A_375, %mul3A_376 : i32
          %sub3A_378 = arith.subi %select_n3A_348, %mul3A_377 : i32
          %mul3A_379 = arith.constant 384 : i32
          %mul3A_380 = arith.muli %sub3A_351, %mul3A_379 : i32
          %dma_start3A_381 = arith.constant 1 : i32
          %dma_start3A_382 = arith.constant 0 : i32
          %dma_start3A_383 = arith.constant 0 : i32
          %dma_start3A_384 = tpu.memref_slice %arg6[%arg1, %dma_start3A_381, %dma_start3A_382, %dma_start3A_383] : memref<16x2x64x384xf32, #tpu.memory_space<vmem_shared>> -> memref<1x1x64x384xf32, #tpu.memory_space<vmem_shared>>
          %dma_start3A_385 = tpu.memref_squeeze %dma_start3A_384 : memref<1x1x64x384xf32, #tpu.memory_space<vmem_shared>> -> memref<64x384xf32, #tpu.memory_space<vmem_shared>>
          %dma_start3A_386 = arith.constant 0 : i32
          %dma_start3A_387 = arith.constant 0 : i32
          %dma_start3A_388 = tpu.memref_slice %arg6[%arg1, %dma_start3A_381, %dma_start3A_386, %dma_start3A_387] : memref<16x2x64x384xf32, #tpu.memory_space<vmem_shared>> -> memref<1x1x64x384xf32, #tpu.memory_space<vmem_shared>>
          %dma_start3A_389 = tpu.memref_squeeze %dma_start3A_388 : memref<1x1x64x384xf32, #tpu.memory_space<vmem_shared>> -> memref<64x384xf32, #tpu.memory_space<vmem_shared>>
          tpu.enqueue_dma source(%dma_start3A_389 : memref<64x384xf32, #tpu.memory_space<vmem_shared>>) target(%arg8 : memref<64x384xf32, #tpu.memory_space<vmem>>) target_semaphore(%arg18 : memref<!tpu.dma_semaphore, #tpu.memory_space<semaphore_mem>>)
          %mul3A_390 = arith.constant 50000 : i32
          %mul3A_391 = arith.muli %select_n3A_375, %mul3A_390 : i32
          %add3A_392 = arith.addi %mul3A_391, %mul3A_380 : i32
          %dma_start3A_393 = tpu.memref_slice %arg2[%add3A_392] : memref<200000xf32, #tpu.memory_space<hbm>> -> memref<384xf32, #tpu.memory_space<hbm>>
          %dma_start3A_394 = tpu.memref_slice %arg2[%add3A_392] : memref<200000xf32, #tpu.memory_space<hbm>> -> memref<384xf32, #tpu.memory_space<hbm>>
          tpu.enqueue_dma source(%dma_start3A_394 : memref<384xf32, #tpu.memory_space<hbm>>) target(%arg10 : memref<384xf32, #tpu.memory_space<vmem>>) target_semaphore(%arg20 : memref<!tpu.dma_semaphore, #tpu.memory_space<semaphore_mem>>)
        } else {
        }
        %ge3A = arith.constant 1 : i32
        %ge3A_235 = arith.cmpi sge, %scan3A_182, %ge3A : i32
        %convert_element_type3A_236 = arith.extui %ge3A_235 : i1 to i32
        %cond3A_237 = arith.constant 0 : i32
        %cond3A_238 = arith.cmpi ne, %convert_element_type3A_236, %cond3A_237 : i32
        scf.if %cond3A_238 {
          %dma_wait3A_311 = arith.constant 0 : i32
          %dma_wait3A_312 = arith.constant 0 : i32
          %dma_wait3A_313 = arith.constant 0 : i32
          %dma_wait3A_314 = arith.constant 0 : i32
          %dma_wait3A_315 = tpu.memref_slice %arg4[%dma_wait3A_311, %dma_wait3A_312, %dma_wait3A_313, %dma_wait3A_314] : memref<4x3x1x49920xf32, #tpu.memory_space<hbm>> -> memref<1x1x1x384xf32, #tpu.memory_space<hbm>>
          %dma_wait3A_316 = tpu.memref_squeeze %dma_wait3A_315 : memref<1x1x1x384xf32, #tpu.memory_space<hbm>> -> memref<384xf32, #tpu.memory_space<hbm>>
          %dma_wait3A_317 = arith.constant 0 : i32
          %dma_wait3A_318 = tpu.memref_slice %arg4[%dma_wait3A_311, %dma_wait3A_312, %dma_wait3A_313, %dma_wait3A_317] : memref<4x3x1x49920xf32, #tpu.memory_space<hbm>> -> memref<1x1x1x384xf32, #tpu.memory_space<hbm>>
          %dma_wait3A_319 = tpu.memref_squeeze %dma_wait3A_318 : memref<1x1x1x384xf32, #tpu.memory_space<hbm>> -> memref<384xf32, #tpu.memory_space<hbm>>
          tpu.wait_dma2 semaphore(%arg21 : memref<!tpu.dma_semaphore, #tpu.memory_space<semaphore_mem>>) src(%arg11 : memref<384xf32, #tpu.memory_space<vmem>>) dst(%dma_wait3A_319 : memref<384xf32, #tpu.memory_space<hbm>>)
          %dma_wait3A_320 = arith.constant 0 : i32
          %dma_wait3A_321 = arith.constant 0 : i32
          %dma_wait3A_322 = arith.constant 0 : i32
          %dma_wait3A_323 = arith.constant 0 : i32
          %dma_wait3A_324 = tpu.memref_slice %arg5[%dma_wait3A_320, %dma_wait3A_321, %dma_wait3A_322, %dma_wait3A_323] : memref<4x3x1x49920xi32, #tpu.memory_space<hbm>> -> memref<1x1x1x384xi32, #tpu.memory_space<hbm>>
          %dma_wait3A_325 = tpu.memref_squeeze %dma_wait3A_324 : memref<1x1x1x384xi32, #tpu.memory_space<hbm>> -> memref<384xi32, #tpu.memory_space<hbm>>
          %dma_wait3A_326 = arith.constant 0 : i32
          %dma_wait3A_327 = tpu.memref_slice %arg5[%dma_wait3A_320, %dma_wait3A_321, %dma_wait3A_322, %dma_wait3A_326] : memref<4x3x1x49920xi32, #tpu.memory_space<hbm>> -> memref<1x1x1x384xi32, #tpu.memory_space<hbm>>
          %dma_wait3A_328 = tpu.memref_squeeze %dma_wait3A_327 : memref<1x1x1x384xi32, #tpu.memory_space<hbm>> -> memref<384xi32, #tpu.memory_space<hbm>>
          tpu.wait_dma2 semaphore(%arg21 : memref<!tpu.dma_semaphore, #tpu.memory_space<semaphore_mem>>) src(%arg13 : memref<384xi32, #tpu.memory_space<vmem>>) dst(%dma_wait3A_328 : memref<384xi32, #tpu.memory_space<hbm>>)
        } else {
        }
        %scan3A_239 = arith.constant 0 : i32
        %scan3A_240 = arith.constant 0 : i32
        %scan3A_241 = arith.constant 12 : i32
        %scan3A_242 = arith.addi %scan3A_240, %scan3A_241 : i32
        %scan3A_243 = arith.constant 1 : i32
        scf.for %scan3A_311 = %scan3A_240 to %scan3A_242 step %scan3A_243  : i32 {
          %mul3A_312 = arith.constant 2 : i32
          %mul3A_313 = arith.muli %mul3A_312, %scan3A_311 : i32
          %add3A_314 = arith.constant 0 : i32
          %add3A_315 = arith.addi %mul3A_313, %add3A_314 : i32
          %mul3A_316 = arith.constant 16 : i32
          %mul3A_317 = arith.muli %add3A_315, %mul3A_316 : i32
          %get3A = arith.index_cast %mul3A_317 : i32 to index
          %get3A_318 = tpu.vector_load %arg9[%get3A] {strides = array<i32>} : memref<384xf32, #tpu.memory_space<vmem>>, vector<16xf32>,
          %get3A_319 = vector.shape_cast %get3A_318 : vector<16xf32> to vector<16xf32>
          %get3A_320 = arith.constant 0 : i32
          %get3A_321 = arith.index_cast %get3A_320 : i32 to index
          %get3A_322 = arith.index_cast %mul3A_317 : i32 to index
          %get3A_323 = tpu.vector_load %arg7[%get3A_321, %get3A_322] {strides = array<i32>} : memref<64x384xf32, #tpu.memory_space<vmem>>, vector<1x16xf32>,
          %get3A_324 = vector.shape_cast %get3A_323 : vector<1x16xf32> to vector<16xf32>
          %mul3A_325 = arith.mulf %get3A_319, %get3A_324 : vector<16xf32>
          %broadcast_in_dim3A = arith.constant 0 : i32
          %broadcast_in_dim3A_326 = vector.broadcast %broadcast_in_dim3A : i32 to vector<16xi32>
          %get3A_327 = arith.constant 1 : i32
          %get3A_328 = arith.index_cast %get3A_327 : i32 to index
          %get3A_329 = arith.index_cast %mul3A_317 : i32 to index
          %get3A_330 = tpu.vector_load %arg7[%get3A_328, %get3A_329] {strides = array<i32>} : memref<64x384xf32, #tpu.memory_space<vmem>>, vector<1x16xf32>,
          %get3A_331 = vector.shape_cast %get3A_330 : vector<1x16xf32> to vector<16xf32>
          %mul3A_332 = arith.mulf %get3A_319, %get3A_331 : vector<16xf32>
          %gt3A = arith.cmpf ogt, %mul3A_332, %mul3A_325 : vector<16xf32>
          %broadcast_in_dim3A_333 = arith.constant 1 : i32
          %broadcast_in_dim3A_334 = vector.broadcast %broadcast_in_dim3A_333 : i32 to vector<16xi32>
          %select_n3A_335 = arith.select %gt3A, %broadcast_in_dim3A_334, %broadcast_in_dim3A_326 : vector<16xi1>, vector<16xi32>
          %max3A = arith.maximumf %mul3A_332, %mul3A_325 : vector<16xf32>
          %get3A_336 = arith.constant 2 : i32
          %get3A_337 = arith.index_cast %get3A_336 : i32 to index
          %get3A_338 = arith.index_cast %mul3A_317 : i32 to index
          %get3A_339 = tpu.vector_load %arg7[%get3A_337, %get3A_338] {strides = array<i32>} : memref<64x384xf32, #tpu.memory_space<vmem>>, vector<1x16xf32>,
          %get3A_340 = vector.shape_cast %get3A_339 : vector<1x16xf32> to vector<16xf32>
          %mul3A_341 = arith.mulf %get3A_319, %get3A_340 : vector<16xf32>
          %gt3A_342 = arith.cmpf ogt, %mul3A_341, %max3A : vector<16xf32>
          %broadcast_in_dim3A_343 = arith.constant 2 : i32
          %broadcast_in_dim3A_344 = vector.broadcast %broadcast_in_dim3A_343 : i32 to vector<16xi32>
          %select_n3A_345 = arith.select %gt3A_342, %broadcast_in_dim3A_344, %select_n3A_335 : vector<16xi1>, vector<16xi32>
          %max3A_346 = arith.maximumf %mul3A_341, %max3A : vector<16xf32>
          %get3A_347 = arith.constant 3 : i32
          %get3A_348 = arith.index_cast %get3A_347 : i32 to index
          %get3A_349 = arith.index_cast %mul3A_317 : i32 to index
          %get3A_350 = tpu.vector_load %arg7[%get3A_348, %get3A_349] {strides = array<i32>} : memref<64x384xf32, #tpu.memory_space<vmem>>, vector<1x16xf32>,
          %get3A_351 = vector.shape_cast %get3A_350 : vector<1x16xf32> to vector<16xf32>
          %mul3A_352 = arith.mulf %get3A_319, %get3A_351 : vector<16xf32>
          %gt3A_353 = arith.cmpf ogt, %mul3A_352, %max3A_346 : vector<16xf32>
          %broadcast_in_dim3A_354 = arith.constant 3 : i32
          %broadcast_in_dim3A_355 = vector.broadcast %broadcast_in_dim3A_354 : i32 to vector<16xi32>
          %select_n3A_356 = arith.select %gt3A_353, %broadcast_in_dim3A_355, %select_n3A_345 : vector<16xi1>, vector<16xi32>
          %max3A_357 = arith.maximumf %mul3A_352, %max3A_346 : vector<16xf32>
          %get3A_358 = arith.constant 4 : i32
          %get3A_359 = arith.index_cast %get3A_358 : i32 to index
          %get3A_360 = arith.index_cast %mul3A_317 : i32 to index
          %get3A_361 = tpu.vector_load %arg7[%get3A_359, %get3A_360] {strides = array<i32>} : memref<64x384xf32, #tpu.memory_space<vmem>>, vector<1x16xf32>,
          %get3A_362 = vector.shape_cast %get3A_361 : vector<1x16xf32> to vector<16xf32>
          %mul3A_363 = arith.mulf %get3A_319, %get3A_362 : vector<16xf32>
          %gt3A_364 = arith.cmpf ogt, %mul3A_363, %max3A_357 : vector<16xf32>
          %broadcast_in_dim3A_365 = arith.constant 4 : i32
          %broadcast_in_dim3A_366 = vector.broadcast %broadcast_in_dim3A_365 : i32 to vector<16xi32>
          %select_n3A_367 = arith.select %gt3A_364, %broadcast_in_dim3A_366, %select_n3A_356 : vector<16xi1>, vector<16xi32>
          %max3A_368 = arith.maximumf %mul3A_363, %max3A_357 : vector<16xf32>
          %get3A_369 = arith.constant 5 : i32
          %get3A_370 = arith.index_cast %get3A_369 : i32 to index
          %get3A_371 = arith.index_cast %mul3A_317 : i32 to index
          %get3A_372 = tpu.vector_load %arg7[%get3A_370, %get3A_371] {strides = array<i32>} : memref<64x384xf32, #tpu.memory_space<vmem>>, vector<1x16xf32>,
          %get3A_373 = vector.shape_cast %get3A_372 : vector<1x16xf32> to vector<16xf32>
          %mul3A_374 = arith.mulf %get3A_319, %get3A_373 : vector<16xf32>
          %gt3A_375 = arith.cmpf ogt, %mul3A_374, %max3A_368 : vector<16xf32>
          %broadcast_in_dim3A_376 = arith.constant 5 : i32
          %broadcast_in_dim3A_377 = vector.broadcast %broadcast_in_dim3A_376 : i32 to vector<16xi32>
          %select_n3A_378 = arith.select %gt3A_375, %broadcast_in_dim3A_377, %select_n3A_367 : vector<16xi1>, vector<16xi32>
          %max3A_379 = arith.maximumf %mul3A_374, %max3A_368 : vector<16xf32>
          %get3A_380 = arith.constant 6 : i32
          %get3A_381 = arith.index_cast %get3A_380 : i32 to index
          %get3A_382 = arith.index_cast %mul3A_317 : i32 to index
          %get3A_383 = tpu.vector_load %arg7[%get3A_381, %get3A_382] {strides = array<i32>} : memref<64x384xf32, #tpu.memory_space<vmem>>, vector<1x16xf32>,
          %get3A_384 = vector.shape_cast %get3A_383 : vector<1x16xf32> to vector<16xf32>
          %mul3A_385 = arith.mulf %get3A_319, %get3A_384 : vector<16xf32>
          %gt3A_386 = arith.cmpf ogt, %mul3A_385, %max3A_379 : vector<16xf32>
          %broadcast_in_dim3A_387 = arith.constant 6 : i32
          %broadcast_in_dim3A_388 = vector.broadcast %broadcast_in_dim3A_387 : i32 to vector<16xi32>
          %select_n3A_389 = arith.select %gt3A_386, %broadcast_in_dim3A_388, %select_n3A_378 : vector<16xi1>, vector<16xi32>
          %max3A_390 = arith.maximumf %mul3A_385, %max3A_379 : vector<16xf32>
          %get3A_391 = arith.constant 7 : i32
          %get3A_392 = arith.index_cast %get3A_391 : i32 to index
          %get3A_393 = arith.index_cast %mul3A_317 : i32 to index
          %get3A_394 = tpu.vector_load %arg7[%get3A_392, %get3A_393] {strides = array<i32>} : memref<64x384xf32, #tpu.memory_space<vmem>>, vector<1x16xf32>,
          %get3A_395 = vector.shape_cast %get3A_394 : vector<1x16xf32> to vector<16xf32>
          %mul3A_396 = arith.mulf %get3A_319, %get3A_395 : vector<16xf32>
          %gt3A_397 = arith.cmpf ogt, %mul3A_396, %max3A_390 : vector<16xf32>
          %broadcast_in_dim3A_398 = arith.constant 7 : i32
          %broadcast_in_dim3A_399 = vector.broadcast %broadcast_in_dim3A_398 : i32 to vector<16xi32>
          %select_n3A_400 = arith.select %gt3A_397, %broadcast_in_dim3A_399, %select_n3A_389 : vector<16xi1>, vector<16xi32>
          %max3A_401 = arith.maximumf %mul3A_396, %max3A_390 : vector<16xf32>
          %get3A_402 = arith.constant 8 : i32
          %get3A_403 = arith.index_cast %get3A_402 : i32 to index
          %get3A_404 = arith.index_cast %mul3A_317 : i32 to index
          %get3A_405 = tpu.vector_load %arg7[%get3A_403, %get3A_404] {strides = array<i32>} : memref<64x384xf32, #tpu.memory_space<vmem>>, vector<1x16xf32>,
          %get3A_406 = vector.shape_cast %get3A_405 : vector<1x16xf32> to vector<16xf32>
          %mul3A_407 = arith.mulf %get3A_319, %get3A_406 : vector<16xf32>
          %gt3A_408 = arith.cmpf ogt, %mul3A_407, %max3A_401 : vector<16xf32>
          %broadcast_in_dim3A_409 = arith.constant 8 : i32
          %broadcast_in_dim3A_410 = vector.broadcast %broadcast_in_dim3A_409 : i32 to vector<16xi32>
          %select_n3A_411 = arith.select %gt3A_408, %broadcast_in_dim3A_410, %select_n3A_400 : vector<16xi1>, vector<16xi32>
          %max3A_412 = arith.maximumf %mul3A_407, %max3A_401 : vector<16xf32>
          %get3A_413 = arith.constant 9 : i32
          %get3A_414 = arith.index_cast %get3A_413 : i32 to index
          %get3A_415 = arith.index_cast %mul3A_317 : i32 to index
          %get3A_416 = tpu.vector_load %arg7[%get3A_414, %get3A_415] {strides = array<i32>} : memref<64x384xf32, #tpu.memory_space<vmem>>, vector<1x16xf32>,
          %get3A_417 = vector.shape_cast %get3A_416 : vector<1x16xf32> to vector<16xf32>
          %mul3A_418 = arith.mulf %get3A_319, %get3A_417 : vector<16xf32>
          %gt3A_419 = arith.cmpf ogt, %mul3A_418, %max3A_412 : vector<16xf32>
          %broadcast_in_dim3A_420 = arith.constant 9 : i32
          %broadcast_in_dim3A_421 = vector.broadcast %broadcast_in_dim3A_420 : i32 to vector<16xi32>
          %select_n3A_422 = arith.select %gt3A_419, %broadcast_in_dim3A_421, %select_n3A_411 : vector<16xi1>, vector<16xi32>
          %max3A_423 = arith.maximumf %mul3A_418, %max3A_412 : vector<16xf32>
          %get3A_424 = arith.constant 10 : i32
          %get3A_425 = arith.index_cast %get3A_424 : i32 to index
          %get3A_426 = arith.index_cast %mul3A_317 : i32 to index
          %get3A_427 = tpu.vector_load %arg7[%get3A_425, %get3A_426] {strides = array<i32>} : memref<64x384xf32, #tpu.memory_space<vmem>>, vector<1x16xf32>,
          %get3A_428 = vector.shape_cast %get3A_427 : vector<1x16xf32> to vector<16xf32>
          %mul3A_429 = arith.mulf %get3A_319, %get3A_428 : vector<16xf32>
          %gt3A_430 = arith.cmpf ogt, %mul3A_429, %max3A_423 : vector<16xf32>
          %broadcast_in_dim3A_431 = arith.constant 10 : i32
          %broadcast_in_dim3A_432 = vector.broadcast %broadcast_in_dim3A_431 : i32 to vector<16xi32>
          %select_n3A_433 = arith.select %gt3A_430, %broadcast_in_dim3A_432, %select_n3A_422 : vector<16xi1>, vector<16xi32>
          %max3A_434 = arith.maximumf %mul3A_429, %max3A_423 : vector<16xf32>
          %get3A_435 = arith.constant 11 : i32
          %get3A_436 = arith.index_cast %get3A_435 : i32 to index
          %get3A_437 = arith.index_cast %mul3A_317 : i32 to index
          %get3A_438 = tpu.vector_load %arg7[%get3A_436, %get3A_437] {strides = array<i32>} : memref<64x384xf32, #tpu.memory_space<vmem>>, vector<1x16xf32>,
          %get3A_439 = vector.shape_cast %get3A_438 : vector<1x16xf32> to vector<16xf32>
          %mul3A_440 = arith.mulf %get3A_319, %get3A_439 : vector<16xf32>
          %gt3A_441 = arith.cmpf ogt, %mul3A_440, %max3A_434 : vector<16xf32>
          %broadcast_in_dim3A_442 = arith.constant 11 : i32
          %broadcast_in_dim3A_443 = vector.broadcast %broadcast_in_dim3A_442 : i32 to vector<16xi32>
          %select_n3A_444 = arith.select %gt3A_441, %broadcast_in_dim3A_443, %select_n3A_433 : vector<16xi1>, vector<16xi32>
          %max3A_445 = arith.maximumf %mul3A_440, %max3A_434 : vector<16xf32>
          %get3A_446 = arith.constant 12 : i32
          %get3A_447 = arith.index_cast %get3A_446 : i32 to index
          %get3A_448 = arith.index_cast %mul3A_317 : i32 to index
          %get3A_449 = tpu.vector_load %arg7[%get3A_447, %get3A_448] {strides = array<i32>} : memref<64x384xf32, #tpu.memory_space<vmem>>, vector<1x16xf32>,
          %get3A_450 = vector.shape_cast %get3A_449 : vector<1x16xf32> to vector<16xf32>
          %mul3A_451 = arith.mulf %get3A_319, %get3A_450 : vector<16xf32>
          %gt3A_452 = arith.cmpf ogt, %mul3A_451, %max3A_445 : vector<16xf32>
          %broadcast_in_dim3A_453 = arith.constant 12 : i32
          %broadcast_in_dim3A_454 = vector.broadcast %broadcast_in_dim3A_453 : i32 to vector<16xi32>
          %select_n3A_455 = arith.select %gt3A_452, %broadcast_in_dim3A_454, %select_n3A_444 : vector<16xi1>, vector<16xi32>
          %max3A_456 = arith.maximumf %mul3A_451, %max3A_445 : vector<16xf32>
          %get3A_457 = arith.constant 13 : i32
          %get3A_458 = arith.index_cast %get3A_457 : i32 to index
          %get3A_459 = arith.index_cast %mul3A_317 : i32 to index
          %get3A_460 = tpu.vector_load %arg7[%get3A_458, %get3A_459] {strides = array<i32>} : memref<64x384xf32, #tpu.memory_space<vmem>>, vector<1x16xf32>,
          %get3A_461 = vector.shape_cast %get3A_460 : vector<1x16xf32> to vector<16xf32>
          %mul3A_462 = arith.mulf %get3A_319, %get3A_461 : vector<16xf32>
          %gt3A_463 = arith.cmpf ogt, %mul3A_462, %max3A_456 : vector<16xf32>
          %broadcast_in_dim3A_464 = arith.constant 13 : i32
          %broadcast_in_dim3A_465 = vector.broadcast %broadcast_in_dim3A_464 : i32 to vector<16xi32>
          %select_n3A_466 = arith.select %gt3A_463, %broadcast_in_dim3A_465, %select_n3A_455 : vector<16xi1>, vector<16xi32>
          %max3A_467 = arith.maximumf %mul3A_462, %max3A_456 : vector<16xf32>
          %get3A_468 = arith.constant 14 : i32
          %get3A_469 = arith.index_cast %get3A_468 : i32 to index
          %get3A_470 = arith.index_cast %mul3A_317 : i32 to index
          %get3A_471 = tpu.vector_load %arg7[%get3A_469, %get3A_470] {strides = array<i32>} : memref<64x384xf32, #tpu.memory_space<vmem>>, vector<1x16xf32>,
          %get3A_472 = vector.shape_cast %get3A_471 : vector<1x16xf32> to vector<16xf32>
          %mul3A_473 = arith.mulf %get3A_319, %get3A_472 : vector<16xf32>
          %gt3A_474 = arith.cmpf ogt, %mul3A_473, %max3A_467 : vector<16xf32>
          %broadcast_in_dim3A_475 = arith.constant 14 : i32
          %broadcast_in_dim3A_476 = vector.broadcast %broadcast_in_dim3A_475 : i32 to vector<16xi32>
          %select_n3A_477 = arith.select %gt3A_474, %broadcast_in_dim3A_476, %select_n3A_466 : vector<16xi1>, vector<16xi32>
          %max3A_478 = arith.maximumf %mul3A_473, %max3A_467 : vector<16xf32>
          %get3A_479 = arith.constant 15 : i32
          %get3A_480 = arith.index_cast %get3A_479 : i32 to index
          %get3A_481 = arith.index_cast %mul3A_317 : i32 to index
          %get3A_482 = tpu.vector_load %arg7[%get3A_480, %get3A_481] {strides = array<i32>} : memref<64x384xf32, #tpu.memory_space<vmem>>, vector<1x16xf32>,
          %get3A_483 = vector.shape_cast %get3A_482 : vector<1x16xf32> to vector<16xf32>
          %mul3A_484 = arith.mulf %get3A_319, %get3A_483 : vector<16xf32>
          %gt3A_485 = arith.cmpf ogt, %mul3A_484, %max3A_478 : vector<16xf32>
          %broadcast_in_dim3A_486 = arith.constant 15 : i32
          %broadcast_in_dim3A_487 = vector.broadcast %broadcast_in_dim3A_486 : i32 to vector<16xi32>
          %select_n3A_488 = arith.select %gt3A_485, %broadcast_in_dim3A_487, %select_n3A_477 : vector<16xi1>, vector<16xi32>
          %max3A_489 = arith.maximumf %mul3A_484, %max3A_478 : vector<16xf32>
          %get3A_490 = arith.constant 16 : i32
          %get3A_491 = arith.index_cast %get3A_490 : i32 to index
          %get3A_492 = arith.index_cast %mul3A_317 : i32 to index
          %get3A_493 = tpu.vector_load %arg7[%get3A_491, %get3A_492] {strides = array<i32>} : memref<64x384xf32, #tpu.memory_space<vmem>>, vector<1x16xf32>,
          %get3A_494 = vector.shape_cast %get3A_493 : vector<1x16xf32> to vector<16xf32>
          %mul3A_495 = arith.mulf %get3A_319, %get3A_494 : vector<16xf32>
          %gt3A_496 = arith.cmpf ogt, %mul3A_495, %max3A_489 : vector<16xf32>
          %broadcast_in_dim3A_497 = arith.constant 16 : i32
          %broadcast_in_dim3A_498 = vector.broadcast %broadcast_in_dim3A_497 : i32 to vector<16xi32>
          %select_n3A_499 = arith.select %gt3A_496, %broadcast_in_dim3A_498, %select_n3A_488 : vector<16xi1>, vector<16xi32>
          %max3A_500 = arith.maximumf %mul3A_495, %max3A_489 : vector<16xf32>
          %get3A_501 = arith.constant 17 : i32
          %get3A_502 = arith.index_cast %get3A_501 : i32 to index
          %get3A_503 = arith.index_cast %mul3A_317 : i32 to index
          %get3A_504 = tpu.vector_load %arg7[%get3A_502, %get3A_503] {strides = array<i32>} : memref<64x384xf32, #tpu.memory_space<vmem>>, vector<1x16xf32>,
          %get3A_505 = vector.shape_cast %get3A_504 : vector<1x16xf32> to vector<16xf32>
          %mul3A_506 = arith.mulf %get3A_319, %get3A_505 : vector<16xf32>
          %gt3A_507 = arith.cmpf ogt, %mul3A_506, %max3A_500 : vector<16xf32>
          %broadcast_in_dim3A_508 = arith.constant 17 : i32
          %broadcast_in_dim3A_509 = vector.broadcast %broadcast_in_dim3A_508 : i32 to vector<16xi32>
          %select_n3A_510 = arith.select %gt3A_507, %broadcast_in_dim3A_509, %select_n3A_499 : vector<16xi1>, vector<16xi32>
          %max3A_511 = arith.maximumf %mul3A_506, %max3A_500 : vector<16xf32>
          %get3A_512 = arith.constant 18 : i32
          %get3A_513 = arith.index_cast %get3A_512 : i32 to index
          %get3A_514 = arith.index_cast %mul3A_317 : i32 to index
          %get3A_515 = tpu.vector_load %arg7[%get3A_513, %get3A_514] {strides = array<i32>} : memref<64x384xf32, #tpu.memory_space<vmem>>, vector<1x16xf32>,
          %get3A_516 = vector.shape_cast %get3A_515 : vector<1x16xf32> to vector<16xf32>
          %mul3A_517 = arith.mulf %get3A_319, %get3A_516 : vector<16xf32>
          %gt3A_518 = arith.cmpf ogt, %mul3A_517, %max3A_511 : vector<16xf32>
          %broadcast_in_dim3A_519 = arith.constant 18 : i32
          %broadcast_in_dim3A_520 = vector.broadcast %broadcast_in_dim3A_519 : i32 to vector<16xi32>
          %select_n3A_521 = arith.select %gt3A_518, %broadcast_in_dim3A_520, %select_n3A_510 : vector<16xi1>, vector<16xi32>
          %max3A_522 = arith.maximumf %mul3A_517, %max3A_511 : vector<16xf32>
          %get3A_523 = arith.constant 19 : i32
          %get3A_524 = arith.index_cast %get3A_523 : i32 to index
          %get3A_525 = arith.index_cast %mul3A_317 : i32 to index
          %get3A_526 = tpu.vector_load %arg7[%get3A_524, %get3A_525] {strides = array<i32>} : memref<64x384xf32, #tpu.memory_space<vmem>>, vector<1x16xf32>,
          %get3A_527 = vector.shape_cast %get3A_526 : vector<1x16xf32> to vector<16xf32>
          %mul3A_528 = arith.mulf %get3A_319, %get3A_527 : vector<16xf32>
          %gt3A_529 = arith.cmpf ogt, %mul3A_528, %max3A_522 : vector<16xf32>
          %broadcast_in_dim3A_530 = arith.constant 19 : i32
          %broadcast_in_dim3A_531 = vector.broadcast %broadcast_in_dim3A_530 : i32 to vector<16xi32>
          %select_n3A_532 = arith.select %gt3A_529, %broadcast_in_dim3A_531, %select_n3A_521 : vector<16xi1>, vector<16xi32>
          %max3A_533 = arith.maximumf %mul3A_528, %max3A_522 : vector<16xf32>
          %get3A_534 = arith.constant 20 : i32
          %get3A_535 = arith.index_cast %get3A_534 : i32 to index
          %get3A_536 = arith.index_cast %mul3A_317 : i32 to index
          %get3A_537 = tpu.vector_load %arg7[%get3A_535, %get3A_536] {strides = array<i32>} : memref<64x384xf32, #tpu.memory_space<vmem>>, vector<1x16xf32>,
          %get3A_538 = vector.shape_cast %get3A_537 : vector<1x16xf32> to vector<16xf32>
          %mul3A_539 = arith.mulf %get3A_319, %get3A_538 : vector<16xf32>
          %gt3A_540 = arith.cmpf ogt, %mul3A_539, %max3A_533 : vector<16xf32>
          %broadcast_in_dim3A_541 = arith.constant 20 : i32
          %broadcast_in_dim3A_542 = vector.broadcast %broadcast_in_dim3A_541 : i32 to vector<16xi32>
          %select_n3A_543 = arith.select %gt3A_540, %broadcast_in_dim3A_542, %select_n3A_532 : vector<16xi1>, vector<16xi32>
          %max3A_544 = arith.maximumf %mul3A_539, %max3A_533 : vector<16xf32>
          %get3A_545 = arith.constant 21 : i32
          %get3A_546 = arith.index_cast %get3A_545 : i32 to index
          %get3A_547 = arith.index_cast %mul3A_317 : i32 to index
          %get3A_548 = tpu.vector_load %arg7[%get3A_546, %get3A_547] {strides = array<i32>} : memref<64x384xf32, #tpu.memory_space<vmem>>, vector<1x16xf32>,
          %get3A_549 = vector.shape_cast %get3A_548 : vector<1x16xf32> to vector<16xf32>
          %mul3A_550 = arith.mulf %get3A_319, %get3A_549 : vector<16xf32>
          %gt3A_551 = arith.cmpf ogt, %mul3A_550, %max3A_544 : vector<16xf32>
          %broadcast_in_dim3A_552 = arith.constant 21 : i32
          %broadcast_in_dim3A_553 = vector.broadcast %broadcast_in_dim3A_552 : i32 to vector<16xi32>
          %select_n3A_554 = arith.select %gt3A_551, %broadcast_in_dim3A_553, %select_n3A_543 : vector<16xi1>, vector<16xi32>
          %max3A_555 = arith.maximumf %mul3A_550, %max3A_544 : vector<16xf32>
          %get3A_556 = arith.constant 22 : i32
          %get3A_557 = arith.index_cast %get3A_556 : i32 to index
          %get3A_558 = arith.index_cast %mul3A_317 : i32 to index
          %get3A_559 = tpu.vector_load %arg7[%get3A_557, %get3A_558] {strides = array<i32>} : memref<64x384xf32, #tpu.memory_space<vmem>>, vector<1x16xf32>,
          %get3A_560 = vector.shape_cast %get3A_559 : vector<1x16xf32> to vector<16xf32>
          %mul3A_561 = arith.mulf %get3A_319, %get3A_560 : vector<16xf32>
          %gt3A_562 = arith.cmpf ogt, %mul3A_561, %max3A_555 : vector<16xf32>
          %broadcast_in_dim3A_563 = arith.constant 22 : i32
          %broadcast_in_dim3A_564 = vector.broadcast %broadcast_in_dim3A_563 : i32 to vector<16xi32>
          %select_n3A_565 = arith.select %gt3A_562, %broadcast_in_dim3A_564, %select_n3A_554 : vector<16xi1>, vector<16xi32>
          %max3A_566 = arith.maximumf %mul3A_561, %max3A_555 : vector<16xf32>
          %get3A_567 = arith.constant 23 : i32
          %get3A_568 = arith.index_cast %get3A_567 : i32 to index
          %get3A_569 = arith.index_cast %mul3A_317 : i32 to index
          %get3A_570 = tpu.vector_load %arg7[%get3A_568, %get3A_569] {strides = array<i32>} : memref<64x384xf32, #tpu.memory_space<vmem>>, vector<1x16xf32>,
          %get3A_571 = vector.shape_cast %get3A_570 : vector<1x16xf32> to vector<16xf32>
          %mul3A_572 = arith.mulf %get3A_319, %get3A_571 : vector<16xf32>
          %gt3A_573 = arith.cmpf ogt, %mul3A_572, %max3A_566 : vector<16xf32>
          %broadcast_in_dim3A_574 = arith.constant 23 : i32
          %broadcast_in_dim3A_575 = vector.broadcast %broadcast_in_dim3A_574 : i32 to vector<16xi32>
          %select_n3A_576 = arith.select %gt3A_573, %broadcast_in_dim3A_575, %select_n3A_565 : vector<16xi1>, vector<16xi32>
          %max3A_577 = arith.maximumf %mul3A_572, %max3A_566 : vector<16xf32>
          %get3A_578 = arith.constant 24 : i32
          %get3A_579 = arith.index_cast %get3A_578 : i32 to index
          %get3A_580 = arith.index_cast %mul3A_317 : i32 to index
          %get3A_581 = tpu.vector_load %arg7[%get3A_579, %get3A_580] {strides = array<i32>} : memref<64x384xf32, #tpu.memory_space<vmem>>, vector<1x16xf32>,
          %get3A_582 = vector.shape_cast %get3A_581 : vector<1x16xf32> to vector<16xf32>
          %mul3A_583 = arith.mulf %get3A_319, %get3A_582 : vector<16xf32>
          %gt3A_584 = arith.cmpf ogt, %mul3A_583, %max3A_577 : vector<16xf32>
          %broadcast_in_dim3A_585 = arith.constant 24 : i32
          %broadcast_in_dim3A_586 = vector.broadcast %broadcast_in_dim3A_585 : i32 to vector<16xi32>
          %select_n3A_587 = arith.select %gt3A_584, %broadcast_in_dim3A_586, %select_n3A_576 : vector<16xi1>, vector<16xi32>
          %max3A_588 = arith.maximumf %mul3A_583, %max3A_577 : vector<16xf32>
          %get3A_589 = arith.constant 25 : i32
          %get3A_590 = arith.index_cast %get3A_589 : i32 to index
          %get3A_591 = arith.index_cast %mul3A_317 : i32 to index
          %get3A_592 = tpu.vector_load %arg7[%get3A_590, %get3A_591] {strides = array<i32>} : memref<64x384xf32, #tpu.memory_space<vmem>>, vector<1x16xf32>,
          %get3A_593 = vector.shape_cast %get3A_592 : vector<1x16xf32> to vector<16xf32>
          %mul3A_594 = arith.mulf %get3A_319, %get3A_593 : vector<16xf32>
          %gt3A_595 = arith.cmpf ogt, %mul3A_594, %max3A_588 : vector<16xf32>
          %broadcast_in_dim3A_596 = arith.constant 25 : i32
          %broadcast_in_dim3A_597 = vector.broadcast %broadcast_in_dim3A_596 : i32 to vector<16xi32>
          %select_n3A_598 = arith.select %gt3A_595, %broadcast_in_dim3A_597, %select_n3A_587 : vector<16xi1>, vector<16xi32>
          %max3A_599 = arith.maximumf %mul3A_594, %max3A_588 : vector<16xf32>
          %get3A_600 = arith.constant 26 : i32
          %get3A_601 = arith.index_cast %get3A_600 : i32 to index
          %get3A_602 = arith.index_cast %mul3A_317 : i32 to index
          %get3A_603 = tpu.vector_load %arg7[%get3A_601, %get3A_602] {strides = array<i32>} : memref<64x384xf32, #tpu.memory_space<vmem>>, vector<1x16xf32>,
          %get3A_604 = vector.shape_cast %get3A_603 : vector<1x16xf32> to vector<16xf32>
          %mul3A_605 = arith.mulf %get3A_319, %get3A_604 : vector<16xf32>
          %gt3A_606 = arith.cmpf ogt, %mul3A_605, %max3A_599 : vector<16xf32>
          %broadcast_in_dim3A_607 = arith.constant 26 : i32
          %broadcast_in_dim3A_608 = vector.broadcast %broadcast_in_dim3A_607 : i32 to vector<16xi32>
          %select_n3A_609 = arith.select %gt3A_606, %broadcast_in_dim3A_608, %select_n3A_598 : vector<16xi1>, vector<16xi32>
          %max3A_610 = arith.maximumf %mul3A_605, %max3A_599 : vector<16xf32>
          %get3A_611 = arith.constant 27 : i32
          %get3A_612 = arith.index_cast %get3A_611 : i32 to index
          %get3A_613 = arith.index_cast %mul3A_317 : i32 to index
          %get3A_614 = tpu.vector_load %arg7[%get3A_612, %get3A_613] {strides = array<i32>} : memref<64x384xf32, #tpu.memory_space<vmem>>, vector<1x16xf32>,
          %get3A_615 = vector.shape_cast %get3A_614 : vector<1x16xf32> to vector<16xf32>
          %mul3A_616 = arith.mulf %get3A_319, %get3A_615 : vector<16xf32>
          %gt3A_617 = arith.cmpf ogt, %mul3A_616, %max3A_610 : vector<16xf32>
          %broadcast_in_dim3A_618 = arith.constant 27 : i32
          %broadcast_in_dim3A_619 = vector.broadcast %broadcast_in_dim3A_618 : i32 to vector<16xi32>
          %select_n3A_620 = arith.select %gt3A_617, %broadcast_in_dim3A_619, %select_n3A_609 : vector<16xi1>, vector<16xi32>
          %max3A_621 = arith.maximumf %mul3A_616, %max3A_610 : vector<16xf32>
          %get3A_622 = arith.constant 28 : i32
          %get3A_623 = arith.index_cast %get3A_622 : i32 to index
          %get3A_624 = arith.index_cast %mul3A_317 : i32 to index
          %get3A_625 = tpu.vector_load %arg7[%get3A_623, %get3A_624] {strides = array<i32>} : memref<64x384xf32, #tpu.memory_space<vmem>>, vector<1x16xf32>,
          %get3A_626 = vector.shape_cast %get3A_625 : vector<1x16xf32> to vector<16xf32>
          %mul3A_627 = arith.mulf %get3A_319, %get3A_626 : vector<16xf32>
          %gt3A_628 = arith.cmpf ogt, %mul3A_627, %max3A_621 : vector<16xf32>
          %broadcast_in_dim3A_629 = arith.constant 28 : i32
          %broadcast_in_dim3A_630 = vector.broadcast %broadcast_in_dim3A_629 : i32 to vector<16xi32>
          %select_n3A_631 = arith.select %gt3A_628, %broadcast_in_dim3A_630, %select_n3A_620 : vector<16xi1>, vector<16xi32>
          %max3A_632 = arith.maximumf %mul3A_627, %max3A_621 : vector<16xf32>
          %get3A_633 = arith.constant 29 : i32
          %get3A_634 = arith.index_cast %get3A_633 : i32 to index
          %get3A_635 = arith.index_cast %mul3A_317 : i32 to index
          %get3A_636 = tpu.vector_load %arg7[%get3A_634, %get3A_635] {strides = array<i32>} : memref<64x384xf32, #tpu.memory_space<vmem>>, vector<1x16xf32>,
          %get3A_637 = vector.shape_cast %get3A_636 : vector<1x16xf32> to vector<16xf32>
          %mul3A_638 = arith.mulf %get3A_319, %get3A_637 : vector<16xf32>
          %gt3A_639 = arith.cmpf ogt, %mul3A_638, %max3A_632 : vector<16xf32>
          %broadcast_in_dim3A_640 = arith.constant 29 : i32
          %broadcast_in_dim3A_641 = vector.broadcast %broadcast_in_dim3A_640 : i32 to vector<16xi32>
          %select_n3A_642 = arith.select %gt3A_639, %broadcast_in_dim3A_641, %select_n3A_631 : vector<16xi1>, vector<16xi32>
          %max3A_643 = arith.maximumf %mul3A_638, %max3A_632 : vector<16xf32>
          %get3A_644 = arith.constant 30 : i32
          %get3A_645 = arith.index_cast %get3A_644 : i32 to index
          %get3A_646 = arith.index_cast %mul3A_317 : i32 to index
          %get3A_647 = tpu.vector_load %arg7[%get3A_645, %get3A_646] {strides = array<i32>} : memref<64x384xf32, #tpu.memory_space<vmem>>, vector<1x16xf32>,
          %get3A_648 = vector.shape_cast %get3A_647 : vector<1x16xf32> to vector<16xf32>
          %mul3A_649 = arith.mulf %get3A_319, %get3A_648 : vector<16xf32>
          %gt3A_650 = arith.cmpf ogt, %mul3A_649, %max3A_643 : vector<16xf32>
          %broadcast_in_dim3A_651 = arith.constant 30 : i32
          %broadcast_in_dim3A_652 = vector.broadcast %broadcast_in_dim3A_651 : i32 to vector<16xi32>
          %select_n3A_653 = arith.select %gt3A_650, %broadcast_in_dim3A_652, %select_n3A_642 : vector<16xi1>, vector<16xi32>
          %max3A_654 = arith.maximumf %mul3A_649, %max3A_643 : vector<16xf32>
          %get3A_655 = arith.constant 31 : i32
          %get3A_656 = arith.index_cast %get3A_655 : i32 to index
          %get3A_657 = arith.index_cast %mul3A_317 : i32 to index
          %get3A_658 = tpu.vector_load %arg7[%get3A_656, %get3A_657] {strides = array<i32>} : memref<64x384xf32, #tpu.memory_space<vmem>>, vector<1x16xf32>,
          %get3A_659 = vector.shape_cast %get3A_658 : vector<1x16xf32> to vector<16xf32>
          %mul3A_660 = arith.mulf %get3A_319, %get3A_659 : vector<16xf32>
          %gt3A_661 = arith.cmpf ogt, %mul3A_660, %max3A_654 : vector<16xf32>
          %broadcast_in_dim3A_662 = arith.constant 31 : i32
          %broadcast_in_dim3A_663 = vector.broadcast %broadcast_in_dim3A_662 : i32 to vector<16xi32>
          %select_n3A_664 = arith.select %gt3A_661, %broadcast_in_dim3A_663, %select_n3A_653 : vector<16xi1>, vector<16xi32>
          %max3A_665 = arith.maximumf %mul3A_660, %max3A_654 : vector<16xf32>
          %get3A_666 = arith.constant 32 : i32
          %get3A_667 = arith.index_cast %get3A_666 : i32 to index
          %get3A_668 = arith.index_cast %mul3A_317 : i32 to index
          %get3A_669 = tpu.vector_load %arg7[%get3A_667, %get3A_668] {strides = array<i32>} : memref<64x384xf32, #tpu.memory_space<vmem>>, vector<1x16xf32>,
          %get3A_670 = vector.shape_cast %get3A_669 : vector<1x16xf32> to vector<16xf32>
          %mul3A_671 = arith.mulf %get3A_319, %get3A_670 : vector<16xf32>
          %gt3A_672 = arith.cmpf ogt, %mul3A_671, %max3A_665 : vector<16xf32>
          %broadcast_in_dim3A_673 = arith.constant 32 : i32
          %broadcast_in_dim3A_674 = vector.broadcast %broadcast_in_dim3A_673 : i32 to vector<16xi32>
          %select_n3A_675 = arith.select %gt3A_672, %broadcast_in_dim3A_674, %select_n3A_664 : vector<16xi1>, vector<16xi32>
          %max3A_676 = arith.maximumf %mul3A_671, %max3A_665 : vector<16xf32>
          %get3A_677 = arith.constant 33 : i32
          %get3A_678 = arith.index_cast %get3A_677 : i32 to index
          %get3A_679 = arith.index_cast %mul3A_317 : i32 to index
          %get3A_680 = tpu.vector_load %arg7[%get3A_678, %get3A_679] {strides = array<i32>} : memref<64x384xf32, #tpu.memory_space<vmem>>, vector<1x16xf32>,
          %get3A_681 = vector.shape_cast %get3A_680 : vector<1x16xf32> to vector<16xf32>
          %mul3A_682 = arith.mulf %get3A_319, %get3A_681 : vector<16xf32>
          %gt3A_683 = arith.cmpf ogt, %mul3A_682, %max3A_676 : vector<16xf32>
          %broadcast_in_dim3A_684 = arith.constant 33 : i32
          %broadcast_in_dim3A_685 = vector.broadcast %broadcast_in_dim3A_684 : i32 to vector<16xi32>
          %select_n3A_686 = arith.select %gt3A_683, %broadcast_in_dim3A_685, %select_n3A_675 : vector<16xi1>, vector<16xi32>
          %max3A_687 = arith.maximumf %mul3A_682, %max3A_676 : vector<16xf32>
          %get3A_688 = arith.constant 34 : i32
          %get3A_689 = arith.index_cast %get3A_688 : i32 to index
          %get3A_690 = arith.index_cast %mul3A_317 : i32 to index
          %get3A_691 = tpu.vector_load %arg7[%get3A_689, %get3A_690] {strides = array<i32>} : memref<64x384xf32, #tpu.memory_space<vmem>>, vector<1x16xf32>,
          %get3A_692 = vector.shape_cast %get3A_691 : vector<1x16xf32> to vector<16xf32>
          %mul3A_693 = arith.mulf %get3A_319, %get3A_692 : vector<16xf32>
          %gt3A_694 = arith.cmpf ogt, %mul3A_693, %max3A_687 : vector<16xf32>
          %broadcast_in_dim3A_695 = arith.constant 34 : i32
          %broadcast_in_dim3A_696 = vector.broadcast %broadcast_in_dim3A_695 : i32 to vector<16xi32>
          %select_n3A_697 = arith.select %gt3A_694, %broadcast_in_dim3A_696, %select_n3A_686 : vector<16xi1>, vector<16xi32>
          %max3A_698 = arith.maximumf %mul3A_693, %max3A_687 : vector<16xf32>
          %get3A_699 = arith.constant 35 : i32
          %get3A_700 = arith.index_cast %get3A_699 : i32 to index
          %get3A_701 = arith.index_cast %mul3A_317 : i32 to index
          %get3A_702 = tpu.vector_load %arg7[%get3A_700, %get3A_701] {strides = array<i32>} : memref<64x384xf32, #tpu.memory_space<vmem>>, vector<1x16xf32>,
          %get3A_703 = vector.shape_cast %get3A_702 : vector<1x16xf32> to vector<16xf32>
          %mul3A_704 = arith.mulf %get3A_319, %get3A_703 : vector<16xf32>
          %gt3A_705 = arith.cmpf ogt, %mul3A_704, %max3A_698 : vector<16xf32>
          %broadcast_in_dim3A_706 = arith.constant 35 : i32
          %broadcast_in_dim3A_707 = vector.broadcast %broadcast_in_dim3A_706 : i32 to vector<16xi32>
          %select_n3A_708 = arith.select %gt3A_705, %broadcast_in_dim3A_707, %select_n3A_697 : vector<16xi1>, vector<16xi32>
          %max3A_709 = arith.maximumf %mul3A_704, %max3A_698 : vector<16xf32>
          %get3A_710 = arith.constant 36 : i32
          %get3A_711 = arith.index_cast %get3A_710 : i32 to index
          %get3A_712 = arith.index_cast %mul3A_317 : i32 to index
          %get3A_713 = tpu.vector_load %arg7[%get3A_711, %get3A_712] {strides = array<i32>} : memref<64x384xf32, #tpu.memory_space<vmem>>, vector<1x16xf32>,
          %get3A_714 = vector.shape_cast %get3A_713 : vector<1x16xf32> to vector<16xf32>
          %mul3A_715 = arith.mulf %get3A_319, %get3A_714 : vector<16xf32>
          %gt3A_716 = arith.cmpf ogt, %mul3A_715, %max3A_709 : vector<16xf32>
          %broadcast_in_dim3A_717 = arith.constant 36 : i32
          %broadcast_in_dim3A_718 = vector.broadcast %broadcast_in_dim3A_717 : i32 to vector<16xi32>
          %select_n3A_719 = arith.select %gt3A_716, %broadcast_in_dim3A_718, %select_n3A_708 : vector<16xi1>, vector<16xi32>
          %max3A_720 = arith.maximumf %mul3A_715, %max3A_709 : vector<16xf32>
          %get3A_721 = arith.constant 37 : i32
          %get3A_722 = arith.index_cast %get3A_721 : i32 to index
          %get3A_723 = arith.index_cast %mul3A_317 : i32 to index
          %get3A_724 = tpu.vector_load %arg7[%get3A_722, %get3A_723] {strides = array<i32>} : memref<64x384xf32, #tpu.memory_space<vmem>>, vector<1x16xf32>,
          %get3A_725 = vector.shape_cast %get3A_724 : vector<1x16xf32> to vector<16xf32>
          %mul3A_726 = arith.mulf %get3A_319, %get3A_725 : vector<16xf32>
          %gt3A_727 = arith.cmpf ogt, %mul3A_726, %max3A_720 : vector<16xf32>
          %broadcast_in_dim3A_728 = arith.constant 37 : i32
          %broadcast_in_dim3A_729 = vector.broadcast %broadcast_in_dim3A_728 : i32 to vector<16xi32>
          %select_n3A_730 = arith.select %gt3A_727, %broadcast_in_dim3A_729, %select_n3A_719 : vector<16xi1>, vector<16xi32>
          %max3A_731 = arith.maximumf %mul3A_726, %max3A_720 : vector<16xf32>
          %get3A_732 = arith.constant 38 : i32
          %get3A_733 = arith.index_cast %get3A_732 : i32 to index
          %get3A_734 = arith.index_cast %mul3A_317 : i32 to index
          %get3A_735 = tpu.vector_load %arg7[%get3A_733, %get3A_734] {strides = array<i32>} : memref<64x384xf32, #tpu.memory_space<vmem>>, vector<1x16xf32>,
          %get3A_736 = vector.shape_cast %get3A_735 : vector<1x16xf32> to vector<16xf32>
          %mul3A_737 = arith.mulf %get3A_319, %get3A_736 : vector<16xf32>
          %gt3A_738 = arith.cmpf ogt, %mul3A_737, %max3A_731 : vector<16xf32>
          %broadcast_in_dim3A_739 = arith.constant 38 : i32
          %broadcast_in_dim3A_740 = vector.broadcast %broadcast_in_dim3A_739 : i32 to vector<16xi32>
          %select_n3A_741 = arith.select %gt3A_738, %broadcast_in_dim3A_740, %select_n3A_730 : vector<16xi1>, vector<16xi32>
          %max3A_742 = arith.maximumf %mul3A_737, %max3A_731 : vector<16xf32>
          %get3A_743 = arith.constant 39 : i32
          %get3A_744 = arith.index_cast %get3A_743 : i32 to index
          %get3A_745 = arith.index_cast %mul3A_317 : i32 to index
          %get3A_746 = tpu.vector_load %arg7[%get3A_744, %get3A_745] {strides = array<i32>} : memref<64x384xf32, #tpu.memory_space<vmem>>, vector<1x16xf32>,
          %get3A_747 = vector.shape_cast %get3A_746 : vector<1x16xf32> to vector<16xf32>
          %mul3A_748 = arith.mulf %get3A_319, %get3A_747 : vector<16xf32>
          %gt3A_749 = arith.cmpf ogt, %mul3A_748, %max3A_742 : vector<16xf32>
          %broadcast_in_dim3A_750 = arith.constant 39 : i32
          %broadcast_in_dim3A_751 = vector.broadcast %broadcast_in_dim3A_750 : i32 to vector<16xi32>
          %select_n3A_752 = arith.select %gt3A_749, %broadcast_in_dim3A_751, %select_n3A_741 : vector<16xi1>, vector<16xi32>
          %max3A_753 = arith.maximumf %mul3A_748, %max3A_742 : vector<16xf32>
          %get3A_754 = arith.constant 40 : i32
          %get3A_755 = arith.index_cast %get3A_754 : i32 to index
          %get3A_756 = arith.index_cast %mul3A_317 : i32 to index
          %get3A_757 = tpu.vector_load %arg7[%get3A_755, %get3A_756] {strides = array<i32>} : memref<64x384xf32, #tpu.memory_space<vmem>>, vector<1x16xf32>,
          %get3A_758 = vector.shape_cast %get3A_757 : vector<1x16xf32> to vector<16xf32>
          %mul3A_759 = arith.mulf %get3A_319, %get3A_758 : vector<16xf32>
          %gt3A_760 = arith.cmpf ogt, %mul3A_759, %max3A_753 : vector<16xf32>
          %broadcast_in_dim3A_761 = arith.constant 40 : i32
          %broadcast_in_dim3A_762 = vector.broadcast %broadcast_in_dim3A_761 : i32 to vector<16xi32>
          %select_n3A_763 = arith.select %gt3A_760, %broadcast_in_dim3A_762, %select_n3A_752 : vector<16xi1>, vector<16xi32>
          %max3A_764 = arith.maximumf %mul3A_759, %max3A_753 : vector<16xf32>
          %get3A_765 = arith.constant 41 : i32
          %get3A_766 = arith.index_cast %get3A_765 : i32 to index
          %get3A_767 = arith.index_cast %mul3A_317 : i32 to index
          %get3A_768 = tpu.vector_load %arg7[%get3A_766, %get3A_767] {strides = array<i32>} : memref<64x384xf32, #tpu.memory_space<vmem>>, vector<1x16xf32>,
          %get3A_769 = vector.shape_cast %get3A_768 : vector<1x16xf32> to vector<16xf32>
          %mul3A_770 = arith.mulf %get3A_319, %get3A_769 : vector<16xf32>
          %gt3A_771 = arith.cmpf ogt, %mul3A_770, %max3A_764 : vector<16xf32>
          %broadcast_in_dim3A_772 = arith.constant 41 : i32
          %broadcast_in_dim3A_773 = vector.broadcast %broadcast_in_dim3A_772 : i32 to vector<16xi32>
          %select_n3A_774 = arith.select %gt3A_771, %broadcast_in_dim3A_773, %select_n3A_763 : vector<16xi1>, vector<16xi32>
          %max3A_775 = arith.maximumf %mul3A_770, %max3A_764 : vector<16xf32>
          %get3A_776 = arith.constant 42 : i32
          %get3A_777 = arith.index_cast %get3A_776 : i32 to index
          %get3A_778 = arith.index_cast %mul3A_317 : i32 to index
          %get3A_779 = tpu.vector_load %arg7[%get3A_777, %get3A_778] {strides = array<i32>} : memref<64x384xf32, #tpu.memory_space<vmem>>, vector<1x16xf32>,
          %get3A_780 = vector.shape_cast %get3A_779 : vector<1x16xf32> to vector<16xf32>
          %mul3A_781 = arith.mulf %get3A_319, %get3A_780 : vector<16xf32>
          %gt3A_782 = arith.cmpf ogt, %mul3A_781, %max3A_775 : vector<16xf32>
          %broadcast_in_dim3A_783 = arith.constant 42 : i32
          %broadcast_in_dim3A_784 = vector.broadcast %broadcast_in_dim3A_783 : i32 to vector<16xi32>
          %select_n3A_785 = arith.select %gt3A_782, %broadcast_in_dim3A_784, %select_n3A_774 : vector<16xi1>, vector<16xi32>
          %max3A_786 = arith.maximumf %mul3A_781, %max3A_775 : vector<16xf32>
          %get3A_787 = arith.constant 43 : i32
          %get3A_788 = arith.index_cast %get3A_787 : i32 to index
          %get3A_789 = arith.index_cast %mul3A_317 : i32 to index
          %get3A_790 = tpu.vector_load %arg7[%get3A_788, %get3A_789] {strides = array<i32>} : memref<64x384xf32, #tpu.memory_space<vmem>>, vector<1x16xf32>,
          %get3A_791 = vector.shape_cast %get3A_790 : vector<1x16xf32> to vector<16xf32>
          %mul3A_792 = arith.mulf %get3A_319, %get3A_791 : vector<16xf32>
          %gt3A_793 = arith.cmpf ogt, %mul3A_792, %max3A_786 : vector<16xf32>
          %broadcast_in_dim3A_794 = arith.constant 43 : i32
          %broadcast_in_dim3A_795 = vector.broadcast %broadcast_in_dim3A_794 : i32 to vector<16xi32>
          %select_n3A_796 = arith.select %gt3A_793, %broadcast_in_dim3A_795, %select_n3A_785 : vector<16xi1>, vector<16xi32>
          %max3A_797 = arith.maximumf %mul3A_792, %max3A_786 : vector<16xf32>
          %get3A_798 = arith.constant 44 : i32
          %get3A_799 = arith.index_cast %get3A_798 : i32 to index
          %get3A_800 = arith.index_cast %mul3A_317 : i32 to index
          %get3A_801 = tpu.vector_load %arg7[%get3A_799, %get3A_800] {strides = array<i32>} : memref<64x384xf32, #tpu.memory_space<vmem>>, vector<1x16xf32>,
          %get3A_802 = vector.shape_cast %get3A_801 : vector<1x16xf32> to vector<16xf32>
          %mul3A_803 = arith.mulf %get3A_319, %get3A_802 : vector<16xf32>
          %gt3A_804 = arith.cmpf ogt, %mul3A_803, %max3A_797 : vector<16xf32>
          %broadcast_in_dim3A_805 = arith.constant 44 : i32
          %broadcast_in_dim3A_806 = vector.broadcast %broadcast_in_dim3A_805 : i32 to vector<16xi32>
          %select_n3A_807 = arith.select %gt3A_804, %broadcast_in_dim3A_806, %select_n3A_796 : vector<16xi1>, vector<16xi32>
          %max3A_808 = arith.maximumf %mul3A_803, %max3A_797 : vector<16xf32>
          %get3A_809 = arith.constant 45 : i32
          %get3A_810 = arith.index_cast %get3A_809 : i32 to index
          %get3A_811 = arith.index_cast %mul3A_317 : i32 to index
          %get3A_812 = tpu.vector_load %arg7[%get3A_810, %get3A_811] {strides = array<i32>} : memref<64x384xf32, #tpu.memory_space<vmem>>, vector<1x16xf32>,
          %get3A_813 = vector.shape_cast %get3A_812 : vector<1x16xf32> to vector<16xf32>
          %mul3A_814 = arith.mulf %get3A_319, %get3A_813 : vector<16xf32>
          %gt3A_815 = arith.cmpf ogt, %mul3A_814, %max3A_808 : vector<16xf32>
          %broadcast_in_dim3A_816 = arith.constant 45 : i32
          %broadcast_in_dim3A_817 = vector.broadcast %broadcast_in_dim3A_816 : i32 to vector<16xi32>
          %select_n3A_818 = arith.select %gt3A_815, %broadcast_in_dim3A_817, %select_n3A_807 : vector<16xi1>, vector<16xi32>
          %max3A_819 = arith.maximumf %mul3A_814, %max3A_808 : vector<16xf32>
          %get3A_820 = arith.constant 46 : i32
          %get3A_821 = arith.index_cast %get3A_820 : i32 to index
          %get3A_822 = arith.index_cast %mul3A_317 : i32 to index
          %get3A_823 = tpu.vector_load %arg7[%get3A_821, %get3A_822] {strides = array<i32>} : memref<64x384xf32, #tpu.memory_space<vmem>>, vector<1x16xf32>,
          %get3A_824 = vector.shape_cast %get3A_823 : vector<1x16xf32> to vector<16xf32>
          %mul3A_825 = arith.mulf %get3A_319, %get3A_824 : vector<16xf32>
          %gt3A_826 = arith.cmpf ogt, %mul3A_825, %max3A_819 : vector<16xf32>
          %broadcast_in_dim3A_827 = arith.constant 46 : i32
          %broadcast_in_dim3A_828 = vector.broadcast %broadcast_in_dim3A_827 : i32 to vector<16xi32>
          %select_n3A_829 = arith.select %gt3A_826, %broadcast_in_dim3A_828, %select_n3A_818 : vector<16xi1>, vector<16xi32>
          %max3A_830 = arith.maximumf %mul3A_825, %max3A_819 : vector<16xf32>
          %get3A_831 = arith.constant 47 : i32
          %get3A_832 = arith.index_cast %get3A_831 : i32 to index
          %get3A_833 = arith.index_cast %mul3A_317 : i32 to index
          %get3A_834 = tpu.vector_load %arg7[%get3A_832, %get3A_833] {strides = array<i32>} : memref<64x384xf32, #tpu.memory_space<vmem>>, vector<1x16xf32>,
          %get3A_835 = vector.shape_cast %get3A_834 : vector<1x16xf32> to vector<16xf32>
          %mul3A_836 = arith.mulf %get3A_319, %get3A_835 : vector<16xf32>
          %gt3A_837 = arith.cmpf ogt, %mul3A_836, %max3A_830 : vector<16xf32>
          %broadcast_in_dim3A_838 = arith.constant 47 : i32
          %broadcast_in_dim3A_839 = vector.broadcast %broadcast_in_dim3A_838 : i32 to vector<16xi32>
          %select_n3A_840 = arith.select %gt3A_837, %broadcast_in_dim3A_839, %select_n3A_829 : vector<16xi1>, vector<16xi32>
          %max3A_841 = arith.maximumf %mul3A_836, %max3A_830 : vector<16xf32>
          %get3A_842 = arith.constant 48 : i32
          %get3A_843 = arith.index_cast %get3A_842 : i32 to index
          %get3A_844 = arith.index_cast %mul3A_317 : i32 to index
          %get3A_845 = tpu.vector_load %arg7[%get3A_843, %get3A_844] {strides = array<i32>} : memref<64x384xf32, #tpu.memory_space<vmem>>, vector<1x16xf32>,
          %get3A_846 = vector.shape_cast %get3A_845 : vector<1x16xf32> to vector<16xf32>
          %mul3A_847 = arith.mulf %get3A_319, %get3A_846 : vector<16xf32>
          %gt3A_848 = arith.cmpf ogt, %mul3A_847, %max3A_841 : vector<16xf32>
          %broadcast_in_dim3A_849 = arith.constant 48 : i32
          %broadcast_in_dim3A_850 = vector.broadcast %broadcast_in_dim3A_849 : i32 to vector<16xi32>
          %select_n3A_851 = arith.select %gt3A_848, %broadcast_in_dim3A_850, %select_n3A_840 : vector<16xi1>, vector<16xi32>
          %max3A_852 = arith.maximumf %mul3A_847, %max3A_841 : vector<16xf32>
          %get3A_853 = arith.constant 49 : i32
          %get3A_854 = arith.index_cast %get3A_853 : i32 to index
          %get3A_855 = arith.index_cast %mul3A_317 : i32 to index
          %get3A_856 = tpu.vector_load %arg7[%get3A_854, %get3A_855] {strides = array<i32>} : memref<64x384xf32, #tpu.memory_space<vmem>>, vector<1x16xf32>,
          %get3A_857 = vector.shape_cast %get3A_856 : vector<1x16xf32> to vector<16xf32>
          %mul3A_858 = arith.mulf %get3A_319, %get3A_857 : vector<16xf32>
          %gt3A_859 = arith.cmpf ogt, %mul3A_858, %max3A_852 : vector<16xf32>
          %broadcast_in_dim3A_860 = arith.constant 49 : i32
          %broadcast_in_dim3A_861 = vector.broadcast %broadcast_in_dim3A_860 : i32 to vector<16xi32>
          %select_n3A_862 = arith.select %gt3A_859, %broadcast_in_dim3A_861, %select_n3A_851 : vector<16xi1>, vector<16xi32>
          %max3A_863 = arith.maximumf %mul3A_858, %max3A_852 : vector<16xf32>
          %get3A_864 = arith.constant 50 : i32
          %get3A_865 = arith.index_cast %get3A_864 : i32 to index
          %get3A_866 = arith.index_cast %mul3A_317 : i32 to index
          %get3A_867 = tpu.vector_load %arg7[%get3A_865, %get3A_866] {strides = array<i32>} : memref<64x384xf32, #tpu.memory_space<vmem>>, vector<1x16xf32>,
          %get3A_868 = vector.shape_cast %get3A_867 : vector<1x16xf32> to vector<16xf32>
          %mul3A_869 = arith.mulf %get3A_319, %get3A_868 : vector<16xf32>
          %gt3A_870 = arith.cmpf ogt, %mul3A_869, %max3A_863 : vector<16xf32>
          %broadcast_in_dim3A_871 = arith.constant 50 : i32
          %broadcast_in_dim3A_872 = vector.broadcast %broadcast_in_dim3A_871 : i32 to vector<16xi32>
          %select_n3A_873 = arith.select %gt3A_870, %broadcast_in_dim3A_872, %select_n3A_862 : vector<16xi1>, vector<16xi32>
          %max3A_874 = arith.maximumf %mul3A_869, %max3A_863 : vector<16xf32>
          %get3A_875 = arith.constant 51 : i32
          %get3A_876 = arith.index_cast %get3A_875 : i32 to index
          %get3A_877 = arith.index_cast %mul3A_317 : i32 to index
          %get3A_878 = tpu.vector_load %arg7[%get3A_876, %get3A_877] {strides = array<i32>} : memref<64x384xf32, #tpu.memory_space<vmem>>, vector<1x16xf32>,
          %get3A_879 = vector.shape_cast %get3A_878 : vector<1x16xf32> to vector<16xf32>
          %mul3A_880 = arith.mulf %get3A_319, %get3A_879 : vector<16xf32>
          %gt3A_881 = arith.cmpf ogt, %mul3A_880, %max3A_874 : vector<16xf32>
          %broadcast_in_dim3A_882 = arith.constant 51 : i32
          %broadcast_in_dim3A_883 = vector.broadcast %broadcast_in_dim3A_882 : i32 to vector<16xi32>
          %select_n3A_884 = arith.select %gt3A_881, %broadcast_in_dim3A_883, %select_n3A_873 : vector<16xi1>, vector<16xi32>
          %max3A_885 = arith.maximumf %mul3A_880, %max3A_874 : vector<16xf32>
          %get3A_886 = arith.constant 52 : i32
          %get3A_887 = arith.index_cast %get3A_886 : i32 to index
          %get3A_888 = arith.index_cast %mul3A_317 : i32 to index
          %get3A_889 = tpu.vector_load %arg7[%get3A_887, %get3A_888] {strides = array<i32>} : memref<64x384xf32, #tpu.memory_space<vmem>>, vector<1x16xf32>,
          %get3A_890 = vector.shape_cast %get3A_889 : vector<1x16xf32> to vector<16xf32>
          %mul3A_891 = arith.mulf %get3A_319, %get3A_890 : vector<16xf32>
          %gt3A_892 = arith.cmpf ogt, %mul3A_891, %max3A_885 : vector<16xf32>
          %broadcast_in_dim3A_893 = arith.constant 52 : i32
          %broadcast_in_dim3A_894 = vector.broadcast %broadcast_in_dim3A_893 : i32 to vector<16xi32>
          %select_n3A_895 = arith.select %gt3A_892, %broadcast_in_dim3A_894, %select_n3A_884 : vector<16xi1>, vector<16xi32>
          %max3A_896 = arith.maximumf %mul3A_891, %max3A_885 : vector<16xf32>
          %get3A_897 = arith.constant 53 : i32
          %get3A_898 = arith.index_cast %get3A_897 : i32 to index
          %get3A_899 = arith.index_cast %mul3A_317 : i32 to index
          %get3A_900 = tpu.vector_load %arg7[%get3A_898, %get3A_899] {strides = array<i32>} : memref<64x384xf32, #tpu.memory_space<vmem>>, vector<1x16xf32>,
          %get3A_901 = vector.shape_cast %get3A_900 : vector<1x16xf32> to vector<16xf32>
          %mul3A_902 = arith.mulf %get3A_319, %get3A_901 : vector<16xf32>
          %gt3A_903 = arith.cmpf ogt, %mul3A_902, %max3A_896 : vector<16xf32>
          %broadcast_in_dim3A_904 = arith.constant 53 : i32
          %broadcast_in_dim3A_905 = vector.broadcast %broadcast_in_dim3A_904 : i32 to vector<16xi32>
          %select_n3A_906 = arith.select %gt3A_903, %broadcast_in_dim3A_905, %select_n3A_895 : vector<16xi1>, vector<16xi32>
          %max3A_907 = arith.maximumf %mul3A_902, %max3A_896 : vector<16xf32>
          %get3A_908 = arith.constant 54 : i32
          %get3A_909 = arith.index_cast %get3A_908 : i32 to index
          %get3A_910 = arith.index_cast %mul3A_317 : i32 to index
          %get3A_911 = tpu.vector_load %arg7[%get3A_909, %get3A_910] {strides = array<i32>} : memref<64x384xf32, #tpu.memory_space<vmem>>, vector<1x16xf32>,
          %get3A_912 = vector.shape_cast %get3A_911 : vector<1x16xf32> to vector<16xf32>
          %mul3A_913 = arith.mulf %get3A_319, %get3A_912 : vector<16xf32>
          %gt3A_914 = arith.cmpf ogt, %mul3A_913, %max3A_907 : vector<16xf32>
          %broadcast_in_dim3A_915 = arith.constant 54 : i32
          %broadcast_in_dim3A_916 = vector.broadcast %broadcast_in_dim3A_915 : i32 to vector<16xi32>
          %select_n3A_917 = arith.select %gt3A_914, %broadcast_in_dim3A_916, %select_n3A_906 : vector<16xi1>, vector<16xi32>
          %max3A_918 = arith.maximumf %mul3A_913, %max3A_907 : vector<16xf32>
          %get3A_919 = arith.constant 55 : i32
          %get3A_920 = arith.index_cast %get3A_919 : i32 to index
          %get3A_921 = arith.index_cast %mul3A_317 : i32 to index
          %get3A_922 = tpu.vector_load %arg7[%get3A_920, %get3A_921] {strides = array<i32>} : memref<64x384xf32, #tpu.memory_space<vmem>>, vector<1x16xf32>,
          %get3A_923 = vector.shape_cast %get3A_922 : vector<1x16xf32> to vector<16xf32>
          %mul3A_924 = arith.mulf %get3A_319, %get3A_923 : vector<16xf32>
          %gt3A_925 = arith.cmpf ogt, %mul3A_924, %max3A_918 : vector<16xf32>
          %broadcast_in_dim3A_926 = arith.constant 55 : i32
          %broadcast_in_dim3A_927 = vector.broadcast %broadcast_in_dim3A_926 : i32 to vector<16xi32>
          %select_n3A_928 = arith.select %gt3A_925, %broadcast_in_dim3A_927, %select_n3A_917 : vector<16xi1>, vector<16xi32>
          %max3A_929 = arith.maximumf %mul3A_924, %max3A_918 : vector<16xf32>
          %get3A_930 = arith.constant 56 : i32
          %get3A_931 = arith.index_cast %get3A_930 : i32 to index
          %get3A_932 = arith.index_cast %mul3A_317 : i32 to index
          %get3A_933 = tpu.vector_load %arg7[%get3A_931, %get3A_932] {strides = array<i32>} : memref<64x384xf32, #tpu.memory_space<vmem>>, vector<1x16xf32>,
          %get3A_934 = vector.shape_cast %get3A_933 : vector<1x16xf32> to vector<16xf32>
          %mul3A_935 = arith.mulf %get3A_319, %get3A_934 : vector<16xf32>
          %gt3A_936 = arith.cmpf ogt, %mul3A_935, %max3A_929 : vector<16xf32>
          %broadcast_in_dim3A_937 = arith.constant 56 : i32
          %broadcast_in_dim3A_938 = vector.broadcast %broadcast_in_dim3A_937 : i32 to vector<16xi32>
          %select_n3A_939 = arith.select %gt3A_936, %broadcast_in_dim3A_938, %select_n3A_928 : vector<16xi1>, vector<16xi32>
          %max3A_940 = arith.maximumf %mul3A_935, %max3A_929 : vector<16xf32>
          %get3A_941 = arith.constant 57 : i32
          %get3A_942 = arith.index_cast %get3A_941 : i32 to index
          %get3A_943 = arith.index_cast %mul3A_317 : i32 to index
          %get3A_944 = tpu.vector_load %arg7[%get3A_942, %get3A_943] {strides = array<i32>} : memref<64x384xf32, #tpu.memory_space<vmem>>, vector<1x16xf32>,
          %get3A_945 = vector.shape_cast %get3A_944 : vector<1x16xf32> to vector<16xf32>
          %mul3A_946 = arith.mulf %get3A_319, %get3A_945 : vector<16xf32>
          %gt3A_947 = arith.cmpf ogt, %mul3A_946, %max3A_940 : vector<16xf32>
          %broadcast_in_dim3A_948 = arith.constant 57 : i32
          %broadcast_in_dim3A_949 = vector.broadcast %broadcast_in_dim3A_948 : i32 to vector<16xi32>
          %select_n3A_950 = arith.select %gt3A_947, %broadcast_in_dim3A_949, %select_n3A_939 : vector<16xi1>, vector<16xi32>
          %max3A_951 = arith.maximumf %mul3A_946, %max3A_940 : vector<16xf32>
          %get3A_952 = arith.constant 58 : i32
          %get3A_953 = arith.index_cast %get3A_952 : i32 to index
          %get3A_954 = arith.index_cast %mul3A_317 : i32 to index
          %get3A_955 = tpu.vector_load %arg7[%get3A_953, %get3A_954] {strides = array<i32>} : memref<64x384xf32, #tpu.memory_space<vmem>>, vector<1x16xf32>,
          %get3A_956 = vector.shape_cast %get3A_955 : vector<1x16xf32> to vector<16xf32>
          %mul3A_957 = arith.mulf %get3A_319, %get3A_956 : vector<16xf32>
          %gt3A_958 = arith.cmpf ogt, %mul3A_957, %max3A_951 : vector<16xf32>
          %broadcast_in_dim3A_959 = arith.constant 58 : i32
          %broadcast_in_dim3A_960 = vector.broadcast %broadcast_in_dim3A_959 : i32 to vector<16xi32>
          %select_n3A_961 = arith.select %gt3A_958, %broadcast_in_dim3A_960, %select_n3A_950 : vector<16xi1>, vector<16xi32>
          %max3A_962 = arith.maximumf %mul3A_957, %max3A_951 : vector<16xf32>
          %get3A_963 = arith.constant 59 : i32
          %get3A_964 = arith.index_cast %get3A_963 : i32 to index
          %get3A_965 = arith.index_cast %mul3A_317 : i32 to index
          %get3A_966 = tpu.vector_load %arg7[%get3A_964, %get3A_965] {strides = array<i32>} : memref<64x384xf32, #tpu.memory_space<vmem>>, vector<1x16xf32>,
          %get3A_967 = vector.shape_cast %get3A_966 : vector<1x16xf32> to vector<16xf32>
          %mul3A_968 = arith.mulf %get3A_319, %get3A_967 : vector<16xf32>
          %gt3A_969 = arith.cmpf ogt, %mul3A_968, %max3A_962 : vector<16xf32>
          %broadcast_in_dim3A_970 = arith.constant 59 : i32
          %broadcast_in_dim3A_971 = vector.broadcast %broadcast_in_dim3A_970 : i32 to vector<16xi32>
          %select_n3A_972 = arith.select %gt3A_969, %broadcast_in_dim3A_971, %select_n3A_961 : vector<16xi1>, vector<16xi32>
          %max3A_973 = arith.maximumf %mul3A_968, %max3A_962 : vector<16xf32>
          %get3A_974 = arith.constant 60 : i32
          %get3A_975 = arith.index_cast %get3A_974 : i32 to index
          %get3A_976 = arith.index_cast %mul3A_317 : i32 to index
          %get3A_977 = tpu.vector_load %arg7[%get3A_975, %get3A_976] {strides = array<i32>} : memref<64x384xf32, #tpu.memory_space<vmem>>, vector<1x16xf32>,
          %get3A_978 = vector.shape_cast %get3A_977 : vector<1x16xf32> to vector<16xf32>
          %mul3A_979 = arith.mulf %get3A_319, %get3A_978 : vector<16xf32>
          %gt3A_980 = arith.cmpf ogt, %mul3A_979, %max3A_973 : vector<16xf32>
          %broadcast_in_dim3A_981 = arith.constant 60 : i32
          %broadcast_in_dim3A_982 = vector.broadcast %broadcast_in_dim3A_981 : i32 to vector<16xi32>
          %select_n3A_983 = arith.select %gt3A_980, %broadcast_in_dim3A_982, %select_n3A_972 : vector<16xi1>, vector<16xi32>
          %max3A_984 = arith.maximumf %mul3A_979, %max3A_973 : vector<16xf32>
          %get3A_985 = arith.constant 61 : i32
          %get3A_986 = arith.index_cast %get3A_985 : i32 to index
          %get3A_987 = arith.index_cast %mul3A_317 : i32 to index
          %get3A_988 = tpu.vector_load %arg7[%get3A_986, %get3A_987] {strides = array<i32>} : memref<64x384xf32, #tpu.memory_space<vmem>>, vector<1x16xf32>,
          %get3A_989 = vector.shape_cast %get3A_988 : vector<1x16xf32> to vector<16xf32>
          %mul3A_990 = arith.mulf %get3A_319, %get3A_989 : vector<16xf32>
          %gt3A_991 = arith.cmpf ogt, %mul3A_990, %max3A_984 : vector<16xf32>
          %broadcast_in_dim3A_992 = arith.constant 61 : i32
          %broadcast_in_dim3A_993 = vector.broadcast %broadcast_in_dim3A_992 : i32 to vector<16xi32>
          %select_n3A_994 = arith.select %gt3A_991, %broadcast_in_dim3A_993, %select_n3A_983 : vector<16xi1>, vector<16xi32>
          %max3A_995 = arith.maximumf %mul3A_990, %max3A_984 : vector<16xf32>
          %get3A_996 = arith.constant 62 : i32
          %get3A_997 = arith.index_cast %get3A_996 : i32 to index
          %get3A_998 = arith.index_cast %mul3A_317 : i32 to index
          %get3A_999 = tpu.vector_load %arg7[%get3A_997, %get3A_998] {strides = array<i32>} : memref<64x384xf32, #tpu.memory_space<vmem>>, vector<1x16xf32>,
          %get3A_1000 = vector.shape_cast %get3A_999 : vector<1x16xf32> to vector<16xf32>
          %mul3A_1001 = arith.mulf %get3A_319, %get3A_1000 : vector<16xf32>
          %gt3A_1002 = arith.cmpf ogt, %mul3A_1001, %max3A_995 : vector<16xf32>
          %broadcast_in_dim3A_1003 = arith.constant 62 : i32
          %broadcast_in_dim3A_1004 = vector.broadcast %broadcast_in_dim3A_1003 : i32 to vector<16xi32>
          %select_n3A_1005 = arith.select %gt3A_1002, %broadcast_in_dim3A_1004, %select_n3A_994 : vector<16xi1>, vector<16xi32>
          %max3A_1006 = arith.maximumf %mul3A_1001, %max3A_995 : vector<16xf32>
          %get3A_1007 = arith.constant 63 : i32
          %get3A_1008 = arith.index_cast %get3A_1007 : i32 to index
          %get3A_1009 = arith.index_cast %mul3A_317 : i32 to index
          %get3A_1010 = tpu.vector_load %arg7[%get3A_1008, %get3A_1009] {strides = array<i32>} : memref<64x384xf32, #tpu.memory_space<vmem>>, vector<1x16xf32>,
          %get3A_1011 = vector.shape_cast %get3A_1010 : vector<1x16xf32> to vector<16xf32>
          %mul3A_1012 = arith.mulf %get3A_319, %get3A_1011 : vector<16xf32>
          %gt3A_1013 = arith.cmpf ogt, %mul3A_1012, %max3A_1006 : vector<16xf32>
          %broadcast_in_dim3A_1014 = arith.constant 63 : i32
          %broadcast_in_dim3A_1015 = vector.broadcast %broadcast_in_dim3A_1014 : i32 to vector<16xi32>
          %select_n3A_1016 = arith.select %gt3A_1013, %broadcast_in_dim3A_1015, %select_n3A_1005 : vector<16xi1>, vector<16xi32>
          %max3A_1017 = arith.maximumf %mul3A_1012, %max3A_1006 : vector<16xf32>
          %swap3A = arith.index_cast %mul3A_317 : i32 to index
          %swap3A_1018 = tpu.vector_load %arg11[%swap3A] {strides = array<i32>} : memref<384xf32, #tpu.memory_space<vmem>>, vector<16xf32>,
          %swap3A_1019 = vector.shape_cast %swap3A_1018 : vector<16xf32> to vector<16xf32>
          %swap3A_1020 = vector.shape_cast %max3A_1017 : vector<16xf32> to vector<16xf32>
          tpu.vector_store %arg11[%swap3A], %swap3A_1020 {strides = array<i32>} : memref<384xf32, #tpu.memory_space<vmem>>, vector<16xf32>,
          %swap3A_1021 = arith.index_cast %mul3A_317 : i32 to index
          %swap3A_1022 = tpu.vector_load %arg13[%swap3A_1021] {strides = array<i32>} : memref<384xi32, #tpu.memory_space<vmem>>, vector<16xi32>,
          %swap3A_1023 = vector.shape_cast %swap3A_1022 : vector<16xi32> to vector<16xi32>
          %swap3A_1024 = vector.shape_cast %select_n3A_1016 : vector<16xi32> to vector<16xi32>
          tpu.vector_store %arg13[%swap3A_1021], %swap3A_1024 {strides = array<i32>} : memref<384xi32, #tpu.memory_space<vmem>>, vector<16xi32>,
          %mul3A_1025 = arith.constant 2 : i32
          %mul3A_1026 = arith.muli %mul3A_1025, %scan3A_311 : i32
          %add3A_1027 = arith.constant 1 : i32
          %add3A_1028 = arith.addi %mul3A_1026, %add3A_1027 : i32
          %mul3A_1029 = arith.constant 16 : i32
          %mul3A_1030 = arith.muli %add3A_1028, %mul3A_1029 : i32
          %get3A_1031 = arith.index_cast %mul3A_1030 : i32 to index
          %get3A_1032 = tpu.vector_load %arg9[%get3A_1031] {strides = array<i32>} : memref<384xf32, #tpu.memory_space<vmem>>, vector<16xf32>,
          %get3A_1033 = vector.shape_cast %get3A_1032 : vector<16xf32> to vector<16xf32>
          %get3A_1034 = arith.constant 0 : i32
          %get3A_1035 = arith.index_cast %get3A_1034 : i32 to index
          %get3A_1036 = arith.index_cast %mul3A_1030 : i32 to index
          %get3A_1037 = tpu.vector_load %arg7[%get3A_1035, %get3A_1036] {strides = array<i32>} : memref<64x384xf32, #tpu.memory_space<vmem>>, vector<1x16xf32>,
          %get3A_1038 = vector.shape_cast %get3A_1037 : vector<1x16xf32> to vector<16xf32>
          %mul3A_1039 = arith.mulf %get3A_1033, %get3A_1038 : vector<16xf32>
          %broadcast_in_dim3A_1040 = arith.constant 0 : i32
          %broadcast_in_dim3A_1041 = vector.broadcast %broadcast_in_dim3A_1040 : i32 to vector<16xi32>
          %get3A_1042 = arith.constant 1 : i32
          %get3A_1043 = arith.index_cast %get3A_1042 : i32 to index
          %get3A_1044 = arith.index_cast %mul3A_1030 : i32 to index
          %get3A_1045 = tpu.vector_load %arg7[%get3A_1043, %get3A_1044] {strides = array<i32>} : memref<64x384xf32, #tpu.memory_space<vmem>>, vector<1x16xf32>,
          %get3A_1046 = vector.shape_cast %get3A_1045 : vector<1x16xf32> to vector<16xf32>
          %mul3A_1047 = arith.mulf %get3A_1033, %get3A_1046 : vector<16xf32>
          %gt3A_1048 = arith.cmpf ogt, %mul3A_1047, %mul3A_1039 : vector<16xf32>
          %broadcast_in_dim3A_1049 = arith.constant 1 : i32
          %broadcast_in_dim3A_1050 = vector.broadcast %broadcast_in_dim3A_1049 : i32 to vector<16xi32>
          %select_n3A_1051 = arith.select %gt3A_1048, %broadcast_in_dim3A_1050, %broadcast_in_dim3A_1041 : vector<16xi1>, vector<16xi32>
          %max3A_1052 = arith.maximumf %mul3A_1047, %mul3A_1039 : vector<16xf32>
          %get3A_1053 = arith.constant 2 : i32
          %get3A_1054 = arith.index_cast %get3A_1053 : i32 to index
          %get3A_1055 = arith.index_cast %mul3A_1030 : i32 to index
          %get3A_1056 = tpu.vector_load %arg7[%get3A_1054, %get3A_1055] {strides = array<i32>} : memref<64x384xf32, #tpu.memory_space<vmem>>, vector<1x16xf32>,
          %get3A_1057 = vector.shape_cast %get3A_1056 : vector<1x16xf32> to vector<16xf32>
          %mul3A_1058 = arith.mulf %get3A_1033, %get3A_1057 : vector<16xf32>
          %gt3A_1059 = arith.cmpf ogt, %mul3A_1058, %max3A_1052 : vector<16xf32>
          %broadcast_in_dim3A_1060 = arith.constant 2 : i32
          %broadcast_in_dim3A_1061 = vector.broadcast %broadcast_in_dim3A_1060 : i32 to vector<16xi32>
          %select_n3A_1062 = arith.select %gt3A_1059, %broadcast_in_dim3A_1061, %select_n3A_1051 : vector<16xi1>, vector<16xi32>
          %max3A_1063 = arith.maximumf %mul3A_1058, %max3A_1052 : vector<16xf32>
          %get3A_1064 = arith.constant 3 : i32
          %get3A_1065 = arith.index_cast %get3A_1064 : i32 to index
          %get3A_1066 = arith.index_cast %mul3A_1030 : i32 to index
          %get3A_1067 = tpu.vector_load %arg7[%get3A_1065, %get3A_1066] {strides = array<i32>} : memref<64x384xf32, #tpu.memory_space<vmem>>, vector<1x16xf32>,
          %get3A_1068 = vector.shape_cast %get3A_1067 : vector<1x16xf32> to vector<16xf32>
          %mul3A_1069 = arith.mulf %get3A_1033, %get3A_1068 : vector<16xf32>
          %gt3A_1070 = arith.cmpf ogt, %mul3A_1069, %max3A_1063 : vector<16xf32>
          %broadcast_in_dim3A_1071 = arith.constant 3 : i32
          %broadcast_in_dim3A_1072 = vector.broadcast %broadcast_in_dim3A_1071 : i32 to vector<16xi32>
          %select_n3A_1073 = arith.select %gt3A_1070, %broadcast_in_dim3A_1072, %select_n3A_1062 : vector<16xi1>, vector<16xi32>
          %max3A_1074 = arith.maximumf %mul3A_1069, %max3A_1063 : vector<16xf32>
          %get3A_1075 = arith.constant 4 : i32
          %get3A_1076 = arith.index_cast %get3A_1075 : i32 to index
          %get3A_1077 = arith.index_cast %mul3A_1030 : i32 to index
          %get3A_1078 = tpu.vector_load %arg7[%get3A_1076, %get3A_1077] {strides = array<i32>} : memref<64x384xf32, #tpu.memory_space<vmem>>, vector<1x16xf32>,
          %get3A_1079 = vector.shape_cast %get3A_1078 : vector<1x16xf32> to vector<16xf32>
          %mul3A_1080 = arith.mulf %get3A_1033, %get3A_1079 : vector<16xf32>
          %gt3A_1081 = arith.cmpf ogt, %mul3A_1080, %max3A_1074 : vector<16xf32>
          %broadcast_in_dim3A_1082 = arith.constant 4 : i32
          %broadcast_in_dim3A_1083 = vector.broadcast %broadcast_in_dim3A_1082 : i32 to vector<16xi32>
          %select_n3A_1084 = arith.select %gt3A_1081, %broadcast_in_dim3A_1083, %select_n3A_1073 : vector<16xi1>, vector<16xi32>
          %max3A_1085 = arith.maximumf %mul3A_1080, %max3A_1074 : vector<16xf32>
          %get3A_1086 = arith.constant 5 : i32
          %get3A_1087 = arith.index_cast %get3A_1086 : i32 to index
          %get3A_1088 = arith.index_cast %mul3A_1030 : i32 to index
          %get3A_1089 = tpu.vector_load %arg7[%get3A_1087, %get3A_1088] {strides = array<i32>} : memref<64x384xf32, #tpu.memory_space<vmem>>, vector<1x16xf32>,
          %get3A_1090 = vector.shape_cast %get3A_1089 : vector<1x16xf32> to vector<16xf32>
          %mul3A_1091 = arith.mulf %get3A_1033, %get3A_1090 : vector<16xf32>
          %gt3A_1092 = arith.cmpf ogt, %mul3A_1091, %max3A_1085 : vector<16xf32>
          %broadcast_in_dim3A_1093 = arith.constant 5 : i32
          %broadcast_in_dim3A_1094 = vector.broadcast %broadcast_in_dim3A_1093 : i32 to vector<16xi32>
          %select_n3A_1095 = arith.select %gt3A_1092, %broadcast_in_dim3A_1094, %select_n3A_1084 : vector<16xi1>, vector<16xi32>
          %max3A_1096 = arith.maximumf %mul3A_1091, %max3A_1085 : vector<16xf32>
          %get3A_1097 = arith.constant 6 : i32
          %get3A_1098 = arith.index_cast %get3A_1097 : i32 to index
          %get3A_1099 = arith.index_cast %mul3A_1030 : i32 to index
          %get3A_1100 = tpu.vector_load %arg7[%get3A_1098, %get3A_1099] {strides = array<i32>} : memref<64x384xf32, #tpu.memory_space<vmem>>, vector<1x16xf32>,
          %get3A_1101 = vector.shape_cast %get3A_1100 : vector<1x16xf32> to vector<16xf32>
          %mul3A_1102 = arith.mulf %get3A_1033, %get3A_1101 : vector<16xf32>
          %gt3A_1103 = arith.cmpf ogt, %mul3A_1102, %max3A_1096 : vector<16xf32>
          %broadcast_in_dim3A_1104 = arith.constant 6 : i32
          %broadcast_in_dim3A_1105 = vector.broadcast %broadcast_in_dim3A_1104 : i32 to vector<16xi32>
          %select_n3A_1106 = arith.select %gt3A_1103, %broadcast_in_dim3A_1105, %select_n3A_1095 : vector<16xi1>, vector<16xi32>
          %max3A_1107 = arith.maximumf %mul3A_1102, %max3A_1096 : vector<16xf32>
          %get3A_1108 = arith.constant 7 : i32
          %get3A_1109 = arith.index_cast %get3A_1108 : i32 to index
          %get3A_1110 = arith.index_cast %mul3A_1030 : i32 to index
          %get3A_1111 = tpu.vector_load %arg7[%get3A_1109, %get3A_1110] {strides = array<i32>} : memref<64x384xf32, #tpu.memory_space<vmem>>, vector<1x16xf32>,
          %get3A_1112 = vector.shape_cast %get3A_1111 : vector<1x16xf32> to vector<16xf32>
          %mul3A_1113 = arith.mulf %get3A_1033, %get3A_1112 : vector<16xf32>
          %gt3A_1114 = arith.cmpf ogt, %mul3A_1113, %max3A_1107 : vector<16xf32>
          %broadcast_in_dim3A_1115 = arith.constant 7 : i32
          %broadcast_in_dim3A_1116 = vector.broadcast %broadcast_in_dim3A_1115 : i32 to vector<16xi32>
          %select_n3A_1117 = arith.select %gt3A_1114, %broadcast_in_dim3A_1116, %select_n3A_1106 : vector<16xi1>, vector<16xi32>
          %max3A_1118 = arith.maximumf %mul3A_1113, %max3A_1107 : vector<16xf32>
          %get3A_1119 = arith.constant 8 : i32
          %get3A_1120 = arith.index_cast %get3A_1119 : i32 to index
          %get3A_1121 = arith.index_cast %mul3A_1030 : i32 to index
          %get3A_1122 = tpu.vector_load %arg7[%get3A_1120, %get3A_1121] {strides = array<i32>} : memref<64x384xf32, #tpu.memory_space<vmem>>, vector<1x16xf32>,
          %get3A_1123 = vector.shape_cast %get3A_1122 : vector<1x16xf32> to vector<16xf32>
          %mul3A_1124 = arith.mulf %get3A_1033, %get3A_1123 : vector<16xf32>
          %gt3A_1125 = arith.cmpf ogt, %mul3A_1124, %max3A_1118 : vector<16xf32>
          %broadcast_in_dim3A_1126 = arith.constant 8 : i32
          %broadcast_in_dim3A_1127 = vector.broadcast %broadcast_in_dim3A_1126 : i32 to vector<16xi32>
          %select_n3A_1128 = arith.select %gt3A_1125, %broadcast_in_dim3A_1127, %select_n3A_1117 : vector<16xi1>, vector<16xi32>
          %max3A_1129 = arith.maximumf %mul3A_1124, %max3A_1118 : vector<16xf32>
          %get3A_1130 = arith.constant 9 : i32
          %get3A_1131 = arith.index_cast %get3A_1130 : i32 to index
          %get3A_1132 = arith.index_cast %mul3A_1030 : i32 to index
          %get3A_1133 = tpu.vector_load %arg7[%get3A_1131, %get3A_1132] {strides = array<i32>} : memref<64x384xf32, #tpu.memory_space<vmem>>, vector<1x16xf32>,
          %get3A_1134 = vector.shape_cast %get3A_1133 : vector<1x16xf32> to vector<16xf32>
          %mul3A_1135 = arith.mulf %get3A_1033, %get3A_1134 : vector<16xf32>
          %gt3A_1136 = arith.cmpf ogt, %mul3A_1135, %max3A_1129 : vector<16xf32>
          %broadcast_in_dim3A_1137 = arith.constant 9 : i32
          %broadcast_in_dim3A_1138 = vector.broadcast %broadcast_in_dim3A_1137 : i32 to vector<16xi32>
          %select_n3A_1139 = arith.select %gt3A_1136, %broadcast_in_dim3A_1138, %select_n3A_1128 : vector<16xi1>, vector<16xi32>
          %max3A_1140 = arith.maximumf %mul3A_1135, %max3A_1129 : vector<16xf32>
          %get3A_1141 = arith.constant 10 : i32
          %get3A_1142 = arith.index_cast %get3A_1141 : i32 to index
          %get3A_1143 = arith.index_cast %mul3A_1030 : i32 to index
          %get3A_1144 = tpu.vector_load %arg7[%get3A_1142, %get3A_1143] {strides = array<i32>} : memref<64x384xf32, #tpu.memory_space<vmem>>, vector<1x16xf32>,
          %get3A_1145 = vector.shape_cast %get3A_1144 : vector<1x16xf32> to vector<16xf32>
          %mul3A_1146 = arith.mulf %get3A_1033, %get3A_1145 : vector<16xf32>
          %gt3A_1147 = arith.cmpf ogt, %mul3A_1146, %max3A_1140 : vector<16xf32>
          %broadcast_in_dim3A_1148 = arith.constant 10 : i32
          %broadcast_in_dim3A_1149 = vector.broadcast %broadcast_in_dim3A_1148 : i32 to vector<16xi32>
          %select_n3A_1150 = arith.select %gt3A_1147, %broadcast_in_dim3A_1149, %select_n3A_1139 : vector<16xi1>, vector<16xi32>
          %max3A_1151 = arith.maximumf %mul3A_1146, %max3A_1140 : vector<16xf32>
          %get3A_1152 = arith.constant 11 : i32
          %get3A_1153 = arith.index_cast %get3A_1152 : i32 to index
          %get3A_1154 = arith.index_cast %mul3A_1030 : i32 to index
          %get3A_1155 = tpu.vector_load %arg7[%get3A_1153, %get3A_1154] {strides = array<i32>} : memref<64x384xf32, #tpu.memory_space<vmem>>, vector<1x16xf32>,
          %get3A_1156 = vector.shape_cast %get3A_1155 : vector<1x16xf32> to vector<16xf32>
          %mul3A_1157 = arith.mulf %get3A_1033, %get3A_1156 : vector<16xf32>
          %gt3A_1158 = arith.cmpf ogt, %mul3A_1157, %max3A_1151 : vector<16xf32>
          %broadcast_in_dim3A_1159 = arith.constant 11 : i32
          %broadcast_in_dim3A_1160 = vector.broadcast %broadcast_in_dim3A_1159 : i32 to vector<16xi32>
          %select_n3A_1161 = arith.select %gt3A_1158, %broadcast_in_dim3A_1160, %select_n3A_1150 : vector<16xi1>, vector<16xi32>
          %max3A_1162 = arith.maximumf %mul3A_1157, %max3A_1151 : vector<16xf32>
          %get3A_1163 = arith.constant 12 : i32
          %get3A_1164 = arith.index_cast %get3A_1163 : i32 to index
          %get3A_1165 = arith.index_cast %mul3A_1030 : i32 to index
          %get3A_1166 = tpu.vector_load %arg7[%get3A_1164, %get3A_1165] {strides = array<i32>} : memref<64x384xf32, #tpu.memory_space<vmem>>, vector<1x16xf32>,
          %get3A_1167 = vector.shape_cast %get3A_1166 : vector<1x16xf32> to vector<16xf32>
          %mul3A_1168 = arith.mulf %get3A_1033, %get3A_1167 : vector<16xf32>
          %gt3A_1169 = arith.cmpf ogt, %mul3A_1168, %max3A_1162 : vector<16xf32>
          %broadcast_in_dim3A_1170 = arith.constant 12 : i32
          %broadcast_in_dim3A_1171 = vector.broadcast %broadcast_in_dim3A_1170 : i32 to vector<16xi32>
          %select_n3A_1172 = arith.select %gt3A_1169, %broadcast_in_dim3A_1171, %select_n3A_1161 : vector<16xi1>, vector<16xi32>
          %max3A_1173 = arith.maximumf %mul3A_1168, %max3A_1162 : vector<16xf32>
          %get3A_1174 = arith.constant 13 : i32
          %get3A_1175 = arith.index_cast %get3A_1174 : i32 to index
          %get3A_1176 = arith.index_cast %mul3A_1030 : i32 to index
          %get3A_1177 = tpu.vector_load %arg7[%get3A_1175, %get3A_1176] {strides = array<i32>} : memref<64x384xf32, #tpu.memory_space<vmem>>, vector<1x16xf32>,
          %get3A_1178 = vector.shape_cast %get3A_1177 : vector<1x16xf32> to vector<16xf32>
          %mul3A_1179 = arith.mulf %get3A_1033, %get3A_1178 : vector<16xf32>
          %gt3A_1180 = arith.cmpf ogt, %mul3A_1179, %max3A_1173 : vector<16xf32>
          %broadcast_in_dim3A_1181 = arith.constant 13 : i32
          %broadcast_in_dim3A_1182 = vector.broadcast %broadcast_in_dim3A_1181 : i32 to vector<16xi32>
          %select_n3A_1183 = arith.select %gt3A_1180, %broadcast_in_dim3A_1182, %select_n3A_1172 : vector<16xi1>, vector<16xi32>
          %max3A_1184 = arith.maximumf %mul3A_1179, %max3A_1173 : vector<16xf32>
          %get3A_1185 = arith.constant 14 : i32
          %get3A_1186 = arith.index_cast %get3A_1185 : i32 to index
          %get3A_1187 = arith.index_cast %mul3A_1030 : i32 to index
          %get3A_1188 = tpu.vector_load %arg7[%get3A_1186, %get3A_1187] {strides = array<i32>} : memref<64x384xf32, #tpu.memory_space<vmem>>, vector<1x16xf32>,
          %get3A_1189 = vector.shape_cast %get3A_1188 : vector<1x16xf32> to vector<16xf32>
          %mul3A_1190 = arith.mulf %get3A_1033, %get3A_1189 : vector<16xf32>
          %gt3A_1191 = arith.cmpf ogt, %mul3A_1190, %max3A_1184 : vector<16xf32>
          %broadcast_in_dim3A_1192 = arith.constant 14 : i32
          %broadcast_in_dim3A_1193 = vector.broadcast %broadcast_in_dim3A_1192 : i32 to vector<16xi32>
          %select_n3A_1194 = arith.select %gt3A_1191, %broadcast_in_dim3A_1193, %select_n3A_1183 : vector<16xi1>, vector<16xi32>
          %max3A_1195 = arith.maximumf %mul3A_1190, %max3A_1184 : vector<16xf32>
          %get3A_1196 = arith.constant 15 : i32
          %get3A_1197 = arith.index_cast %get3A_1196 : i32 to index
          %get3A_1198 = arith.index_cast %mul3A_1030 : i32 to index
          %get3A_1199 = tpu.vector_load %arg7[%get3A_1197, %get3A_1198] {strides = array<i32>} : memref<64x384xf32, #tpu.memory_space<vmem>>, vector<1x16xf32>,
          %get3A_1200 = vector.shape_cast %get3A_1199 : vector<1x16xf32> to vector<16xf32>
          %mul3A_1201 = arith.mulf %get3A_1033, %get3A_1200 : vector<16xf32>
          %gt3A_1202 = arith.cmpf ogt, %mul3A_1201, %max3A_1195 : vector<16xf32>
          %broadcast_in_dim3A_1203 = arith.constant 15 : i32
          %broadcast_in_dim3A_1204 = vector.broadcast %broadcast_in_dim3A_1203 : i32 to vector<16xi32>
          %select_n3A_1205 = arith.select %gt3A_1202, %broadcast_in_dim3A_1204, %select_n3A_1194 : vector<16xi1>, vector<16xi32>
          %max3A_1206 = arith.maximumf %mul3A_1201, %max3A_1195 : vector<16xf32>
          %get3A_1207 = arith.constant 16 : i32
          %get3A_1208 = arith.index_cast %get3A_1207 : i32 to index
          %get3A_1209 = arith.index_cast %mul3A_1030 : i32 to index
          %get3A_1210 = tpu.vector_load %arg7[%get3A_1208, %get3A_1209] {strides = array<i32>} : memref<64x384xf32, #tpu.memory_space<vmem>>, vector<1x16xf32>,
          %get3A_1211 = vector.shape_cast %get3A_1210 : vector<1x16xf32> to vector<16xf32>
          %mul3A_1212 = arith.mulf %get3A_1033, %get3A_1211 : vector<16xf32>
          %gt3A_1213 = arith.cmpf ogt, %mul3A_1212, %max3A_1206 : vector<16xf32>
          %broadcast_in_dim3A_1214 = arith.constant 16 : i32
          %broadcast_in_dim3A_1215 = vector.broadcast %broadcast_in_dim3A_1214 : i32 to vector<16xi32>
          %select_n3A_1216 = arith.select %gt3A_1213, %broadcast_in_dim3A_1215, %select_n3A_1205 : vector<16xi1>, vector<16xi32>
          %max3A_1217 = arith.maximumf %mul3A_1212, %max3A_1206 : vector<16xf32>
          %get3A_1218 = arith.constant 17 : i32
          %get3A_1219 = arith.index_cast %get3A_1218 : i32 to index
          %get3A_1220 = arith.index_cast %mul3A_1030 : i32 to index
          %get3A_1221 = tpu.vector_load %arg7[%get3A_1219, %get3A_1220] {strides = array<i32>} : memref<64x384xf32, #tpu.memory_space<vmem>>, vector<1x16xf32>,
          %get3A_1222 = vector.shape_cast %get3A_1221 : vector<1x16xf32> to vector<16xf32>
          %mul3A_1223 = arith.mulf %get3A_1033, %get3A_1222 : vector<16xf32>
          %gt3A_1224 = arith.cmpf ogt, %mul3A_1223, %max3A_1217 : vector<16xf32>
          %broadcast_in_dim3A_1225 = arith.constant 17 : i32
          %broadcast_in_dim3A_1226 = vector.broadcast %broadcast_in_dim3A_1225 : i32 to vector<16xi32>
          %select_n3A_1227 = arith.select %gt3A_1224, %broadcast_in_dim3A_1226, %select_n3A_1216 : vector<16xi1>, vector<16xi32>
          %max3A_1228 = arith.maximumf %mul3A_1223, %max3A_1217 : vector<16xf32>
          %get3A_1229 = arith.constant 18 : i32
          %get3A_1230 = arith.index_cast %get3A_1229 : i32 to index
          %get3A_1231 = arith.index_cast %mul3A_1030 : i32 to index
          %get3A_1232 = tpu.vector_load %arg7[%get3A_1230, %get3A_1231] {strides = array<i32>} : memref<64x384xf32, #tpu.memory_space<vmem>>, vector<1x16xf32>,
          %get3A_1233 = vector.shape_cast %get3A_1232 : vector<1x16xf32> to vector<16xf32>
          %mul3A_1234 = arith.mulf %get3A_1033, %get3A_1233 : vector<16xf32>
          %gt3A_1235 = arith.cmpf ogt, %mul3A_1234, %max3A_1228 : vector<16xf32>
          %broadcast_in_dim3A_1236 = arith.constant 18 : i32
          %broadcast_in_dim3A_1237 = vector.broadcast %broadcast_in_dim3A_1236 : i32 to vector<16xi32>
          %select_n3A_1238 = arith.select %gt3A_1235, %broadcast_in_dim3A_1237, %select_n3A_1227 : vector<16xi1>, vector<16xi32>
          %max3A_1239 = arith.maximumf %mul3A_1234, %max3A_1228 : vector<16xf32>
          %get3A_1240 = arith.constant 19 : i32
          %get3A_1241 = arith.index_cast %get3A_1240 : i32 to index
          %get3A_1242 = arith.index_cast %mul3A_1030 : i32 to index
          %get3A_1243 = tpu.vector_load %arg7[%get3A_1241, %get3A_1242] {strides = array<i32>} : memref<64x384xf32, #tpu.memory_space<vmem>>, vector<1x16xf32>,
          %get3A_1244 = vector.shape_cast %get3A_1243 : vector<1x16xf32> to vector<16xf32>
          %mul3A_1245 = arith.mulf %get3A_1033, %get3A_1244 : vector<16xf32>
          %gt3A_1246 = arith.cmpf ogt, %mul3A_1245, %max3A_1239 : vector<16xf32>
          %broadcast_in_dim3A_1247 = arith.constant 19 : i32
          %broadcast_in_dim3A_1248 = vector.broadcast %broadcast_in_dim3A_1247 : i32 to vector<16xi32>
          %select_n3A_1249 = arith.select %gt3A_1246, %broadcast_in_dim3A_1248, %select_n3A_1238 : vector<16xi1>, vector<16xi32>
          %max3A_1250 = arith.maximumf %mul3A_1245, %max3A_1239 : vector<16xf32>
          %get3A_1251 = arith.constant 20 : i32
          %get3A_1252 = arith.index_cast %get3A_1251 : i32 to index
          %get3A_1253 = arith.index_cast %mul3A_1030 : i32 to index
          %get3A_1254 = tpu.vector_load %arg7[%get3A_1252, %get3A_1253] {strides = array<i32>} : memref<64x384xf32, #tpu.memory_space<vmem>>, vector<1x16xf32>,
          %get3A_1255 = vector.shape_cast %get3A_1254 : vector<1x16xf32> to vector<16xf32>
          %mul3A_1256 = arith.mulf %get3A_1033, %get3A_1255 : vector<16xf32>
          %gt3A_1257 = arith.cmpf ogt, %mul3A_1256, %max3A_1250 : vector<16xf32>
          %broadcast_in_dim3A_1258 = arith.constant 20 : i32
          %broadcast_in_dim3A_1259 = vector.broadcast %broadcast_in_dim3A_1258 : i32 to vector<16xi32>
          %select_n3A_1260 = arith.select %gt3A_1257, %broadcast_in_dim3A_1259, %select_n3A_1249 : vector<16xi1>, vector<16xi32>
          %max3A_1261 = arith.maximumf %mul3A_1256, %max3A_1250 : vector<16xf32>
          %get3A_1262 = arith.constant 21 : i32
          %get3A_1263 = arith.index_cast %get3A_1262 : i32 to index
          %get3A_1264 = arith.index_cast %mul3A_1030 : i32 to index
          %get3A_1265 = tpu.vector_load %arg7[%get3A_1263, %get3A_1264] {strides = array<i32>} : memref<64x384xf32, #tpu.memory_space<vmem>>, vector<1x16xf32>,
          %get3A_1266 = vector.shape_cast %get3A_1265 : vector<1x16xf32> to vector<16xf32>
          %mul3A_1267 = arith.mulf %get3A_1033, %get3A_1266 : vector<16xf32>
          %gt3A_1268 = arith.cmpf ogt, %mul3A_1267, %max3A_1261 : vector<16xf32>
          %broadcast_in_dim3A_1269 = arith.constant 21 : i32
          %broadcast_in_dim3A_1270 = vector.broadcast %broadcast_in_dim3A_1269 : i32 to vector<16xi32>
          %select_n3A_1271 = arith.select %gt3A_1268, %broadcast_in_dim3A_1270, %select_n3A_1260 : vector<16xi1>, vector<16xi32>
          %max3A_1272 = arith.maximumf %mul3A_1267, %max3A_1261 : vector<16xf32>
          %get3A_1273 = arith.constant 22 : i32
          %get3A_1274 = arith.index_cast %get3A_1273 : i32 to index
          %get3A_1275 = arith.index_cast %mul3A_1030 : i32 to index
          %get3A_1276 = tpu.vector_load %arg7[%get3A_1274, %get3A_1275] {strides = array<i32>} : memref<64x384xf32, #tpu.memory_space<vmem>>, vector<1x16xf32>,
          %get3A_1277 = vector.shape_cast %get3A_1276 : vector<1x16xf32> to vector<16xf32>
          %mul3A_1278 = arith.mulf %get3A_1033, %get3A_1277 : vector<16xf32>
          %gt3A_1279 = arith.cmpf ogt, %mul3A_1278, %max3A_1272 : vector<16xf32>
          %broadcast_in_dim3A_1280 = arith.constant 22 : i32
          %broadcast_in_dim3A_1281 = vector.broadcast %broadcast_in_dim3A_1280 : i32 to vector<16xi32>
          %select_n3A_1282 = arith.select %gt3A_1279, %broadcast_in_dim3A_1281, %select_n3A_1271 : vector<16xi1>, vector<16xi32>
          %max3A_1283 = arith.maximumf %mul3A_1278, %max3A_1272 : vector<16xf32>
          %get3A_1284 = arith.constant 23 : i32
          %get3A_1285 = arith.index_cast %get3A_1284 : i32 to index
          %get3A_1286 = arith.index_cast %mul3A_1030 : i32 to index
          %get3A_1287 = tpu.vector_load %arg7[%get3A_1285, %get3A_1286] {strides = array<i32>} : memref<64x384xf32, #tpu.memory_space<vmem>>, vector<1x16xf32>,
          %get3A_1288 = vector.shape_cast %get3A_1287 : vector<1x16xf32> to vector<16xf32>
          %mul3A_1289 = arith.mulf %get3A_1033, %get3A_1288 : vector<16xf32>
          %gt3A_1290 = arith.cmpf ogt, %mul3A_1289, %max3A_1283 : vector<16xf32>
          %broadcast_in_dim3A_1291 = arith.constant 23 : i32
          %broadcast_in_dim3A_1292 = vector.broadcast %broadcast_in_dim3A_1291 : i32 to vector<16xi32>
          %select_n3A_1293 = arith.select %gt3A_1290, %broadcast_in_dim3A_1292, %select_n3A_1282 : vector<16xi1>, vector<16xi32>
          %max3A_1294 = arith.maximumf %mul3A_1289, %max3A_1283 : vector<16xf32>
          %get3A_1295 = arith.constant 24 : i32
          %get3A_1296 = arith.index_cast %get3A_1295 : i32 to index
          %get3A_1297 = arith.index_cast %mul3A_1030 : i32 to index
          %get3A_1298 = tpu.vector_load %arg7[%get3A_1296, %get3A_1297] {strides = array<i32>} : memref<64x384xf32, #tpu.memory_space<vmem>>, vector<1x16xf32>,
          %get3A_1299 = vector.shape_cast %get3A_1298 : vector<1x16xf32> to vector<16xf32>
          %mul3A_1300 = arith.mulf %get3A_1033, %get3A_1299 : vector<16xf32>
          %gt3A_1301 = arith.cmpf ogt, %mul3A_1300, %max3A_1294 : vector<16xf32>
          %broadcast_in_dim3A_1302 = arith.constant 24 : i32
          %broadcast_in_dim3A_1303 = vector.broadcast %broadcast_in_dim3A_1302 : i32 to vector<16xi32>
          %select_n3A_1304 = arith.select %gt3A_1301, %broadcast_in_dim3A_1303, %select_n3A_1293 : vector<16xi1>, vector<16xi32>
          %max3A_1305 = arith.maximumf %mul3A_1300, %max3A_1294 : vector<16xf32>
          %get3A_1306 = arith.constant 25 : i32
          %get3A_1307 = arith.index_cast %get3A_1306 : i32 to index
          %get3A_1308 = arith.index_cast %mul3A_1030 : i32 to index
          %get3A_1309 = tpu.vector_load %arg7[%get3A_1307, %get3A_1308] {strides = array<i32>} : memref<64x384xf32, #tpu.memory_space<vmem>>, vector<1x16xf32>,
          %get3A_1310 = vector.shape_cast %get3A_1309 : vector<1x16xf32> to vector<16xf32>
          %mul3A_1311 = arith.mulf %get3A_1033, %get3A_1310 : vector<16xf32>
          %gt3A_1312 = arith.cmpf ogt, %mul3A_1311, %max3A_1305 : vector<16xf32>
          %broadcast_in_dim3A_1313 = arith.constant 25 : i32
          %broadcast_in_dim3A_1314 = vector.broadcast %broadcast_in_dim3A_1313 : i32 to vector<16xi32>
          %select_n3A_1315 = arith.select %gt3A_1312, %broadcast_in_dim3A_1314, %select_n3A_1304 : vector<16xi1>, vector<16xi32>
          %max3A_1316 = arith.maximumf %mul3A_1311, %max3A_1305 : vector<16xf32>
          %get3A_1317 = arith.constant 26 : i32
          %get3A_1318 = arith.index_cast %get3A_1317 : i32 to index
          %get3A_1319 = arith.index_cast %mul3A_1030 : i32 to index
          %get3A_1320 = tpu.vector_load %arg7[%get3A_1318, %get3A_1319] {strides = array<i32>} : memref<64x384xf32, #tpu.memory_space<vmem>>, vector<1x16xf32>,
          %get3A_1321 = vector.shape_cast %get3A_1320 : vector<1x16xf32> to vector<16xf32>
          %mul3A_1322 = arith.mulf %get3A_1033, %get3A_1321 : vector<16xf32>
          %gt3A_1323 = arith.cmpf ogt, %mul3A_1322, %max3A_1316 : vector<16xf32>
          %broadcast_in_dim3A_1324 = arith.constant 26 : i32
          %broadcast_in_dim3A_1325 = vector.broadcast %broadcast_in_dim3A_1324 : i32 to vector<16xi32>
          %select_n3A_1326 = arith.select %gt3A_1323, %broadcast_in_dim3A_1325, %select_n3A_1315 : vector<16xi1>, vector<16xi32>
          %max3A_1327 = arith.maximumf %mul3A_1322, %max3A_1316 : vector<16xf32>
          %get3A_1328 = arith.constant 27 : i32
          %get3A_1329 = arith.index_cast %get3A_1328 : i32 to index
          %get3A_1330 = arith.index_cast %mul3A_1030 : i32 to index
          %get3A_1331 = tpu.vector_load %arg7[%get3A_1329, %get3A_1330] {strides = array<i32>} : memref<64x384xf32, #tpu.memory_space<vmem>>, vector<1x16xf32>,
          %get3A_1332 = vector.shape_cast %get3A_1331 : vector<1x16xf32> to vector<16xf32>
          %mul3A_1333 = arith.mulf %get3A_1033, %get3A_1332 : vector<16xf32>
          %gt3A_1334 = arith.cmpf ogt, %mul3A_1333, %max3A_1327 : vector<16xf32>
          %broadcast_in_dim3A_1335 = arith.constant 27 : i32
          %broadcast_in_dim3A_1336 = vector.broadcast %broadcast_in_dim3A_1335 : i32 to vector<16xi32>
          %select_n3A_1337 = arith.select %gt3A_1334, %broadcast_in_dim3A_1336, %select_n3A_1326 : vector<16xi1>, vector<16xi32>
          %max3A_1338 = arith.maximumf %mul3A_1333, %max3A_1327 : vector<16xf32>
          %get3A_1339 = arith.constant 28 : i32
          %get3A_1340 = arith.index_cast %get3A_1339 : i32 to index
          %get3A_1341 = arith.index_cast %mul3A_1030 : i32 to index
          %get3A_1342 = tpu.vector_load %arg7[%get3A_1340, %get3A_1341] {strides = array<i32>} : memref<64x384xf32, #tpu.memory_space<vmem>>, vector<1x16xf32>,
          %get3A_1343 = vector.shape_cast %get3A_1342 : vector<1x16xf32> to vector<16xf32>
          %mul3A_1344 = arith.mulf %get3A_1033, %get3A_1343 : vector<16xf32>
          %gt3A_1345 = arith.cmpf ogt, %mul3A_1344, %max3A_1338 : vector<16xf32>
          %broadcast_in_dim3A_1346 = arith.constant 28 : i32
          %broadcast_in_dim3A_1347 = vector.broadcast %broadcast_in_dim3A_1346 : i32 to vector<16xi32>
          %select_n3A_1348 = arith.select %gt3A_1345, %broadcast_in_dim3A_1347, %select_n3A_1337 : vector<16xi1>, vector<16xi32>
          %max3A_1349 = arith.maximumf %mul3A_1344, %max3A_1338 : vector<16xf32>
          %get3A_1350 = arith.constant 29 : i32
          %get3A_1351 = arith.index_cast %get3A_1350 : i32 to index
          %get3A_1352 = arith.index_cast %mul3A_1030 : i32 to index
          %get3A_1353 = tpu.vector_load %arg7[%get3A_1351, %get3A_1352] {strides = array<i32>} : memref<64x384xf32, #tpu.memory_space<vmem>>, vector<1x16xf32>,
          %get3A_1354 = vector.shape_cast %get3A_1353 : vector<1x16xf32> to vector<16xf32>
          %mul3A_1355 = arith.mulf %get3A_1033, %get3A_1354 : vector<16xf32>
          %gt3A_1356 = arith.cmpf ogt, %mul3A_1355, %max3A_1349 : vector<16xf32>
          %broadcast_in_dim3A_1357 = arith.constant 29 : i32
          %broadcast_in_dim3A_1358 = vector.broadcast %broadcast_in_dim3A_1357 : i32 to vector<16xi32>
          %select_n3A_1359 = arith.select %gt3A_1356, %broadcast_in_dim3A_1358, %select_n3A_1348 : vector<16xi1>, vector<16xi32>
          %max3A_1360 = arith.maximumf %mul3A_1355, %max3A_1349 : vector<16xf32>
          %get3A_1361 = arith.constant 30 : i32
          %get3A_1362 = arith.index_cast %get3A_1361 : i32 to index
          %get3A_1363 = arith.index_cast %mul3A_1030 : i32 to index
          %get3A_1364 = tpu.vector_load %arg7[%get3A_1362, %get3A_1363] {strides = array<i32>} : memref<64x384xf32, #tpu.memory_space<vmem>>, vector<1x16xf32>,
          %get3A_1365 = vector.shape_cast %get3A_1364 : vector<1x16xf32> to vector<16xf32>
          %mul3A_1366 = arith.mulf %get3A_1033, %get3A_1365 : vector<16xf32>
          %gt3A_1367 = arith.cmpf ogt, %mul3A_1366, %max3A_1360 : vector<16xf32>
          %broadcast_in_dim3A_1368 = arith.constant 30 : i32
          %broadcast_in_dim3A_1369 = vector.broadcast %broadcast_in_dim3A_1368 : i32 to vector<16xi32>
          %select_n3A_1370 = arith.select %gt3A_1367, %broadcast_in_dim3A_1369, %select_n3A_1359 : vector<16xi1>, vector<16xi32>
          %max3A_1371 = arith.maximumf %mul3A_1366, %max3A_1360 : vector<16xf32>
          %get3A_1372 = arith.constant 31 : i32
          %get3A_1373 = arith.index_cast %get3A_1372 : i32 to index
          %get3A_1374 = arith.index_cast %mul3A_1030 : i32 to index
          %get3A_1375 = tpu.vector_load %arg7[%get3A_1373, %get3A_1374] {strides = array<i32>} : memref<64x384xf32, #tpu.memory_space<vmem>>, vector<1x16xf32>,
          %get3A_1376 = vector.shape_cast %get3A_1375 : vector<1x16xf32> to vector<16xf32>
          %mul3A_1377 = arith.mulf %get3A_1033, %get3A_1376 : vector<16xf32>
          %gt3A_1378 = arith.cmpf ogt, %mul3A_1377, %max3A_1371 : vector<16xf32>
          %broadcast_in_dim3A_1379 = arith.constant 31 : i32
          %broadcast_in_dim3A_1380 = vector.broadcast %broadcast_in_dim3A_1379 : i32 to vector<16xi32>
          %select_n3A_1381 = arith.select %gt3A_1378, %broadcast_in_dim3A_1380, %select_n3A_1370 : vector<16xi1>, vector<16xi32>
          %max3A_1382 = arith.maximumf %mul3A_1377, %max3A_1371 : vector<16xf32>
          %get3A_1383 = arith.constant 32 : i32
          %get3A_1384 = arith.index_cast %get3A_1383 : i32 to index
          %get3A_1385 = arith.index_cast %mul3A_1030 : i32 to index
          %get3A_1386 = tpu.vector_load %arg7[%get3A_1384, %get3A_1385] {strides = array<i32>} : memref<64x384xf32, #tpu.memory_space<vmem>>, vector<1x16xf32>,
          %get3A_1387 = vector.shape_cast %get3A_1386 : vector<1x16xf32> to vector<16xf32>
          %mul3A_1388 = arith.mulf %get3A_1033, %get3A_1387 : vector<16xf32>
          %gt3A_1389 = arith.cmpf ogt, %mul3A_1388, %max3A_1382 : vector<16xf32>
          %broadcast_in_dim3A_1390 = arith.constant 32 : i32
          %broadcast_in_dim3A_1391 = vector.broadcast %broadcast_in_dim3A_1390 : i32 to vector<16xi32>
          %select_n3A_1392 = arith.select %gt3A_1389, %broadcast_in_dim3A_1391, %select_n3A_1381 : vector<16xi1>, vector<16xi32>
          %max3A_1393 = arith.maximumf %mul3A_1388, %max3A_1382 : vector<16xf32>
          %get3A_1394 = arith.constant 33 : i32
          %get3A_1395 = arith.index_cast %get3A_1394 : i32 to index
          %get3A_1396 = arith.index_cast %mul3A_1030 : i32 to index
          %get3A_1397 = tpu.vector_load %arg7[%get3A_1395, %get3A_1396] {strides = array<i32>} : memref<64x384xf32, #tpu.memory_space<vmem>>, vector<1x16xf32>,
          %get3A_1398 = vector.shape_cast %get3A_1397 : vector<1x16xf32> to vector<16xf32>
          %mul3A_1399 = arith.mulf %get3A_1033, %get3A_1398 : vector<16xf32>
          %gt3A_1400 = arith.cmpf ogt, %mul3A_1399, %max3A_1393 : vector<16xf32>
          %broadcast_in_dim3A_1401 = arith.constant 33 : i32
          %broadcast_in_dim3A_1402 = vector.broadcast %broadcast_in_dim3A_1401 : i32 to vector<16xi32>
          %select_n3A_1403 = arith.select %gt3A_1400, %broadcast_in_dim3A_1402, %select_n3A_1392 : vector<16xi1>, vector<16xi32>
          %max3A_1404 = arith.maximumf %mul3A_1399, %max3A_1393 : vector<16xf32>
          %get3A_1405 = arith.constant 34 : i32
          %get3A_1406 = arith.index_cast %get3A_1405 : i32 to index
          %get3A_1407 = arith.index_cast %mul3A_1030 : i32 to index
          %get3A_1408 = tpu.vector_load %arg7[%get3A_1406, %get3A_1407] {strides = array<i32>} : memref<64x384xf32, #tpu.memory_space<vmem>>, vector<1x16xf32>,
          %get3A_1409 = vector.shape_cast %get3A_1408 : vector<1x16xf32> to vector<16xf32>
          %mul3A_1410 = arith.mulf %get3A_1033, %get3A_1409 : vector<16xf32>
          %gt3A_1411 = arith.cmpf ogt, %mul3A_1410, %max3A_1404 : vector<16xf32>
          %broadcast_in_dim3A_1412 = arith.constant 34 : i32
          %broadcast_in_dim3A_1413 = vector.broadcast %broadcast_in_dim3A_1412 : i32 to vector<16xi32>
          %select_n3A_1414 = arith.select %gt3A_1411, %broadcast_in_dim3A_1413, %select_n3A_1403 : vector<16xi1>, vector<16xi32>
          %max3A_1415 = arith.maximumf %mul3A_1410, %max3A_1404 : vector<16xf32>
          %get3A_1416 = arith.constant 35 : i32
          %get3A_1417 = arith.index_cast %get3A_1416 : i32 to index
          %get3A_1418 = arith.index_cast %mul3A_1030 : i32 to index
          %get3A_1419 = tpu.vector_load %arg7[%get3A_1417, %get3A_1418] {strides = array<i32>} : memref<64x384xf32, #tpu.memory_space<vmem>>, vector<1x16xf32>,
          %get3A_1420 = vector.shape_cast %get3A_1419 : vector<1x16xf32> to vector<16xf32>
          %mul3A_1421 = arith.mulf %get3A_1033, %get3A_1420 : vector<16xf32>
          %gt3A_1422 = arith.cmpf ogt, %mul3A_1421, %max3A_1415 : vector<16xf32>
          %broadcast_in_dim3A_1423 = arith.constant 35 : i32
          %broadcast_in_dim3A_1424 = vector.broadcast %broadcast_in_dim3A_1423 : i32 to vector<16xi32>
          %select_n3A_1425 = arith.select %gt3A_1422, %broadcast_in_dim3A_1424, %select_n3A_1414 : vector<16xi1>, vector<16xi32>
          %max3A_1426 = arith.maximumf %mul3A_1421, %max3A_1415 : vector<16xf32>
          %get3A_1427 = arith.constant 36 : i32
          %get3A_1428 = arith.index_cast %get3A_1427 : i32 to index
          %get3A_1429 = arith.index_cast %mul3A_1030 : i32 to index
          %get3A_1430 = tpu.vector_load %arg7[%get3A_1428, %get3A_1429] {strides = array<i32>} : memref<64x384xf32, #tpu.memory_space<vmem>>, vector<1x16xf32>,
          %get3A_1431 = vector.shape_cast %get3A_1430 : vector<1x16xf32> to vector<16xf32>
          %mul3A_1432 = arith.mulf %get3A_1033, %get3A_1431 : vector<16xf32>
          %gt3A_1433 = arith.cmpf ogt, %mul3A_1432, %max3A_1426 : vector<16xf32>
          %broadcast_in_dim3A_1434 = arith.constant 36 : i32
          %broadcast_in_dim3A_1435 = vector.broadcast %broadcast_in_dim3A_1434 : i32 to vector<16xi32>
          %select_n3A_1436 = arith.select %gt3A_1433, %broadcast_in_dim3A_1435, %select_n3A_1425 : vector<16xi1>, vector<16xi32>
          %max3A_1437 = arith.maximumf %mul3A_1432, %max3A_1426 : vector<16xf32>
          %get3A_1438 = arith.constant 37 : i32
          %get3A_1439 = arith.index_cast %get3A_1438 : i32 to index
          %get3A_1440 = arith.index_cast %mul3A_1030 : i32 to index
          %get3A_1441 = tpu.vector_load %arg7[%get3A_1439, %get3A_1440] {strides = array<i32>} : memref<64x384xf32, #tpu.memory_space<vmem>>, vector<1x16xf32>,
          %get3A_1442 = vector.shape_cast %get3A_1441 : vector<1x16xf32> to vector<16xf32>
          %mul3A_1443 = arith.mulf %get3A_1033, %get3A_1442 : vector<16xf32>
          %gt3A_1444 = arith.cmpf ogt, %mul3A_1443, %max3A_1437 : vector<16xf32>
          %broadcast_in_dim3A_1445 = arith.constant 37 : i32
          %broadcast_in_dim3A_1446 = vector.broadcast %broadcast_in_dim3A_1445 : i32 to vector<16xi32>
          %select_n3A_1447 = arith.select %gt3A_1444, %broadcast_in_dim3A_1446, %select_n3A_1436 : vector<16xi1>, vector<16xi32>
          %max3A_1448 = arith.maximumf %mul3A_1443, %max3A_1437 : vector<16xf32>
          %get3A_1449 = arith.constant 38 : i32
          %get3A_1450 = arith.index_cast %get3A_1449 : i32 to index
          %get3A_1451 = arith.index_cast %mul3A_1030 : i32 to index
          %get3A_1452 = tpu.vector_load %arg7[%get3A_1450, %get3A_1451] {strides = array<i32>} : memref<64x384xf32, #tpu.memory_space<vmem>>, vector<1x16xf32>,
          %get3A_1453 = vector.shape_cast %get3A_1452 : vector<1x16xf32> to vector<16xf32>
          %mul3A_1454 = arith.mulf %get3A_1033, %get3A_1453 : vector<16xf32>
          %gt3A_1455 = arith.cmpf ogt, %mul3A_1454, %max3A_1448 : vector<16xf32>
          %broadcast_in_dim3A_1456 = arith.constant 38 : i32
          %broadcast_in_dim3A_1457 = vector.broadcast %broadcast_in_dim3A_1456 : i32 to vector<16xi32>
          %select_n3A_1458 = arith.select %gt3A_1455, %broadcast_in_dim3A_1457, %select_n3A_1447 : vector<16xi1>, vector<16xi32>
          %max3A_1459 = arith.maximumf %mul3A_1454, %max3A_1448 : vector<16xf32>
          %get3A_1460 = arith.constant 39 : i32
          %get3A_1461 = arith.index_cast %get3A_1460 : i32 to index
          %get3A_1462 = arith.index_cast %mul3A_1030 : i32 to index
          %get3A_1463 = tpu.vector_load %arg7[%get3A_1461, %get3A_1462] {strides = array<i32>} : memref<64x384xf32, #tpu.memory_space<vmem>>, vector<1x16xf32>,
          %get3A_1464 = vector.shape_cast %get3A_1463 : vector<1x16xf32> to vector<16xf32>
          %mul3A_1465 = arith.mulf %get3A_1033, %get3A_1464 : vector<16xf32>
          %gt3A_1466 = arith.cmpf ogt, %mul3A_1465, %max3A_1459 : vector<16xf32>
          %broadcast_in_dim3A_1467 = arith.constant 39 : i32
          %broadcast_in_dim3A_1468 = vector.broadcast %broadcast_in_dim3A_1467 : i32 to vector<16xi32>
          %select_n3A_1469 = arith.select %gt3A_1466, %broadcast_in_dim3A_1468, %select_n3A_1458 : vector<16xi1>, vector<16xi32>
          %max3A_1470 = arith.maximumf %mul3A_1465, %max3A_1459 : vector<16xf32>
          %get3A_1471 = arith.constant 40 : i32
          %get3A_1472 = arith.index_cast %get3A_1471 : i32 to index
          %get3A_1473 = arith.index_cast %mul3A_1030 : i32 to index
          %get3A_1474 = tpu.vector_load %arg7[%get3A_1472, %get3A_1473] {strides = array<i32>} : memref<64x384xf32, #tpu.memory_space<vmem>>, vector<1x16xf32>,
          %get3A_1475 = vector.shape_cast %get3A_1474 : vector<1x16xf32> to vector<16xf32>
          %mul3A_1476 = arith.mulf %get3A_1033, %get3A_1475 : vector<16xf32>
          %gt3A_1477 = arith.cmpf ogt, %mul3A_1476, %max3A_1470 : vector<16xf32>
          %broadcast_in_dim3A_1478 = arith.constant 40 : i32
          %broadcast_in_dim3A_1479 = vector.broadcast %broadcast_in_dim3A_1478 : i32 to vector<16xi32>
          %select_n3A_1480 = arith.select %gt3A_1477, %broadcast_in_dim3A_1479, %select_n3A_1469 : vector<16xi1>, vector<16xi32>
          %max3A_1481 = arith.maximumf %mul3A_1476, %max3A_1470 : vector<16xf32>
          %get3A_1482 = arith.constant 41 : i32
          %get3A_1483 = arith.index_cast %get3A_1482 : i32 to index
          %get3A_1484 = arith.index_cast %mul3A_1030 : i32 to index
          %get3A_1485 = tpu.vector_load %arg7[%get3A_1483, %get3A_1484] {strides = array<i32>} : memref<64x384xf32, #tpu.memory_space<vmem>>, vector<1x16xf32>,
          %get3A_1486 = vector.shape_cast %get3A_1485 : vector<1x16xf32> to vector<16xf32>
          %mul3A_1487 = arith.mulf %get3A_1033, %get3A_1486 : vector<16xf32>
          %gt3A_1488 = arith.cmpf ogt, %mul3A_1487, %max3A_1481 : vector<16xf32>
          %broadcast_in_dim3A_1489 = arith.constant 41 : i32
          %broadcast_in_dim3A_1490 = vector.broadcast %broadcast_in_dim3A_1489 : i32 to vector<16xi32>
          %select_n3A_1491 = arith.select %gt3A_1488, %broadcast_in_dim3A_1490, %select_n3A_1480 : vector<16xi1>, vector<16xi32>
          %max3A_1492 = arith.maximumf %mul3A_1487, %max3A_1481 : vector<16xf32>
          %get3A_1493 = arith.constant 42 : i32
          %get3A_1494 = arith.index_cast %get3A_1493 : i32 to index
          %get3A_1495 = arith.index_cast %mul3A_1030 : i32 to index
          %get3A_1496 = tpu.vector_load %arg7[%get3A_1494, %get3A_1495] {strides = array<i32>} : memref<64x384xf32, #tpu.memory_space<vmem>>, vector<1x16xf32>,
          %get3A_1497 = vector.shape_cast %get3A_1496 : vector<1x16xf32> to vector<16xf32>
          %mul3A_1498 = arith.mulf %get3A_1033, %get3A_1497 : vector<16xf32>
          %gt3A_1499 = arith.cmpf ogt, %mul3A_1498, %max3A_1492 : vector<16xf32>
          %broadcast_in_dim3A_1500 = arith.constant 42 : i32
          %broadcast_in_dim3A_1501 = vector.broadcast %broadcast_in_dim3A_1500 : i32 to vector<16xi32>
          %select_n3A_1502 = arith.select %gt3A_1499, %broadcast_in_dim3A_1501, %select_n3A_1491 : vector<16xi1>, vector<16xi32>
          %max3A_1503 = arith.maximumf %mul3A_1498, %max3A_1492 : vector<16xf32>
          %get3A_1504 = arith.constant 43 : i32
          %get3A_1505 = arith.index_cast %get3A_1504 : i32 to index
          %get3A_1506 = arith.index_cast %mul3A_1030 : i32 to index
          %get3A_1507 = tpu.vector_load %arg7[%get3A_1505, %get3A_1506] {strides = array<i32>} : memref<64x384xf32, #tpu.memory_space<vmem>>, vector<1x16xf32>,
          %get3A_1508 = vector.shape_cast %get3A_1507 : vector<1x16xf32> to vector<16xf32>
          %mul3A_1509 = arith.mulf %get3A_1033, %get3A_1508 : vector<16xf32>
          %gt3A_1510 = arith.cmpf ogt, %mul3A_1509, %max3A_1503 : vector<16xf32>
          %broadcast_in_dim3A_1511 = arith.constant 43 : i32
          %broadcast_in_dim3A_1512 = vector.broadcast %broadcast_in_dim3A_1511 : i32 to vector<16xi32>
          %select_n3A_1513 = arith.select %gt3A_1510, %broadcast_in_dim3A_1512, %select_n3A_1502 : vector<16xi1>, vector<16xi32>
          %max3A_1514 = arith.maximumf %mul3A_1509, %max3A_1503 : vector<16xf32>
          %get3A_1515 = arith.constant 44 : i32
          %get3A_1516 = arith.index_cast %get3A_1515 : i32 to index
          %get3A_1517 = arith.index_cast %mul3A_1030 : i32 to index
          %get3A_1518 = tpu.vector_load %arg7[%get3A_1516, %get3A_1517] {strides = array<i32>} : memref<64x384xf32, #tpu.memory_space<vmem>>, vector<1x16xf32>,
          %get3A_1519 = vector.shape_cast %get3A_1518 : vector<1x16xf32> to vector<16xf32>
          %mul3A_1520 = arith.mulf %get3A_1033, %get3A_1519 : vector<16xf32>
          %gt3A_1521 = arith.cmpf ogt, %mul3A_1520, %max3A_1514 : vector<16xf32>
          %broadcast_in_dim3A_1522 = arith.constant 44 : i32
          %broadcast_in_dim3A_1523 = vector.broadcast %broadcast_in_dim3A_1522 : i32 to vector<16xi32>
          %select_n3A_1524 = arith.select %gt3A_1521, %broadcast_in_dim3A_1523, %select_n3A_1513 : vector<16xi1>, vector<16xi32>
          %max3A_1525 = arith.maximumf %mul3A_1520, %max3A_1514 : vector<16xf32>
          %get3A_1526 = arith.constant 45 : i32
          %get3A_1527 = arith.index_cast %get3A_1526 : i32 to index
          %get3A_1528 = arith.index_cast %mul3A_1030 : i32 to index
          %get3A_1529 = tpu.vector_load %arg7[%get3A_1527, %get3A_1528] {strides = array<i32>} : memref<64x384xf32, #tpu.memory_space<vmem>>, vector<1x16xf32>,
          %get3A_1530 = vector.shape_cast %get3A_1529 : vector<1x16xf32> to vector<16xf32>
          %mul3A_1531 = arith.mulf %get3A_1033, %get3A_1530 : vector<16xf32>
          %gt3A_1532 = arith.cmpf ogt, %mul3A_1531, %max3A_1525 : vector<16xf32>
          %broadcast_in_dim3A_1533 = arith.constant 45 : i32
          %broadcast_in_dim3A_1534 = vector.broadcast %broadcast_in_dim3A_1533 : i32 to vector<16xi32>
          %select_n3A_1535 = arith.select %gt3A_1532, %broadcast_in_dim3A_1534, %select_n3A_1524 : vector<16xi1>, vector<16xi32>
          %max3A_1536 = arith.maximumf %mul3A_1531, %max3A_1525 : vector<16xf32>
          %get3A_1537 = arith.constant 46 : i32
          %get3A_1538 = arith.index_cast %get3A_1537 : i32 to index
          %get3A_1539 = arith.index_cast %mul3A_1030 : i32 to index
          %get3A_1540 = tpu.vector_load %arg7[%get3A_1538, %get3A_1539] {strides = array<i32>} : memref<64x384xf32, #tpu.memory_space<vmem>>, vector<1x16xf32>,
          %get3A_1541 = vector.shape_cast %get3A_1540 : vector<1x16xf32> to vector<16xf32>
          %mul3A_1542 = arith.mulf %get3A_1033, %get3A_1541 : vector<16xf32>
          %gt3A_1543 = arith.cmpf ogt, %mul3A_1542, %max3A_1536 : vector<16xf32>
          %broadcast_in_dim3A_1544 = arith.constant 46 : i32
          %broadcast_in_dim3A_1545 = vector.broadcast %broadcast_in_dim3A_1544 : i32 to vector<16xi32>
          %select_n3A_1546 = arith.select %gt3A_1543, %broadcast_in_dim3A_1545, %select_n3A_1535 : vector<16xi1>, vector<16xi32>
          %max3A_1547 = arith.maximumf %mul3A_1542, %max3A_1536 : vector<16xf32>
          %get3A_1548 = arith.constant 47 : i32
          %get3A_1549 = arith.index_cast %get3A_1548 : i32 to index
          %get3A_1550 = arith.index_cast %mul3A_1030 : i32 to index
          %get3A_1551 = tpu.vector_load %arg7[%get3A_1549, %get3A_1550] {strides = array<i32>} : memref<64x384xf32, #tpu.memory_space<vmem>>, vector<1x16xf32>,
          %get3A_1552 = vector.shape_cast %get3A_1551 : vector<1x16xf32> to vector<16xf32>
          %mul3A_1553 = arith.mulf %get3A_1033, %get3A_1552 : vector<16xf32>
          %gt3A_1554 = arith.cmpf ogt, %mul3A_1553, %max3A_1547 : vector<16xf32>
          %broadcast_in_dim3A_1555 = arith.constant 47 : i32
          %broadcast_in_dim3A_1556 = vector.broadcast %broadcast_in_dim3A_1555 : i32 to vector<16xi32>
          %select_n3A_1557 = arith.select %gt3A_1554, %broadcast_in_dim3A_1556, %select_n3A_1546 : vector<16xi1>, vector<16xi32>
          %max3A_1558 = arith.maximumf %mul3A_1553, %max3A_1547 : vector<16xf32>
          %get3A_1559 = arith.constant 48 : i32
          %get3A_1560 = arith.index_cast %get3A_1559 : i32 to index
          %get3A_1561 = arith.index_cast %mul3A_1030 : i32 to index
          %get3A_1562 = tpu.vector_load %arg7[%get3A_1560, %get3A_1561] {strides = array<i32>} : memref<64x384xf32, #tpu.memory_space<vmem>>, vector<1x16xf32>,
          %get3A_1563 = vector.shape_cast %get3A_1562 : vector<1x16xf32> to vector<16xf32>
          %mul3A_1564 = arith.mulf %get3A_1033, %get3A_1563 : vector<16xf32>
          %gt3A_1565 = arith.cmpf ogt, %mul3A_1564, %max3A_1558 : vector<16xf32>
          %broadcast_in_dim3A_1566 = arith.constant 48 : i32
          %broadcast_in_dim3A_1567 = vector.broadcast %broadcast_in_dim3A_1566 : i32 to vector<16xi32>
          %select_n3A_1568 = arith.select %gt3A_1565, %broadcast_in_dim3A_1567, %select_n3A_1557 : vector<16xi1>, vector<16xi32>
          %max3A_1569 = arith.maximumf %mul3A_1564, %max3A_1558 : vector<16xf32>
          %get3A_1570 = arith.constant 49 : i32
          %get3A_1571 = arith.index_cast %get3A_1570 : i32 to index
          %get3A_1572 = arith.index_cast %mul3A_1030 : i32 to index
          %get3A_1573 = tpu.vector_load %arg7[%get3A_1571, %get3A_1572] {strides = array<i32>} : memref<64x384xf32, #tpu.memory_space<vmem>>, vector<1x16xf32>,
          %get3A_1574 = vector.shape_cast %get3A_1573 : vector<1x16xf32> to vector<16xf32>
          %mul3A_1575 = arith.mulf %get3A_1033, %get3A_1574 : vector<16xf32>
          %gt3A_1576 = arith.cmpf ogt, %mul3A_1575, %max3A_1569 : vector<16xf32>
          %broadcast_in_dim3A_1577 = arith.constant 49 : i32
          %broadcast_in_dim3A_1578 = vector.broadcast %broadcast_in_dim3A_1577 : i32 to vector<16xi32>
          %select_n3A_1579 = arith.select %gt3A_1576, %broadcast_in_dim3A_1578, %select_n3A_1568 : vector<16xi1>, vector<16xi32>
          %max3A_1580 = arith.maximumf %mul3A_1575, %max3A_1569 : vector<16xf32>
          %get3A_1581 = arith.constant 50 : i32
          %get3A_1582 = arith.index_cast %get3A_1581 : i32 to index
          %get3A_1583 = arith.index_cast %mul3A_1030 : i32 to index
          %get3A_1584 = tpu.vector_load %arg7[%get3A_1582, %get3A_1583] {strides = array<i32>} : memref<64x384xf32, #tpu.memory_space<vmem>>, vector<1x16xf32>,
          %get3A_1585 = vector.shape_cast %get3A_1584 : vector<1x16xf32> to vector<16xf32>
          %mul3A_1586 = arith.mulf %get3A_1033, %get3A_1585 : vector<16xf32>
          %gt3A_1587 = arith.cmpf ogt, %mul3A_1586, %max3A_1580 : vector<16xf32>
          %broadcast_in_dim3A_1588 = arith.constant 50 : i32
          %broadcast_in_dim3A_1589 = vector.broadcast %broadcast_in_dim3A_1588 : i32 to vector<16xi32>
          %select_n3A_1590 = arith.select %gt3A_1587, %broadcast_in_dim3A_1589, %select_n3A_1579 : vector<16xi1>, vector<16xi32>
          %max3A_1591 = arith.maximumf %mul3A_1586, %max3A_1580 : vector<16xf32>
          %get3A_1592 = arith.constant 51 : i32
          %get3A_1593 = arith.index_cast %get3A_1592 : i32 to index
          %get3A_1594 = arith.index_cast %mul3A_1030 : i32 to index
          %get3A_1595 = tpu.vector_load %arg7[%get3A_1593, %get3A_1594] {strides = array<i32>} : memref<64x384xf32, #tpu.memory_space<vmem>>, vector<1x16xf32>,
          %get3A_1596 = vector.shape_cast %get3A_1595 : vector<1x16xf32> to vector<16xf32>
          %mul3A_1597 = arith.mulf %get3A_1033, %get3A_1596 : vector<16xf32>
          %gt3A_1598 = arith.cmpf ogt, %mul3A_1597, %max3A_1591 : vector<16xf32>
          %broadcast_in_dim3A_1599 = arith.constant 51 : i32
          %broadcast_in_dim3A_1600 = vector.broadcast %broadcast_in_dim3A_1599 : i32 to vector<16xi32>
          %select_n3A_1601 = arith.select %gt3A_1598, %broadcast_in_dim3A_1600, %select_n3A_1590 : vector<16xi1>, vector<16xi32>
          %max3A_1602 = arith.maximumf %mul3A_1597, %max3A_1591 : vector<16xf32>
          %get3A_1603 = arith.constant 52 : i32
          %get3A_1604 = arith.index_cast %get3A_1603 : i32 to index
          %get3A_1605 = arith.index_cast %mul3A_1030 : i32 to index
          %get3A_1606 = tpu.vector_load %arg7[%get3A_1604, %get3A_1605] {strides = array<i32>} : memref<64x384xf32, #tpu.memory_space<vmem>>, vector<1x16xf32>,
          %get3A_1607 = vector.shape_cast %get3A_1606 : vector<1x16xf32> to vector<16xf32>
          %mul3A_1608 = arith.mulf %get3A_1033, %get3A_1607 : vector<16xf32>
          %gt3A_1609 = arith.cmpf ogt, %mul3A_1608, %max3A_1602 : vector<16xf32>
          %broadcast_in_dim3A_1610 = arith.constant 52 : i32
          %broadcast_in_dim3A_1611 = vector.broadcast %broadcast_in_dim3A_1610 : i32 to vector<16xi32>
          %select_n3A_1612 = arith.select %gt3A_1609, %broadcast_in_dim3A_1611, %select_n3A_1601 : vector<16xi1>, vector<16xi32>
          %max3A_1613 = arith.maximumf %mul3A_1608, %max3A_1602 : vector<16xf32>
          %get3A_1614 = arith.constant 53 : i32
          %get3A_1615 = arith.index_cast %get3A_1614 : i32 to index
          %get3A_1616 = arith.index_cast %mul3A_1030 : i32 to index
          %get3A_1617 = tpu.vector_load %arg7[%get3A_1615, %get3A_1616] {strides = array<i32>} : memref<64x384xf32, #tpu.memory_space<vmem>>, vector<1x16xf32>,
          %get3A_1618 = vector.shape_cast %get3A_1617 : vector<1x16xf32> to vector<16xf32>
          %mul3A_1619 = arith.mulf %get3A_1033, %get3A_1618 : vector<16xf32>
          %gt3A_1620 = arith.cmpf ogt, %mul3A_1619, %max3A_1613 : vector<16xf32>
          %broadcast_in_dim3A_1621 = arith.constant 53 : i32
          %broadcast_in_dim3A_1622 = vector.broadcast %broadcast_in_dim3A_1621 : i32 to vector<16xi32>
          %select_n3A_1623 = arith.select %gt3A_1620, %broadcast_in_dim3A_1622, %select_n3A_1612 : vector<16xi1>, vector<16xi32>
          %max3A_1624 = arith.maximumf %mul3A_1619, %max3A_1613 : vector<16xf32>
          %get3A_1625 = arith.constant 54 : i32
          %get3A_1626 = arith.index_cast %get3A_1625 : i32 to index
          %get3A_1627 = arith.index_cast %mul3A_1030 : i32 to index
          %get3A_1628 = tpu.vector_load %arg7[%get3A_1626, %get3A_1627] {strides = array<i32>} : memref<64x384xf32, #tpu.memory_space<vmem>>, vector<1x16xf32>,
          %get3A_1629 = vector.shape_cast %get3A_1628 : vector<1x16xf32> to vector<16xf32>
          %mul3A_1630 = arith.mulf %get3A_1033, %get3A_1629 : vector<16xf32>
          %gt3A_1631 = arith.cmpf ogt, %mul3A_1630, %max3A_1624 : vector<16xf32>
          %broadcast_in_dim3A_1632 = arith.constant 54 : i32
          %broadcast_in_dim3A_1633 = vector.broadcast %broadcast_in_dim3A_1632 : i32 to vector<16xi32>
          %select_n3A_1634 = arith.select %gt3A_1631, %broadcast_in_dim3A_1633, %select_n3A_1623 : vector<16xi1>, vector<16xi32>
          %max3A_1635 = arith.maximumf %mul3A_1630, %max3A_1624 : vector<16xf32>
          %get3A_1636 = arith.constant 55 : i32
          %get3A_1637 = arith.index_cast %get3A_1636 : i32 to index
          %get3A_1638 = arith.index_cast %mul3A_1030 : i32 to index
          %get3A_1639 = tpu.vector_load %arg7[%get3A_1637, %get3A_1638] {strides = array<i32>} : memref<64x384xf32, #tpu.memory_space<vmem>>, vector<1x16xf32>,
          %get3A_1640 = vector.shape_cast %get3A_1639 : vector<1x16xf32> to vector<16xf32>
          %mul3A_1641 = arith.mulf %get3A_1033, %get3A_1640 : vector<16xf32>
          %gt3A_1642 = arith.cmpf ogt, %mul3A_1641, %max3A_1635 : vector<16xf32>
          %broadcast_in_dim3A_1643 = arith.constant 55 : i32
          %broadcast_in_dim3A_1644 = vector.broadcast %broadcast_in_dim3A_1643 : i32 to vector<16xi32>
          %select_n3A_1645 = arith.select %gt3A_1642, %broadcast_in_dim3A_1644, %select_n3A_1634 : vector<16xi1>, vector<16xi32>
          %max3A_1646 = arith.maximumf %mul3A_1641, %max3A_1635 : vector<16xf32>
          %get3A_1647 = arith.constant 56 : i32
          %get3A_1648 = arith.index_cast %get3A_1647 : i32 to index
          %get3A_1649 = arith.index_cast %mul3A_1030 : i32 to index
          %get3A_1650 = tpu.vector_load %arg7[%get3A_1648, %get3A_1649] {strides = array<i32>} : memref<64x384xf32, #tpu.memory_space<vmem>>, vector<1x16xf32>,
          %get3A_1651 = vector.shape_cast %get3A_1650 : vector<1x16xf32> to vector<16xf32>
          %mul3A_1652 = arith.mulf %get3A_1033, %get3A_1651 : vector<16xf32>
          %gt3A_1653 = arith.cmpf ogt, %mul3A_1652, %max3A_1646 : vector<16xf32>
          %broadcast_in_dim3A_1654 = arith.constant 56 : i32
          %broadcast_in_dim3A_1655 = vector.broadcast %broadcast_in_dim3A_1654 : i32 to vector<16xi32>
          %select_n3A_1656 = arith.select %gt3A_1653, %broadcast_in_dim3A_1655, %select_n3A_1645 : vector<16xi1>, vector<16xi32>
          %max3A_1657 = arith.maximumf %mul3A_1652, %max3A_1646 : vector<16xf32>
          %get3A_1658 = arith.constant 57 : i32
          %get3A_1659 = arith.index_cast %get3A_1658 : i32 to index
          %get3A_1660 = arith.index_cast %mul3A_1030 : i32 to index
          %get3A_1661 = tpu.vector_load %arg7[%get3A_1659, %get3A_1660] {strides = array<i32>} : memref<64x384xf32, #tpu.memory_space<vmem>>, vector<1x16xf32>,
          %get3A_1662 = vector.shape_cast %get3A_1661 : vector<1x16xf32> to vector<16xf32>
          %mul3A_1663 = arith.mulf %get3A_1033, %get3A_1662 : vector<16xf32>
          %gt3A_1664 = arith.cmpf ogt, %mul3A_1663, %max3A_1657 : vector<16xf32>
          %broadcast_in_dim3A_1665 = arith.constant 57 : i32
          %broadcast_in_dim3A_1666 = vector.broadcast %broadcast_in_dim3A_1665 : i32 to vector<16xi32>
          %select_n3A_1667 = arith.select %gt3A_1664, %broadcast_in_dim3A_1666, %select_n3A_1656 : vector<16xi1>, vector<16xi32>
          %max3A_1668 = arith.maximumf %mul3A_1663, %max3A_1657 : vector<16xf32>
          %get3A_1669 = arith.constant 58 : i32
          %get3A_1670 = arith.index_cast %get3A_1669 : i32 to index
          %get3A_1671 = arith.index_cast %mul3A_1030 : i32 to index
          %get3A_1672 = tpu.vector_load %arg7[%get3A_1670, %get3A_1671] {strides = array<i32>} : memref<64x384xf32, #tpu.memory_space<vmem>>, vector<1x16xf32>,
          %get3A_1673 = vector.shape_cast %get3A_1672 : vector<1x16xf32> to vector<16xf32>
          %mul3A_1674 = arith.mulf %get3A_1033, %get3A_1673 : vector<16xf32>
          %gt3A_1675 = arith.cmpf ogt, %mul3A_1674, %max3A_1668 : vector<16xf32>
          %broadcast_in_dim3A_1676 = arith.constant 58 : i32
          %broadcast_in_dim3A_1677 = vector.broadcast %broadcast_in_dim3A_1676 : i32 to vector<16xi32>
          %select_n3A_1678 = arith.select %gt3A_1675, %broadcast_in_dim3A_1677, %select_n3A_1667 : vector<16xi1>, vector<16xi32>
          %max3A_1679 = arith.maximumf %mul3A_1674, %max3A_1668 : vector<16xf32>
          %get3A_1680 = arith.constant 59 : i32
          %get3A_1681 = arith.index_cast %get3A_1680 : i32 to index
          %get3A_1682 = arith.index_cast %mul3A_1030 : i32 to index
          %get3A_1683 = tpu.vector_load %arg7[%get3A_1681, %get3A_1682] {strides = array<i32>} : memref<64x384xf32, #tpu.memory_space<vmem>>, vector<1x16xf32>,
          %get3A_1684 = vector.shape_cast %get3A_1683 : vector<1x16xf32> to vector<16xf32>
          %mul3A_1685 = arith.mulf %get3A_1033, %get3A_1684 : vector<16xf32>
          %gt3A_1686 = arith.cmpf ogt, %mul3A_1685, %max3A_1679 : vector<16xf32>
          %broadcast_in_dim3A_1687 = arith.constant 59 : i32
          %broadcast_in_dim3A_1688 = vector.broadcast %broadcast_in_dim3A_1687 : i32 to vector<16xi32>
          %select_n3A_1689 = arith.select %gt3A_1686, %broadcast_in_dim3A_1688, %select_n3A_1678 : vector<16xi1>, vector<16xi32>
          %max3A_1690 = arith.maximumf %mul3A_1685, %max3A_1679 : vector<16xf32>
          %get3A_1691 = arith.constant 60 : i32
          %get3A_1692 = arith.index_cast %get3A_1691 : i32 to index
          %get3A_1693 = arith.index_cast %mul3A_1030 : i32 to index
          %get3A_1694 = tpu.vector_load %arg7[%get3A_1692, %get3A_1693] {strides = array<i32>} : memref<64x384xf32, #tpu.memory_space<vmem>>, vector<1x16xf32>,
          %get3A_1695 = vector.shape_cast %get3A_1694 : vector<1x16xf32> to vector<16xf32>
          %mul3A_1696 = arith.mulf %get3A_1033, %get3A_1695 : vector<16xf32>
          %gt3A_1697 = arith.cmpf ogt, %mul3A_1696, %max3A_1690 : vector<16xf32>
          %broadcast_in_dim3A_1698 = arith.constant 60 : i32
          %broadcast_in_dim3A_1699 = vector.broadcast %broadcast_in_dim3A_1698 : i32 to vector<16xi32>
          %select_n3A_1700 = arith.select %gt3A_1697, %broadcast_in_dim3A_1699, %select_n3A_1689 : vector<16xi1>, vector<16xi32>
          %max3A_1701 = arith.maximumf %mul3A_1696, %max3A_1690 : vector<16xf32>
          %get3A_1702 = arith.constant 61 : i32
          %get3A_1703 = arith.index_cast %get3A_1702 : i32 to index
          %get3A_1704 = arith.index_cast %mul3A_1030 : i32 to index
          %get3A_1705 = tpu.vector_load %arg7[%get3A_1703, %get3A_1704] {strides = array<i32>} : memref<64x384xf32, #tpu.memory_space<vmem>>, vector<1x16xf32>,
          %get3A_1706 = vector.shape_cast %get3A_1705 : vector<1x16xf32> to vector<16xf32>
          %mul3A_1707 = arith.mulf %get3A_1033, %get3A_1706 : vector<16xf32>
          %gt3A_1708 = arith.cmpf ogt, %mul3A_1707, %max3A_1701 : vector<16xf32>
          %broadcast_in_dim3A_1709 = arith.constant 61 : i32
          %broadcast_in_dim3A_1710 = vector.broadcast %broadcast_in_dim3A_1709 : i32 to vector<16xi32>
          %select_n3A_1711 = arith.select %gt3A_1708, %broadcast_in_dim3A_1710, %select_n3A_1700 : vector<16xi1>, vector<16xi32>
          %max3A_1712 = arith.maximumf %mul3A_1707, %max3A_1701 : vector<16xf32>
          %get3A_1713 = arith.constant 62 : i32
          %get3A_1714 = arith.index_cast %get3A_1713 : i32 to index
          %get3A_1715 = arith.index_cast %mul3A_1030 : i32 to index
          %get3A_1716 = tpu.vector_load %arg7[%get3A_1714, %get3A_1715] {strides = array<i32>} : memref<64x384xf32, #tpu.memory_space<vmem>>, vector<1x16xf32>,
          %get3A_1717 = vector.shape_cast %get3A_1716 : vector<1x16xf32> to vector<16xf32>
          %mul3A_1718 = arith.mulf %get3A_1033, %get3A_1717 : vector<16xf32>
          %gt3A_1719 = arith.cmpf ogt, %mul3A_1718, %max3A_1712 : vector<16xf32>
          %broadcast_in_dim3A_1720 = arith.constant 62 : i32
          %broadcast_in_dim3A_1721 = vector.broadcast %broadcast_in_dim3A_1720 : i32 to vector<16xi32>
          %select_n3A_1722 = arith.select %gt3A_1719, %broadcast_in_dim3A_1721, %select_n3A_1711 : vector<16xi1>, vector<16xi32>
          %max3A_1723 = arith.maximumf %mul3A_1718, %max3A_1712 : vector<16xf32>
          %get3A_1724 = arith.constant 63 : i32
          %get3A_1725 = arith.index_cast %get3A_1724 : i32 to index
          %get3A_1726 = arith.index_cast %mul3A_1030 : i32 to index
          %get3A_1727 = tpu.vector_load %arg7[%get3A_1725, %get3A_1726] {strides = array<i32>} : memref<64x384xf32, #tpu.memory_space<vmem>>, vector<1x16xf32>,
          %get3A_1728 = vector.shape_cast %get3A_1727 : vector<1x16xf32> to vector<16xf32>
          %mul3A_1729 = arith.mulf %get3A_1033, %get3A_1728 : vector<16xf32>
          %gt3A_1730 = arith.cmpf ogt, %mul3A_1729, %max3A_1723 : vector<16xf32>
          %broadcast_in_dim3A_1731 = arith.constant 63 : i32
          %broadcast_in_dim3A_1732 = vector.broadcast %broadcast_in_dim3A_1731 : i32 to vector<16xi32>
          %select_n3A_1733 = arith.select %gt3A_1730, %broadcast_in_dim3A_1732, %select_n3A_1722 : vector<16xi1>, vector<16xi32>
          %max3A_1734 = arith.maximumf %mul3A_1729, %max3A_1723 : vector<16xf32>
          %swap3A_1735 = arith.index_cast %mul3A_1030 : i32 to index
          %swap3A_1736 = tpu.vector_load %arg11[%swap3A_1735] {strides = array<i32>} : memref<384xf32, #tpu.memory_space<vmem>>, vector<16xf32>,
          %swap3A_1737 = vector.shape_cast %swap3A_1736 : vector<16xf32> to vector<16xf32>
          %swap3A_1738 = vector.shape_cast %max3A_1734 : vector<16xf32> to vector<16xf32>
          tpu.vector_store %arg11[%swap3A_1735], %swap3A_1738 {strides = array<i32>} : memref<384xf32, #tpu.memory_space<vmem>>, vector<16xf32>,
          %swap3A_1739 = arith.index_cast %mul3A_1030 : i32 to index
          %swap3A_1740 = tpu.vector_load %arg13[%swap3A_1739] {strides = array<i32>} : memref<384xi32, #tpu.memory_space<vmem>>, vector<16xi32>,
          %swap3A_1741 = vector.shape_cast %swap3A_1740 : vector<16xi32> to vector<16xi32>
          %swap3A_1742 = vector.shape_cast %select_n3A_1733 : vector<16xi32> to vector<16xi32>
          tpu.vector_store %arg13[%swap3A_1739], %swap3A_1742 {strides = array<i32>} : memref<384xi32, #tpu.memory_space<vmem>>, vector<16xi32>,
        }
        %scan3A_244 = arith.constant 12 : i32
        %jit3A_245 = arith.constant 130 : i32
        %div3A_246 = arith.divsi %add3A_189, %jit3A_245 : i32
        %sign3A_247 = arith.constant 0 : i32
        %sign3A_248 = arith.cmpi sgt, %add3A_189, %sign3A_247 : i32
        %sign3A_249 = arith.extui %sign3A_248 : i1 to i32
        %sign3A_250 = arith.constant 0 : i32
        %sign3A_251 = arith.cmpi slt, %add3A_189, %sign3A_250 : i32
        %sign3A_252 = arith.extui %sign3A_251 : i1 to i32
        %sign3A_253 = arith.subi %sign3A_249, %sign3A_252 : i32
        %sign3A_254 = arith.constant 0 : i32
        %sign3A_255 = arith.cmpi sgt, %jit3A_245, %sign3A_254 : i32
        %sign3A_256 = arith.extui %sign3A_255 : i1 to i32
        %sign3A_257 = arith.constant 0 : i32
        %sign3A_258 = arith.cmpi slt, %jit3A_245, %sign3A_257 : i32
        %sign3A_259 = arith.extui %sign3A_258 : i1 to i32
        %sign3A_260 = arith.subi %sign3A_256, %sign3A_259 : i32
        %ne3A_261 = arith.cmpi ne, %sign3A_253, %sign3A_260 : i32
        %rem3A_262 = arith.remsi %add3A_189, %jit3A_245 : i32
        %ne3A_263 = arith.constant 0 : i32
        %ne3A_264 = arith.cmpi ne, %rem3A_262, %ne3A_263 : i32
        %and3A_265 = arith.andi %ne3A_261, %ne3A_264 : i1
        %sub3A_266 = arith.constant 1 : i32
        %sub3A_267 = arith.subi %div3A_246, %sub3A_266 : i32
        %select_n3A_268 = arith.select %and3A_265, %sub3A_267, %div3A_246 : i32
        %mul3A_269 = arith.constant 130 : i32
        %mul3A_270 = arith.muli %select_n3A_268, %mul3A_269 : i32
        %sub3A_271 = arith.subi %add3A_189, %mul3A_270 : i32
        %jit3A_272 = arith.constant 3 : i32
        %div3A_273 = arith.divsi %select_n3A_268, %jit3A_272 : i32
        %sign3A_274 = arith.constant 0 : i32
        %sign3A_275 = arith.cmpi sgt, %select_n3A_268, %sign3A_274 : i32
        %sign3A_276 = arith.extui %sign3A_275 : i1 to i32
        %sign3A_277 = arith.constant 0 : i32
        %sign3A_278 = arith.cmpi slt, %select_n3A_268, %sign3A_277 : i32
        %sign3A_279 = arith.extui %sign3A_278 : i1 to i32
        %sign3A_280 = arith.subi %sign3A_276, %sign3A_279 : i32
        %sign3A_281 = arith.constant 0 : i32
        %sign3A_282 = arith.cmpi sgt, %jit3A_272, %sign3A_281 : i32
        %sign3A_283 = arith.extui %sign3A_282 : i1 to i32
        %sign3A_284 = arith.constant 0 : i32
        %sign3A_285 = arith.cmpi slt, %jit3A_272, %sign3A_284 : i32
        %sign3A_286 = arith.extui %sign3A_285 : i1 to i32
        %sign3A_287 = arith.subi %sign3A_283, %sign3A_286 : i32
        %ne3A_288 = arith.cmpi ne, %sign3A_280, %sign3A_287 : i32
        %rem3A_289 = arith.remsi %select_n3A_268, %jit3A_272 : i32
        %ne3A_290 = arith.constant 0 : i32
        %ne3A_291 = arith.cmpi ne, %rem3A_289, %ne3A_290 : i32
        %and3A_292 = arith.andi %ne3A_288, %ne3A_291 : i1
        %sub3A_293 = arith.constant 1 : i32
        %sub3A_294 = arith.subi %div3A_273, %sub3A_293 : i32
        %select_n3A_295 = arith.select %and3A_292, %sub3A_294, %div3A_273 : i32
        %mul3A_296 = arith.constant 3 : i32
        %mul3A_297 = arith.muli %select_n3A_295, %mul3A_296 : i32
        %sub3A_298 = arith.subi %select_n3A_268, %mul3A_297 : i32
        %mul3A_299 = arith.constant 384 : i32
        %mul3A_300 = arith.muli %sub3A_271, %mul3A_299 : i32
        %dma_start3A_301 = arith.constant 0 : i32
        %dma_start3A_302 = tpu.memref_slice %arg4[%select_n3A_295, %sub3A_298, %dma_start3A_301, %mul3A_300] : memref<4x3x1x49920xf32, #tpu.memory_space<hbm>> -> memref<1x1x1x384xf32, #tpu.memory_space<hbm>>
        %dma_start3A_303 = tpu.memref_squeeze %dma_start3A_302 : memref<1x1x1x384xf32, #tpu.memory_space<hbm>> -> memref<384xf32, #tpu.memory_space<hbm>>
        %dma_start3A_304 = tpu.memref_slice %arg4[%select_n3A_295, %sub3A_298, %dma_start3A_301, %mul3A_300] : memref<4x3x1x49920xf32, #tpu.memory_space<hbm>> -> memref<1x1x1x384xf32, #tpu.memory_space<hbm>>
        %dma_start3A_305 = tpu.memref_squeeze %dma_start3A_304 : memref<1x1x1x384xf32, #tpu.memory_space<hbm>> -> memref<384xf32, #tpu.memory_space<hbm>>
        tpu.enqueue_dma source(%arg11 : memref<384xf32, #tpu.memory_space<vmem>>) target(%dma_start3A_305 : memref<384xf32, #tpu.memory_space<hbm>>) target_semaphore(%arg21 : memref<!tpu.dma_semaphore, #tpu.memory_space<semaphore_mem>>)
        %dma_start3A_306 = arith.constant 0 : i32
        %dma_start3A_307 = tpu.memref_slice %arg5[%select_n3A_295, %sub3A_298, %dma_start3A_306, %mul3A_300] : memref<4x3x1x49920xi32, #tpu.memory_space<hbm>> -> memref<1x1x1x384xi32, #tpu.memory_space<hbm>>
        %dma_start3A_308 = tpu.memref_squeeze %dma_start3A_307 : memref<1x1x1x384xi32, #tpu.memory_space<hbm>> -> memref<384xi32, #tpu.memory_space<hbm>>
        %dma_start3A_309 = tpu.memref_slice %arg5[%select_n3A_295, %sub3A_298, %dma_start3A_306, %mul3A_300] : memref<4x3x1x49920xi32, #tpu.memory_space<hbm>> -> memref<1x1x1x384xi32, #tpu.memory_space<hbm>>
        %dma_start3A_310 = tpu.memref_squeeze %dma_start3A_309 : memref<1x1x1x384xi32, #tpu.memory_space<hbm>> -> memref<384xi32, #tpu.memory_space<hbm>>
        tpu.enqueue_dma source(%arg13 : memref<384xi32, #tpu.memory_space<vmem>>) target(%dma_start3A_310 : memref<384xi32, #tpu.memory_space<hbm>>) target_semaphore(%arg21 : memref<!tpu.dma_semaphore, #tpu.memory_space<semaphore_mem>>)
      } else {
      }
      %mul3A_195 = arith.constant 2 : i32
      %mul3A_196 = arith.muli %mul3A_195, %scan3A_182 : i32
      %add3A_197 = arith.constant 1 : i32
      %add3A_198 = arith.addi %mul3A_196, %add3A_197 : i32
      %mul3A_199 = arith.constant 32 : i32
      %mul3A_200 = arith.muli %add3A_198, %mul3A_199 : i32
      %add3A_201 = arith.addi %add3A, %mul3A_200 : i32
      %lt3A_202 = arith.constant 1560 : i32
      %lt3A_203 = arith.cmpi slt, %add3A_201, %lt3A_202 : i32
      %convert_element_type3A_204 = arith.extui %lt3A_203 : i1 to i32
      %cond3A_205 = arith.constant 0 : i32
      %cond3A_206 = arith.cmpi ne, %convert_element_type3A_204, %cond3A_205 : i32
      scf.if %cond3A_206 {
        %dma_wait3A_207 = arith.constant 0 : i32
        %dma_wait3A_208 = arith.constant 1 : i32
        %dma_wait3A_209 = arith.constant 0 : i32
        %dma_wait3A_210 = arith.constant 0 : i32
        %dma_wait3A_211 = tpu.memref_slice %arg6[%dma_wait3A_207, %dma_wait3A_208, %dma_wait3A_209, %dma_wait3A_210] : memref<16x2x64x384xf32, #tpu.memory_space<vmem_shared>> -> memref<1x1x64x384xf32, #tpu.memory_space<vmem_shared>>
        %dma_wait3A_212 = tpu.memref_squeeze %dma_wait3A_211 : memref<1x1x64x384xf32, #tpu.memory_space<vmem_shared>> -> memref<64x384xf32, #tpu.memory_space<vmem_shared>>
        %dma_wait3A_213 = arith.constant 0 : i32
        %dma_wait3A_214 = arith.constant 0 : i32
        %dma_wait3A_215 = tpu.memref_slice %arg6[%dma_wait3A_207, %dma_wait3A_208, %dma_wait3A_213, %dma_wait3A_214] : memref<16x2x64x384xf32, #tpu.memory_space<vmem_shared>> -> memref<1x1x64x384xf32, #tpu.memory_space<vmem_shared>>
        %dma_wait3A_216 = tpu.memref_squeeze %dma_wait3A_215 : memref<1x1x64x384xf32, #tpu.memory_space<vmem_shared>> -> memref<64x384xf32, #tpu.memory_space<vmem_shared>>
        tpu.wait_dma2 semaphore(%arg18 : memref<!tpu.dma_semaphore, #tpu.memory_space<semaphore_mem>>) src(%dma_wait3A_216 : memref<64x384xf32, #tpu.memory_space<vmem_shared>>) dst(%arg8 : memref<64x384xf32, #tpu.memory_space<vmem>>)
        %dma_wait3A_217 = arith.constant 0 : i32
        %dma_wait3A_218 = tpu.memref_slice %arg2[%dma_wait3A_217] : memref<200000xf32, #tpu.memory_space<hbm>> -> memref<384xf32, #tpu.memory_space<hbm>>
        %dma_wait3A_219 = arith.constant 0 : i32
        %dma_wait3A_220 = tpu.memref_slice %arg2[%dma_wait3A_219] : memref<200000xf32, #tpu.memory_space<hbm>> -> memref<384xf32, #tpu.memory_space<hbm>>
        tpu.wait_dma2 semaphore(%arg20 : memref<!tpu.dma_semaphore, #tpu.memory_space<semaphore_mem>>) src(%dma_wait3A_220 : memref<384xf32, #tpu.memory_space<hbm>>) dst(%arg10 : memref<384xf32, #tpu.memory_space<vmem>>)
        %add3A_221 = arith.constant 64 : i32
        %add3A_222 = arith.addi %add3A_201, %add3A_221 : i32
        %lt3A_223 = arith.constant 1560 : i32
        %lt3A_224 = arith.cmpi slt, %add3A_222, %lt3A_223 : i32
        %convert_element_type3A_225 = arith.extui %lt3A_224 : i1 to i32
        %cond3A_226 = arith.constant 0 : i32
        %cond3A_227 = arith.cmpi ne, %convert_element_type3A_225, %cond3A_226 : i32
        scf.if %cond3A_227 {
          %add3A_311 = arith.constant 64 : i32
          %add3A_312 = arith.addi %add3A_201, %add3A_311 : i32
          %jit3A_313 = arith.constant 130 : i32
          %div3A_314 = arith.divsi %add3A_312, %jit3A_313 : i32
          %sign3A_315 = arith.constant 0 : i32
          %sign3A_316 = arith.cmpi sgt, %add3A_312, %sign3A_315 : i32
          %sign3A_317 = arith.extui %sign3A_316 : i1 to i32
          %sign3A_318 = arith.constant 0 : i32
          %sign3A_319 = arith.cmpi slt, %add3A_312, %sign3A_318 : i32
          %sign3A_320 = arith.extui %sign3A_319 : i1 to i32
          %sign3A_321 = arith.subi %sign3A_317, %sign3A_320 : i32
          %sign3A_322 = arith.constant 0 : i32
          %sign3A_323 = arith.cmpi sgt, %jit3A_313, %sign3A_322 : i32
          %sign3A_324 = arith.extui %sign3A_323 : i1 to i32
          %sign3A_325 = arith.constant 0 : i32
          %sign3A_326 = arith.cmpi slt, %jit3A_313, %sign3A_325 : i32
          %sign3A_327 = arith.extui %sign3A_326 : i1 to i32
          %sign3A_328 = arith.subi %sign3A_324, %sign3A_327 : i32
          %ne3A_329 = arith.cmpi ne, %sign3A_321, %sign3A_328 : i32
          %rem3A_330 = arith.remsi %add3A_312, %jit3A_313 : i32
          %ne3A_331 = arith.constant 0 : i32
          %ne3A_332 = arith.cmpi ne, %rem3A_330, %ne3A_331 : i32
          %and3A_333 = arith.andi %ne3A_329, %ne3A_332 : i1
          %sub3A_334 = arith.constant 1 : i32
          %sub3A_335 = arith.subi %div3A_314, %sub3A_334 : i32
          %select_n3A_336 = arith.select %and3A_333, %sub3A_335, %div3A_314 : i32
          %mul3A_337 = arith.constant 130 : i32
          %mul3A_338 = arith.muli %select_n3A_336, %mul3A_337 : i32
          %sub3A_339 = arith.subi %add3A_312, %mul3A_338 : i32
          %jit3A_340 = arith.constant 3 : i32
          %div3A_341 = arith.divsi %select_n3A_336, %jit3A_340 : i32
          %sign3A_342 = arith.constant 0 : i32
          %sign3A_343 = arith.cmpi sgt, %select_n3A_336, %sign3A_342 : i32
          %sign3A_344 = arith.extui %sign3A_343 : i1 to i32
          %sign3A_345 = arith.constant 0 : i32
          %sign3A_346 = arith.cmpi slt, %select_n3A_336, %sign3A_345 : i32
          %sign3A_347 = arith.extui %sign3A_346 : i1 to i32
          %sign3A_348 = arith.subi %sign3A_344, %sign3A_347 : i32
          %sign3A_349 = arith.constant 0 : i32
          %sign3A_350 = arith.cmpi sgt, %jit3A_340, %sign3A_349 : i32
          %sign3A_351 = arith.extui %sign3A_350 : i1 to i32
          %sign3A_352 = arith.constant 0 : i32
          %sign3A_353 = arith.cmpi slt, %jit3A_340, %sign3A_352 : i32
          %sign3A_354 = arith.extui %sign3A_353 : i1 to i32
          %sign3A_355 = arith.subi %sign3A_351, %sign3A_354 : i32
          %ne3A_356 = arith.cmpi ne, %sign3A_348, %sign3A_355 : i32
          %rem3A_357 = arith.remsi %select_n3A_336, %jit3A_340 : i32
          %ne3A_358 = arith.constant 0 : i32
          %ne3A_359 = arith.cmpi ne, %rem3A_357, %ne3A_358 : i32
          %and3A_360 = arith.andi %ne3A_356, %ne3A_359 : i1
          %sub3A_361 = arith.constant 1 : i32
          %sub3A_362 = arith.subi %div3A_341, %sub3A_361 : i32
          %select_n3A_363 = arith.select %and3A_360, %sub3A_362, %div3A_341 : i32
          %mul3A_364 = arith.constant 3 : i32
          %mul3A_365 = arith.muli %select_n3A_363, %mul3A_364 : i32
          %sub3A_366 = arith.subi %select_n3A_336, %mul3A_365 : i32
          %mul3A_367 = arith.constant 384 : i32
          %mul3A_368 = arith.muli %sub3A_339, %mul3A_367 : i32
          %dma_start3A_369 = arith.constant 1 : i32
          %dma_start3A_370 = arith.constant 0 : i32
          %dma_start3A_371 = arith.constant 0 : i32
          %dma_start3A_372 = tpu.memref_slice %arg6[%arg1, %dma_start3A_369, %dma_start3A_370, %dma_start3A_371] : memref<16x2x64x384xf32, #tpu.memory_space<vmem_shared>> -> memref<1x1x64x384xf32, #tpu.memory_space<vmem_shared>>
          %dma_start3A_373 = tpu.memref_squeeze %dma_start3A_372 : memref<1x1x64x384xf32, #tpu.memory_space<vmem_shared>> -> memref<64x384xf32, #tpu.memory_space<vmem_shared>>
          %dma_start3A_374 = arith.constant 0 : i32
          %dma_start3A_375 = tpu.memref_slice %arg3[%select_n3A_363, %sub3A_366, %dma_start3A_374, %mul3A_368] : memref<4x3x64x50000xf32, #tpu.memory_space<hbm>> -> memref<1x1x64x384xf32, #tpu.memory_space<hbm>>
          %dma_start3A_376 = tpu.memref_squeeze %dma_start3A_375 : memref<1x1x64x384xf32, #tpu.memory_space<hbm>> -> memref<64x384xf32, #tpu.memory_space<hbm>>
          tpu.enqueue_dma source(%dma_start3A_376 : memref<64x384xf32, #tpu.memory_space<hbm>>) target(%dma_start3A_373 : memref<64x384xf32, #tpu.memory_space<vmem_shared>>) target_semaphore(%arg16 : memref<!tpu.dma_semaphore, #tpu.memory_space<semaphore_mem>>)
        } else {
        }
        %add3A_228 = arith.constant 32 : i32
        %add3A_229 = arith.addi %add3A_201, %add3A_228 : i32
        %lt3A_230 = arith.constant 1560 : i32
        %lt3A_231 = arith.cmpi slt, %add3A_229, %lt3A_230 : i32
        %convert_element_type3A_232 = arith.extui %lt3A_231 : i1 to i32
        %cond3A_233 = arith.constant 0 : i32
        %cond3A_234 = arith.cmpi ne, %convert_element_type3A_232, %cond3A_233 : i32
        scf.if %cond3A_234 {
          %dma_wait3A_311 = arith.constant 0 : i32
          %dma_wait3A_312 = arith.constant 0 : i32
          %dma_wait3A_313 = arith.constant 0 : i32
          %dma_wait3A_314 = arith.constant 0 : i32
          %dma_wait3A_315 = arith.constant 0 : i32
          %dma_wait3A_316 = arith.constant 0 : i32
          %dma_wait3A_317 = tpu.memref_slice %arg6[%dma_wait3A_313, %dma_wait3A_314, %dma_wait3A_315, %dma_wait3A_316] : memref<16x2x64x384xf32, #tpu.memory_space<vmem_shared>> -> memref<1x1x64x384xf32, #tpu.memory_space<vmem_shared>>
          %dma_wait3A_318 = tpu.memref_squeeze %dma_wait3A_317 : memref<1x1x64x384xf32, #tpu.memory_space<vmem_shared>> -> memref<64x384xf32, #tpu.memory_space<vmem_shared>>
          %dma_wait3A_319 = arith.constant 0 : i32
          %dma_wait3A_320 = arith.constant 0 : i32
          %dma_wait3A_321 = tpu.memref_slice %arg3[%dma_wait3A_311, %dma_wait3A_312, %dma_wait3A_319, %dma_wait3A_320] : memref<4x3x64x50000xf32, #tpu.memory_space<hbm>> -> memref<1x1x64x384xf32, #tpu.memory_space<hbm>>
          %dma_wait3A_322 = tpu.memref_squeeze %dma_wait3A_321 : memref<1x1x64x384xf32, #tpu.memory_space<hbm>> -> memref<64x384xf32, #tpu.memory_space<hbm>>
          tpu.wait_dma2 semaphore(%arg15 : memref<!tpu.dma_semaphore, #tpu.memory_space<semaphore_mem>>) src(%dma_wait3A_322 : memref<64x384xf32, #tpu.memory_space<hbm>>) dst(%dma_wait3A_318 : memref<64x384xf32, #tpu.memory_space<vmem_shared>>)
          %add3A_323 = arith.constant 32 : i32
          %add3A_324 = arith.addi %add3A_201, %add3A_323 : i32
          %jit3A_325 = arith.constant 130 : i32
          %div3A_326 = arith.divsi %add3A_324, %jit3A_325 : i32
          %sign3A_327 = arith.constant 0 : i32
          %sign3A_328 = arith.cmpi sgt, %add3A_324, %sign3A_327 : i32
          %sign3A_329 = arith.extui %sign3A_328 : i1 to i32
          %sign3A_330 = arith.constant 0 : i32
          %sign3A_331 = arith.cmpi slt, %add3A_324, %sign3A_330 : i32
          %sign3A_332 = arith.extui %sign3A_331 : i1 to i32
          %sign3A_333 = arith.subi %sign3A_329, %sign3A_332 : i32
          %sign3A_334 = arith.constant 0 : i32
          %sign3A_335 = arith.cmpi sgt, %jit3A_325, %sign3A_334 : i32
          %sign3A_336 = arith.extui %sign3A_335 : i1 to i32
          %sign3A_337 = arith.constant 0 : i32
          %sign3A_338 = arith.cmpi slt, %jit3A_325, %sign3A_337 : i32
          %sign3A_339 = arith.extui %sign3A_338 : i1 to i32
          %sign3A_340 = arith.subi %sign3A_336, %sign3A_339 : i32
          %ne3A_341 = arith.cmpi ne, %sign3A_333, %sign3A_340 : i32
          %rem3A_342 = arith.remsi %add3A_324, %jit3A_325 : i32
          %ne3A_343 = arith.constant 0 : i32
          %ne3A_344 = arith.cmpi ne, %rem3A_342, %ne3A_343 : i32
          %and3A_345 = arith.andi %ne3A_341, %ne3A_344 : i1
          %sub3A_346 = arith.constant 1 : i32
          %sub3A_347 = arith.subi %div3A_326, %sub3A_346 : i32
          %select_n3A_348 = arith.select %and3A_345, %sub3A_347, %div3A_326 : i32
          %mul3A_349 = arith.constant 130 : i32
          %mul3A_350 = arith.muli %select_n3A_348, %mul3A_349 : i32
          %sub3A_351 = arith.subi %add3A_324, %mul3A_350 : i32
          %jit3A_352 = arith.constant 3 : i32
          %div3A_353 = arith.divsi %select_n3A_348, %jit3A_352 : i32
          %sign3A_354 = arith.constant 0 : i32
          %sign3A_355 = arith.cmpi sgt, %select_n3A_348, %sign3A_354 : i32
          %sign3A_356 = arith.extui %sign3A_355 : i1 to i32
          %sign3A_357 = arith.constant 0 : i32
          %sign3A_358 = arith.cmpi slt, %select_n3A_348, %sign3A_357 : i32
          %sign3A_359 = arith.extui %sign3A_358 : i1 to i32
          %sign3A_360 = arith.subi %sign3A_356, %sign3A_359 : i32
          %sign3A_361 = arith.constant 0 : i32
          %sign3A_362 = arith.cmpi sgt, %jit3A_352, %sign3A_361 : i32
          %sign3A_363 = arith.extui %sign3A_362 : i1 to i32
          %sign3A_364 = arith.constant 0 : i32
          %sign3A_365 = arith.cmpi slt, %jit3A_352, %sign3A_364 : i32
          %sign3A_366 = arith.extui %sign3A_365 : i1 to i32
          %sign3A_367 = arith.subi %sign3A_363, %sign3A_366 : i32
          %ne3A_368 = arith.cmpi ne, %sign3A_360, %sign3A_367 : i32
          %rem3A_369 = arith.remsi %select_n3A_348, %jit3A_352 : i32
          %ne3A_370 = arith.constant 0 : i32
          %ne3A_371 = arith.cmpi ne, %rem3A_369, %ne3A_370 : i32
          %and3A_372 = arith.andi %ne3A_368, %ne3A_371 : i1
          %sub3A_373 = arith.constant 1 : i32
          %sub3A_374 = arith.subi %div3A_353, %sub3A_373 : i32
          %select_n3A_375 = arith.select %and3A_372, %sub3A_374, %div3A_353 : i32
          %mul3A_376 = arith.constant 3 : i32
          %mul3A_377 = arith.muli %select_n3A_375, %mul3A_376 : i32
          %sub3A_378 = arith.subi %select_n3A_348, %mul3A_377 : i32
          %mul3A_379 = arith.constant 384 : i32
          %mul3A_380 = arith.muli %sub3A_351, %mul3A_379 : i32
          %dma_start3A_381 = arith.constant 0 : i32
          %dma_start3A_382 = arith.constant 0 : i32
          %dma_start3A_383 = arith.constant 0 : i32
          %dma_start3A_384 = tpu.memref_slice %arg6[%arg1, %dma_start3A_381, %dma_start3A_382, %dma_start3A_383] : memref<16x2x64x384xf32, #tpu.memory_space<vmem_shared>> -> memref<1x1x64x384xf32, #tpu.memory_space<vmem_shared>>
          %dma_start3A_385 = tpu.memref_squeeze %dma_start3A_384 : memref<1x1x64x384xf32, #tpu.memory_space<vmem_shared>> -> memref<64x384xf32, #tpu.memory_space<vmem_shared>>
          %dma_start3A_386 = arith.constant 0 : i32
          %dma_start3A_387 = arith.constant 0 : i32
          %dma_start3A_388 = tpu.memref_slice %arg6[%arg1, %dma_start3A_381, %dma_start3A_386, %dma_start3A_387] : memref<16x2x64x384xf32, #tpu.memory_space<vmem_shared>> -> memref<1x1x64x384xf32, #tpu.memory_space<vmem_shared>>
          %dma_start3A_389 = tpu.memref_squeeze %dma_start3A_388 : memref<1x1x64x384xf32, #tpu.memory_space<vmem_shared>> -> memref<64x384xf32, #tpu.memory_space<vmem_shared>>
          tpu.enqueue_dma source(%dma_start3A_389 : memref<64x384xf32, #tpu.memory_space<vmem_shared>>) target(%arg7 : memref<64x384xf32, #tpu.memory_space<vmem>>) target_semaphore(%arg17 : memref<!tpu.dma_semaphore, #tpu.memory_space<semaphore_mem>>)
          %mul3A_390 = arith.constant 50000 : i32
          %mul3A_391 = arith.muli %select_n3A_375, %mul3A_390 : i32
          %add3A_392 = arith.addi %mul3A_391, %mul3A_380 : i32
          %dma_start3A_393 = tpu.memref_slice %arg2[%add3A_392] : memref<200000xf32, #tpu.memory_space<hbm>> -> memref<384xf32, #tpu.memory_space<hbm>>
          %dma_start3A_394 = tpu.memref_slice %arg2[%add3A_392] : memref<200000xf32, #tpu.memory_space<hbm>> -> memref<384xf32, #tpu.memory_space<hbm>>
          tpu.enqueue_dma source(%dma_start3A_394 : memref<384xf32, #tpu.memory_space<hbm>>) target(%arg9 : memref<384xf32, #tpu.memory_space<vmem>>) target_semaphore(%arg19 : memref<!tpu.dma_semaphore, #tpu.memory_space<semaphore_mem>>)
        } else {
        }
        %ge3A = arith.constant 1 : i32
        %ge3A_235 = arith.cmpi sge, %scan3A_182, %ge3A : i32
        %convert_element_type3A_236 = arith.extui %ge3A_235 : i1 to i32
        %cond3A_237 = arith.constant 0 : i32
        %cond3A_238 = arith.cmpi ne, %convert_element_type3A_236, %cond3A_237 : i32
        scf.if %cond3A_238 {
          %dma_wait3A_311 = arith.constant 0 : i32
          %dma_wait3A_312 = arith.constant 0 : i32
          %dma_wait3A_313 = arith.constant 0 : i32
          %dma_wait3A_314 = arith.constant 0 : i32
          %dma_wait3A_315 = tpu.memref_slice %arg4[%dma_wait3A_311, %dma_wait3A_312, %dma_wait3A_313, %dma_wait3A_314] : memref<4x3x1x49920xf32, #tpu.memory_space<hbm>> -> memref<1x1x1x384xf32, #tpu.memory_space<hbm>>
          %dma_wait3A_316 = tpu.memref_squeeze %dma_wait3A_315 : memref<1x1x1x384xf32, #tpu.memory_space<hbm>> -> memref<384xf32, #tpu.memory_space<hbm>>
          %dma_wait3A_317 = arith.constant 0 : i32
          %dma_wait3A_318 = tpu.memref_slice %arg4[%dma_wait3A_311, %dma_wait3A_312, %dma_wait3A_313, %dma_wait3A_317] : memref<4x3x1x49920xf32, #tpu.memory_space<hbm>> -> memref<1x1x1x384xf32, #tpu.memory_space<hbm>>
          %dma_wait3A_319 = tpu.memref_squeeze %dma_wait3A_318 : memref<1x1x1x384xf32, #tpu.memory_space<hbm>> -> memref<384xf32, #tpu.memory_space<hbm>>
          tpu.wait_dma2 semaphore(%arg22 : memref<!tpu.dma_semaphore, #tpu.memory_space<semaphore_mem>>) src(%arg12 : memref<384xf32, #tpu.memory_space<vmem>>) dst(%dma_wait3A_319 : memref<384xf32, #tpu.memory_space<hbm>>)
          %dma_wait3A_320 = arith.constant 0 : i32
          %dma_wait3A_321 = arith.constant 0 : i32
          %dma_wait3A_322 = arith.constant 0 : i32
          %dma_wait3A_323 = arith.constant 0 : i32
          %dma_wait3A_324 = tpu.memref_slice %arg5[%dma_wait3A_320, %dma_wait3A_321, %dma_wait3A_322, %dma_wait3A_323] : memref<4x3x1x49920xi32, #tpu.memory_space<hbm>> -> memref<1x1x1x384xi32, #tpu.memory_space<hbm>>
          %dma_wait3A_325 = tpu.memref_squeeze %dma_wait3A_324 : memref<1x1x1x384xi32, #tpu.memory_space<hbm>> -> memref<384xi32, #tpu.memory_space<hbm>>
          %dma_wait3A_326 = arith.constant 0 : i32
          %dma_wait3A_327 = tpu.memref_slice %arg5[%dma_wait3A_320, %dma_wait3A_321, %dma_wait3A_322, %dma_wait3A_326] : memref<4x3x1x49920xi32, #tpu.memory_space<hbm>> -> memref<1x1x1x384xi32, #tpu.memory_space<hbm>>
          %dma_wait3A_328 = tpu.memref_squeeze %dma_wait3A_327 : memref<1x1x1x384xi32, #tpu.memory_space<hbm>> -> memref<384xi32, #tpu.memory_space<hbm>>
          tpu.wait_dma2 semaphore(%arg22 : memref<!tpu.dma_semaphore, #tpu.memory_space<semaphore_mem>>) src(%arg14 : memref<384xi32, #tpu.memory_space<vmem>>) dst(%dma_wait3A_328 : memref<384xi32, #tpu.memory_space<hbm>>)
        } else {
        }
        %scan3A_239 = arith.constant 0 : i32
        %scan3A_240 = arith.constant 0 : i32
        %scan3A_241 = arith.constant 12 : i32
        %scan3A_242 = arith.addi %scan3A_240, %scan3A_241 : i32
        %scan3A_243 = arith.constant 1 : i32
        scf.for %scan3A_311 = %scan3A_240 to %scan3A_242 step %scan3A_243  : i32 {
          %mul3A_312 = arith.constant 2 : i32
          %mul3A_313 = arith.muli %mul3A_312, %scan3A_311 : i32
          %add3A_314 = arith.constant 0 : i32
          %add3A_315 = arith.addi %mul3A_313, %add3A_314 : i32
          %mul3A_316 = arith.constant 16 : i32
          %mul3A_317 = arith.muli %add3A_315, %mul3A_316 : i32
          %get3A = arith.index_cast %mul3A_317 : i32 to index
          %get3A_318 = tpu.vector_load %arg10[%get3A] {strides = array<i32>} : memref<384xf32, #tpu.memory_space<vmem>>, vector<16xf32>,
          %get3A_319 = vector.shape_cast %get3A_318 : vector<16xf32> to vector<16xf32>
          %get3A_320 = arith.constant 0 : i32
          %get3A_321 = arith.index_cast %get3A_320 : i32 to index
          %get3A_322 = arith.index_cast %mul3A_317 : i32 to index
          %get3A_323 = tpu.vector_load %arg8[%get3A_321, %get3A_322] {strides = array<i32>} : memref<64x384xf32, #tpu.memory_space<vmem>>, vector<1x16xf32>,
          %get3A_324 = vector.shape_cast %get3A_323 : vector<1x16xf32> to vector<16xf32>
          %mul3A_325 = arith.mulf %get3A_319, %get3A_324 : vector<16xf32>
          %broadcast_in_dim3A = arith.constant 0 : i32
          %broadcast_in_dim3A_326 = vector.broadcast %broadcast_in_dim3A : i32 to vector<16xi32>
          %get3A_327 = arith.constant 1 : i32
          %get3A_328 = arith.index_cast %get3A_327 : i32 to index
          %get3A_329 = arith.index_cast %mul3A_317 : i32 to index
          %get3A_330 = tpu.vector_load %arg8[%get3A_328, %get3A_329] {strides = array<i32>} : memref<64x384xf32, #tpu.memory_space<vmem>>, vector<1x16xf32>,
          %get3A_331 = vector.shape_cast %get3A_330 : vector<1x16xf32> to vector<16xf32>
          %mul3A_332 = arith.mulf %get3A_319, %get3A_331 : vector<16xf32>
          %gt3A = arith.cmpf ogt, %mul3A_332, %mul3A_325 : vector<16xf32>
          %broadcast_in_dim3A_333 = arith.constant 1 : i32
          %broadcast_in_dim3A_334 = vector.broadcast %broadcast_in_dim3A_333 : i32 to vector<16xi32>
          %select_n3A_335 = arith.select %gt3A, %broadcast_in_dim3A_334, %broadcast_in_dim3A_326 : vector<16xi1>, vector<16xi32>
          %max3A = arith.maximumf %mul3A_332, %mul3A_325 : vector<16xf32>
          %get3A_336 = arith.constant 2 : i32
          %get3A_337 = arith.index_cast %get3A_336 : i32 to index
          %get3A_338 = arith.index_cast %mul3A_317 : i32 to index
          %get3A_339 = tpu.vector_load %arg8[%get3A_337, %get3A_338] {strides = array<i32>} : memref<64x384xf32, #tpu.memory_space<vmem>>, vector<1x16xf32>,
          %get3A_340 = vector.shape_cast %get3A_339 : vector<1x16xf32> to vector<16xf32>
          %mul3A_341 = arith.mulf %get3A_319, %get3A_340 : vector<16xf32>
          %gt3A_342 = arith.cmpf ogt, %mul3A_341, %max3A : vector<16xf32>
          %broadcast_in_dim3A_343 = arith.constant 2 : i32
          %broadcast_in_dim3A_344 = vector.broadcast %broadcast_in_dim3A_343 : i32 to vector<16xi32>
          %select_n3A_345 = arith.select %gt3A_342, %broadcast_in_dim3A_344, %select_n3A_335 : vector<16xi1>, vector<16xi32>
          %max3A_346 = arith.maximumf %mul3A_341, %max3A : vector<16xf32>
          %get3A_347 = arith.constant 3 : i32
          %get3A_348 = arith.index_cast %get3A_347 : i32 to index
          %get3A_349 = arith.index_cast %mul3A_317 : i32 to index
          %get3A_350 = tpu.vector_load %arg8[%get3A_348, %get3A_349] {strides = array<i32>} : memref<64x384xf32, #tpu.memory_space<vmem>>, vector<1x16xf32>,
          %get3A_351 = vector.shape_cast %get3A_350 : vector<1x16xf32> to vector<16xf32>
          %mul3A_352 = arith.mulf %get3A_319, %get3A_351 : vector<16xf32>
          %gt3A_353 = arith.cmpf ogt, %mul3A_352, %max3A_346 : vector<16xf32>
          %broadcast_in_dim3A_354 = arith.constant 3 : i32
          %broadcast_in_dim3A_355 = vector.broadcast %broadcast_in_dim3A_354 : i32 to vector<16xi32>
          %select_n3A_356 = arith.select %gt3A_353, %broadcast_in_dim3A_355, %select_n3A_345 : vector<16xi1>, vector<16xi32>
          %max3A_357 = arith.maximumf %mul3A_352, %max3A_346 : vector<16xf32>
          %get3A_358 = arith.constant 4 : i32
          %get3A_359 = arith.index_cast %get3A_358 : i32 to index
          %get3A_360 = arith.index_cast %mul3A_317 : i32 to index
          %get3A_361 = tpu.vector_load %arg8[%get3A_359, %get3A_360] {strides = array<i32>} : memref<64x384xf32, #tpu.memory_space<vmem>>, vector<1x16xf32>,
          %get3A_362 = vector.shape_cast %get3A_361 : vector<1x16xf32> to vector<16xf32>
          %mul3A_363 = arith.mulf %get3A_319, %get3A_362 : vector<16xf32>
          %gt3A_364 = arith.cmpf ogt, %mul3A_363, %max3A_357 : vector<16xf32>
          %broadcast_in_dim3A_365 = arith.constant 4 : i32
          %broadcast_in_dim3A_366 = vector.broadcast %broadcast_in_dim3A_365 : i32 to vector<16xi32>
          %select_n3A_367 = arith.select %gt3A_364, %broadcast_in_dim3A_366, %select_n3A_356 : vector<16xi1>, vector<16xi32>
          %max3A_368 = arith.maximumf %mul3A_363, %max3A_357 : vector<16xf32>
          %get3A_369 = arith.constant 5 : i32
          %get3A_370 = arith.index_cast %get3A_369 : i32 to index
          %get3A_371 = arith.index_cast %mul3A_317 : i32 to index
          %get3A_372 = tpu.vector_load %arg8[%get3A_370, %get3A_371] {strides = array<i32>} : memref<64x384xf32, #tpu.memory_space<vmem>>, vector<1x16xf32>,
          %get3A_373 = vector.shape_cast %get3A_372 : vector<1x16xf32> to vector<16xf32>
          %mul3A_374 = arith.mulf %get3A_319, %get3A_373 : vector<16xf32>
          %gt3A_375 = arith.cmpf ogt, %mul3A_374, %max3A_368 : vector<16xf32>
          %broadcast_in_dim3A_376 = arith.constant 5 : i32
          %broadcast_in_dim3A_377 = vector.broadcast %broadcast_in_dim3A_376 : i32 to vector<16xi32>
          %select_n3A_378 = arith.select %gt3A_375, %broadcast_in_dim3A_377, %select_n3A_367 : vector<16xi1>, vector<16xi32>
          %max3A_379 = arith.maximumf %mul3A_374, %max3A_368 : vector<16xf32>
          %get3A_380 = arith.constant 6 : i32
          %get3A_381 = arith.index_cast %get3A_380 : i32 to index
          %get3A_382 = arith.index_cast %mul3A_317 : i32 to index
          %get3A_383 = tpu.vector_load %arg8[%get3A_381, %get3A_382] {strides = array<i32>} : memref<64x384xf32, #tpu.memory_space<vmem>>, vector<1x16xf32>,
          %get3A_384 = vector.shape_cast %get3A_383 : vector<1x16xf32> to vector<16xf32>
          %mul3A_385 = arith.mulf %get3A_319, %get3A_384 : vector<16xf32>
          %gt3A_386 = arith.cmpf ogt, %mul3A_385, %max3A_379 : vector<16xf32>
          %broadcast_in_dim3A_387 = arith.constant 6 : i32
          %broadcast_in_dim3A_388 = vector.broadcast %broadcast_in_dim3A_387 : i32 to vector<16xi32>
          %select_n3A_389 = arith.select %gt3A_386, %broadcast_in_dim3A_388, %select_n3A_378 : vector<16xi1>, vector<16xi32>
          %max3A_390 = arith.maximumf %mul3A_385, %max3A_379 : vector<16xf32>
          %get3A_391 = arith.constant 7 : i32
          %get3A_392 = arith.index_cast %get3A_391 : i32 to index
          %get3A_393 = arith.index_cast %mul3A_317 : i32 to index
          %get3A_394 = tpu.vector_load %arg8[%get3A_392, %get3A_393] {strides = array<i32>} : memref<64x384xf32, #tpu.memory_space<vmem>>, vector<1x16xf32>,
          %get3A_395 = vector.shape_cast %get3A_394 : vector<1x16xf32> to vector<16xf32>
          %mul3A_396 = arith.mulf %get3A_319, %get3A_395 : vector<16xf32>
          %gt3A_397 = arith.cmpf ogt, %mul3A_396, %max3A_390 : vector<16xf32>
          %broadcast_in_dim3A_398 = arith.constant 7 : i32
          %broadcast_in_dim3A_399 = vector.broadcast %broadcast_in_dim3A_398 : i32 to vector<16xi32>
          %select_n3A_400 = arith.select %gt3A_397, %broadcast_in_dim3A_399, %select_n3A_389 : vector<16xi1>, vector<16xi32>
          %max3A_401 = arith.maximumf %mul3A_396, %max3A_390 : vector<16xf32>
          %get3A_402 = arith.constant 8 : i32
          %get3A_403 = arith.index_cast %get3A_402 : i32 to index
          %get3A_404 = arith.index_cast %mul3A_317 : i32 to index
          %get3A_405 = tpu.vector_load %arg8[%get3A_403, %get3A_404] {strides = array<i32>} : memref<64x384xf32, #tpu.memory_space<vmem>>, vector<1x16xf32>,
          %get3A_406 = vector.shape_cast %get3A_405 : vector<1x16xf32> to vector<16xf32>
          %mul3A_407 = arith.mulf %get3A_319, %get3A_406 : vector<16xf32>
          %gt3A_408 = arith.cmpf ogt, %mul3A_407, %max3A_401 : vector<16xf32>
          %broadcast_in_dim3A_409 = arith.constant 8 : i32
          %broadcast_in_dim3A_410 = vector.broadcast %broadcast_in_dim3A_409 : i32 to vector<16xi32>
          %select_n3A_411 = arith.select %gt3A_408, %broadcast_in_dim3A_410, %select_n3A_400 : vector<16xi1>, vector<16xi32>
          %max3A_412 = arith.maximumf %mul3A_407, %max3A_401 : vector<16xf32>
          %get3A_413 = arith.constant 9 : i32
          %get3A_414 = arith.index_cast %get3A_413 : i32 to index
          %get3A_415 = arith.index_cast %mul3A_317 : i32 to index
          %get3A_416 = tpu.vector_load %arg8[%get3A_414, %get3A_415] {strides = array<i32>} : memref<64x384xf32, #tpu.memory_space<vmem>>, vector<1x16xf32>,
          %get3A_417 = vector.shape_cast %get3A_416 : vector<1x16xf32> to vector<16xf32>
          %mul3A_418 = arith.mulf %get3A_319, %get3A_417 : vector<16xf32>
          %gt3A_419 = arith.cmpf ogt, %mul3A_418, %max3A_412 : vector<16xf32>
          %broadcast_in_dim3A_420 = arith.constant 9 : i32
          %broadcast_in_dim3A_421 = vector.broadcast %broadcast_in_dim3A_420 : i32 to vector<16xi32>
          %select_n3A_422 = arith.select %gt3A_419, %broadcast_in_dim3A_421, %select_n3A_411 : vector<16xi1>, vector<16xi32>
          %max3A_423 = arith.maximumf %mul3A_418, %max3A_412 : vector<16xf32>
          %get3A_424 = arith.constant 10 : i32
          %get3A_425 = arith.index_cast %get3A_424 : i32 to index
          %get3A_426 = arith.index_cast %mul3A_317 : i32 to index
          %get3A_427 = tpu.vector_load %arg8[%get3A_425, %get3A_426] {strides = array<i32>} : memref<64x384xf32, #tpu.memory_space<vmem>>, vector<1x16xf32>,
          %get3A_428 = vector.shape_cast %get3A_427 : vector<1x16xf32> to vector<16xf32>
          %mul3A_429 = arith.mulf %get3A_319, %get3A_428 : vector<16xf32>
          %gt3A_430 = arith.cmpf ogt, %mul3A_429, %max3A_423 : vector<16xf32>
          %broadcast_in_dim3A_431 = arith.constant 10 : i32
          %broadcast_in_dim3A_432 = vector.broadcast %broadcast_in_dim3A_431 : i32 to vector<16xi32>
          %select_n3A_433 = arith.select %gt3A_430, %broadcast_in_dim3A_432, %select_n3A_422 : vector<16xi1>, vector<16xi32>
          %max3A_434 = arith.maximumf %mul3A_429, %max3A_423 : vector<16xf32>
          %get3A_435 = arith.constant 11 : i32
          %get3A_436 = arith.index_cast %get3A_435 : i32 to index
          %get3A_437 = arith.index_cast %mul3A_317 : i32 to index
          %get3A_438 = tpu.vector_load %arg8[%get3A_436, %get3A_437] {strides = array<i32>} : memref<64x384xf32, #tpu.memory_space<vmem>>, vector<1x16xf32>,
          %get3A_439 = vector.shape_cast %get3A_438 : vector<1x16xf32> to vector<16xf32>
          %mul3A_440 = arith.mulf %get3A_319, %get3A_439 : vector<16xf32>
          %gt3A_441 = arith.cmpf ogt, %mul3A_440, %max3A_434 : vector<16xf32>
          %broadcast_in_dim3A_442 = arith.constant 11 : i32
          %broadcast_in_dim3A_443 = vector.broadcast %broadcast_in_dim3A_442 : i32 to vector<16xi32>
          %select_n3A_444 = arith.select %gt3A_441, %broadcast_in_dim3A_443, %select_n3A_433 : vector<16xi1>, vector<16xi32>
          %max3A_445 = arith.maximumf %mul3A_440, %max3A_434 : vector<16xf32>
          %get3A_446 = arith.constant 12 : i32
          %get3A_447 = arith.index_cast %get3A_446 : i32 to index
          %get3A_448 = arith.index_cast %mul3A_317 : i32 to index
          %get3A_449 = tpu.vector_load %arg8[%get3A_447, %get3A_448] {strides = array<i32>} : memref<64x384xf32, #tpu.memory_space<vmem>>, vector<1x16xf32>,
          %get3A_450 = vector.shape_cast %get3A_449 : vector<1x16xf32> to vector<16xf32>
          %mul3A_451 = arith.mulf %get3A_319, %get3A_450 : vector<16xf32>
          %gt3A_452 = arith.cmpf ogt, %mul3A_451, %max3A_445 : vector<16xf32>
          %broadcast_in_dim3A_453 = arith.constant 12 : i32
          %broadcast_in_dim3A_454 = vector.broadcast %broadcast_in_dim3A_453 : i32 to vector<16xi32>
          %select_n3A_455 = arith.select %gt3A_452, %broadcast_in_dim3A_454, %select_n3A_444 : vector<16xi1>, vector<16xi32>
          %max3A_456 = arith.maximumf %mul3A_451, %max3A_445 : vector<16xf32>
          %get3A_457 = arith.constant 13 : i32
          %get3A_458 = arith.index_cast %get3A_457 : i32 to index
          %get3A_459 = arith.index_cast %mul3A_317 : i32 to index
          %get3A_460 = tpu.vector_load %arg8[%get3A_458, %get3A_459] {strides = array<i32>} : memref<64x384xf32, #tpu.memory_space<vmem>>, vector<1x16xf32>,
          %get3A_461 = vector.shape_cast %get3A_460 : vector<1x16xf32> to vector<16xf32>
          %mul3A_462 = arith.mulf %get3A_319, %get3A_461 : vector<16xf32>
          %gt3A_463 = arith.cmpf ogt, %mul3A_462, %max3A_456 : vector<16xf32>
          %broadcast_in_dim3A_464 = arith.constant 13 : i32
          %broadcast_in_dim3A_465 = vector.broadcast %broadcast_in_dim3A_464 : i32 to vector<16xi32>
          %select_n3A_466 = arith.select %gt3A_463, %broadcast_in_dim3A_465, %select_n3A_455 : vector<16xi1>, vector<16xi32>
          %max3A_467 = arith.maximumf %mul3A_462, %max3A_456 : vector<16xf32>
          %get3A_468 = arith.constant 14 : i32
          %get3A_469 = arith.index_cast %get3A_468 : i32 to index
          %get3A_470 = arith.index_cast %mul3A_317 : i32 to index
          %get3A_471 = tpu.vector_load %arg8[%get3A_469, %get3A_470] {strides = array<i32>} : memref<64x384xf32, #tpu.memory_space<vmem>>, vector<1x16xf32>,
          %get3A_472 = vector.shape_cast %get3A_471 : vector<1x16xf32> to vector<16xf32>
          %mul3A_473 = arith.mulf %get3A_319, %get3A_472 : vector<16xf32>
          %gt3A_474 = arith.cmpf ogt, %mul3A_473, %max3A_467 : vector<16xf32>
          %broadcast_in_dim3A_475 = arith.constant 14 : i32
          %broadcast_in_dim3A_476 = vector.broadcast %broadcast_in_dim3A_475 : i32 to vector<16xi32>
          %select_n3A_477 = arith.select %gt3A_474, %broadcast_in_dim3A_476, %select_n3A_466 : vector<16xi1>, vector<16xi32>
          %max3A_478 = arith.maximumf %mul3A_473, %max3A_467 : vector<16xf32>
          %get3A_479 = arith.constant 15 : i32
          %get3A_480 = arith.index_cast %get3A_479 : i32 to index
          %get3A_481 = arith.index_cast %mul3A_317 : i32 to index
          %get3A_482 = tpu.vector_load %arg8[%get3A_480, %get3A_481] {strides = array<i32>} : memref<64x384xf32, #tpu.memory_space<vmem>>, vector<1x16xf32>,
          %get3A_483 = vector.shape_cast %get3A_482 : vector<1x16xf32> to vector<16xf32>
          %mul3A_484 = arith.mulf %get3A_319, %get3A_483 : vector<16xf32>
          %gt3A_485 = arith.cmpf ogt, %mul3A_484, %max3A_478 : vector<16xf32>
          %broadcast_in_dim3A_486 = arith.constant 15 : i32
          %broadcast_in_dim3A_487 = vector.broadcast %broadcast_in_dim3A_486 : i32 to vector<16xi32>
          %select_n3A_488 = arith.select %gt3A_485, %broadcast_in_dim3A_487, %select_n3A_477 : vector<16xi1>, vector<16xi32>
          %max3A_489 = arith.maximumf %mul3A_484, %max3A_478 : vector<16xf32>
          %get3A_490 = arith.constant 16 : i32
          %get3A_491 = arith.index_cast %get3A_490 : i32 to index
          %get3A_492 = arith.index_cast %mul3A_317 : i32 to index
          %get3A_493 = tpu.vector_load %arg8[%get3A_491, %get3A_492] {strides = array<i32>} : memref<64x384xf32, #tpu.memory_space<vmem>>, vector<1x16xf32>,
          %get3A_494 = vector.shape_cast %get3A_493 : vector<1x16xf32> to vector<16xf32>
          %mul3A_495 = arith.mulf %get3A_319, %get3A_494 : vector<16xf32>
          %gt3A_496 = arith.cmpf ogt, %mul3A_495, %max3A_489 : vector<16xf32>
          %broadcast_in_dim3A_497 = arith.constant 16 : i32
          %broadcast_in_dim3A_498 = vector.broadcast %broadcast_in_dim3A_497 : i32 to vector<16xi32>
          %select_n3A_499 = arith.select %gt3A_496, %broadcast_in_dim3A_498, %select_n3A_488 : vector<16xi1>, vector<16xi32>
          %max3A_500 = arith.maximumf %mul3A_495, %max3A_489 : vector<16xf32>
          %get3A_501 = arith.constant 17 : i32
          %get3A_502 = arith.index_cast %get3A_501 : i32 to index
          %get3A_503 = arith.index_cast %mul3A_317 : i32 to index
          %get3A_504 = tpu.vector_load %arg8[%get3A_502, %get3A_503] {strides = array<i32>} : memref<64x384xf32, #tpu.memory_space<vmem>>, vector<1x16xf32>,
          %get3A_505 = vector.shape_cast %get3A_504 : vector<1x16xf32> to vector<16xf32>
          %mul3A_506 = arith.mulf %get3A_319, %get3A_505 : vector<16xf32>
          %gt3A_507 = arith.cmpf ogt, %mul3A_506, %max3A_500 : vector<16xf32>
          %broadcast_in_dim3A_508 = arith.constant 17 : i32
          %broadcast_in_dim3A_509 = vector.broadcast %broadcast_in_dim3A_508 : i32 to vector<16xi32>
          %select_n3A_510 = arith.select %gt3A_507, %broadcast_in_dim3A_509, %select_n3A_499 : vector<16xi1>, vector<16xi32>
          %max3A_511 = arith.maximumf %mul3A_506, %max3A_500 : vector<16xf32>
          %get3A_512 = arith.constant 18 : i32
          %get3A_513 = arith.index_cast %get3A_512 : i32 to index
          %get3A_514 = arith.index_cast %mul3A_317 : i32 to index
          %get3A_515 = tpu.vector_load %arg8[%get3A_513, %get3A_514] {strides = array<i32>} : memref<64x384xf32, #tpu.memory_space<vmem>>, vector<1x16xf32>,
          %get3A_516 = vector.shape_cast %get3A_515 : vector<1x16xf32> to vector<16xf32>
          %mul3A_517 = arith.mulf %get3A_319, %get3A_516 : vector<16xf32>
          %gt3A_518 = arith.cmpf ogt, %mul3A_517, %max3A_511 : vector<16xf32>
          %broadcast_in_dim3A_519 = arith.constant 18 : i32
          %broadcast_in_dim3A_520 = vector.broadcast %broadcast_in_dim3A_519 : i32 to vector<16xi32>
          %select_n3A_521 = arith.select %gt3A_518, %broadcast_in_dim3A_520, %select_n3A_510 : vector<16xi1>, vector<16xi32>
          %max3A_522 = arith.maximumf %mul3A_517, %max3A_511 : vector<16xf32>
          %get3A_523 = arith.constant 19 : i32
          %get3A_524 = arith.index_cast %get3A_523 : i32 to index
          %get3A_525 = arith.index_cast %mul3A_317 : i32 to index
          %get3A_526 = tpu.vector_load %arg8[%get3A_524, %get3A_525] {strides = array<i32>} : memref<64x384xf32, #tpu.memory_space<vmem>>, vector<1x16xf32>,
          %get3A_527 = vector.shape_cast %get3A_526 : vector<1x16xf32> to vector<16xf32>
          %mul3A_528 = arith.mulf %get3A_319, %get3A_527 : vector<16xf32>
          %gt3A_529 = arith.cmpf ogt, %mul3A_528, %max3A_522 : vector<16xf32>
          %broadcast_in_dim3A_530 = arith.constant 19 : i32
          %broadcast_in_dim3A_531 = vector.broadcast %broadcast_in_dim3A_530 : i32 to vector<16xi32>
          %select_n3A_532 = arith.select %gt3A_529, %broadcast_in_dim3A_531, %select_n3A_521 : vector<16xi1>, vector<16xi32>
          %max3A_533 = arith.maximumf %mul3A_528, %max3A_522 : vector<16xf32>
          %get3A_534 = arith.constant 20 : i32
          %get3A_535 = arith.index_cast %get3A_534 : i32 to index
          %get3A_536 = arith.index_cast %mul3A_317 : i32 to index
          %get3A_537 = tpu.vector_load %arg8[%get3A_535, %get3A_536] {strides = array<i32>} : memref<64x384xf32, #tpu.memory_space<vmem>>, vector<1x16xf32>,
          %get3A_538 = vector.shape_cast %get3A_537 : vector<1x16xf32> to vector<16xf32>
          %mul3A_539 = arith.mulf %get3A_319, %get3A_538 : vector<16xf32>
          %gt3A_540 = arith.cmpf ogt, %mul3A_539, %max3A_533 : vector<16xf32>
          %broadcast_in_dim3A_541 = arith.constant 20 : i32
          %broadcast_in_dim3A_542 = vector.broadcast %broadcast_in_dim3A_541 : i32 to vector<16xi32>
          %select_n3A_543 = arith.select %gt3A_540, %broadcast_in_dim3A_542, %select_n3A_532 : vector<16xi1>, vector<16xi32>
          %max3A_544 = arith.maximumf %mul3A_539, %max3A_533 : vector<16xf32>
          %get3A_545 = arith.constant 21 : i32
          %get3A_546 = arith.index_cast %get3A_545 : i32 to index
          %get3A_547 = arith.index_cast %mul3A_317 : i32 to index
          %get3A_548 = tpu.vector_load %arg8[%get3A_546, %get3A_547] {strides = array<i32>} : memref<64x384xf32, #tpu.memory_space<vmem>>, vector<1x16xf32>,
          %get3A_549 = vector.shape_cast %get3A_548 : vector<1x16xf32> to vector<16xf32>
          %mul3A_550 = arith.mulf %get3A_319, %get3A_549 : vector<16xf32>
          %gt3A_551 = arith.cmpf ogt, %mul3A_550, %max3A_544 : vector<16xf32>
          %broadcast_in_dim3A_552 = arith.constant 21 : i32
          %broadcast_in_dim3A_553 = vector.broadcast %broadcast_in_dim3A_552 : i32 to vector<16xi32>
          %select_n3A_554 = arith.select %gt3A_551, %broadcast_in_dim3A_553, %select_n3A_543 : vector<16xi1>, vector<16xi32>
          %max3A_555 = arith.maximumf %mul3A_550, %max3A_544 : vector<16xf32>
          %get3A_556 = arith.constant 22 : i32
          %get3A_557 = arith.index_cast %get3A_556 : i32 to index
          %get3A_558 = arith.index_cast %mul3A_317 : i32 to index
          %get3A_559 = tpu.vector_load %arg8[%get3A_557, %get3A_558] {strides = array<i32>} : memref<64x384xf32, #tpu.memory_space<vmem>>, vector<1x16xf32>,
          %get3A_560 = vector.shape_cast %get3A_559 : vector<1x16xf32> to vector<16xf32>
          %mul3A_561 = arith.mulf %get3A_319, %get3A_560 : vector<16xf32>
          %gt3A_562 = arith.cmpf ogt, %mul3A_561, %max3A_555 : vector<16xf32>
          %broadcast_in_dim3A_563 = arith.constant 22 : i32
          %broadcast_in_dim3A_564 = vector.broadcast %broadcast_in_dim3A_563 : i32 to vector<16xi32>
          %select_n3A_565 = arith.select %gt3A_562, %broadcast_in_dim3A_564, %select_n3A_554 : vector<16xi1>, vector<16xi32>
          %max3A_566 = arith.maximumf %mul3A_561, %max3A_555 : vector<16xf32>
          %get3A_567 = arith.constant 23 : i32
          %get3A_568 = arith.index_cast %get3A_567 : i32 to index
          %get3A_569 = arith.index_cast %mul3A_317 : i32 to index
          %get3A_570 = tpu.vector_load %arg8[%get3A_568, %get3A_569] {strides = array<i32>} : memref<64x384xf32, #tpu.memory_space<vmem>>, vector<1x16xf32>,
          %get3A_571 = vector.shape_cast %get3A_570 : vector<1x16xf32> to vector<16xf32>
          %mul3A_572 = arith.mulf %get3A_319, %get3A_571 : vector<16xf32>
          %gt3A_573 = arith.cmpf ogt, %mul3A_572, %max3A_566 : vector<16xf32>
          %broadcast_in_dim3A_574 = arith.constant 23 : i32
          %broadcast_in_dim3A_575 = vector.broadcast %broadcast_in_dim3A_574 : i32 to vector<16xi32>
          %select_n3A_576 = arith.select %gt3A_573, %broadcast_in_dim3A_575, %select_n3A_565 : vector<16xi1>, vector<16xi32>
          %max3A_577 = arith.maximumf %mul3A_572, %max3A_566 : vector<16xf32>
          %get3A_578 = arith.constant 24 : i32
          %get3A_579 = arith.index_cast %get3A_578 : i32 to index
          %get3A_580 = arith.index_cast %mul3A_317 : i32 to index
          %get3A_581 = tpu.vector_load %arg8[%get3A_579, %get3A_580] {strides = array<i32>} : memref<64x384xf32, #tpu.memory_space<vmem>>, vector<1x16xf32>,
          %get3A_582 = vector.shape_cast %get3A_581 : vector<1x16xf32> to vector<16xf32>
          %mul3A_583 = arith.mulf %get3A_319, %get3A_582 : vector<16xf32>
          %gt3A_584 = arith.cmpf ogt, %mul3A_583, %max3A_577 : vector<16xf32>
          %broadcast_in_dim3A_585 = arith.constant 24 : i32
          %broadcast_in_dim3A_586 = vector.broadcast %broadcast_in_dim3A_585 : i32 to vector<16xi32>
          %select_n3A_587 = arith.select %gt3A_584, %broadcast_in_dim3A_586, %select_n3A_576 : vector<16xi1>, vector<16xi32>
          %max3A_588 = arith.maximumf %mul3A_583, %max3A_577 : vector<16xf32>
          %get3A_589 = arith.constant 25 : i32
          %get3A_590 = arith.index_cast %get3A_589 : i32 to index
          %get3A_591 = arith.index_cast %mul3A_317 : i32 to index
          %get3A_592 = tpu.vector_load %arg8[%get3A_590, %get3A_591] {strides = array<i32>} : memref<64x384xf32, #tpu.memory_space<vmem>>, vector<1x16xf32>,
          %get3A_593 = vector.shape_cast %get3A_592 : vector<1x16xf32> to vector<16xf32>
          %mul3A_594 = arith.mulf %get3A_319, %get3A_593 : vector<16xf32>
          %gt3A_595 = arith.cmpf ogt, %mul3A_594, %max3A_588 : vector<16xf32>
          %broadcast_in_dim3A_596 = arith.constant 25 : i32
          %broadcast_in_dim3A_597 = vector.broadcast %broadcast_in_dim3A_596 : i32 to vector<16xi32>
          %select_n3A_598 = arith.select %gt3A_595, %broadcast_in_dim3A_597, %select_n3A_587 : vector<16xi1>, vector<16xi32>
          %max3A_599 = arith.maximumf %mul3A_594, %max3A_588 : vector<16xf32>
          %get3A_600 = arith.constant 26 : i32
          %get3A_601 = arith.index_cast %get3A_600 : i32 to index
          %get3A_602 = arith.index_cast %mul3A_317 : i32 to index
          %get3A_603 = tpu.vector_load %arg8[%get3A_601, %get3A_602] {strides = array<i32>} : memref<64x384xf32, #tpu.memory_space<vmem>>, vector<1x16xf32>,
          %get3A_604 = vector.shape_cast %get3A_603 : vector<1x16xf32> to vector<16xf32>
          %mul3A_605 = arith.mulf %get3A_319, %get3A_604 : vector<16xf32>
          %gt3A_606 = arith.cmpf ogt, %mul3A_605, %max3A_599 : vector<16xf32>
          %broadcast_in_dim3A_607 = arith.constant 26 : i32
          %broadcast_in_dim3A_608 = vector.broadcast %broadcast_in_dim3A_607 : i32 to vector<16xi32>
          %select_n3A_609 = arith.select %gt3A_606, %broadcast_in_dim3A_608, %select_n3A_598 : vector<16xi1>, vector<16xi32>
          %max3A_610 = arith.maximumf %mul3A_605, %max3A_599 : vector<16xf32>
          %get3A_611 = arith.constant 27 : i32
          %get3A_612 = arith.index_cast %get3A_611 : i32 to index
          %get3A_613 = arith.index_cast %mul3A_317 : i32 to index
          %get3A_614 = tpu.vector_load %arg8[%get3A_612, %get3A_613] {strides = array<i32>} : memref<64x384xf32, #tpu.memory_space<vmem>>, vector<1x16xf32>,
          %get3A_615 = vector.shape_cast %get3A_614 : vector<1x16xf32> to vector<16xf32>
          %mul3A_616 = arith.mulf %get3A_319, %get3A_615 : vector<16xf32>
          %gt3A_617 = arith.cmpf ogt, %mul3A_616, %max3A_610 : vector<16xf32>
          %broadcast_in_dim3A_618 = arith.constant 27 : i32
          %broadcast_in_dim3A_619 = vector.broadcast %broadcast_in_dim3A_618 : i32 to vector<16xi32>
          %select_n3A_620 = arith.select %gt3A_617, %broadcast_in_dim3A_619, %select_n3A_609 : vector<16xi1>, vector<16xi32>
          %max3A_621 = arith.maximumf %mul3A_616, %max3A_610 : vector<16xf32>
          %get3A_622 = arith.constant 28 : i32
          %get3A_623 = arith.index_cast %get3A_622 : i32 to index
          %get3A_624 = arith.index_cast %mul3A_317 : i32 to index
          %get3A_625 = tpu.vector_load %arg8[%get3A_623, %get3A_624] {strides = array<i32>} : memref<64x384xf32, #tpu.memory_space<vmem>>, vector<1x16xf32>,
          %get3A_626 = vector.shape_cast %get3A_625 : vector<1x16xf32> to vector<16xf32>
          %mul3A_627 = arith.mulf %get3A_319, %get3A_626 : vector<16xf32>
          %gt3A_628 = arith.cmpf ogt, %mul3A_627, %max3A_621 : vector<16xf32>
          %broadcast_in_dim3A_629 = arith.constant 28 : i32
          %broadcast_in_dim3A_630 = vector.broadcast %broadcast_in_dim3A_629 : i32 to vector<16xi32>
          %select_n3A_631 = arith.select %gt3A_628, %broadcast_in_dim3A_630, %select_n3A_620 : vector<16xi1>, vector<16xi32>
          %max3A_632 = arith.maximumf %mul3A_627, %max3A_621 : vector<16xf32>
          %get3A_633 = arith.constant 29 : i32
          %get3A_634 = arith.index_cast %get3A_633 : i32 to index
          %get3A_635 = arith.index_cast %mul3A_317 : i32 to index
          %get3A_636 = tpu.vector_load %arg8[%get3A_634, %get3A_635] {strides = array<i32>} : memref<64x384xf32, #tpu.memory_space<vmem>>, vector<1x16xf32>,
          %get3A_637 = vector.shape_cast %get3A_636 : vector<1x16xf32> to vector<16xf32>
          %mul3A_638 = arith.mulf %get3A_319, %get3A_637 : vector<16xf32>
          %gt3A_639 = arith.cmpf ogt, %mul3A_638, %max3A_632 : vector<16xf32>
          %broadcast_in_dim3A_640 = arith.constant 29 : i32
          %broadcast_in_dim3A_641 = vector.broadcast %broadcast_in_dim3A_640 : i32 to vector<16xi32>
          %select_n3A_642 = arith.select %gt3A_639, %broadcast_in_dim3A_641, %select_n3A_631 : vector<16xi1>, vector<16xi32>
          %max3A_643 = arith.maximumf %mul3A_638, %max3A_632 : vector<16xf32>
          %get3A_644 = arith.constant 30 : i32
          %get3A_645 = arith.index_cast %get3A_644 : i32 to index
          %get3A_646 = arith.index_cast %mul3A_317 : i32 to index
          %get3A_647 = tpu.vector_load %arg8[%get3A_645, %get3A_646] {strides = array<i32>} : memref<64x384xf32, #tpu.memory_space<vmem>>, vector<1x16xf32>,
          %get3A_648 = vector.shape_cast %get3A_647 : vector<1x16xf32> to vector<16xf32>
          %mul3A_649 = arith.mulf %get3A_319, %get3A_648 : vector<16xf32>
          %gt3A_650 = arith.cmpf ogt, %mul3A_649, %max3A_643 : vector<16xf32>
          %broadcast_in_dim3A_651 = arith.constant 30 : i32
          %broadcast_in_dim3A_652 = vector.broadcast %broadcast_in_dim3A_651 : i32 to vector<16xi32>
          %select_n3A_653 = arith.select %gt3A_650, %broadcast_in_dim3A_652, %select_n3A_642 : vector<16xi1>, vector<16xi32>
          %max3A_654 = arith.maximumf %mul3A_649, %max3A_643 : vector<16xf32>
          %get3A_655 = arith.constant 31 : i32
          %get3A_656 = arith.index_cast %get3A_655 : i32 to index
          %get3A_657 = arith.index_cast %mul3A_317 : i32 to index
          %get3A_658 = tpu.vector_load %arg8[%get3A_656, %get3A_657] {strides = array<i32>} : memref<64x384xf32, #tpu.memory_space<vmem>>, vector<1x16xf32>,
          %get3A_659 = vector.shape_cast %get3A_658 : vector<1x16xf32> to vector<16xf32>
          %mul3A_660 = arith.mulf %get3A_319, %get3A_659 : vector<16xf32>
          %gt3A_661 = arith.cmpf ogt, %mul3A_660, %max3A_654 : vector<16xf32>
          %broadcast_in_dim3A_662 = arith.constant 31 : i32
          %broadcast_in_dim3A_663 = vector.broadcast %broadcast_in_dim3A_662 : i32 to vector<16xi32>
          %select_n3A_664 = arith.select %gt3A_661, %broadcast_in_dim3A_663, %select_n3A_653 : vector<16xi1>, vector<16xi32>
          %max3A_665 = arith.maximumf %mul3A_660, %max3A_654 : vector<16xf32>
          %get3A_666 = arith.constant 32 : i32
          %get3A_667 = arith.index_cast %get3A_666 : i32 to index
          %get3A_668 = arith.index_cast %mul3A_317 : i32 to index
          %get3A_669 = tpu.vector_load %arg8[%get3A_667, %get3A_668] {strides = array<i32>} : memref<64x384xf32, #tpu.memory_space<vmem>>, vector<1x16xf32>,
          %get3A_670 = vector.shape_cast %get3A_669 : vector<1x16xf32> to vector<16xf32>
          %mul3A_671 = arith.mulf %get3A_319, %get3A_670 : vector<16xf32>
          %gt3A_672 = arith.cmpf ogt, %mul3A_671, %max3A_665 : vector<16xf32>
          %broadcast_in_dim3A_673 = arith.constant 32 : i32
          %broadcast_in_dim3A_674 = vector.broadcast %broadcast_in_dim3A_673 : i32 to vector<16xi32>
          %select_n3A_675 = arith.select %gt3A_672, %broadcast_in_dim3A_674, %select_n3A_664 : vector<16xi1>, vector<16xi32>
          %max3A_676 = arith.maximumf %mul3A_671, %max3A_665 : vector<16xf32>
          %get3A_677 = arith.constant 33 : i32
          %get3A_678 = arith.index_cast %get3A_677 : i32 to index
          %get3A_679 = arith.index_cast %mul3A_317 : i32 to index
          %get3A_680 = tpu.vector_load %arg8[%get3A_678, %get3A_679] {strides = array<i32>} : memref<64x384xf32, #tpu.memory_space<vmem>>, vector<1x16xf32>,
          %get3A_681 = vector.shape_cast %get3A_680 : vector<1x16xf32> to vector<16xf32>
          %mul3A_682 = arith.mulf %get3A_319, %get3A_681 : vector<16xf32>
          %gt3A_683 = arith.cmpf ogt, %mul3A_682, %max3A_676 : vector<16xf32>
          %broadcast_in_dim3A_684 = arith.constant 33 : i32
          %broadcast_in_dim3A_685 = vector.broadcast %broadcast_in_dim3A_684 : i32 to vector<16xi32>
          %select_n3A_686 = arith.select %gt3A_683, %broadcast_in_dim3A_685, %select_n3A_675 : vector<16xi1>, vector<16xi32>
          %max3A_687 = arith.maximumf %mul3A_682, %max3A_676 : vector<16xf32>
          %get3A_688 = arith.constant 34 : i32
          %get3A_689 = arith.index_cast %get3A_688 : i32 to index
          %get3A_690 = arith.index_cast %mul3A_317 : i32 to index
          %get3A_691 = tpu.vector_load %arg8[%get3A_689, %get3A_690] {strides = array<i32>} : memref<64x384xf32, #tpu.memory_space<vmem>>, vector<1x16xf32>,
          %get3A_692 = vector.shape_cast %get3A_691 : vector<1x16xf32> to vector<16xf32>
          %mul3A_693 = arith.mulf %get3A_319, %get3A_692 : vector<16xf32>
          %gt3A_694 = arith.cmpf ogt, %mul3A_693, %max3A_687 : vector<16xf32>
          %broadcast_in_dim3A_695 = arith.constant 34 : i32
          %broadcast_in_dim3A_696 = vector.broadcast %broadcast_in_dim3A_695 : i32 to vector<16xi32>
          %select_n3A_697 = arith.select %gt3A_694, %broadcast_in_dim3A_696, %select_n3A_686 : vector<16xi1>, vector<16xi32>
          %max3A_698 = arith.maximumf %mul3A_693, %max3A_687 : vector<16xf32>
          %get3A_699 = arith.constant 35 : i32
          %get3A_700 = arith.index_cast %get3A_699 : i32 to index
          %get3A_701 = arith.index_cast %mul3A_317 : i32 to index
          %get3A_702 = tpu.vector_load %arg8[%get3A_700, %get3A_701] {strides = array<i32>} : memref<64x384xf32, #tpu.memory_space<vmem>>, vector<1x16xf32>,
          %get3A_703 = vector.shape_cast %get3A_702 : vector<1x16xf32> to vector<16xf32>
          %mul3A_704 = arith.mulf %get3A_319, %get3A_703 : vector<16xf32>
          %gt3A_705 = arith.cmpf ogt, %mul3A_704, %max3A_698 : vector<16xf32>
          %broadcast_in_dim3A_706 = arith.constant 35 : i32
          %broadcast_in_dim3A_707 = vector.broadcast %broadcast_in_dim3A_706 : i32 to vector<16xi32>
          %select_n3A_708 = arith.select %gt3A_705, %broadcast_in_dim3A_707, %select_n3A_697 : vector<16xi1>, vector<16xi32>
          %max3A_709 = arith.maximumf %mul3A_704, %max3A_698 : vector<16xf32>
          %get3A_710 = arith.constant 36 : i32
          %get3A_711 = arith.index_cast %get3A_710 : i32 to index
          %get3A_712 = arith.index_cast %mul3A_317 : i32 to index
          %get3A_713 = tpu.vector_load %arg8[%get3A_711, %get3A_712] {strides = array<i32>} : memref<64x384xf32, #tpu.memory_space<vmem>>, vector<1x16xf32>,
          %get3A_714 = vector.shape_cast %get3A_713 : vector<1x16xf32> to vector<16xf32>
          %mul3A_715 = arith.mulf %get3A_319, %get3A_714 : vector<16xf32>
          %gt3A_716 = arith.cmpf ogt, %mul3A_715, %max3A_709 : vector<16xf32>
          %broadcast_in_dim3A_717 = arith.constant 36 : i32
          %broadcast_in_dim3A_718 = vector.broadcast %broadcast_in_dim3A_717 : i32 to vector<16xi32>
          %select_n3A_719 = arith.select %gt3A_716, %broadcast_in_dim3A_718, %select_n3A_708 : vector<16xi1>, vector<16xi32>
          %max3A_720 = arith.maximumf %mul3A_715, %max3A_709 : vector<16xf32>
          %get3A_721 = arith.constant 37 : i32
          %get3A_722 = arith.index_cast %get3A_721 : i32 to index
          %get3A_723 = arith.index_cast %mul3A_317 : i32 to index
          %get3A_724 = tpu.vector_load %arg8[%get3A_722, %get3A_723] {strides = array<i32>} : memref<64x384xf32, #tpu.memory_space<vmem>>, vector<1x16xf32>,
          %get3A_725 = vector.shape_cast %get3A_724 : vector<1x16xf32> to vector<16xf32>
          %mul3A_726 = arith.mulf %get3A_319, %get3A_725 : vector<16xf32>
          %gt3A_727 = arith.cmpf ogt, %mul3A_726, %max3A_720 : vector<16xf32>
          %broadcast_in_dim3A_728 = arith.constant 37 : i32
          %broadcast_in_dim3A_729 = vector.broadcast %broadcast_in_dim3A_728 : i32 to vector<16xi32>
          %select_n3A_730 = arith.select %gt3A_727, %broadcast_in_dim3A_729, %select_n3A_719 : vector<16xi1>, vector<16xi32>
          %max3A_731 = arith.maximumf %mul3A_726, %max3A_720 : vector<16xf32>
          %get3A_732 = arith.constant 38 : i32
          %get3A_733 = arith.index_cast %get3A_732 : i32 to index
          %get3A_734 = arith.index_cast %mul3A_317 : i32 to index
          %get3A_735 = tpu.vector_load %arg8[%get3A_733, %get3A_734] {strides = array<i32>} : memref<64x384xf32, #tpu.memory_space<vmem>>, vector<1x16xf32>,
          %get3A_736 = vector.shape_cast %get3A_735 : vector<1x16xf32> to vector<16xf32>
          %mul3A_737 = arith.mulf %get3A_319, %get3A_736 : vector<16xf32>
          %gt3A_738 = arith.cmpf ogt, %mul3A_737, %max3A_731 : vector<16xf32>
          %broadcast_in_dim3A_739 = arith.constant 38 : i32
          %broadcast_in_dim3A_740 = vector.broadcast %broadcast_in_dim3A_739 : i32 to vector<16xi32>
          %select_n3A_741 = arith.select %gt3A_738, %broadcast_in_dim3A_740, %select_n3A_730 : vector<16xi1>, vector<16xi32>
          %max3A_742 = arith.maximumf %mul3A_737, %max3A_731 : vector<16xf32>
          %get3A_743 = arith.constant 39 : i32
          %get3A_744 = arith.index_cast %get3A_743 : i32 to index
          %get3A_745 = arith.index_cast %mul3A_317 : i32 to index
          %get3A_746 = tpu.vector_load %arg8[%get3A_744, %get3A_745] {strides = array<i32>} : memref<64x384xf32, #tpu.memory_space<vmem>>, vector<1x16xf32>,
          %get3A_747 = vector.shape_cast %get3A_746 : vector<1x16xf32> to vector<16xf32>
          %mul3A_748 = arith.mulf %get3A_319, %get3A_747 : vector<16xf32>
          %gt3A_749 = arith.cmpf ogt, %mul3A_748, %max3A_742 : vector<16xf32>
          %broadcast_in_dim3A_750 = arith.constant 39 : i32
          %broadcast_in_dim3A_751 = vector.broadcast %broadcast_in_dim3A_750 : i32 to vector<16xi32>
          %select_n3A_752 = arith.select %gt3A_749, %broadcast_in_dim3A_751, %select_n3A_741 : vector<16xi1>, vector<16xi32>
          %max3A_753 = arith.maximumf %mul3A_748, %max3A_742 : vector<16xf32>
          %get3A_754 = arith.constant 40 : i32
          %get3A_755 = arith.index_cast %get3A_754 : i32 to index
          %get3A_756 = arith.index_cast %mul3A_317 : i32 to index
          %get3A_757 = tpu.vector_load %arg8[%get3A_755, %get3A_756] {strides = array<i32>} : memref<64x384xf32, #tpu.memory_space<vmem>>, vector<1x16xf32>,
          %get3A_758 = vector.shape_cast %get3A_757 : vector<1x16xf32> to vector<16xf32>
          %mul3A_759 = arith.mulf %get3A_319, %get3A_758 : vector<16xf32>
          %gt3A_760 = arith.cmpf ogt, %mul3A_759, %max3A_753 : vector<16xf32>
          %broadcast_in_dim3A_761 = arith.constant 40 : i32
          %broadcast_in_dim3A_762 = vector.broadcast %broadcast_in_dim3A_761 : i32 to vector<16xi32>
          %select_n3A_763 = arith.select %gt3A_760, %broadcast_in_dim3A_762, %select_n3A_752 : vector<16xi1>, vector<16xi32>
          %max3A_764 = arith.maximumf %mul3A_759, %max3A_753 : vector<16xf32>
          %get3A_765 = arith.constant 41 : i32
          %get3A_766 = arith.index_cast %get3A_765 : i32 to index
          %get3A_767 = arith.index_cast %mul3A_317 : i32 to index
          %get3A_768 = tpu.vector_load %arg8[%get3A_766, %get3A_767] {strides = array<i32>} : memref<64x384xf32, #tpu.memory_space<vmem>>, vector<1x16xf32>,
          %get3A_769 = vector.shape_cast %get3A_768 : vector<1x16xf32> to vector<16xf32>
          %mul3A_770 = arith.mulf %get3A_319, %get3A_769 : vector<16xf32>
          %gt3A_771 = arith.cmpf ogt, %mul3A_770, %max3A_764 : vector<16xf32>
          %broadcast_in_dim3A_772 = arith.constant 41 : i32
          %broadcast_in_dim3A_773 = vector.broadcast %broadcast_in_dim3A_772 : i32 to vector<16xi32>
          %select_n3A_774 = arith.select %gt3A_771, %broadcast_in_dim3A_773, %select_n3A_763 : vector<16xi1>, vector<16xi32>
          %max3A_775 = arith.maximumf %mul3A_770, %max3A_764 : vector<16xf32>
          %get3A_776 = arith.constant 42 : i32
          %get3A_777 = arith.index_cast %get3A_776 : i32 to index
          %get3A_778 = arith.index_cast %mul3A_317 : i32 to index
          %get3A_779 = tpu.vector_load %arg8[%get3A_777, %get3A_778] {strides = array<i32>} : memref<64x384xf32, #tpu.memory_space<vmem>>, vector<1x16xf32>,
          %get3A_780 = vector.shape_cast %get3A_779 : vector<1x16xf32> to vector<16xf32>
          %mul3A_781 = arith.mulf %get3A_319, %get3A_780 : vector<16xf32>
          %gt3A_782 = arith.cmpf ogt, %mul3A_781, %max3A_775 : vector<16xf32>
          %broadcast_in_dim3A_783 = arith.constant 42 : i32
          %broadcast_in_dim3A_784 = vector.broadcast %broadcast_in_dim3A_783 : i32 to vector<16xi32>
          %select_n3A_785 = arith.select %gt3A_782, %broadcast_in_dim3A_784, %select_n3A_774 : vector<16xi1>, vector<16xi32>
          %max3A_786 = arith.maximumf %mul3A_781, %max3A_775 : vector<16xf32>
          %get3A_787 = arith.constant 43 : i32
          %get3A_788 = arith.index_cast %get3A_787 : i32 to index
          %get3A_789 = arith.index_cast %mul3A_317 : i32 to index
          %get3A_790 = tpu.vector_load %arg8[%get3A_788, %get3A_789] {strides = array<i32>} : memref<64x384xf32, #tpu.memory_space<vmem>>, vector<1x16xf32>,
          %get3A_791 = vector.shape_cast %get3A_790 : vector<1x16xf32> to vector<16xf32>
          %mul3A_792 = arith.mulf %get3A_319, %get3A_791 : vector<16xf32>
          %gt3A_793 = arith.cmpf ogt, %mul3A_792, %max3A_786 : vector<16xf32>
          %broadcast_in_dim3A_794 = arith.constant 43 : i32
          %broadcast_in_dim3A_795 = vector.broadcast %broadcast_in_dim3A_794 : i32 to vector<16xi32>
          %select_n3A_796 = arith.select %gt3A_793, %broadcast_in_dim3A_795, %select_n3A_785 : vector<16xi1>, vector<16xi32>
          %max3A_797 = arith.maximumf %mul3A_792, %max3A_786 : vector<16xf32>
          %get3A_798 = arith.constant 44 : i32
          %get3A_799 = arith.index_cast %get3A_798 : i32 to index
          %get3A_800 = arith.index_cast %mul3A_317 : i32 to index
          %get3A_801 = tpu.vector_load %arg8[%get3A_799, %get3A_800] {strides = array<i32>} : memref<64x384xf32, #tpu.memory_space<vmem>>, vector<1x16xf32>,
          %get3A_802 = vector.shape_cast %get3A_801 : vector<1x16xf32> to vector<16xf32>
          %mul3A_803 = arith.mulf %get3A_319, %get3A_802 : vector<16xf32>
          %gt3A_804 = arith.cmpf ogt, %mul3A_803, %max3A_797 : vector<16xf32>
          %broadcast_in_dim3A_805 = arith.constant 44 : i32
          %broadcast_in_dim3A_806 = vector.broadcast %broadcast_in_dim3A_805 : i32 to vector<16xi32>
          %select_n3A_807 = arith.select %gt3A_804, %broadcast_in_dim3A_806, %select_n3A_796 : vector<16xi1>, vector<16xi32>
          %max3A_808 = arith.maximumf %mul3A_803, %max3A_797 : vector<16xf32>
          %get3A_809 = arith.constant 45 : i32
          %get3A_810 = arith.index_cast %get3A_809 : i32 to index
          %get3A_811 = arith.index_cast %mul3A_317 : i32 to index
          %get3A_812 = tpu.vector_load %arg8[%get3A_810, %get3A_811] {strides = array<i32>} : memref<64x384xf32, #tpu.memory_space<vmem>>, vector<1x16xf32>,
          %get3A_813 = vector.shape_cast %get3A_812 : vector<1x16xf32> to vector<16xf32>
          %mul3A_814 = arith.mulf %get3A_319, %get3A_813 : vector<16xf32>
          %gt3A_815 = arith.cmpf ogt, %mul3A_814, %max3A_808 : vector<16xf32>
          %broadcast_in_dim3A_816 = arith.constant 45 : i32
          %broadcast_in_dim3A_817 = vector.broadcast %broadcast_in_dim3A_816 : i32 to vector<16xi32>
          %select_n3A_818 = arith.select %gt3A_815, %broadcast_in_dim3A_817, %select_n3A_807 : vector<16xi1>, vector<16xi32>
          %max3A_819 = arith.maximumf %mul3A_814, %max3A_808 : vector<16xf32>
          %get3A_820 = arith.constant 46 : i32
          %get3A_821 = arith.index_cast %get3A_820 : i32 to index
          %get3A_822 = arith.index_cast %mul3A_317 : i32 to index
          %get3A_823 = tpu.vector_load %arg8[%get3A_821, %get3A_822] {strides = array<i32>} : memref<64x384xf32, #tpu.memory_space<vmem>>, vector<1x16xf32>,
          %get3A_824 = vector.shape_cast %get3A_823 : vector<1x16xf32> to vector<16xf32>
          %mul3A_825 = arith.mulf %get3A_319, %get3A_824 : vector<16xf32>
          %gt3A_826 = arith.cmpf ogt, %mul3A_825, %max3A_819 : vector<16xf32>
          %broadcast_in_dim3A_827 = arith.constant 46 : i32
          %broadcast_in_dim3A_828 = vector.broadcast %broadcast_in_dim3A_827 : i32 to vector<16xi32>
          %select_n3A_829 = arith.select %gt3A_826, %broadcast_in_dim3A_828, %select_n3A_818 : vector<16xi1>, vector<16xi32>
          %max3A_830 = arith.maximumf %mul3A_825, %max3A_819 : vector<16xf32>
          %get3A_831 = arith.constant 47 : i32
          %get3A_832 = arith.index_cast %get3A_831 : i32 to index
          %get3A_833 = arith.index_cast %mul3A_317 : i32 to index
          %get3A_834 = tpu.vector_load %arg8[%get3A_832, %get3A_833] {strides = array<i32>} : memref<64x384xf32, #tpu.memory_space<vmem>>, vector<1x16xf32>,
          %get3A_835 = vector.shape_cast %get3A_834 : vector<1x16xf32> to vector<16xf32>
          %mul3A_836 = arith.mulf %get3A_319, %get3A_835 : vector<16xf32>
          %gt3A_837 = arith.cmpf ogt, %mul3A_836, %max3A_830 : vector<16xf32>
          %broadcast_in_dim3A_838 = arith.constant 47 : i32
          %broadcast_in_dim3A_839 = vector.broadcast %broadcast_in_dim3A_838 : i32 to vector<16xi32>
          %select_n3A_840 = arith.select %gt3A_837, %broadcast_in_dim3A_839, %select_n3A_829 : vector<16xi1>, vector<16xi32>
          %max3A_841 = arith.maximumf %mul3A_836, %max3A_830 : vector<16xf32>
          %get3A_842 = arith.constant 48 : i32
          %get3A_843 = arith.index_cast %get3A_842 : i32 to index
          %get3A_844 = arith.index_cast %mul3A_317 : i32 to index
          %get3A_845 = tpu.vector_load %arg8[%get3A_843, %get3A_844] {strides = array<i32>} : memref<64x384xf32, #tpu.memory_space<vmem>>, vector<1x16xf32>,
          %get3A_846 = vector.shape_cast %get3A_845 : vector<1x16xf32> to vector<16xf32>
          %mul3A_847 = arith.mulf %get3A_319, %get3A_846 : vector<16xf32>
          %gt3A_848 = arith.cmpf ogt, %mul3A_847, %max3A_841 : vector<16xf32>
          %broadcast_in_dim3A_849 = arith.constant 48 : i32
          %broadcast_in_dim3A_850 = vector.broadcast %broadcast_in_dim3A_849 : i32 to vector<16xi32>
          %select_n3A_851 = arith.select %gt3A_848, %broadcast_in_dim3A_850, %select_n3A_840 : vector<16xi1>, vector<16xi32>
          %max3A_852 = arith.maximumf %mul3A_847, %max3A_841 : vector<16xf32>
          %get3A_853 = arith.constant 49 : i32
          %get3A_854 = arith.index_cast %get3A_853 : i32 to index
          %get3A_855 = arith.index_cast %mul3A_317 : i32 to index
          %get3A_856 = tpu.vector_load %arg8[%get3A_854, %get3A_855] {strides = array<i32>} : memref<64x384xf32, #tpu.memory_space<vmem>>, vector<1x16xf32>,
          %get3A_857 = vector.shape_cast %get3A_856 : vector<1x16xf32> to vector<16xf32>
          %mul3A_858 = arith.mulf %get3A_319, %get3A_857 : vector<16xf32>
          %gt3A_859 = arith.cmpf ogt, %mul3A_858, %max3A_852 : vector<16xf32>
          %broadcast_in_dim3A_860 = arith.constant 49 : i32
          %broadcast_in_dim3A_861 = vector.broadcast %broadcast_in_dim3A_860 : i32 to vector<16xi32>
          %select_n3A_862 = arith.select %gt3A_859, %broadcast_in_dim3A_861, %select_n3A_851 : vector<16xi1>, vector<16xi32>
          %max3A_863 = arith.maximumf %mul3A_858, %max3A_852 : vector<16xf32>
          %get3A_864 = arith.constant 50 : i32
          %get3A_865 = arith.index_cast %get3A_864 : i32 to index
          %get3A_866 = arith.index_cast %mul3A_317 : i32 to index
          %get3A_867 = tpu.vector_load %arg8[%get3A_865, %get3A_866] {strides = array<i32>} : memref<64x384xf32, #tpu.memory_space<vmem>>, vector<1x16xf32>,
          %get3A_868 = vector.shape_cast %get3A_867 : vector<1x16xf32> to vector<16xf32>
          %mul3A_869 = arith.mulf %get3A_319, %get3A_868 : vector<16xf32>
          %gt3A_870 = arith.cmpf ogt, %mul3A_869, %max3A_863 : vector<16xf32>
          %broadcast_in_dim3A_871 = arith.constant 50 : i32
          %broadcast_in_dim3A_872 = vector.broadcast %broadcast_in_dim3A_871 : i32 to vector<16xi32>
          %select_n3A_873 = arith.select %gt3A_870, %broadcast_in_dim3A_872, %select_n3A_862 : vector<16xi1>, vector<16xi32>
          %max3A_874 = arith.maximumf %mul3A_869, %max3A_863 : vector<16xf32>
          %get3A_875 = arith.constant 51 : i32
          %get3A_876 = arith.index_cast %get3A_875 : i32 to index
          %get3A_877 = arith.index_cast %mul3A_317 : i32 to index
          %get3A_878 = tpu.vector_load %arg8[%get3A_876, %get3A_877] {strides = array<i32>} : memref<64x384xf32, #tpu.memory_space<vmem>>, vector<1x16xf32>,
          %get3A_879 = vector.shape_cast %get3A_878 : vector<1x16xf32> to vector<16xf32>
          %mul3A_880 = arith.mulf %get3A_319, %get3A_879 : vector<16xf32>
          %gt3A_881 = arith.cmpf ogt, %mul3A_880, %max3A_874 : vector<16xf32>
          %broadcast_in_dim3A_882 = arith.constant 51 : i32
          %broadcast_in_dim3A_883 = vector.broadcast %broadcast_in_dim3A_882 : i32 to vector<16xi32>
          %select_n3A_884 = arith.select %gt3A_881, %broadcast_in_dim3A_883, %select_n3A_873 : vector<16xi1>, vector<16xi32>
          %max3A_885 = arith.maximumf %mul3A_880, %max3A_874 : vector<16xf32>
          %get3A_886 = arith.constant 52 : i32
          %get3A_887 = arith.index_cast %get3A_886 : i32 to index
          %get3A_888 = arith.index_cast %mul3A_317 : i32 to index
          %get3A_889 = tpu.vector_load %arg8[%get3A_887, %get3A_888] {strides = array<i32>} : memref<64x384xf32, #tpu.memory_space<vmem>>, vector<1x16xf32>,
          %get3A_890 = vector.shape_cast %get3A_889 : vector<1x16xf32> to vector<16xf32>
          %mul3A_891 = arith.mulf %get3A_319, %get3A_890 : vector<16xf32>
          %gt3A_892 = arith.cmpf ogt, %mul3A_891, %max3A_885 : vector<16xf32>
          %broadcast_in_dim3A_893 = arith.constant 52 : i32
          %broadcast_in_dim3A_894 = vector.broadcast %broadcast_in_dim3A_893 : i32 to vector<16xi32>
          %select_n3A_895 = arith.select %gt3A_892, %broadcast_in_dim3A_894, %select_n3A_884 : vector<16xi1>, vector<16xi32>
          %max3A_896 = arith.maximumf %mul3A_891, %max3A_885 : vector<16xf32>
          %get3A_897 = arith.constant 53 : i32
          %get3A_898 = arith.index_cast %get3A_897 : i32 to index
          %get3A_899 = arith.index_cast %mul3A_317 : i32 to index
          %get3A_900 = tpu.vector_load %arg8[%get3A_898, %get3A_899] {strides = array<i32>} : memref<64x384xf32, #tpu.memory_space<vmem>>, vector<1x16xf32>,
          %get3A_901 = vector.shape_cast %get3A_900 : vector<1x16xf32> to vector<16xf32>
          %mul3A_902 = arith.mulf %get3A_319, %get3A_901 : vector<16xf32>
          %gt3A_903 = arith.cmpf ogt, %mul3A_902, %max3A_896 : vector<16xf32>
          %broadcast_in_dim3A_904 = arith.constant 53 : i32
          %broadcast_in_dim3A_905 = vector.broadcast %broadcast_in_dim3A_904 : i32 to vector<16xi32>
          %select_n3A_906 = arith.select %gt3A_903, %broadcast_in_dim3A_905, %select_n3A_895 : vector<16xi1>, vector<16xi32>
          %max3A_907 = arith.maximumf %mul3A_902, %max3A_896 : vector<16xf32>
          %get3A_908 = arith.constant 54 : i32
          %get3A_909 = arith.index_cast %get3A_908 : i32 to index
          %get3A_910 = arith.index_cast %mul3A_317 : i32 to index
          %get3A_911 = tpu.vector_load %arg8[%get3A_909, %get3A_910] {strides = array<i32>} : memref<64x384xf32, #tpu.memory_space<vmem>>, vector<1x16xf32>,
          %get3A_912 = vector.shape_cast %get3A_911 : vector<1x16xf32> to vector<16xf32>
          %mul3A_913 = arith.mulf %get3A_319, %get3A_912 : vector<16xf32>
          %gt3A_914 = arith.cmpf ogt, %mul3A_913, %max3A_907 : vector<16xf32>
          %broadcast_in_dim3A_915 = arith.constant 54 : i32
          %broadcast_in_dim3A_916 = vector.broadcast %broadcast_in_dim3A_915 : i32 to vector<16xi32>
          %select_n3A_917 = arith.select %gt3A_914, %broadcast_in_dim3A_916, %select_n3A_906 : vector<16xi1>, vector<16xi32>
          %max3A_918 = arith.maximumf %mul3A_913, %max3A_907 : vector<16xf32>
          %get3A_919 = arith.constant 55 : i32
          %get3A_920 = arith.index_cast %get3A_919 : i32 to index
          %get3A_921 = arith.index_cast %mul3A_317 : i32 to index
          %get3A_922 = tpu.vector_load %arg8[%get3A_920, %get3A_921] {strides = array<i32>} : memref<64x384xf32, #tpu.memory_space<vmem>>, vector<1x16xf32>,
          %get3A_923 = vector.shape_cast %get3A_922 : vector<1x16xf32> to vector<16xf32>
          %mul3A_924 = arith.mulf %get3A_319, %get3A_923 : vector<16xf32>
          %gt3A_925 = arith.cmpf ogt, %mul3A_924, %max3A_918 : vector<16xf32>
          %broadcast_in_dim3A_926 = arith.constant 55 : i32
          %broadcast_in_dim3A_927 = vector.broadcast %broadcast_in_dim3A_926 : i32 to vector<16xi32>
          %select_n3A_928 = arith.select %gt3A_925, %broadcast_in_dim3A_927, %select_n3A_917 : vector<16xi1>, vector<16xi32>
          %max3A_929 = arith.maximumf %mul3A_924, %max3A_918 : vector<16xf32>
          %get3A_930 = arith.constant 56 : i32
          %get3A_931 = arith.index_cast %get3A_930 : i32 to index
          %get3A_932 = arith.index_cast %mul3A_317 : i32 to index
          %get3A_933 = tpu.vector_load %arg8[%get3A_931, %get3A_932] {strides = array<i32>} : memref<64x384xf32, #tpu.memory_space<vmem>>, vector<1x16xf32>,
          %get3A_934 = vector.shape_cast %get3A_933 : vector<1x16xf32> to vector<16xf32>
          %mul3A_935 = arith.mulf %get3A_319, %get3A_934 : vector<16xf32>
          %gt3A_936 = arith.cmpf ogt, %mul3A_935, %max3A_929 : vector<16xf32>
          %broadcast_in_dim3A_937 = arith.constant 56 : i32
          %broadcast_in_dim3A_938 = vector.broadcast %broadcast_in_dim3A_937 : i32 to vector<16xi32>
          %select_n3A_939 = arith.select %gt3A_936, %broadcast_in_dim3A_938, %select_n3A_928 : vector<16xi1>, vector<16xi32>
          %max3A_940 = arith.maximumf %mul3A_935, %max3A_929 : vector<16xf32>
          %get3A_941 = arith.constant 57 : i32
          %get3A_942 = arith.index_cast %get3A_941 : i32 to index
          %get3A_943 = arith.index_cast %mul3A_317 : i32 to index
          %get3A_944 = tpu.vector_load %arg8[%get3A_942, %get3A_943] {strides = array<i32>} : memref<64x384xf32, #tpu.memory_space<vmem>>, vector<1x16xf32>,
          %get3A_945 = vector.shape_cast %get3A_944 : vector<1x16xf32> to vector<16xf32>
          %mul3A_946 = arith.mulf %get3A_319, %get3A_945 : vector<16xf32>
          %gt3A_947 = arith.cmpf ogt, %mul3A_946, %max3A_940 : vector<16xf32>
          %broadcast_in_dim3A_948 = arith.constant 57 : i32
          %broadcast_in_dim3A_949 = vector.broadcast %broadcast_in_dim3A_948 : i32 to vector<16xi32>
          %select_n3A_950 = arith.select %gt3A_947, %broadcast_in_dim3A_949, %select_n3A_939 : vector<16xi1>, vector<16xi32>
          %max3A_951 = arith.maximumf %mul3A_946, %max3A_940 : vector<16xf32>
          %get3A_952 = arith.constant 58 : i32
          %get3A_953 = arith.index_cast %get3A_952 : i32 to index
          %get3A_954 = arith.index_cast %mul3A_317 : i32 to index
          %get3A_955 = tpu.vector_load %arg8[%get3A_953, %get3A_954] {strides = array<i32>} : memref<64x384xf32, #tpu.memory_space<vmem>>, vector<1x16xf32>,
          %get3A_956 = vector.shape_cast %get3A_955 : vector<1x16xf32> to vector<16xf32>
          %mul3A_957 = arith.mulf %get3A_319, %get3A_956 : vector<16xf32>
          %gt3A_958 = arith.cmpf ogt, %mul3A_957, %max3A_951 : vector<16xf32>
          %broadcast_in_dim3A_959 = arith.constant 58 : i32
          %broadcast_in_dim3A_960 = vector.broadcast %broadcast_in_dim3A_959 : i32 to vector<16xi32>
          %select_n3A_961 = arith.select %gt3A_958, %broadcast_in_dim3A_960, %select_n3A_950 : vector<16xi1>, vector<16xi32>
          %max3A_962 = arith.maximumf %mul3A_957, %max3A_951 : vector<16xf32>
          %get3A_963 = arith.constant 59 : i32
          %get3A_964 = arith.index_cast %get3A_963 : i32 to index
          %get3A_965 = arith.index_cast %mul3A_317 : i32 to index
          %get3A_966 = tpu.vector_load %arg8[%get3A_964, %get3A_965] {strides = array<i32>} : memref<64x384xf32, #tpu.memory_space<vmem>>, vector<1x16xf32>,
          %get3A_967 = vector.shape_cast %get3A_966 : vector<1x16xf32> to vector<16xf32>
          %mul3A_968 = arith.mulf %get3A_319, %get3A_967 : vector<16xf32>
          %gt3A_969 = arith.cmpf ogt, %mul3A_968, %max3A_962 : vector<16xf32>
          %broadcast_in_dim3A_970 = arith.constant 59 : i32
          %broadcast_in_dim3A_971 = vector.broadcast %broadcast_in_dim3A_970 : i32 to vector<16xi32>
          %select_n3A_972 = arith.select %gt3A_969, %broadcast_in_dim3A_971, %select_n3A_961 : vector<16xi1>, vector<16xi32>
          %max3A_973 = arith.maximumf %mul3A_968, %max3A_962 : vector<16xf32>
          %get3A_974 = arith.constant 60 : i32
          %get3A_975 = arith.index_cast %get3A_974 : i32 to index
          %get3A_976 = arith.index_cast %mul3A_317 : i32 to index
          %get3A_977 = tpu.vector_load %arg8[%get3A_975, %get3A_976] {strides = array<i32>} : memref<64x384xf32, #tpu.memory_space<vmem>>, vector<1x16xf32>,
          %get3A_978 = vector.shape_cast %get3A_977 : vector<1x16xf32> to vector<16xf32>
          %mul3A_979 = arith.mulf %get3A_319, %get3A_978 : vector<16xf32>
          %gt3A_980 = arith.cmpf ogt, %mul3A_979, %max3A_973 : vector<16xf32>
          %broadcast_in_dim3A_981 = arith.constant 60 : i32
          %broadcast_in_dim3A_982 = vector.broadcast %broadcast_in_dim3A_981 : i32 to vector<16xi32>
          %select_n3A_983 = arith.select %gt3A_980, %broadcast_in_dim3A_982, %select_n3A_972 : vector<16xi1>, vector<16xi32>
          %max3A_984 = arith.maximumf %mul3A_979, %max3A_973 : vector<16xf32>
          %get3A_985 = arith.constant 61 : i32
          %get3A_986 = arith.index_cast %get3A_985 : i32 to index
          %get3A_987 = arith.index_cast %mul3A_317 : i32 to index
          %get3A_988 = tpu.vector_load %arg8[%get3A_986, %get3A_987] {strides = array<i32>} : memref<64x384xf32, #tpu.memory_space<vmem>>, vector<1x16xf32>,
          %get3A_989 = vector.shape_cast %get3A_988 : vector<1x16xf32> to vector<16xf32>
          %mul3A_990 = arith.mulf %get3A_319, %get3A_989 : vector<16xf32>
          %gt3A_991 = arith.cmpf ogt, %mul3A_990, %max3A_984 : vector<16xf32>
          %broadcast_in_dim3A_992 = arith.constant 61 : i32
          %broadcast_in_dim3A_993 = vector.broadcast %broadcast_in_dim3A_992 : i32 to vector<16xi32>
          %select_n3A_994 = arith.select %gt3A_991, %broadcast_in_dim3A_993, %select_n3A_983 : vector<16xi1>, vector<16xi32>
          %max3A_995 = arith.maximumf %mul3A_990, %max3A_984 : vector<16xf32>
          %get3A_996 = arith.constant 62 : i32
          %get3A_997 = arith.index_cast %get3A_996 : i32 to index
          %get3A_998 = arith.index_cast %mul3A_317 : i32 to index
          %get3A_999 = tpu.vector_load %arg8[%get3A_997, %get3A_998] {strides = array<i32>} : memref<64x384xf32, #tpu.memory_space<vmem>>, vector<1x16xf32>,
          %get3A_1000 = vector.shape_cast %get3A_999 : vector<1x16xf32> to vector<16xf32>
          %mul3A_1001 = arith.mulf %get3A_319, %get3A_1000 : vector<16xf32>
          %gt3A_1002 = arith.cmpf ogt, %mul3A_1001, %max3A_995 : vector<16xf32>
          %broadcast_in_dim3A_1003 = arith.constant 62 : i32
          %broadcast_in_dim3A_1004 = vector.broadcast %broadcast_in_dim3A_1003 : i32 to vector<16xi32>
          %select_n3A_1005 = arith.select %gt3A_1002, %broadcast_in_dim3A_1004, %select_n3A_994 : vector<16xi1>, vector<16xi32>
          %max3A_1006 = arith.maximumf %mul3A_1001, %max3A_995 : vector<16xf32>
          %get3A_1007 = arith.constant 63 : i32
          %get3A_1008 = arith.index_cast %get3A_1007 : i32 to index
          %get3A_1009 = arith.index_cast %mul3A_317 : i32 to index
          %get3A_1010 = tpu.vector_load %arg8[%get3A_1008, %get3A_1009] {strides = array<i32>} : memref<64x384xf32, #tpu.memory_space<vmem>>, vector<1x16xf32>,
          %get3A_1011 = vector.shape_cast %get3A_1010 : vector<1x16xf32> to vector<16xf32>
          %mul3A_1012 = arith.mulf %get3A_319, %get3A_1011 : vector<16xf32>
          %gt3A_1013 = arith.cmpf ogt, %mul3A_1012, %max3A_1006 : vector<16xf32>
          %broadcast_in_dim3A_1014 = arith.constant 63 : i32
          %broadcast_in_dim3A_1015 = vector.broadcast %broadcast_in_dim3A_1014 : i32 to vector<16xi32>
          %select_n3A_1016 = arith.select %gt3A_1013, %broadcast_in_dim3A_1015, %select_n3A_1005 : vector<16xi1>, vector<16xi32>
          %max3A_1017 = arith.maximumf %mul3A_1012, %max3A_1006 : vector<16xf32>
          %swap3A = arith.index_cast %mul3A_317 : i32 to index
          %swap3A_1018 = tpu.vector_load %arg12[%swap3A] {strides = array<i32>} : memref<384xf32, #tpu.memory_space<vmem>>, vector<16xf32>,
          %swap3A_1019 = vector.shape_cast %swap3A_1018 : vector<16xf32> to vector<16xf32>
          %swap3A_1020 = vector.shape_cast %max3A_1017 : vector<16xf32> to vector<16xf32>
          tpu.vector_store %arg12[%swap3A], %swap3A_1020 {strides = array<i32>} : memref<384xf32, #tpu.memory_space<vmem>>, vector<16xf32>,
          %swap3A_1021 = arith.index_cast %mul3A_317 : i32 to index
          %swap3A_1022 = tpu.vector_load %arg14[%swap3A_1021] {strides = array<i32>} : memref<384xi32, #tpu.memory_space<vmem>>, vector<16xi32>,
          %swap3A_1023 = vector.shape_cast %swap3A_1022 : vector<16xi32> to vector<16xi32>
          %swap3A_1024 = vector.shape_cast %select_n3A_1016 : vector<16xi32> to vector<16xi32>
          tpu.vector_store %arg14[%swap3A_1021], %swap3A_1024 {strides = array<i32>} : memref<384xi32, #tpu.memory_space<vmem>>, vector<16xi32>,
          %mul3A_1025 = arith.constant 2 : i32
          %mul3A_1026 = arith.muli %mul3A_1025, %scan3A_311 : i32
          %add3A_1027 = arith.constant 1 : i32
          %add3A_1028 = arith.addi %mul3A_1026, %add3A_1027 : i32
          %mul3A_1029 = arith.constant 16 : i32
          %mul3A_1030 = arith.muli %add3A_1028, %mul3A_1029 : i32
          %get3A_1031 = arith.index_cast %mul3A_1030 : i32 to index
          %get3A_1032 = tpu.vector_load %arg10[%get3A_1031] {strides = array<i32>} : memref<384xf32, #tpu.memory_space<vmem>>, vector<16xf32>,
          %get3A_1033 = vector.shape_cast %get3A_1032 : vector<16xf32> to vector<16xf32>
          %get3A_1034 = arith.constant 0 : i32
          %get3A_1035 = arith.index_cast %get3A_1034 : i32 to index
          %get3A_1036 = arith.index_cast %mul3A_1030 : i32 to index
          %get3A_1037 = tpu.vector_load %arg8[%get3A_1035, %get3A_1036] {strides = array<i32>} : memref<64x384xf32, #tpu.memory_space<vmem>>, vector<1x16xf32>,
          %get3A_1038 = vector.shape_cast %get3A_1037 : vector<1x16xf32> to vector<16xf32>
          %mul3A_1039 = arith.mulf %get3A_1033, %get3A_1038 : vector<16xf32>
          %broadcast_in_dim3A_1040 = arith.constant 0 : i32
          %broadcast_in_dim3A_1041 = vector.broadcast %broadcast_in_dim3A_1040 : i32 to vector<16xi32>
          %get3A_1042 = arith.constant 1 : i32
          %get3A_1043 = arith.index_cast %get3A_1042 : i32 to index
          %get3A_1044 = arith.index_cast %mul3A_1030 : i32 to index
          %get3A_1045 = tpu.vector_load %arg8[%get3A_1043, %get3A_1044] {strides = array<i32>} : memref<64x384xf32, #tpu.memory_space<vmem>>, vector<1x16xf32>,
          %get3A_1046 = vector.shape_cast %get3A_1045 : vector<1x16xf32> to vector<16xf32>
          %mul3A_1047 = arith.mulf %get3A_1033, %get3A_1046 : vector<16xf32>
          %gt3A_1048 = arith.cmpf ogt, %mul3A_1047, %mul3A_1039 : vector<16xf32>
          %broadcast_in_dim3A_1049 = arith.constant 1 : i32
          %broadcast_in_dim3A_1050 = vector.broadcast %broadcast_in_dim3A_1049 : i32 to vector<16xi32>
          %select_n3A_1051 = arith.select %gt3A_1048, %broadcast_in_dim3A_1050, %broadcast_in_dim3A_1041 : vector<16xi1>, vector<16xi32>
          %max3A_1052 = arith.maximumf %mul3A_1047, %mul3A_1039 : vector<16xf32>
          %get3A_1053 = arith.constant 2 : i32
          %get3A_1054 = arith.index_cast %get3A_1053 : i32 to index
          %get3A_1055 = arith.index_cast %mul3A_1030 : i32 to index
          %get3A_1056 = tpu.vector_load %arg8[%get3A_1054, %get3A_1055] {strides = array<i32>} : memref<64x384xf32, #tpu.memory_space<vmem>>, vector<1x16xf32>,
          %get3A_1057 = vector.shape_cast %get3A_1056 : vector<1x16xf32> to vector<16xf32>
          %mul3A_1058 = arith.mulf %get3A_1033, %get3A_1057 : vector<16xf32>
          %gt3A_1059 = arith.cmpf ogt, %mul3A_1058, %max3A_1052 : vector<16xf32>
          %broadcast_in_dim3A_1060 = arith.constant 2 : i32
          %broadcast_in_dim3A_1061 = vector.broadcast %broadcast_in_dim3A_1060 : i32 to vector<16xi32>
          %select_n3A_1062 = arith.select %gt3A_1059, %broadcast_in_dim3A_1061, %select_n3A_1051 : vector<16xi1>, vector<16xi32>
          %max3A_1063 = arith.maximumf %mul3A_1058, %max3A_1052 : vector<16xf32>
          %get3A_1064 = arith.constant 3 : i32
          %get3A_1065 = arith.index_cast %get3A_1064 : i32 to index
          %get3A_1066 = arith.index_cast %mul3A_1030 : i32 to index
          %get3A_1067 = tpu.vector_load %arg8[%get3A_1065, %get3A_1066] {strides = array<i32>} : memref<64x384xf32, #tpu.memory_space<vmem>>, vector<1x16xf32>,
          %get3A_1068 = vector.shape_cast %get3A_1067 : vector<1x16xf32> to vector<16xf32>
          %mul3A_1069 = arith.mulf %get3A_1033, %get3A_1068 : vector<16xf32>
          %gt3A_1070 = arith.cmpf ogt, %mul3A_1069, %max3A_1063 : vector<16xf32>
          %broadcast_in_dim3A_1071 = arith.constant 3 : i32
          %broadcast_in_dim3A_1072 = vector.broadcast %broadcast_in_dim3A_1071 : i32 to vector<16xi32>
          %select_n3A_1073 = arith.select %gt3A_1070, %broadcast_in_dim3A_1072, %select_n3A_1062 : vector<16xi1>, vector<16xi32>
          %max3A_1074 = arith.maximumf %mul3A_1069, %max3A_1063 : vector<16xf32>
          %get3A_1075 = arith.constant 4 : i32
          %get3A_1076 = arith.index_cast %get3A_1075 : i32 to index
          %get3A_1077 = arith.index_cast %mul3A_1030 : i32 to index
          %get3A_1078 = tpu.vector_load %arg8[%get3A_1076, %get3A_1077] {strides = array<i32>} : memref<64x384xf32, #tpu.memory_space<vmem>>, vector<1x16xf32>,
          %get3A_1079 = vector.shape_cast %get3A_1078 : vector<1x16xf32> to vector<16xf32>
          %mul3A_1080 = arith.mulf %get3A_1033, %get3A_1079 : vector<16xf32>
          %gt3A_1081 = arith.cmpf ogt, %mul3A_1080, %max3A_1074 : vector<16xf32>
          %broadcast_in_dim3A_1082 = arith.constant 4 : i32
          %broadcast_in_dim3A_1083 = vector.broadcast %broadcast_in_dim3A_1082 : i32 to vector<16xi32>
          %select_n3A_1084 = arith.select %gt3A_1081, %broadcast_in_dim3A_1083, %select_n3A_1073 : vector<16xi1>, vector<16xi32>
          %max3A_1085 = arith.maximumf %mul3A_1080, %max3A_1074 : vector<16xf32>
          %get3A_1086 = arith.constant 5 : i32
          %get3A_1087 = arith.index_cast %get3A_1086 : i32 to index
          %get3A_1088 = arith.index_cast %mul3A_1030 : i32 to index
          %get3A_1089 = tpu.vector_load %arg8[%get3A_1087, %get3A_1088] {strides = array<i32>} : memref<64x384xf32, #tpu.memory_space<vmem>>, vector<1x16xf32>,
          %get3A_1090 = vector.shape_cast %get3A_1089 : vector<1x16xf32> to vector<16xf32>
          %mul3A_1091 = arith.mulf %get3A_1033, %get3A_1090 : vector<16xf32>
          %gt3A_1092 = arith.cmpf ogt, %mul3A_1091, %max3A_1085 : vector<16xf32>
          %broadcast_in_dim3A_1093 = arith.constant 5 : i32
          %broadcast_in_dim3A_1094 = vector.broadcast %broadcast_in_dim3A_1093 : i32 to vector<16xi32>
          %select_n3A_1095 = arith.select %gt3A_1092, %broadcast_in_dim3A_1094, %select_n3A_1084 : vector<16xi1>, vector<16xi32>
          %max3A_1096 = arith.maximumf %mul3A_1091, %max3A_1085 : vector<16xf32>
          %get3A_1097 = arith.constant 6 : i32
          %get3A_1098 = arith.index_cast %get3A_1097 : i32 to index
          %get3A_1099 = arith.index_cast %mul3A_1030 : i32 to index
          %get3A_1100 = tpu.vector_load %arg8[%get3A_1098, %get3A_1099] {strides = array<i32>} : memref<64x384xf32, #tpu.memory_space<vmem>>, vector<1x16xf32>,
          %get3A_1101 = vector.shape_cast %get3A_1100 : vector<1x16xf32> to vector<16xf32>
          %mul3A_1102 = arith.mulf %get3A_1033, %get3A_1101 : vector<16xf32>
          %gt3A_1103 = arith.cmpf ogt, %mul3A_1102, %max3A_1096 : vector<16xf32>
          %broadcast_in_dim3A_1104 = arith.constant 6 : i32
          %broadcast_in_dim3A_1105 = vector.broadcast %broadcast_in_dim3A_1104 : i32 to vector<16xi32>
          %select_n3A_1106 = arith.select %gt3A_1103, %broadcast_in_dim3A_1105, %select_n3A_1095 : vector<16xi1>, vector<16xi32>
          %max3A_1107 = arith.maximumf %mul3A_1102, %max3A_1096 : vector<16xf32>
          %get3A_1108 = arith.constant 7 : i32
          %get3A_1109 = arith.index_cast %get3A_1108 : i32 to index
          %get3A_1110 = arith.index_cast %mul3A_1030 : i32 to index
          %get3A_1111 = tpu.vector_load %arg8[%get3A_1109, %get3A_1110] {strides = array<i32>} : memref<64x384xf32, #tpu.memory_space<vmem>>, vector<1x16xf32>,
          %get3A_1112 = vector.shape_cast %get3A_1111 : vector<1x16xf32> to vector<16xf32>
          %mul3A_1113 = arith.mulf %get3A_1033, %get3A_1112 : vector<16xf32>
          %gt3A_1114 = arith.cmpf ogt, %mul3A_1113, %max3A_1107 : vector<16xf32>
          %broadcast_in_dim3A_1115 = arith.constant 7 : i32
          %broadcast_in_dim3A_1116 = vector.broadcast %broadcast_in_dim3A_1115 : i32 to vector<16xi32>
          %select_n3A_1117 = arith.select %gt3A_1114, %broadcast_in_dim3A_1116, %select_n3A_1106 : vector<16xi1>, vector<16xi32>
          %max3A_1118 = arith.maximumf %mul3A_1113, %max3A_1107 : vector<16xf32>
          %get3A_1119 = arith.constant 8 : i32
          %get3A_1120 = arith.index_cast %get3A_1119 : i32 to index
          %get3A_1121 = arith.index_cast %mul3A_1030 : i32 to index
          %get3A_1122 = tpu.vector_load %arg8[%get3A_1120, %get3A_1121] {strides = array<i32>} : memref<64x384xf32, #tpu.memory_space<vmem>>, vector<1x16xf32>,
          %get3A_1123 = vector.shape_cast %get3A_1122 : vector<1x16xf32> to vector<16xf32>
          %mul3A_1124 = arith.mulf %get3A_1033, %get3A_1123 : vector<16xf32>
          %gt3A_1125 = arith.cmpf ogt, %mul3A_1124, %max3A_1118 : vector<16xf32>
          %broadcast_in_dim3A_1126 = arith.constant 8 : i32
          %broadcast_in_dim3A_1127 = vector.broadcast %broadcast_in_dim3A_1126 : i32 to vector<16xi32>
          %select_n3A_1128 = arith.select %gt3A_1125, %broadcast_in_dim3A_1127, %select_n3A_1117 : vector<16xi1>, vector<16xi32>
          %max3A_1129 = arith.maximumf %mul3A_1124, %max3A_1118 : vector<16xf32>
          %get3A_1130 = arith.constant 9 : i32
          %get3A_1131 = arith.index_cast %get3A_1130 : i32 to index
          %get3A_1132 = arith.index_cast %mul3A_1030 : i32 to index
          %get3A_1133 = tpu.vector_load %arg8[%get3A_1131, %get3A_1132] {strides = array<i32>} : memref<64x384xf32, #tpu.memory_space<vmem>>, vector<1x16xf32>,
          %get3A_1134 = vector.shape_cast %get3A_1133 : vector<1x16xf32> to vector<16xf32>
          %mul3A_1135 = arith.mulf %get3A_1033, %get3A_1134 : vector<16xf32>
          %gt3A_1136 = arith.cmpf ogt, %mul3A_1135, %max3A_1129 : vector<16xf32>
          %broadcast_in_dim3A_1137 = arith.constant 9 : i32
          %broadcast_in_dim3A_1138 = vector.broadcast %broadcast_in_dim3A_1137 : i32 to vector<16xi32>
          %select_n3A_1139 = arith.select %gt3A_1136, %broadcast_in_dim3A_1138, %select_n3A_1128 : vector<16xi1>, vector<16xi32>
          %max3A_1140 = arith.maximumf %mul3A_1135, %max3A_1129 : vector<16xf32>
          %get3A_1141 = arith.constant 10 : i32
          %get3A_1142 = arith.index_cast %get3A_1141 : i32 to index
          %get3A_1143 = arith.index_cast %mul3A_1030 : i32 to index
          %get3A_1144 = tpu.vector_load %arg8[%get3A_1142, %get3A_1143] {strides = array<i32>} : memref<64x384xf32, #tpu.memory_space<vmem>>, vector<1x16xf32>,
          %get3A_1145 = vector.shape_cast %get3A_1144 : vector<1x16xf32> to vector<16xf32>
          %mul3A_1146 = arith.mulf %get3A_1033, %get3A_1145 : vector<16xf32>
          %gt3A_1147 = arith.cmpf ogt, %mul3A_1146, %max3A_1140 : vector<16xf32>
          %broadcast_in_dim3A_1148 = arith.constant 10 : i32
          %broadcast_in_dim3A_1149 = vector.broadcast %broadcast_in_dim3A_1148 : i32 to vector<16xi32>
          %select_n3A_1150 = arith.select %gt3A_1147, %broadcast_in_dim3A_1149, %select_n3A_1139 : vector<16xi1>, vector<16xi32>
          %max3A_1151 = arith.maximumf %mul3A_1146, %max3A_1140 : vector<16xf32>
          %get3A_1152 = arith.constant 11 : i32
          %get3A_1153 = arith.index_cast %get3A_1152 : i32 to index
          %get3A_1154 = arith.index_cast %mul3A_1030 : i32 to index
          %get3A_1155 = tpu.vector_load %arg8[%get3A_1153, %get3A_1154] {strides = array<i32>} : memref<64x384xf32, #tpu.memory_space<vmem>>, vector<1x16xf32>,
          %get3A_1156 = vector.shape_cast %get3A_1155 : vector<1x16xf32> to vector<16xf32>
          %mul3A_1157 = arith.mulf %get3A_1033, %get3A_1156 : vector<16xf32>
          %gt3A_1158 = arith.cmpf ogt, %mul3A_1157, %max3A_1151 : vector<16xf32>
          %broadcast_in_dim3A_1159 = arith.constant 11 : i32
          %broadcast_in_dim3A_1160 = vector.broadcast %broadcast_in_dim3A_1159 : i32 to vector<16xi32>
          %select_n3A_1161 = arith.select %gt3A_1158, %broadcast_in_dim3A_1160, %select_n3A_1150 : vector<16xi1>, vector<16xi32>
          %max3A_1162 = arith.maximumf %mul3A_1157, %max3A_1151 : vector<16xf32>
          %get3A_1163 = arith.constant 12 : i32
          %get3A_1164 = arith.index_cast %get3A_1163 : i32 to index
          %get3A_1165 = arith.index_cast %mul3A_1030 : i32 to index
          %get3A_1166 = tpu.vector_load %arg8[%get3A_1164, %get3A_1165] {strides = array<i32>} : memref<64x384xf32, #tpu.memory_space<vmem>>, vector<1x16xf32>,
          %get3A_1167 = vector.shape_cast %get3A_1166 : vector<1x16xf32> to vector<16xf32>
          %mul3A_1168 = arith.mulf %get3A_1033, %get3A_1167 : vector<16xf32>
          %gt3A_1169 = arith.cmpf ogt, %mul3A_1168, %max3A_1162 : vector<16xf32>
          %broadcast_in_dim3A_1170 = arith.constant 12 : i32
          %broadcast_in_dim3A_1171 = vector.broadcast %broadcast_in_dim3A_1170 : i32 to vector<16xi32>
          %select_n3A_1172 = arith.select %gt3A_1169, %broadcast_in_dim3A_1171, %select_n3A_1161 : vector<16xi1>, vector<16xi32>
          %max3A_1173 = arith.maximumf %mul3A_1168, %max3A_1162 : vector<16xf32>
          %get3A_1174 = arith.constant 13 : i32
          %get3A_1175 = arith.index_cast %get3A_1174 : i32 to index
          %get3A_1176 = arith.index_cast %mul3A_1030 : i32 to index
          %get3A_1177 = tpu.vector_load %arg8[%get3A_1175, %get3A_1176] {strides = array<i32>} : memref<64x384xf32, #tpu.memory_space<vmem>>, vector<1x16xf32>,
          %get3A_1178 = vector.shape_cast %get3A_1177 : vector<1x16xf32> to vector<16xf32>
          %mul3A_1179 = arith.mulf %get3A_1033, %get3A_1178 : vector<16xf32>
          %gt3A_1180 = arith.cmpf ogt, %mul3A_1179, %max3A_1173 : vector<16xf32>
          %broadcast_in_dim3A_1181 = arith.constant 13 : i32
          %broadcast_in_dim3A_1182 = vector.broadcast %broadcast_in_dim3A_1181 : i32 to vector<16xi32>
          %select_n3A_1183 = arith.select %gt3A_1180, %broadcast_in_dim3A_1182, %select_n3A_1172 : vector<16xi1>, vector<16xi32>
          %max3A_1184 = arith.maximumf %mul3A_1179, %max3A_1173 : vector<16xf32>
          %get3A_1185 = arith.constant 14 : i32
          %get3A_1186 = arith.index_cast %get3A_1185 : i32 to index
          %get3A_1187 = arith.index_cast %mul3A_1030 : i32 to index
          %get3A_1188 = tpu.vector_load %arg8[%get3A_1186, %get3A_1187] {strides = array<i32>} : memref<64x384xf32, #tpu.memory_space<vmem>>, vector<1x16xf32>,
          %get3A_1189 = vector.shape_cast %get3A_1188 : vector<1x16xf32> to vector<16xf32>
          %mul3A_1190 = arith.mulf %get3A_1033, %get3A_1189 : vector<16xf32>
          %gt3A_1191 = arith.cmpf ogt, %mul3A_1190, %max3A_1184 : vector<16xf32>
          %broadcast_in_dim3A_1192 = arith.constant 14 : i32
          %broadcast_in_dim3A_1193 = vector.broadcast %broadcast_in_dim3A_1192 : i32 to vector<16xi32>
          %select_n3A_1194 = arith.select %gt3A_1191, %broadcast_in_dim3A_1193, %select_n3A_1183 : vector<16xi1>, vector<16xi32>
          %max3A_1195 = arith.maximumf %mul3A_1190, %max3A_1184 : vector<16xf32>
          %get3A_1196 = arith.constant 15 : i32
          %get3A_1197 = arith.index_cast %get3A_1196 : i32 to index
          %get3A_1198 = arith.index_cast %mul3A_1030 : i32 to index
          %get3A_1199 = tpu.vector_load %arg8[%get3A_1197, %get3A_1198] {strides = array<i32>} : memref<64x384xf32, #tpu.memory_space<vmem>>, vector<1x16xf32>,
          %get3A_1200 = vector.shape_cast %get3A_1199 : vector<1x16xf32> to vector<16xf32>
          %mul3A_1201 = arith.mulf %get3A_1033, %get3A_1200 : vector<16xf32>
          %gt3A_1202 = arith.cmpf ogt, %mul3A_1201, %max3A_1195 : vector<16xf32>
          %broadcast_in_dim3A_1203 = arith.constant 15 : i32
          %broadcast_in_dim3A_1204 = vector.broadcast %broadcast_in_dim3A_1203 : i32 to vector<16xi32>
          %select_n3A_1205 = arith.select %gt3A_1202, %broadcast_in_dim3A_1204, %select_n3A_1194 : vector<16xi1>, vector<16xi32>
          %max3A_1206 = arith.maximumf %mul3A_1201, %max3A_1195 : vector<16xf32>
          %get3A_1207 = arith.constant 16 : i32
          %get3A_1208 = arith.index_cast %get3A_1207 : i32 to index
          %get3A_1209 = arith.index_cast %mul3A_1030 : i32 to index
          %get3A_1210 = tpu.vector_load %arg8[%get3A_1208, %get3A_1209] {strides = array<i32>} : memref<64x384xf32, #tpu.memory_space<vmem>>, vector<1x16xf32>,
          %get3A_1211 = vector.shape_cast %get3A_1210 : vector<1x16xf32> to vector<16xf32>
          %mul3A_1212 = arith.mulf %get3A_1033, %get3A_1211 : vector<16xf32>
          %gt3A_1213 = arith.cmpf ogt, %mul3A_1212, %max3A_1206 : vector<16xf32>
          %broadcast_in_dim3A_1214 = arith.constant 16 : i32
          %broadcast_in_dim3A_1215 = vector.broadcast %broadcast_in_dim3A_1214 : i32 to vector<16xi32>
          %select_n3A_1216 = arith.select %gt3A_1213, %broadcast_in_dim3A_1215, %select_n3A_1205 : vector<16xi1>, vector<16xi32>
          %max3A_1217 = arith.maximumf %mul3A_1212, %max3A_1206 : vector<16xf32>
          %get3A_1218 = arith.constant 17 : i32
          %get3A_1219 = arith.index_cast %get3A_1218 : i32 to index
          %get3A_1220 = arith.index_cast %mul3A_1030 : i32 to index
          %get3A_1221 = tpu.vector_load %arg8[%get3A_1219, %get3A_1220] {strides = array<i32>} : memref<64x384xf32, #tpu.memory_space<vmem>>, vector<1x16xf32>,
          %get3A_1222 = vector.shape_cast %get3A_1221 : vector<1x16xf32> to vector<16xf32>
          %mul3A_1223 = arith.mulf %get3A_1033, %get3A_1222 : vector<16xf32>
          %gt3A_1224 = arith.cmpf ogt, %mul3A_1223, %max3A_1217 : vector<16xf32>
          %broadcast_in_dim3A_1225 = arith.constant 17 : i32
          %broadcast_in_dim3A_1226 = vector.broadcast %broadcast_in_dim3A_1225 : i32 to vector<16xi32>
          %select_n3A_1227 = arith.select %gt3A_1224, %broadcast_in_dim3A_1226, %select_n3A_1216 : vector<16xi1>, vector<16xi32>
          %max3A_1228 = arith.maximumf %mul3A_1223, %max3A_1217 : vector<16xf32>
          %get3A_1229 = arith.constant 18 : i32
          %get3A_1230 = arith.index_cast %get3A_1229 : i32 to index
          %get3A_1231 = arith.index_cast %mul3A_1030 : i32 to index
          %get3A_1232 = tpu.vector_load %arg8[%get3A_1230, %get3A_1231] {strides = array<i32>} : memref<64x384xf32, #tpu.memory_space<vmem>>, vector<1x16xf32>,
          %get3A_1233 = vector.shape_cast %get3A_1232 : vector<1x16xf32> to vector<16xf32>
          %mul3A_1234 = arith.mulf %get3A_1033, %get3A_1233 : vector<16xf32>
          %gt3A_1235 = arith.cmpf ogt, %mul3A_1234, %max3A_1228 : vector<16xf32>
          %broadcast_in_dim3A_1236 = arith.constant 18 : i32
          %broadcast_in_dim3A_1237 = vector.broadcast %broadcast_in_dim3A_1236 : i32 to vector<16xi32>
          %select_n3A_1238 = arith.select %gt3A_1235, %broadcast_in_dim3A_1237, %select_n3A_1227 : vector<16xi1>, vector<16xi32>
          %max3A_1239 = arith.maximumf %mul3A_1234, %max3A_1228 : vector<16xf32>
          %get3A_1240 = arith.constant 19 : i32
          %get3A_1241 = arith.index_cast %get3A_1240 : i32 to index
          %get3A_1242 = arith.index_cast %mul3A_1030 : i32 to index
          %get3A_1243 = tpu.vector_load %arg8[%get3A_1241, %get3A_1242] {strides = array<i32>} : memref<64x384xf32, #tpu.memory_space<vmem>>, vector<1x16xf32>,
          %get3A_1244 = vector.shape_cast %get3A_1243 : vector<1x16xf32> to vector<16xf32>
          %mul3A_1245 = arith.mulf %get3A_1033, %get3A_1244 : vector<16xf32>
          %gt3A_1246 = arith.cmpf ogt, %mul3A_1245, %max3A_1239 : vector<16xf32>
          %broadcast_in_dim3A_1247 = arith.constant 19 : i32
          %broadcast_in_dim3A_1248 = vector.broadcast %broadcast_in_dim3A_1247 : i32 to vector<16xi32>
          %select_n3A_1249 = arith.select %gt3A_1246, %broadcast_in_dim3A_1248, %select_n3A_1238 : vector<16xi1>, vector<16xi32>
          %max3A_1250 = arith.maximumf %mul3A_1245, %max3A_1239 : vector<16xf32>
          %get3A_1251 = arith.constant 20 : i32
          %get3A_1252 = arith.index_cast %get3A_1251 : i32 to index
          %get3A_1253 = arith.index_cast %mul3A_1030 : i32 to index
          %get3A_1254 = tpu.vector_load %arg8[%get3A_1252, %get3A_1253] {strides = array<i32>} : memref<64x384xf32, #tpu.memory_space<vmem>>, vector<1x16xf32>,
          %get3A_1255 = vector.shape_cast %get3A_1254 : vector<1x16xf32> to vector<16xf32>
          %mul3A_1256 = arith.mulf %get3A_1033, %get3A_1255 : vector<16xf32>
          %gt3A_1257 = arith.cmpf ogt, %mul3A_1256, %max3A_1250 : vector<16xf32>
          %broadcast_in_dim3A_1258 = arith.constant 20 : i32
          %broadcast_in_dim3A_1259 = vector.broadcast %broadcast_in_dim3A_1258 : i32 to vector<16xi32>
          %select_n3A_1260 = arith.select %gt3A_1257, %broadcast_in_dim3A_1259, %select_n3A_1249 : vector<16xi1>, vector<16xi32>
          %max3A_1261 = arith.maximumf %mul3A_1256, %max3A_1250 : vector<16xf32>
          %get3A_1262 = arith.constant 21 : i32
          %get3A_1263 = arith.index_cast %get3A_1262 : i32 to index
          %get3A_1264 = arith.index_cast %mul3A_1030 : i32 to index
          %get3A_1265 = tpu.vector_load %arg8[%get3A_1263, %get3A_1264] {strides = array<i32>} : memref<64x384xf32, #tpu.memory_space<vmem>>, vector<1x16xf32>,
          %get3A_1266 = vector.shape_cast %get3A_1265 : vector<1x16xf32> to vector<16xf32>
          %mul3A_1267 = arith.mulf %get3A_1033, %get3A_1266 : vector<16xf32>
          %gt3A_1268 = arith.cmpf ogt, %mul3A_1267, %max3A_1261 : vector<16xf32>
          %broadcast_in_dim3A_1269 = arith.constant 21 : i32
          %broadcast_in_dim3A_1270 = vector.broadcast %broadcast_in_dim3A_1269 : i32 to vector<16xi32>
          %select_n3A_1271 = arith.select %gt3A_1268, %broadcast_in_dim3A_1270, %select_n3A_1260 : vector<16xi1>, vector<16xi32>
          %max3A_1272 = arith.maximumf %mul3A_1267, %max3A_1261 : vector<16xf32>
          %get3A_1273 = arith.constant 22 : i32
          %get3A_1274 = arith.index_cast %get3A_1273 : i32 to index
          %get3A_1275 = arith.index_cast %mul3A_1030 : i32 to index
          %get3A_1276 = tpu.vector_load %arg8[%get3A_1274, %get3A_1275] {strides = array<i32>} : memref<64x384xf32, #tpu.memory_space<vmem>>, vector<1x16xf32>,
          %get3A_1277 = vector.shape_cast %get3A_1276 : vector<1x16xf32> to vector<16xf32>
          %mul3A_1278 = arith.mulf %get3A_1033, %get3A_1277 : vector<16xf32>
          %gt3A_1279 = arith.cmpf ogt, %mul3A_1278, %max3A_1272 : vector<16xf32>
          %broadcast_in_dim3A_1280 = arith.constant 22 : i32
          %broadcast_in_dim3A_1281 = vector.broadcast %broadcast_in_dim3A_1280 : i32 to vector<16xi32>
          %select_n3A_1282 = arith.select %gt3A_1279, %broadcast_in_dim3A_1281, %select_n3A_1271 : vector<16xi1>, vector<16xi32>
          %max3A_1283 = arith.maximumf %mul3A_1278, %max3A_1272 : vector<16xf32>
          %get3A_1284 = arith.constant 23 : i32
          %get3A_1285 = arith.index_cast %get3A_1284 : i32 to index
          %get3A_1286 = arith.index_cast %mul3A_1030 : i32 to index
          %get3A_1287 = tpu.vector_load %arg8[%get3A_1285, %get3A_1286] {strides = array<i32>} : memref<64x384xf32, #tpu.memory_space<vmem>>, vector<1x16xf32>,
          %get3A_1288 = vector.shape_cast %get3A_1287 : vector<1x16xf32> to vector<16xf32>
          %mul3A_1289 = arith.mulf %get3A_1033, %get3A_1288 : vector<16xf32>
          %gt3A_1290 = arith.cmpf ogt, %mul3A_1289, %max3A_1283 : vector<16xf32>
          %broadcast_in_dim3A_1291 = arith.constant 23 : i32
          %broadcast_in_dim3A_1292 = vector.broadcast %broadcast_in_dim3A_1291 : i32 to vector<16xi32>
          %select_n3A_1293 = arith.select %gt3A_1290, %broadcast_in_dim3A_1292, %select_n3A_1282 : vector<16xi1>, vector<16xi32>
          %max3A_1294 = arith.maximumf %mul3A_1289, %max3A_1283 : vector<16xf32>
          %get3A_1295 = arith.constant 24 : i32
          %get3A_1296 = arith.index_cast %get3A_1295 : i32 to index
          %get3A_1297 = arith.index_cast %mul3A_1030 : i32 to index
          %get3A_1298 = tpu.vector_load %arg8[%get3A_1296, %get3A_1297] {strides = array<i32>} : memref<64x384xf32, #tpu.memory_space<vmem>>, vector<1x16xf32>,
          %get3A_1299 = vector.shape_cast %get3A_1298 : vector<1x16xf32> to vector<16xf32>
          %mul3A_1300 = arith.mulf %get3A_1033, %get3A_1299 : vector<16xf32>
          %gt3A_1301 = arith.cmpf ogt, %mul3A_1300, %max3A_1294 : vector<16xf32>
          %broadcast_in_dim3A_1302 = arith.constant 24 : i32
          %broadcast_in_dim3A_1303 = vector.broadcast %broadcast_in_dim3A_1302 : i32 to vector<16xi32>
          %select_n3A_1304 = arith.select %gt3A_1301, %broadcast_in_dim3A_1303, %select_n3A_1293 : vector<16xi1>, vector<16xi32>
          %max3A_1305 = arith.maximumf %mul3A_1300, %max3A_1294 : vector<16xf32>
          %get3A_1306 = arith.constant 25 : i32
          %get3A_1307 = arith.index_cast %get3A_1306 : i32 to index
          %get3A_1308 = arith.index_cast %mul3A_1030 : i32 to index
          %get3A_1309 = tpu.vector_load %arg8[%get3A_1307, %get3A_1308] {strides = array<i32>} : memref<64x384xf32, #tpu.memory_space<vmem>>, vector<1x16xf32>,
          %get3A_1310 = vector.shape_cast %get3A_1309 : vector<1x16xf32> to vector<16xf32>
          %mul3A_1311 = arith.mulf %get3A_1033, %get3A_1310 : vector<16xf32>
          %gt3A_1312 = arith.cmpf ogt, %mul3A_1311, %max3A_1305 : vector<16xf32>
          %broadcast_in_dim3A_1313 = arith.constant 25 : i32
          %broadcast_in_dim3A_1314 = vector.broadcast %broadcast_in_dim3A_1313 : i32 to vector<16xi32>
          %select_n3A_1315 = arith.select %gt3A_1312, %broadcast_in_dim3A_1314, %select_n3A_1304 : vector<16xi1>, vector<16xi32>
          %max3A_1316 = arith.maximumf %mul3A_1311, %max3A_1305 : vector<16xf32>
          %get3A_1317 = arith.constant 26 : i32
          %get3A_1318 = arith.index_cast %get3A_1317 : i32 to index
          %get3A_1319 = arith.index_cast %mul3A_1030 : i32 to index
          %get3A_1320 = tpu.vector_load %arg8[%get3A_1318, %get3A_1319] {strides = array<i32>} : memref<64x384xf32, #tpu.memory_space<vmem>>, vector<1x16xf32>,
          %get3A_1321 = vector.shape_cast %get3A_1320 : vector<1x16xf32> to vector<16xf32>
          %mul3A_1322 = arith.mulf %get3A_1033, %get3A_1321 : vector<16xf32>
          %gt3A_1323 = arith.cmpf ogt, %mul3A_1322, %max3A_1316 : vector<16xf32>
          %broadcast_in_dim3A_1324 = arith.constant 26 : i32
          %broadcast_in_dim3A_1325 = vector.broadcast %broadcast_in_dim3A_1324 : i32 to vector<16xi32>
          %select_n3A_1326 = arith.select %gt3A_1323, %broadcast_in_dim3A_1325, %select_n3A_1315 : vector<16xi1>, vector<16xi32>
          %max3A_1327 = arith.maximumf %mul3A_1322, %max3A_1316 : vector<16xf32>
          %get3A_1328 = arith.constant 27 : i32
          %get3A_1329 = arith.index_cast %get3A_1328 : i32 to index
          %get3A_1330 = arith.index_cast %mul3A_1030 : i32 to index
          %get3A_1331 = tpu.vector_load %arg8[%get3A_1329, %get3A_1330] {strides = array<i32>} : memref<64x384xf32, #tpu.memory_space<vmem>>, vector<1x16xf32>,
          %get3A_1332 = vector.shape_cast %get3A_1331 : vector<1x16xf32> to vector<16xf32>
          %mul3A_1333 = arith.mulf %get3A_1033, %get3A_1332 : vector<16xf32>
          %gt3A_1334 = arith.cmpf ogt, %mul3A_1333, %max3A_1327 : vector<16xf32>
          %broadcast_in_dim3A_1335 = arith.constant 27 : i32
          %broadcast_in_dim3A_1336 = vector.broadcast %broadcast_in_dim3A_1335 : i32 to vector<16xi32>
          %select_n3A_1337 = arith.select %gt3A_1334, %broadcast_in_dim3A_1336, %select_n3A_1326 : vector<16xi1>, vector<16xi32>
          %max3A_1338 = arith.maximumf %mul3A_1333, %max3A_1327 : vector<16xf32>
          %get3A_1339 = arith.constant 28 : i32
          %get3A_1340 = arith.index_cast %get3A_1339 : i32 to index
          %get3A_1341 = arith.index_cast %mul3A_1030 : i32 to index
          %get3A_1342 = tpu.vector_load %arg8[%get3A_1340, %get3A_1341] {strides = array<i32>} : memref<64x384xf32, #tpu.memory_space<vmem>>, vector<1x16xf32>,
          %get3A_1343 = vector.shape_cast %get3A_1342 : vector<1x16xf32> to vector<16xf32>
          %mul3A_1344 = arith.mulf %get3A_1033, %get3A_1343 : vector<16xf32>
          %gt3A_1345 = arith.cmpf ogt, %mul3A_1344, %max3A_1338 : vector<16xf32>
          %broadcast_in_dim3A_1346 = arith.constant 28 : i32
          %broadcast_in_dim3A_1347 = vector.broadcast %broadcast_in_dim3A_1346 : i32 to vector<16xi32>
          %select_n3A_1348 = arith.select %gt3A_1345, %broadcast_in_dim3A_1347, %select_n3A_1337 : vector<16xi1>, vector<16xi32>
          %max3A_1349 = arith.maximumf %mul3A_1344, %max3A_1338 : vector<16xf32>
          %get3A_1350 = arith.constant 29 : i32
          %get3A_1351 = arith.index_cast %get3A_1350 : i32 to index
          %get3A_1352 = arith.index_cast %mul3A_1030 : i32 to index
          %get3A_1353 = tpu.vector_load %arg8[%get3A_1351, %get3A_1352] {strides = array<i32>} : memref<64x384xf32, #tpu.memory_space<vmem>>, vector<1x16xf32>,
          %get3A_1354 = vector.shape_cast %get3A_1353 : vector<1x16xf32> to vector<16xf32>
          %mul3A_1355 = arith.mulf %get3A_1033, %get3A_1354 : vector<16xf32>
          %gt3A_1356 = arith.cmpf ogt, %mul3A_1355, %max3A_1349 : vector<16xf32>
          %broadcast_in_dim3A_1357 = arith.constant 29 : i32
          %broadcast_in_dim3A_1358 = vector.broadcast %broadcast_in_dim3A_1357 : i32 to vector<16xi32>
          %select_n3A_1359 = arith.select %gt3A_1356, %broadcast_in_dim3A_1358, %select_n3A_1348 : vector<16xi1>, vector<16xi32>
          %max3A_1360 = arith.maximumf %mul3A_1355, %max3A_1349 : vector<16xf32>
          %get3A_1361 = arith.constant 30 : i32
          %get3A_1362 = arith.index_cast %get3A_1361 : i32 to index
          %get3A_1363 = arith.index_cast %mul3A_1030 : i32 to index
          %get3A_1364 = tpu.vector_load %arg8[%get3A_1362, %get3A_1363] {strides = array<i32>} : memref<64x384xf32, #tpu.memory_space<vmem>>, vector<1x16xf32>,
          %get3A_1365 = vector.shape_cast %get3A_1364 : vector<1x16xf32> to vector<16xf32>
          %mul3A_1366 = arith.mulf %get3A_1033, %get3A_1365 : vector<16xf32>
          %gt3A_1367 = arith.cmpf ogt, %mul3A_1366, %max3A_1360 : vector<16xf32>
          %broadcast_in_dim3A_1368 = arith.constant 30 : i32
          %broadcast_in_dim3A_1369 = vector.broadcast %broadcast_in_dim3A_1368 : i32 to vector<16xi32>
          %select_n3A_1370 = arith.select %gt3A_1367, %broadcast_in_dim3A_1369, %select_n3A_1359 : vector<16xi1>, vector<16xi32>
          %max3A_1371 = arith.maximumf %mul3A_1366, %max3A_1360 : vector<16xf32>
          %get3A_1372 = arith.constant 31 : i32
          %get3A_1373 = arith.index_cast %get3A_1372 : i32 to index
          %get3A_1374 = arith.index_cast %mul3A_1030 : i32 to index
          %get3A_1375 = tpu.vector_load %arg8[%get3A_1373, %get3A_1374] {strides = array<i32>} : memref<64x384xf32, #tpu.memory_space<vmem>>, vector<1x16xf32>,
          %get3A_1376 = vector.shape_cast %get3A_1375 : vector<1x16xf32> to vector<16xf32>
          %mul3A_1377 = arith.mulf %get3A_1033, %get3A_1376 : vector<16xf32>
          %gt3A_1378 = arith.cmpf ogt, %mul3A_1377, %max3A_1371 : vector<16xf32>
          %broadcast_in_dim3A_1379 = arith.constant 31 : i32
          %broadcast_in_dim3A_1380 = vector.broadcast %broadcast_in_dim3A_1379 : i32 to vector<16xi32>
          %select_n3A_1381 = arith.select %gt3A_1378, %broadcast_in_dim3A_1380, %select_n3A_1370 : vector<16xi1>, vector<16xi32>
          %max3A_1382 = arith.maximumf %mul3A_1377, %max3A_1371 : vector<16xf32>
          %get3A_1383 = arith.constant 32 : i32
          %get3A_1384 = arith.index_cast %get3A_1383 : i32 to index
          %get3A_1385 = arith.index_cast %mul3A_1030 : i32 to index
          %get3A_1386 = tpu.vector_load %arg8[%get3A_1384, %get3A_1385] {strides = array<i32>} : memref<64x384xf32, #tpu.memory_space<vmem>>, vector<1x16xf32>,
          %get3A_1387 = vector.shape_cast %get3A_1386 : vector<1x16xf32> to vector<16xf32>
          %mul3A_1388 = arith.mulf %get3A_1033, %get3A_1387 : vector<16xf32>
          %gt3A_1389 = arith.cmpf ogt, %mul3A_1388, %max3A_1382 : vector<16xf32>
          %broadcast_in_dim3A_1390 = arith.constant 32 : i32
          %broadcast_in_dim3A_1391 = vector.broadcast %broadcast_in_dim3A_1390 : i32 to vector<16xi32>
          %select_n3A_1392 = arith.select %gt3A_1389, %broadcast_in_dim3A_1391, %select_n3A_1381 : vector<16xi1>, vector<16xi32>
          %max3A_1393 = arith.maximumf %mul3A_1388, %max3A_1382 : vector<16xf32>
          %get3A_1394 = arith.constant 33 : i32
          %get3A_1395 = arith.index_cast %get3A_1394 : i32 to index
          %get3A_1396 = arith.index_cast %mul3A_1030 : i32 to index
          %get3A_1397 = tpu.vector_load %arg8[%get3A_1395, %get3A_1396] {strides = array<i32>} : memref<64x384xf32, #tpu.memory_space<vmem>>, vector<1x16xf32>,
          %get3A_1398 = vector.shape_cast %get3A_1397 : vector<1x16xf32> to vector<16xf32>
          %mul3A_1399 = arith.mulf %get3A_1033, %get3A_1398 : vector<16xf32>
          %gt3A_1400 = arith.cmpf ogt, %mul3A_1399, %max3A_1393 : vector<16xf32>
          %broadcast_in_dim3A_1401 = arith.constant 33 : i32
          %broadcast_in_dim3A_1402 = vector.broadcast %broadcast_in_dim3A_1401 : i32 to vector<16xi32>
          %select_n3A_1403 = arith.select %gt3A_1400, %broadcast_in_dim3A_1402, %select_n3A_1392 : vector<16xi1>, vector<16xi32>
          %max3A_1404 = arith.maximumf %mul3A_1399, %max3A_1393 : vector<16xf32>
          %get3A_1405 = arith.constant 34 : i32
          %get3A_1406 = arith.index_cast %get3A_1405 : i32 to index
          %get3A_1407 = arith.index_cast %mul3A_1030 : i32 to index
          %get3A_1408 = tpu.vector_load %arg8[%get3A_1406, %get3A_1407] {strides = array<i32>} : memref<64x384xf32, #tpu.memory_space<vmem>>, vector<1x16xf32>,
          %get3A_1409 = vector.shape_cast %get3A_1408 : vector<1x16xf32> to vector<16xf32>
          %mul3A_1410 = arith.mulf %get3A_1033, %get3A_1409 : vector<16xf32>
          %gt3A_1411 = arith.cmpf ogt, %mul3A_1410, %max3A_1404 : vector<16xf32>
          %broadcast_in_dim3A_1412 = arith.constant 34 : i32
          %broadcast_in_dim3A_1413 = vector.broadcast %broadcast_in_dim3A_1412 : i32 to vector<16xi32>
          %select_n3A_1414 = arith.select %gt3A_1411, %broadcast_in_dim3A_1413, %select_n3A_1403 : vector<16xi1>, vector<16xi32>
          %max3A_1415 = arith.maximumf %mul3A_1410, %max3A_1404 : vector<16xf32>
          %get3A_1416 = arith.constant 35 : i32
          %get3A_1417 = arith.index_cast %get3A_1416 : i32 to index
          %get3A_1418 = arith.index_cast %mul3A_1030 : i32 to index
          %get3A_1419 = tpu.vector_load %arg8[%get3A_1417, %get3A_1418] {strides = array<i32>} : memref<64x384xf32, #tpu.memory_space<vmem>>, vector<1x16xf32>,
          %get3A_1420 = vector.shape_cast %get3A_1419 : vector<1x16xf32> to vector<16xf32>
          %mul3A_1421 = arith.mulf %get3A_1033, %get3A_1420 : vector<16xf32>
          %gt3A_1422 = arith.cmpf ogt, %mul3A_1421, %max3A_1415 : vector<16xf32>
          %broadcast_in_dim3A_1423 = arith.constant 35 : i32
          %broadcast_in_dim3A_1424 = vector.broadcast %broadcast_in_dim3A_1423 : i32 to vector<16xi32>
          %select_n3A_1425 = arith.select %gt3A_1422, %broadcast_in_dim3A_1424, %select_n3A_1414 : vector<16xi1>, vector<16xi32>
          %max3A_1426 = arith.maximumf %mul3A_1421, %max3A_1415 : vector<16xf32>
          %get3A_1427 = arith.constant 36 : i32
          %get3A_1428 = arith.index_cast %get3A_1427 : i32 to index
          %get3A_1429 = arith.index_cast %mul3A_1030 : i32 to index
          %get3A_1430 = tpu.vector_load %arg8[%get3A_1428, %get3A_1429] {strides = array<i32>} : memref<64x384xf32, #tpu.memory_space<vmem>>, vector<1x16xf32>,
          %get3A_1431 = vector.shape_cast %get3A_1430 : vector<1x16xf32> to vector<16xf32>
          %mul3A_1432 = arith.mulf %get3A_1033, %get3A_1431 : vector<16xf32>
          %gt3A_1433 = arith.cmpf ogt, %mul3A_1432, %max3A_1426 : vector<16xf32>
          %broadcast_in_dim3A_1434 = arith.constant 36 : i32
          %broadcast_in_dim3A_1435 = vector.broadcast %broadcast_in_dim3A_1434 : i32 to vector<16xi32>
          %select_n3A_1436 = arith.select %gt3A_1433, %broadcast_in_dim3A_1435, %select_n3A_1425 : vector<16xi1>, vector<16xi32>
          %max3A_1437 = arith.maximumf %mul3A_1432, %max3A_1426 : vector<16xf32>
          %get3A_1438 = arith.constant 37 : i32
          %get3A_1439 = arith.index_cast %get3A_1438 : i32 to index
          %get3A_1440 = arith.index_cast %mul3A_1030 : i32 to index
          %get3A_1441 = tpu.vector_load %arg8[%get3A_1439, %get3A_1440] {strides = array<i32>} : memref<64x384xf32, #tpu.memory_space<vmem>>, vector<1x16xf32>,
          %get3A_1442 = vector.shape_cast %get3A_1441 : vector<1x16xf32> to vector<16xf32>
          %mul3A_1443 = arith.mulf %get3A_1033, %get3A_1442 : vector<16xf32>
          %gt3A_1444 = arith.cmpf ogt, %mul3A_1443, %max3A_1437 : vector<16xf32>
          %broadcast_in_dim3A_1445 = arith.constant 37 : i32
          %broadcast_in_dim3A_1446 = vector.broadcast %broadcast_in_dim3A_1445 : i32 to vector<16xi32>
          %select_n3A_1447 = arith.select %gt3A_1444, %broadcast_in_dim3A_1446, %select_n3A_1436 : vector<16xi1>, vector<16xi32>
          %max3A_1448 = arith.maximumf %mul3A_1443, %max3A_1437 : vector<16xf32>
          %get3A_1449 = arith.constant 38 : i32
          %get3A_1450 = arith.index_cast %get3A_1449 : i32 to index
          %get3A_1451 = arith.index_cast %mul3A_1030 : i32 to index
          %get3A_1452 = tpu.vector_load %arg8[%get3A_1450, %get3A_1451] {strides = array<i32>} : memref<64x384xf32, #tpu.memory_space<vmem>>, vector<1x16xf32>,
          %get3A_1453 = vector.shape_cast %get3A_1452 : vector<1x16xf32> to vector<16xf32>
          %mul3A_1454 = arith.mulf %get3A_1033, %get3A_1453 : vector<16xf32>
          %gt3A_1455 = arith.cmpf ogt, %mul3A_1454, %max3A_1448 : vector<16xf32>
          %broadcast_in_dim3A_1456 = arith.constant 38 : i32
          %broadcast_in_dim3A_1457 = vector.broadcast %broadcast_in_dim3A_1456 : i32 to vector<16xi32>
          %select_n3A_1458 = arith.select %gt3A_1455, %broadcast_in_dim3A_1457, %select_n3A_1447 : vector<16xi1>, vector<16xi32>
          %max3A_1459 = arith.maximumf %mul3A_1454, %max3A_1448 : vector<16xf32>
          %get3A_1460 = arith.constant 39 : i32
          %get3A_1461 = arith.index_cast %get3A_1460 : i32 to index
          %get3A_1462 = arith.index_cast %mul3A_1030 : i32 to index
          %get3A_1463 = tpu.vector_load %arg8[%get3A_1461, %get3A_1462] {strides = array<i32>} : memref<64x384xf32, #tpu.memory_space<vmem>>, vector<1x16xf32>,
          %get3A_1464 = vector.shape_cast %get3A_1463 : vector<1x16xf32> to vector<16xf32>
          %mul3A_1465 = arith.mulf %get3A_1033, %get3A_1464 : vector<16xf32>
          %gt3A_1466 = arith.cmpf ogt, %mul3A_1465, %max3A_1459 : vector<16xf32>
          %broadcast_in_dim3A_1467 = arith.constant 39 : i32
          %broadcast_in_dim3A_1468 = vector.broadcast %broadcast_in_dim3A_1467 : i32 to vector<16xi32>
          %select_n3A_1469 = arith.select %gt3A_1466, %broadcast_in_dim3A_1468, %select_n3A_1458 : vector<16xi1>, vector<16xi32>
          %max3A_1470 = arith.maximumf %mul3A_1465, %max3A_1459 : vector<16xf32>
          %get3A_1471 = arith.constant 40 : i32
          %get3A_1472 = arith.index_cast %get3A_1471 : i32 to index
          %get3A_1473 = arith.index_cast %mul3A_1030 : i32 to index
          %get3A_1474 = tpu.vector_load %arg8[%get3A_1472, %get3A_1473] {strides = array<i32>} : memref<64x384xf32, #tpu.memory_space<vmem>>, vector<1x16xf32>,
          %get3A_1475 = vector.shape_cast %get3A_1474 : vector<1x16xf32> to vector<16xf32>
          %mul3A_1476 = arith.mulf %get3A_1033, %get3A_1475 : vector<16xf32>
          %gt3A_1477 = arith.cmpf ogt, %mul3A_1476, %max3A_1470 : vector<16xf32>
          %broadcast_in_dim3A_1478 = arith.constant 40 : i32
          %broadcast_in_dim3A_1479 = vector.broadcast %broadcast_in_dim3A_1478 : i32 to vector<16xi32>
          %select_n3A_1480 = arith.select %gt3A_1477, %broadcast_in_dim3A_1479, %select_n3A_1469 : vector<16xi1>, vector<16xi32>
          %max3A_1481 = arith.maximumf %mul3A_1476, %max3A_1470 : vector<16xf32>
          %get3A_1482 = arith.constant 41 : i32
          %get3A_1483 = arith.index_cast %get3A_1482 : i32 to index
          %get3A_1484 = arith.index_cast %mul3A_1030 : i32 to index
          %get3A_1485 = tpu.vector_load %arg8[%get3A_1483, %get3A_1484] {strides = array<i32>} : memref<64x384xf32, #tpu.memory_space<vmem>>, vector<1x16xf32>,
          %get3A_1486 = vector.shape_cast %get3A_1485 : vector<1x16xf32> to vector<16xf32>
          %mul3A_1487 = arith.mulf %get3A_1033, %get3A_1486 : vector<16xf32>
          %gt3A_1488 = arith.cmpf ogt, %mul3A_1487, %max3A_1481 : vector<16xf32>
          %broadcast_in_dim3A_1489 = arith.constant 41 : i32
          %broadcast_in_dim3A_1490 = vector.broadcast %broadcast_in_dim3A_1489 : i32 to vector<16xi32>
          %select_n3A_1491 = arith.select %gt3A_1488, %broadcast_in_dim3A_1490, %select_n3A_1480 : vector<16xi1>, vector<16xi32>
          %max3A_1492 = arith.maximumf %mul3A_1487, %max3A_1481 : vector<16xf32>
          %get3A_1493 = arith.constant 42 : i32
          %get3A_1494 = arith.index_cast %get3A_1493 : i32 to index
          %get3A_1495 = arith.index_cast %mul3A_1030 : i32 to index
          %get3A_1496 = tpu.vector_load %arg8[%get3A_1494, %get3A_1495] {strides = array<i32>} : memref<64x384xf32, #tpu.memory_space<vmem>>, vector<1x16xf32>,
          %get3A_1497 = vector.shape_cast %get3A_1496 : vector<1x16xf32> to vector<16xf32>
          %mul3A_1498 = arith.mulf %get3A_1033, %get3A_1497 : vector<16xf32>
          %gt3A_1499 = arith.cmpf ogt, %mul3A_1498, %max3A_1492 : vector<16xf32>
          %broadcast_in_dim3A_1500 = arith.constant 42 : i32
          %broadcast_in_dim3A_1501 = vector.broadcast %broadcast_in_dim3A_1500 : i32 to vector<16xi32>
          %select_n3A_1502 = arith.select %gt3A_1499, %broadcast_in_dim3A_1501, %select_n3A_1491 : vector<16xi1>, vector<16xi32>
          %max3A_1503 = arith.maximumf %mul3A_1498, %max3A_1492 : vector<16xf32>
          %get3A_1504 = arith.constant 43 : i32
          %get3A_1505 = arith.index_cast %get3A_1504 : i32 to index
          %get3A_1506 = arith.index_cast %mul3A_1030 : i32 to index
          %get3A_1507 = tpu.vector_load %arg8[%get3A_1505, %get3A_1506] {strides = array<i32>} : memref<64x384xf32, #tpu.memory_space<vmem>>, vector<1x16xf32>,
          %get3A_1508 = vector.shape_cast %get3A_1507 : vector<1x16xf32> to vector<16xf32>
          %mul3A_1509 = arith.mulf %get3A_1033, %get3A_1508 : vector<16xf32>
          %gt3A_1510 = arith.cmpf ogt, %mul3A_1509, %max3A_1503 : vector<16xf32>
          %broadcast_in_dim3A_1511 = arith.constant 43 : i32
          %broadcast_in_dim3A_1512 = vector.broadcast %broadcast_in_dim3A_1511 : i32 to vector<16xi32>
          %select_n3A_1513 = arith.select %gt3A_1510, %broadcast_in_dim3A_1512, %select_n3A_1502 : vector<16xi1>, vector<16xi32>
          %max3A_1514 = arith.maximumf %mul3A_1509, %max3A_1503 : vector<16xf32>
          %get3A_1515 = arith.constant 44 : i32
          %get3A_1516 = arith.index_cast %get3A_1515 : i32 to index
          %get3A_1517 = arith.index_cast %mul3A_1030 : i32 to index
          %get3A_1518 = tpu.vector_load %arg8[%get3A_1516, %get3A_1517] {strides = array<i32>} : memref<64x384xf32, #tpu.memory_space<vmem>>, vector<1x16xf32>,
          %get3A_1519 = vector.shape_cast %get3A_1518 : vector<1x16xf32> to vector<16xf32>
          %mul3A_1520 = arith.mulf %get3A_1033, %get3A_1519 : vector<16xf32>
          %gt3A_1521 = arith.cmpf ogt, %mul3A_1520, %max3A_1514 : vector<16xf32>
          %broadcast_in_dim3A_1522 = arith.constant 44 : i32
          %broadcast_in_dim3A_1523 = vector.broadcast %broadcast_in_dim3A_1522 : i32 to vector<16xi32>
          %select_n3A_1524 = arith.select %gt3A_1521, %broadcast_in_dim3A_1523, %select_n3A_1513 : vector<16xi1>, vector<16xi32>
          %max3A_1525 = arith.maximumf %mul3A_1520, %max3A_1514 : vector<16xf32>
          %get3A_1526 = arith.constant 45 : i32
          %get3A_1527 = arith.index_cast %get3A_1526 : i32 to index
          %get3A_1528 = arith.index_cast %mul3A_1030 : i32 to index
          %get3A_1529 = tpu.vector_load %arg8[%get3A_1527, %get3A_1528] {strides = array<i32>} : memref<64x384xf32, #tpu.memory_space<vmem>>, vector<1x16xf32>,
          %get3A_1530 = vector.shape_cast %get3A_1529 : vector<1x16xf32> to vector<16xf32>
          %mul3A_1531 = arith.mulf %get3A_1033, %get3A_1530 : vector<16xf32>
          %gt3A_1532 = arith.cmpf ogt, %mul3A_1531, %max3A_1525 : vector<16xf32>
          %broadcast_in_dim3A_1533 = arith.constant 45 : i32
          %broadcast_in_dim3A_1534 = vector.broadcast %broadcast_in_dim3A_1533 : i32 to vector<16xi32>
          %select_n3A_1535 = arith.select %gt3A_1532, %broadcast_in_dim3A_1534, %select_n3A_1524 : vector<16xi1>, vector<16xi32>
          %max3A_1536 = arith.maximumf %mul3A_1531, %max3A_1525 : vector<16xf32>
          %get3A_1537 = arith.constant 46 : i32
          %get3A_1538 = arith.index_cast %get3A_1537 : i32 to index
          %get3A_1539 = arith.index_cast %mul3A_1030 : i32 to index
          %get3A_1540 = tpu.vector_load %arg8[%get3A_1538, %get3A_1539] {strides = array<i32>} : memref<64x384xf32, #tpu.memory_space<vmem>>, vector<1x16xf32>,
          %get3A_1541 = vector.shape_cast %get3A_1540 : vector<1x16xf32> to vector<16xf32>
          %mul3A_1542 = arith.mulf %get3A_1033, %get3A_1541 : vector<16xf32>
          %gt3A_1543 = arith.cmpf ogt, %mul3A_1542, %max3A_1536 : vector<16xf32>
          %broadcast_in_dim3A_1544 = arith.constant 46 : i32
          %broadcast_in_dim3A_1545 = vector.broadcast %broadcast_in_dim3A_1544 : i32 to vector<16xi32>
          %select_n3A_1546 = arith.select %gt3A_1543, %broadcast_in_dim3A_1545, %select_n3A_1535 : vector<16xi1>, vector<16xi32>
          %max3A_1547 = arith.maximumf %mul3A_1542, %max3A_1536 : vector<16xf32>
          %get3A_1548 = arith.constant 47 : i32
          %get3A_1549 = arith.index_cast %get3A_1548 : i32 to index
          %get3A_1550 = arith.index_cast %mul3A_1030 : i32 to index
          %get3A_1551 = tpu.vector_load %arg8[%get3A_1549, %get3A_1550] {strides = array<i32>} : memref<64x384xf32, #tpu.memory_space<vmem>>, vector<1x16xf32>,
          %get3A_1552 = vector.shape_cast %get3A_1551 : vector<1x16xf32> to vector<16xf32>
          %mul3A_1553 = arith.mulf %get3A_1033, %get3A_1552 : vector<16xf32>
          %gt3A_1554 = arith.cmpf ogt, %mul3A_1553, %max3A_1547 : vector<16xf32>
          %broadcast_in_dim3A_1555 = arith.constant 47 : i32
          %broadcast_in_dim3A_1556 = vector.broadcast %broadcast_in_dim3A_1555 : i32 to vector<16xi32>
          %select_n3A_1557 = arith.select %gt3A_1554, %broadcast_in_dim3A_1556, %select_n3A_1546 : vector<16xi1>, vector<16xi32>
          %max3A_1558 = arith.maximumf %mul3A_1553, %max3A_1547 : vector<16xf32>
          %get3A_1559 = arith.constant 48 : i32
          %get3A_1560 = arith.index_cast %get3A_1559 : i32 to index
          %get3A_1561 = arith.index_cast %mul3A_1030 : i32 to index
          %get3A_1562 = tpu.vector_load %arg8[%get3A_1560, %get3A_1561] {strides = array<i32>} : memref<64x384xf32, #tpu.memory_space<vmem>>, vector<1x16xf32>,
          %get3A_1563 = vector.shape_cast %get3A_1562 : vector<1x16xf32> to vector<16xf32>
          %mul3A_1564 = arith.mulf %get3A_1033, %get3A_1563 : vector<16xf32>
          %gt3A_1565 = arith.cmpf ogt, %mul3A_1564, %max3A_1558 : vector<16xf32>
          %broadcast_in_dim3A_1566 = arith.constant 48 : i32
          %broadcast_in_dim3A_1567 = vector.broadcast %broadcast_in_dim3A_1566 : i32 to vector<16xi32>
          %select_n3A_1568 = arith.select %gt3A_1565, %broadcast_in_dim3A_1567, %select_n3A_1557 : vector<16xi1>, vector<16xi32>
          %max3A_1569 = arith.maximumf %mul3A_1564, %max3A_1558 : vector<16xf32>
          %get3A_1570 = arith.constant 49 : i32
          %get3A_1571 = arith.index_cast %get3A_1570 : i32 to index
          %get3A_1572 = arith.index_cast %mul3A_1030 : i32 to index
          %get3A_1573 = tpu.vector_load %arg8[%get3A_1571, %get3A_1572] {strides = array<i32>} : memref<64x384xf32, #tpu.memory_space<vmem>>, vector<1x16xf32>,
          %get3A_1574 = vector.shape_cast %get3A_1573 : vector<1x16xf32> to vector<16xf32>
          %mul3A_1575 = arith.mulf %get3A_1033, %get3A_1574 : vector<16xf32>
          %gt3A_1576 = arith.cmpf ogt, %mul3A_1575, %max3A_1569 : vector<16xf32>
          %broadcast_in_dim3A_1577 = arith.constant 49 : i32
          %broadcast_in_dim3A_1578 = vector.broadcast %broadcast_in_dim3A_1577 : i32 to vector<16xi32>
          %select_n3A_1579 = arith.select %gt3A_1576, %broadcast_in_dim3A_1578, %select_n3A_1568 : vector<16xi1>, vector<16xi32>
          %max3A_1580 = arith.maximumf %mul3A_1575, %max3A_1569 : vector<16xf32>
          %get3A_1581 = arith.constant 50 : i32
          %get3A_1582 = arith.index_cast %get3A_1581 : i32 to index
          %get3A_1583 = arith.index_cast %mul3A_1030 : i32 to index
          %get3A_1584 = tpu.vector_load %arg8[%get3A_1582, %get3A_1583] {strides = array<i32>} : memref<64x384xf32, #tpu.memory_space<vmem>>, vector<1x16xf32>,
          %get3A_1585 = vector.shape_cast %get3A_1584 : vector<1x16xf32> to vector<16xf32>
          %mul3A_1586 = arith.mulf %get3A_1033, %get3A_1585 : vector<16xf32>
          %gt3A_1587 = arith.cmpf ogt, %mul3A_1586, %max3A_1580 : vector<16xf32>
          %broadcast_in_dim3A_1588 = arith.constant 50 : i32
          %broadcast_in_dim3A_1589 = vector.broadcast %broadcast_in_dim3A_1588 : i32 to vector<16xi32>
          %select_n3A_1590 = arith.select %gt3A_1587, %broadcast_in_dim3A_1589, %select_n3A_1579 : vector<16xi1>, vector<16xi32>
          %max3A_1591 = arith.maximumf %mul3A_1586, %max3A_1580 : vector<16xf32>
          %get3A_1592 = arith.constant 51 : i32
          %get3A_1593 = arith.index_cast %get3A_1592 : i32 to index
          %get3A_1594 = arith.index_cast %mul3A_1030 : i32 to index
          %get3A_1595 = tpu.vector_load %arg8[%get3A_1593, %get3A_1594] {strides = array<i32>} : memref<64x384xf32, #tpu.memory_space<vmem>>, vector<1x16xf32>,
          %get3A_1596 = vector.shape_cast %get3A_1595 : vector<1x16xf32> to vector<16xf32>
          %mul3A_1597 = arith.mulf %get3A_1033, %get3A_1596 : vector<16xf32>
          %gt3A_1598 = arith.cmpf ogt, %mul3A_1597, %max3A_1591 : vector<16xf32>
          %broadcast_in_dim3A_1599 = arith.constant 51 : i32
          %broadcast_in_dim3A_1600 = vector.broadcast %broadcast_in_dim3A_1599 : i32 to vector<16xi32>
          %select_n3A_1601 = arith.select %gt3A_1598, %broadcast_in_dim3A_1600, %select_n3A_1590 : vector<16xi1>, vector<16xi32>
          %max3A_1602 = arith.maximumf %mul3A_1597, %max3A_1591 : vector<16xf32>
          %get3A_1603 = arith.constant 52 : i32
          %get3A_1604 = arith.index_cast %get3A_1603 : i32 to index
          %get3A_1605 = arith.index_cast %mul3A_1030 : i32 to index
          %get3A_1606 = tpu.vector_load %arg8[%get3A_1604, %get3A_1605] {strides = array<i32>} : memref<64x384xf32, #tpu.memory_space<vmem>>, vector<1x16xf32>,
          %get3A_1607 = vector.shape_cast %get3A_1606 : vector<1x16xf32> to vector<16xf32>
          %mul3A_1608 = arith.mulf %get3A_1033, %get3A_1607 : vector<16xf32>
          %gt3A_1609 = arith.cmpf ogt, %mul3A_1608, %max3A_1602 : vector<16xf32>
          %broadcast_in_dim3A_1610 = arith.constant 52 : i32
          %broadcast_in_dim3A_1611 = vector.broadcast %broadcast_in_dim3A_1610 : i32 to vector<16xi32>
          %select_n3A_1612 = arith.select %gt3A_1609, %broadcast_in_dim3A_1611, %select_n3A_1601 : vector<16xi1>, vector<16xi32>
          %max3A_1613 = arith.maximumf %mul3A_1608, %max3A_1602 : vector<16xf32>
          %get3A_1614 = arith.constant 53 : i32
          %get3A_1615 = arith.index_cast %get3A_1614 : i32 to index
          %get3A_1616 = arith.index_cast %mul3A_1030 : i32 to index
          %get3A_1617 = tpu.vector_load %arg8[%get3A_1615, %get3A_1616] {strides = array<i32>} : memref<64x384xf32, #tpu.memory_space<vmem>>, vector<1x16xf32>,
          %get3A_1618 = vector.shape_cast %get3A_1617 : vector<1x16xf32> to vector<16xf32>
          %mul3A_1619 = arith.mulf %get3A_1033, %get3A_1618 : vector<16xf32>
          %gt3A_1620 = arith.cmpf ogt, %mul3A_1619, %max3A_1613 : vector<16xf32>
          %broadcast_in_dim3A_1621 = arith.constant 53 : i32
          %broadcast_in_dim3A_1622 = vector.broadcast %broadcast_in_dim3A_1621 : i32 to vector<16xi32>
          %select_n3A_1623 = arith.select %gt3A_1620, %broadcast_in_dim3A_1622, %select_n3A_1612 : vector<16xi1>, vector<16xi32>
          %max3A_1624 = arith.maximumf %mul3A_1619, %max3A_1613 : vector<16xf32>
          %get3A_1625 = arith.constant 54 : i32
          %get3A_1626 = arith.index_cast %get3A_1625 : i32 to index
          %get3A_1627 = arith.index_cast %mul3A_1030 : i32 to index
          %get3A_1628 = tpu.vector_load %arg8[%get3A_1626, %get3A_1627] {strides = array<i32>} : memref<64x384xf32, #tpu.memory_space<vmem>>, vector<1x16xf32>,
          %get3A_1629 = vector.shape_cast %get3A_1628 : vector<1x16xf32> to vector<16xf32>
          %mul3A_1630 = arith.mulf %get3A_1033, %get3A_1629 : vector<16xf32>
          %gt3A_1631 = arith.cmpf ogt, %mul3A_1630, %max3A_1624 : vector<16xf32>
          %broadcast_in_dim3A_1632 = arith.constant 54 : i32
          %broadcast_in_dim3A_1633 = vector.broadcast %broadcast_in_dim3A_1632 : i32 to vector<16xi32>
          %select_n3A_1634 = arith.select %gt3A_1631, %broadcast_in_dim3A_1633, %select_n3A_1623 : vector<16xi1>, vector<16xi32>
          %max3A_1635 = arith.maximumf %mul3A_1630, %max3A_1624 : vector<16xf32>
          %get3A_1636 = arith.constant 55 : i32
          %get3A_1637 = arith.index_cast %get3A_1636 : i32 to index
          %get3A_1638 = arith.index_cast %mul3A_1030 : i32 to index
          %get3A_1639 = tpu.vector_load %arg8[%get3A_1637, %get3A_1638] {strides = array<i32>} : memref<64x384xf32, #tpu.memory_space<vmem>>, vector<1x16xf32>,
          %get3A_1640 = vector.shape_cast %get3A_1639 : vector<1x16xf32> to vector<16xf32>
          %mul3A_1641 = arith.mulf %get3A_1033, %get3A_1640 : vector<16xf32>
          %gt3A_1642 = arith.cmpf ogt, %mul3A_1641, %max3A_1635 : vector<16xf32>
          %broadcast_in_dim3A_1643 = arith.constant 55 : i32
          %broadcast_in_dim3A_1644 = vector.broadcast %broadcast_in_dim3A_1643 : i32 to vector<16xi32>
          %select_n3A_1645 = arith.select %gt3A_1642, %broadcast_in_dim3A_1644, %select_n3A_1634 : vector<16xi1>, vector<16xi32>
          %max3A_1646 = arith.maximumf %mul3A_1641, %max3A_1635 : vector<16xf32>
          %get3A_1647 = arith.constant 56 : i32
          %get3A_1648 = arith.index_cast %get3A_1647 : i32 to index
          %get3A_1649 = arith.index_cast %mul3A_1030 : i32 to index
          %get3A_1650 = tpu.vector_load %arg8[%get3A_1648, %get3A_1649] {strides = array<i32>} : memref<64x384xf32, #tpu.memory_space<vmem>>, vector<1x16xf32>,
          %get3A_1651 = vector.shape_cast %get3A_1650 : vector<1x16xf32> to vector<16xf32>
          %mul3A_1652 = arith.mulf %get3A_1033, %get3A_1651 : vector<16xf32>
          %gt3A_1653 = arith.cmpf ogt, %mul3A_1652, %max3A_1646 : vector<16xf32>
          %broadcast_in_dim3A_1654 = arith.constant 56 : i32
          %broadcast_in_dim3A_1655 = vector.broadcast %broadcast_in_dim3A_1654 : i32 to vector<16xi32>
          %select_n3A_1656 = arith.select %gt3A_1653, %broadcast_in_dim3A_1655, %select_n3A_1645 : vector<16xi1>, vector<16xi32>
          %max3A_1657 = arith.maximumf %mul3A_1652, %max3A_1646 : vector<16xf32>
          %get3A_1658 = arith.constant 57 : i32
          %get3A_1659 = arith.index_cast %get3A_1658 : i32 to index
          %get3A_1660 = arith.index_cast %mul3A_1030 : i32 to index
          %get3A_1661 = tpu.vector_load %arg8[%get3A_1659, %get3A_1660] {strides = array<i32>} : memref<64x384xf32, #tpu.memory_space<vmem>>, vector<1x16xf32>,
          %get3A_1662 = vector.shape_cast %get3A_1661 : vector<1x16xf32> to vector<16xf32>
          %mul3A_1663 = arith.mulf %get3A_1033, %get3A_1662 : vector<16xf32>
          %gt3A_1664 = arith.cmpf ogt, %mul3A_1663, %max3A_1657 : vector<16xf32>
          %broadcast_in_dim3A_1665 = arith.constant 57 : i32
          %broadcast_in_dim3A_1666 = vector.broadcast %broadcast_in_dim3A_1665 : i32 to vector<16xi32>
          %select_n3A_1667 = arith.select %gt3A_1664, %broadcast_in_dim3A_1666, %select_n3A_1656 : vector<16xi1>, vector<16xi32>
          %max3A_1668 = arith.maximumf %mul3A_1663, %max3A_1657 : vector<16xf32>
          %get3A_1669 = arith.constant 58 : i32
          %get3A_1670 = arith.index_cast %get3A_1669 : i32 to index
          %get3A_1671 = arith.index_cast %mul3A_1030 : i32 to index
          %get3A_1672 = tpu.vector_load %arg8[%get3A_1670, %get3A_1671] {strides = array<i32>} : memref<64x384xf32, #tpu.memory_space<vmem>>, vector<1x16xf32>,
          %get3A_1673 = vector.shape_cast %get3A_1672 : vector<1x16xf32> to vector<16xf32>
          %mul3A_1674 = arith.mulf %get3A_1033, %get3A_1673 : vector<16xf32>
          %gt3A_1675 = arith.cmpf ogt, %mul3A_1674, %max3A_1668 : vector<16xf32>
          %broadcast_in_dim3A_1676 = arith.constant 58 : i32
          %broadcast_in_dim3A_1677 = vector.broadcast %broadcast_in_dim3A_1676 : i32 to vector<16xi32>
          %select_n3A_1678 = arith.select %gt3A_1675, %broadcast_in_dim3A_1677, %select_n3A_1667 : vector<16xi1>, vector<16xi32>
          %max3A_1679 = arith.maximumf %mul3A_1674, %max3A_1668 : vector<16xf32>
          %get3A_1680 = arith.constant 59 : i32
          %get3A_1681 = arith.index_cast %get3A_1680 : i32 to index
          %get3A_1682 = arith.index_cast %mul3A_1030 : i32 to index
          %get3A_1683 = tpu.vector_load %arg8[%get3A_1681, %get3A_1682] {strides = array<i32>} : memref<64x384xf32, #tpu.memory_space<vmem>>, vector<1x16xf32>,
          %get3A_1684 = vector.shape_cast %get3A_1683 : vector<1x16xf32> to vector<16xf32>
          %mul3A_1685 = arith.mulf %get3A_1033, %get3A_1684 : vector<16xf32>
          %gt3A_1686 = arith.cmpf ogt, %mul3A_1685, %max3A_1679 : vector<16xf32>
          %broadcast_in_dim3A_1687 = arith.constant 59 : i32
          %broadcast_in_dim3A_1688 = vector.broadcast %broadcast_in_dim3A_1687 : i32 to vector<16xi32>
          %select_n3A_1689 = arith.select %gt3A_1686, %broadcast_in_dim3A_1688, %select_n3A_1678 : vector<16xi1>, vector<16xi32>
          %max3A_1690 = arith.maximumf %mul3A_1685, %max3A_1679 : vector<16xf32>
          %get3A_1691 = arith.constant 60 : i32
          %get3A_1692 = arith.index_cast %get3A_1691 : i32 to index
          %get3A_1693 = arith.index_cast %mul3A_1030 : i32 to index
          %get3A_1694 = tpu.vector_load %arg8[%get3A_1692, %get3A_1693] {strides = array<i32>} : memref<64x384xf32, #tpu.memory_space<vmem>>, vector<1x16xf32>,
          %get3A_1695 = vector.shape_cast %get3A_1694 : vector<1x16xf32> to vector<16xf32>
          %mul3A_1696 = arith.mulf %get3A_1033, %get3A_1695 : vector<16xf32>
          %gt3A_1697 = arith.cmpf ogt, %mul3A_1696, %max3A_1690 : vector<16xf32>
          %broadcast_in_dim3A_1698 = arith.constant 60 : i32
          %broadcast_in_dim3A_1699 = vector.broadcast %broadcast_in_dim3A_1698 : i32 to vector<16xi32>
          %select_n3A_1700 = arith.select %gt3A_1697, %broadcast_in_dim3A_1699, %select_n3A_1689 : vector<16xi1>, vector<16xi32>
          %max3A_1701 = arith.maximumf %mul3A_1696, %max3A_1690 : vector<16xf32>
          %get3A_1702 = arith.constant 61 : i32
          %get3A_1703 = arith.index_cast %get3A_1702 : i32 to index
          %get3A_1704 = arith.index_cast %mul3A_1030 : i32 to index
          %get3A_1705 = tpu.vector_load %arg8[%get3A_1703, %get3A_1704] {strides = array<i32>} : memref<64x384xf32, #tpu.memory_space<vmem>>, vector<1x16xf32>,
          %get3A_1706 = vector.shape_cast %get3A_1705 : vector<1x16xf32> to vector<16xf32>
          %mul3A_1707 = arith.mulf %get3A_1033, %get3A_1706 : vector<16xf32>
          %gt3A_1708 = arith.cmpf ogt, %mul3A_1707, %max3A_1701 : vector<16xf32>
          %broadcast_in_dim3A_1709 = arith.constant 61 : i32
          %broadcast_in_dim3A_1710 = vector.broadcast %broadcast_in_dim3A_1709 : i32 to vector<16xi32>
          %select_n3A_1711 = arith.select %gt3A_1708, %broadcast_in_dim3A_1710, %select_n3A_1700 : vector<16xi1>, vector<16xi32>
          %max3A_1712 = arith.maximumf %mul3A_1707, %max3A_1701 : vector<16xf32>
          %get3A_1713 = arith.constant 62 : i32
          %get3A_1714 = arith.index_cast %get3A_1713 : i32 to index
          %get3A_1715 = arith.index_cast %mul3A_1030 : i32 to index
          %get3A_1716 = tpu.vector_load %arg8[%get3A_1714, %get3A_1715] {strides = array<i32>} : memref<64x384xf32, #tpu.memory_space<vmem>>, vector<1x16xf32>,
          %get3A_1717 = vector.shape_cast %get3A_1716 : vector<1x16xf32> to vector<16xf32>
          %mul3A_1718 = arith.mulf %get3A_1033, %get3A_1717 : vector<16xf32>
          %gt3A_1719 = arith.cmpf ogt, %mul3A_1718, %max3A_1712 : vector<16xf32>
          %broadcast_in_dim3A_1720 = arith.constant 62 : i32
          %broadcast_in_dim3A_1721 = vector.broadcast %broadcast_in_dim3A_1720 : i32 to vector<16xi32>
          %select_n3A_1722 = arith.select %gt3A_1719, %broadcast_in_dim3A_1721, %select_n3A_1711 : vector<16xi1>, vector<16xi32>
          %max3A_1723 = arith.maximumf %mul3A_1718, %max3A_1712 : vector<16xf32>
          %get3A_1724 = arith.constant 63 : i32
          %get3A_1725 = arith.index_cast %get3A_1724 : i32 to index
          %get3A_1726 = arith.index_cast %mul3A_1030 : i32 to index
          %get3A_1727 = tpu.vector_load %arg8[%get3A_1725, %get3A_1726] {strides = array<i32>} : memref<64x384xf32, #tpu.memory_space<vmem>>, vector<1x16xf32>,
          %get3A_1728 = vector.shape_cast %get3A_1727 : vector<1x16xf32> to vector<16xf32>
          %mul3A_1729 = arith.mulf %get3A_1033, %get3A_1728 : vector<16xf32>
          %gt3A_1730 = arith.cmpf ogt, %mul3A_1729, %max3A_1723 : vector<16xf32>
          %broadcast_in_dim3A_1731 = arith.constant 63 : i32
          %broadcast_in_dim3A_1732 = vector.broadcast %broadcast_in_dim3A_1731 : i32 to vector<16xi32>
          %select_n3A_1733 = arith.select %gt3A_1730, %broadcast_in_dim3A_1732, %select_n3A_1722 : vector<16xi1>, vector<16xi32>
          %max3A_1734 = arith.maximumf %mul3A_1729, %max3A_1723 : vector<16xf32>
          %swap3A_1735 = arith.index_cast %mul3A_1030 : i32 to index
          %swap3A_1736 = tpu.vector_load %arg12[%swap3A_1735] {strides = array<i32>} : memref<384xf32, #tpu.memory_space<vmem>>, vector<16xf32>,
          %swap3A_1737 = vector.shape_cast %swap3A_1736 : vector<16xf32> to vector<16xf32>
          %swap3A_1738 = vector.shape_cast %max3A_1734 : vector<16xf32> to vector<16xf32>
          tpu.vector_store %arg12[%swap3A_1735], %swap3A_1738 {strides = array<i32>} : memref<384xf32, #tpu.memory_space<vmem>>, vector<16xf32>,
          %swap3A_1739 = arith.index_cast %mul3A_1030 : i32 to index
          %swap3A_1740 = tpu.vector_load %arg14[%swap3A_1739] {strides = array<i32>} : memref<384xi32, #tpu.memory_space<vmem>>, vector<16xi32>,
          %swap3A_1741 = vector.shape_cast %swap3A_1740 : vector<16xi32> to vector<16xi32>
          %swap3A_1742 = vector.shape_cast %select_n3A_1733 : vector<16xi32> to vector<16xi32>
          tpu.vector_store %arg14[%swap3A_1739], %swap3A_1742 {strides = array<i32>} : memref<384xi32, #tpu.memory_space<vmem>>, vector<16xi32>,
        }
        %scan3A_244 = arith.constant 12 : i32
        %jit3A_245 = arith.constant 130 : i32
        %div3A_246 = arith.divsi %add3A_201, %jit3A_245 : i32
        %sign3A_247 = arith.constant 0 : i32
        %sign3A_248 = arith.cmpi sgt, %add3A_201, %sign3A_247 : i32
        %sign3A_249 = arith.extui %sign3A_248 : i1 to i32
        %sign3A_250 = arith.constant 0 : i32
        %sign3A_251 = arith.cmpi slt, %add3A_201, %sign3A_250 : i32
        %sign3A_252 = arith.extui %sign3A_251 : i1 to i32
        %sign3A_253 = arith.subi %sign3A_249, %sign3A_252 : i32
        %sign3A_254 = arith.constant 0 : i32
        %sign3A_255 = arith.cmpi sgt, %jit3A_245, %sign3A_254 : i32
        %sign3A_256 = arith.extui %sign3A_255 : i1 to i32
        %sign3A_257 = arith.constant 0 : i32
        %sign3A_258 = arith.cmpi slt, %jit3A_245, %sign3A_257 : i32
        %sign3A_259 = arith.extui %sign3A_258 : i1 to i32
        %sign3A_260 = arith.subi %sign3A_256, %sign3A_259 : i32
        %ne3A_261 = arith.cmpi ne, %sign3A_253, %sign3A_260 : i32
        %rem3A_262 = arith.remsi %add3A_201, %jit3A_245 : i32
        %ne3A_263 = arith.constant 0 : i32
        %ne3A_264 = arith.cmpi ne, %rem3A_262, %ne3A_263 : i32
        %and3A_265 = arith.andi %ne3A_261, %ne3A_264 : i1
        %sub3A_266 = arith.constant 1 : i32
        %sub3A_267 = arith.subi %div3A_246, %sub3A_266 : i32
        %select_n3A_268 = arith.select %and3A_265, %sub3A_267, %div3A_246 : i32
        %mul3A_269 = arith.constant 130 : i32
        %mul3A_270 = arith.muli %select_n3A_268, %mul3A_269 : i32
        %sub3A_271 = arith.subi %add3A_201, %mul3A_270 : i32
        %jit3A_272 = arith.constant 3 : i32
        %div3A_273 = arith.divsi %select_n3A_268, %jit3A_272 : i32
        %sign3A_274 = arith.constant 0 : i32
        %sign3A_275 = arith.cmpi sgt, %select_n3A_268, %sign3A_274 : i32
        %sign3A_276 = arith.extui %sign3A_275 : i1 to i32
        %sign3A_277 = arith.constant 0 : i32
        %sign3A_278 = arith.cmpi slt, %select_n3A_268, %sign3A_277 : i32
        %sign3A_279 = arith.extui %sign3A_278 : i1 to i32
        %sign3A_280 = arith.subi %sign3A_276, %sign3A_279 : i32
        %sign3A_281 = arith.constant 0 : i32
        %sign3A_282 = arith.cmpi sgt, %jit3A_272, %sign3A_281 : i32
        %sign3A_283 = arith.extui %sign3A_282 : i1 to i32
        %sign3A_284 = arith.constant 0 : i32
        %sign3A_285 = arith.cmpi slt, %jit3A_272, %sign3A_284 : i32
        %sign3A_286 = arith.extui %sign3A_285 : i1 to i32
        %sign3A_287 = arith.subi %sign3A_283, %sign3A_286 : i32
        %ne3A_288 = arith.cmpi ne, %sign3A_280, %sign3A_287 : i32
        %rem3A_289 = arith.remsi %select_n3A_268, %jit3A_272 : i32
        %ne3A_290 = arith.constant 0 : i32
        %ne3A_291 = arith.cmpi ne, %rem3A_289, %ne3A_290 : i32
        %and3A_292 = arith.andi %ne3A_288, %ne3A_291 : i1
        %sub3A_293 = arith.constant 1 : i32
        %sub3A_294 = arith.subi %div3A_273, %sub3A_293 : i32
        %select_n3A_295 = arith.select %and3A_292, %sub3A_294, %div3A_273 : i32
        %mul3A_296 = arith.constant 3 : i32
        %mul3A_297 = arith.muli %select_n3A_295, %mul3A_296 : i32
        %sub3A_298 = arith.subi %select_n3A_268, %mul3A_297 : i32
        %mul3A_299 = arith.constant 384 : i32
        %mul3A_300 = arith.muli %sub3A_271, %mul3A_299 : i32
        %dma_start3A_301 = arith.constant 0 : i32
        %dma_start3A_302 = tpu.memref_slice %arg4[%select_n3A_295, %sub3A_298, %dma_start3A_301, %mul3A_300] : memref<4x3x1x49920xf32, #tpu.memory_space<hbm>> -> memref<1x1x1x384xf32, #tpu.memory_space<hbm>>
        %dma_start3A_303 = tpu.memref_squeeze %dma_start3A_302 : memref<1x1x1x384xf32, #tpu.memory_space<hbm>> -> memref<384xf32, #tpu.memory_space<hbm>>
        %dma_start3A_304 = tpu.memref_slice %arg4[%select_n3A_295, %sub3A_298, %dma_start3A_301, %mul3A_300] : memref<4x3x1x49920xf32, #tpu.memory_space<hbm>> -> memref<1x1x1x384xf32, #tpu.memory_space<hbm>>
        %dma_start3A_305 = tpu.memref_squeeze %dma_start3A_304 : memref<1x1x1x384xf32, #tpu.memory_space<hbm>> -> memref<384xf32, #tpu.memory_space<hbm>>
        tpu.enqueue_dma source(%arg12 : memref<384xf32, #tpu.memory_space<vmem>>) target(%dma_start3A_305 : memref<384xf32, #tpu.memory_space<hbm>>) target_semaphore(%arg22 : memref<!tpu.dma_semaphore, #tpu.memory_space<semaphore_mem>>)
        %dma_start3A_306 = arith.constant 0 : i32
        %dma_start3A_307 = tpu.memref_slice %arg5[%select_n3A_295, %sub3A_298, %dma_start3A_306, %mul3A_300] : memref<4x3x1x49920xi32, #tpu.memory_space<hbm>> -> memref<1x1x1x384xi32, #tpu.memory_space<hbm>>
        %dma_start3A_308 = tpu.memref_squeeze %dma_start3A_307 : memref<1x1x1x384xi32, #tpu.memory_space<hbm>> -> memref<384xi32, #tpu.memory_space<hbm>>
        %dma_start3A_309 = tpu.memref_slice %arg5[%select_n3A_295, %sub3A_298, %dma_start3A_306, %mul3A_300] : memref<4x3x1x49920xi32, #tpu.memory_space<hbm>> -> memref<1x1x1x384xi32, #tpu.memory_space<hbm>>
        %dma_start3A_310 = tpu.memref_squeeze %dma_start3A_309 : memref<1x1x1x384xi32, #tpu.memory_space<hbm>> -> memref<384xi32, #tpu.memory_space<hbm>>
        tpu.enqueue_dma source(%arg14 : memref<384xi32, #tpu.memory_space<vmem>>) target(%dma_start3A_310 : memref<384xi32, #tpu.memory_space<hbm>>) target_semaphore(%arg22 : memref<!tpu.dma_semaphore, #tpu.memory_space<semaphore_mem>>)
      } else {
      }
    }
    %scan3A_145 = arith.constant 25 : i32
    %dma_wait3A_146 = arith.constant 0 : i32
    %dma_wait3A_147 = arith.constant 0 : i32
    %dma_wait3A_148 = arith.constant 0 : i32
    %dma_wait3A_149 = arith.constant 0 : i32
    %dma_wait3A_150 = tpu.memref_slice %arg4[%dma_wait3A_146, %dma_wait3A_147, %dma_wait3A_148, %dma_wait3A_149] : memref<4x3x1x49920xf32, #tpu.memory_space<hbm>> -> memref<1x1x1x384xf32, #tpu.memory_space<hbm>>
    %dma_wait3A_151 = tpu.memref_squeeze %dma_wait3A_150 : memref<1x1x1x384xf32, #tpu.memory_space<hbm>> -> memref<384xf32, #tpu.memory_space<hbm>>
    %dma_wait3A_152 = arith.constant 0 : i32
    %dma_wait3A_153 = tpu.memref_slice %arg4[%dma_wait3A_146, %dma_wait3A_147, %dma_wait3A_148, %dma_wait3A_152] : memref<4x3x1x49920xf32, #tpu.memory_space<hbm>> -> memref<1x1x1x384xf32, #tpu.memory_space<hbm>>
    %dma_wait3A_154 = tpu.memref_squeeze %dma_wait3A_153 : memref<1x1x1x384xf32, #tpu.memory_space<hbm>> -> memref<384xf32, #tpu.memory_space<hbm>>
    tpu.wait_dma2 semaphore(%arg21 : memref<!tpu.dma_semaphore, #tpu.memory_space<semaphore_mem>>) src(%arg11 : memref<384xf32, #tpu.memory_space<vmem>>) dst(%dma_wait3A_154 : memref<384xf32, #tpu.memory_space<hbm>>)
    %dma_wait3A_155 = arith.constant 0 : i32
    %dma_wait3A_156 = arith.constant 0 : i32
    %dma_wait3A_157 = arith.constant 0 : i32
    %dma_wait3A_158 = arith.constant 0 : i32
    %dma_wait3A_159 = tpu.memref_slice %arg5[%dma_wait3A_155, %dma_wait3A_156, %dma_wait3A_157, %dma_wait3A_158] : memref<4x3x1x49920xi32, #tpu.memory_space<hbm>> -> memref<1x1x1x384xi32, #tpu.memory_space<hbm>>
    %dma_wait3A_160 = tpu.memref_squeeze %dma_wait3A_159 : memref<1x1x1x384xi32, #tpu.memory_space<hbm>> -> memref<384xi32, #tpu.memory_space<hbm>>
    %dma_wait3A_161 = arith.constant 0 : i32
    %dma_wait3A_162 = tpu.memref_slice %arg5[%dma_wait3A_155, %dma_wait3A_156, %dma_wait3A_157, %dma_wait3A_161] : memref<4x3x1x49920xi32, #tpu.memory_space<hbm>> -> memref<1x1x1x384xi32, #tpu.memory_space<hbm>>
    %dma_wait3A_163 = tpu.memref_squeeze %dma_wait3A_162 : memref<1x1x1x384xi32, #tpu.memory_space<hbm>> -> memref<384xi32, #tpu.memory_space<hbm>>
    tpu.wait_dma2 semaphore(%arg21 : memref<!tpu.dma_semaphore, #tpu.memory_space<semaphore_mem>>) src(%arg13 : memref<384xi32, #tpu.memory_space<vmem>>) dst(%dma_wait3A_163 : memref<384xi32, #tpu.memory_space<hbm>>)
    %dma_wait3A_164 = arith.constant 0 : i32
    %dma_wait3A_165 = arith.constant 0 : i32
    %dma_wait3A_166 = arith.constant 0 : i32
    %dma_wait3A_167 = arith.constant 0 : i32
    %dma_wait3A_168 = tpu.memref_slice %arg4[%dma_wait3A_164, %dma_wait3A_165, %dma_wait3A_166, %dma_wait3A_167] : memref<4x3x1x49920xf32, #tpu.memory_space<hbm>> -> memref<1x1x1x384xf32, #tpu.memory_space<hbm>>
    %dma_wait3A_169 = tpu.memref_squeeze %dma_wait3A_168 : memref<1x1x1x384xf32, #tpu.memory_space<hbm>> -> memref<384xf32, #tpu.memory_space<hbm>>
    %dma_wait3A_170 = arith.constant 0 : i32
    %dma_wait3A_171 = tpu.memref_slice %arg4[%dma_wait3A_164, %dma_wait3A_165, %dma_wait3A_166, %dma_wait3A_170] : memref<4x3x1x49920xf32, #tpu.memory_space<hbm>> -> memref<1x1x1x384xf32, #tpu.memory_space<hbm>>
    %dma_wait3A_172 = tpu.memref_squeeze %dma_wait3A_171 : memref<1x1x1x384xf32, #tpu.memory_space<hbm>> -> memref<384xf32, #tpu.memory_space<hbm>>
    tpu.wait_dma2 semaphore(%arg22 : memref<!tpu.dma_semaphore, #tpu.memory_space<semaphore_mem>>) src(%arg12 : memref<384xf32, #tpu.memory_space<vmem>>) dst(%dma_wait3A_172 : memref<384xf32, #tpu.memory_space<hbm>>)
    %dma_wait3A_173 = arith.constant 0 : i32
    %dma_wait3A_174 = arith.constant 0 : i32
    %dma_wait3A_175 = arith.constant 0 : i32
    %dma_wait3A_176 = arith.constant 0 : i32
    %dma_wait3A_177 = tpu.memref_slice %arg5[%dma_wait3A_173, %dma_wait3A_174, %dma_wait3A_175, %dma_wait3A_176] : memref<4x3x1x49920xi32, #tpu.memory_space<hbm>> -> memref<1x1x1x384xi32, #tpu.memory_space<hbm>>
    %dma_wait3A_178 = tpu.memref_squeeze %dma_wait3A_177 : memref<1x1x1x384xi32, #tpu.memory_space<hbm>> -> memref<384xi32, #tpu.memory_space<hbm>>
    %dma_wait3A_179 = arith.constant 0 : i32
    %dma_wait3A_180 = tpu.memref_slice %arg5[%dma_wait3A_173, %dma_wait3A_174, %dma_wait3A_175, %dma_wait3A_179] : memref<4x3x1x49920xi32, #tpu.memory_space<hbm>> -> memref<1x1x1x384xi32, #tpu.memory_space<hbm>>
    %dma_wait3A_181 = tpu.memref_squeeze %dma_wait3A_180 : memref<1x1x1x384xi32, #tpu.memory_space<hbm>> -> memref<384xi32, #tpu.memory_space<hbm>>
    tpu.wait_dma2 semaphore(%arg22 : memref<!tpu.dma_semaphore, #tpu.memory_space<semaphore_mem>>) src(%arg14 : memref<384xi32, #tpu.memory_space<vmem>>) dst(%dma_wait3A_181 : memref<384xi32, #tpu.memory_space<hbm>>)
    return
  }
}

module attributes {stable_mosaic.version = 14 : i64} {
  func.func @_tc_tail_body(%arg0: i32, %arg1: i32, %arg2: memref<1x1x128xf32, #tpu.memory_space<vmem>>, %arg3: memref<1x1x64x128xf32, #tpu.memory_space<vmem>>, %arg4: memref<1x1x1x128xf32, #tpu.memory_space<vmem>>, %arg5: memref<1x1x1x128xi32, #tpu.memory_space<vmem>>) attributes {dimension_semantics = [#tpu.dimension_semantics<arbitrary>, #tpu.dimension_semantics<arbitrary>], iteration_bounds = array<i64: 4, 3>, scalar_prefetch = 0 : i64, scratch_operands = 0 : i64, tpu.core_type = #tpu.core_type<tc>, window_params = [{transform_indices = @transform_0, window_bounds = array<i64: 1, 1, 128>}, {transform_indices = @transform_1, window_bounds = array<i64: 1, 1, 64, 128>}, {transform_indices = @transform_2, window_bounds = array<i64: 1, 1, 1, 128>}, {transform_indices = @transform_3, window_bounds = array<i64: 1, 1, 1, 128>}]} {
    %get3A = arith.constant 0 : index
    %get3A_0 = arith.constant 0 : index
    %get3A_1 = arith.constant 0 : index
    %get3A_2 = arith.constant 0 : index
    %get3A_3 = vector.load %arg3[%get3A, %get3A_0, %get3A_1, %get3A_2] : memref<1x1x64x128xf32, #tpu.memory_space<vmem>>, vector<1x1x64x128xf32>
    %get3A_4 = vector.shape_cast %get3A_3 : vector<1x1x64x128xf32> to vector<64x128xf32>
    %get3A_5 = arith.constant 0 : index
    %get3A_6 = arith.constant 0 : index
    %get3A_7 = arith.constant 0 : index
    %get3A_8 = vector.load %arg2[%get3A_5, %get3A_6, %get3A_7] : memref<1x1x128xf32, #tpu.memory_space<vmem>>, vector<1x1x128xf32>
    %get3A_9 = vector.shape_cast %get3A_8 : vector<1x1x128xf32> to vector<1x128xf32>
    %mul3A = vector.broadcast %get3A_9 : vector<1x128xf32> to vector<64x128xf32>
    %mul3A_10 = arith.mulf %mul3A, %get3A_4 : vector<64x128xf32>
    %reduce_max3A = arith.constant dense<0xFF800000> : vector<128xf32>
    %reduce_max3A_11 = vector.multi_reduction <maximumf>, %mul3A_10, %reduce_max3A [0] : vector<64x128xf32> to vector<128xf32>
    %broadcast_in_dim3A = vector.shape_cast %reduce_max3A_11 : vector<128xf32> to vector<1x128xf32>
    %iota3A = tpu.iota {dimensions = array<i32: 0>} : vector<64x128xi32>
    %eq3A = vector.broadcast %broadcast_in_dim3A : vector<1x128xf32> to vector<64x128xf32>
    %eq3A_12 = arith.cmpf oeq, %mul3A_10, %eq3A : vector<64x128xf32>
    %jit3A = arith.constant 64 : i32
    %broadcast_in_dim3A_13 = vector.broadcast %jit3A : i32 to vector<64x128xi32>
    %select_n3A = arith.select %eq3A_12, %iota3A, %broadcast_in_dim3A_13 : vector<64x128xi1>, vector<64x128xi32>
    %reduce_min3A = arith.constant dense<2147483647> : vector<128xi32>
    %reduce_min3A_14 = vector.multi_reduction <minsi>, %select_n3A, %reduce_min3A [0] : vector<64x128xi32> to vector<128xi32>
    %broadcast_in_dim3A_15 = vector.shape_cast %reduce_min3A_14 : vector<128xi32> to vector<1x128xi32>
    %swap3A = arith.constant 0 : index
    %swap3A_16 = arith.constant 0 : index
    %swap3A_17 = arith.constant 0 : index
    %swap3A_18 = arith.constant 0 : index
    %swap3A_19 = vector.load %arg4[%swap3A, %swap3A_16, %swap3A_17, %swap3A_18] : memref<1x1x1x128xf32, #tpu.memory_space<vmem>>, vector<1x1x1x128xf32>
    %swap3A_20 = vector.shape_cast %swap3A_19 : vector<1x1x1x128xf32> to vector<1x128xf32>
    %swap3A_21 = vector.shape_cast %broadcast_in_dim3A : vector<1x128xf32> to vector<1x1x1x128xf32>
    tpu.vector_store %arg4[%swap3A, %swap3A_16, %swap3A_17, %swap3A_18], %swap3A_21 {strides = array<i32>} : memref<1x1x1x128xf32, #tpu.memory_space<vmem>>, vector<1x1x1x128xf32>,
    %swap3A_22 = arith.constant 0 : index
    %swap3A_23 = arith.constant 0 : index
    %swap3A_24 = arith.constant 0 : index
    %swap3A_25 = arith.constant 0 : index
    %swap3A_26 = vector.load %arg5[%swap3A_22, %swap3A_23, %swap3A_24, %swap3A_25] : memref<1x1x1x128xi32, #tpu.memory_space<vmem>>, vector<1x1x1x128xi32>
    %swap3A_27 = vector.shape_cast %swap3A_26 : vector<1x1x1x128xi32> to vector<1x128xi32>
    %swap3A_28 = vector.shape_cast %broadcast_in_dim3A_15 : vector<1x128xi32> to vector<1x1x1x128xi32>
    tpu.vector_store %arg5[%swap3A_22, %swap3A_23, %swap3A_24, %swap3A_25], %swap3A_28 {strides = array<i32>} : memref<1x1x1x128xi32, #tpu.memory_space<vmem>>, vector<1x1x1x128xi32>,
    return
  }
  func.func @transform_0(%arg0: i32, %arg1: i32) -> (i32, i32, i32) {
    %c0_i32 = arith.constant 0 : i32
    %c390_i32 = arith.constant 390 : i32
    %c0_i32_0 = arith.constant 0 : i32
    return %arg0, %c0_i32, %c390_i32 : i32, i32, i32
  }
  func.func @transform_1(%arg0: i32, %arg1: i32) -> (i32, i32, i32, i32) {
    %c0_i32 = arith.constant 0 : i32
    %c390_i32 = arith.constant 390 : i32
    %c0_i32_0 = arith.constant 0 : i32
    return %arg0, %arg1, %c0_i32, %c390_i32 : i32, i32, i32, i32
  }
  func.func @transform_2(%arg0: i32, %arg1: i32) -> (i32, i32, i32, i32) {
    %c0_i32 = arith.constant 0 : i32
    %c0_i32_0 = arith.constant 0 : i32
    %c0_i32_1 = arith.constant 0 : i32
    return %arg0, %arg1, %c0_i32, %c0_i32_0 : i32, i32, i32, i32
  }
  func.func @transform_3(%arg0: i32, %arg1: i32) -> (i32, i32, i32, i32) {
    %c0_i32 = arith.constant 0 : i32
    %c0_i32_0 = arith.constant 0 : i32
    %c0_i32_1 = arith.constant 0 : i32
    return %arg0, %arg1, %c0_i32, %c0_i32_0 : i32, i32, i32, i32
  }
}

</mosaic_0001>

<sc_bundles>
// kernel: kernel.4.cloned.1.call-start
scs
__scs_entry_jumppad:
0x0: {  	(pc) =	sbr.rel $0x88, $3  }
0x1: {  	(tag) =	ssettag $0x0;
	lr =	simm.s32 $0x1  }
0x2: {  	[smem:$0x3F9F] =	sst lr;
	_ =	strace $0xD0000000  }
0x3: {  	_ = 	snop  }
0x4: {  	_ = 	snop  }
0x5: {  	_ = 	snop  }
0x6: {  	_ = 	snop  }
0x7: {  	_ = 	snop  }
__scs_overlays_trampoline_lowered:
0x8: {  	[smem:$0x3FAE] =	sst s0  }
0x9: {  	[smem:$0x3FAF] =	sst s1  }
0xa: {  	[smem:$0x3FB0] =	sst s2  }
0xb: {  	[smem:$0x3FB1] =	sst s3  }
0xc: {  	[smem:$0x3FB2] =	sst s4  }
0xd: {  	[smem:$0x3FB3] =	sst s5  }
0xe: {  	[smem:$0x3FB4] =	sst s6  }
0xf: {  	[smem:$0x3FB5] =	sst s7  }
0x10: {  	[smem:$0x3FB6] =	sst s8  }
0x11: {  	[smem:$0x3FB7] =	sst s9;
	s0 =	simm.s32 @!p0 $0x0  }
0x12: {  	s1 =	sld [smem:$0x3F9D];
	s0 =	simm.s32 @p0 $0x1  }
0x13: {  	[smem:$0x3FB8] =	sst s0;
	s0 =	simm.s32 @!p1 $0x0  }
0x14: {  	s2 =	sld [smem:$0x3F9C];
	s0 =	simm.s32 @p1 $0x1  }
0x15: {  	[smem:$0x3FB9] =	sst s0;
	s0 =	simm.s32 @!p2 $0x0  }
0x16: {  	s3 =	sld [smem:$0x3FDB];
	s0 =	simm.s32 @p2 $0x1  }
0x17: {  	s4 =	simm.s32 $0x1BF5;
	[smem:$0x3FBB] =	sst s0  }
0x18: {  	s0 =	sld [smem:$0x3F9E];
	_ =	swait.ge [sflag:s4], $0x0  }
0x19: {  	s7 =	sld [smem:$0x3F9F]  }
0x1a: {  	s8 =	sadd.s32 $0xFFFFE003, lr  }
0x1b: {  	s9 =	sadd.s32 $0xFFFFFEF7, lr;
	s5 =	simm.s32 $0xFFFFFFFF;
	p2 =	slt.u32 s8, $0xFFFFF086  }
0x1c: {  	p1 =	slt.u32 s9, $0xF7A;
	s5 =	simm.s32 @!p2 $0x0  }
0x1d: {  	s5 =	simm.s32 @p1 $0x1;
	p0 =	seq.s32 s7, s2  }
0x1e: {  	s7 =	smul.u32 @!p0 $0xF7A, s2;
	p2 =	seq.s32 @!p0 s5, $0x0  }
0x1f: {  	s9 =	smul.u32 $0xF7A, s1;
	s8 =	simm.s32 @!p0 $0x1BF5;
	p2 =	por !p2, p0  }
0x20: {  	[sflag:s8] =	ssyncset.s32 @!p0 $0xFFFFF086;
	s6 =	sadd.s32 @!p0 s3, s7;
	s7 =	simm.s32 @!p0 $0x108  }
0x21: {  	s3 =	sadd.s32 s3, s9;
	s6 =	sadd.s32 @!p0 $0x88, s6;
	s7 =	simm.s32 @p2 $0x1082  }
0x22: {  	[simem:s7], [sflag:s8] =	dma.local @!p0 [hbm:s6], $0xF7A  }
0x23: {  	s9 =	sor.u32 $0xD0000000, s2;
	s6 =	simm.s32 $0x108;
	_ =	swait.ge @!p0 [sflag:s8], $0x0  }
0x24: {  	s3 =	sadd.s32 $0x88, s3;
	s6 =	simm.s32 @!p1 $0x1082;
	[sflag:s4] =	ssyncset.s32 $0xFFFFF086  }
0x25: {  	[simem:s6], [sflag:s4] =	dma.local [hbm:s3], $0xF7A  }
0x26: {  	[smem:$0x3F9F] =	sst s1;
	(tag) =	ssettag s2;
	_ =	strace s9  }
0x27: {  	s1 =	sld [smem:$0x3FAF]  }
0x28: {  	s2 =	sld [smem:$0x3FB0]  }
0x29: {  	s4 =	sld [smem:$0x3FB2]  }
0x2a: {  	p0 =	seq.s32 s5, $0x0;
	s5 =	sld [smem:$0x3FB3]  }
0x2b: {  	s6 =	sld [smem:$0x3FB4]  }
0x2c: {  	s7 =	sld [smem:$0x3FB5]  }
0x2d: {  	s3 =	simm.s32 $0x108;
	s8 =	sld [smem:$0x3FB6]  }
0x2e: {  	s3 =	simm.s32 @!p0 $0x1082;
	s9 =	sld [smem:$0x3FB7]  }
0x2f: {  	lr =	sadd.s32 s0, s3;
	s0 =	sld [smem:$0x3FAE]  }
0x30: {  	s3 =	sld [smem:$0x3FB1]  }
0x31: {  	[smem:$0x3FBA] =	sst s10  }
0x32: {  	s10 =	sld [smem:$0x3FB8];
	_ =	sdelay $0x3  }
0x33: {  	p0 =	seq.s32 s10, $0x1;
	s10 =	sld [smem:$0x3FBA];
	_ =	sdelay $0x3  }
0x34: {  	[smem:$0x3FBA] =	sst s10  }
0x35: {  	s10 =	sld [smem:$0x3FB9];
	_ =	sdelay $0x3  }
0x36: {  	p1 =	seq.s32 s10, $0x1;
	s10 =	sld [smem:$0x3FBA];
	_ =	sdelay $0x3  }
0x37: {  	[smem:$0x3FBA] =	sst s10  }
0x38: {  	s10 =	sld [smem:$0x3FBB]  }
0x39: {  	_ = 	snop;
	(pc) =	sbr.ind lr, $3  }
0x3a: {  	_ = 	snop  }
0x3b: {  	_ = 	snop  }
0x3c: {  	p2 =	seq.s32 s10, $0x1;
	s10 =	sld [smem:$0x3FBA]  }
0x3d: {  	_ =	shalt  }
0x3e: {  	_ =	shalt  }
0x3f: {  	_ =	shalt  }
0x40: {  	_ =	shalt  }
0x41: {  	_ =	shalt  }
0x42: {  	_ =	shalt  }
0x43: {  	_ =	shalt  }
0x44: {  	_ =	shalt  }
0x45: {  	_ =	shalt  }
0x46: {  	_ =	shalt  }
0x47: {  	_ =	shalt  }
0x48: {  	_ =	shalt  }
0x49: {  	_ =	shalt  }
0x4a: {  	_ =	shalt  }
0x4b: {  	_ =	shalt  }
0x4c: {  	_ =	shalt  }
0x4d: {  	_ =	shalt  }
0x4e: {  	_ =	shalt  }
0x4f: {  	_ =	shalt  }
0x50: {  	_ =	shalt  }
0x51: {  	_ =	shalt  }
0x52: {  	_ =	shalt  }
0x53: {  	_ =	shalt  }
0x54: {  	_ =	shalt  }
0x55: {  	_ =	shalt  }
0x56: {  	_ =	shalt  }
0x57: {  	_ =	shalt  }
0x58: {  	_ =	shalt  }
0x59: {  	_ =	shalt  }
0x5a: {  	_ =	shalt  }
0x5b: {  	_ =	shalt  }
0x5c: {  	_ =	shalt  }
0x5d: {  	_ =	shalt  }
0x5e: {  	_ =	shalt  }
0x5f: {  	_ =	shalt  }
0x60: {  	_ =	shalt  }
0x61: {  	_ =	shalt  }
0x62: {  	_ =	shalt  }
0x63: {  	_ =	shalt  }
0x64: {  	_ =	shalt  }
0x65: {  	_ =	shalt  }
0x66: {  	_ =	shalt  }
0x67: {  	_ =	shalt  }
0x68: {  	_ =	shalt  }
0x69: {  	_ =	shalt  }
0x6a: {  	_ =	shalt  }
0x6b: {  	_ =	shalt  }
0x6c: {  	_ =	shalt  }
0x6d: {  	_ =	shalt  }
0x6e: {  	_ =	shalt  }
0x6f: {  	_ =	shalt  }
0x70: {  	_ =	shalt  }
0x71: {  	_ =	shalt  }
0x72: {  	_ =	shalt  }
0x73: {  	_ =	shalt  }
0x74: {  	_ =	shalt  }
0x75: {  	_ =	shalt  }
0x76: {  	_ =	shalt  }
0x77: {  	_ =	shalt  }
0x78: {  	_ =	shalt  }
0x79: {  	_ =	shalt  }
0x7a: {  	_ =	shalt  }
0x7b: {  	_ =	shalt  }
0x7c: {  	_ =	shalt  }
0x7d: {  	_ =	shalt  }
0x7e: {  	_ =	shalt  }
0x7f: {  	_ =	shalt  }
0x80: {  	_ =	shalt  }
0x81: {  	_ =	shalt  }
0x82: {  	_ =	shalt  }
0x83: {  	_ =	shalt  }
0x84: {  	_ =	shalt  }
0x85: {  	_ =	shalt  }
0x86: {  	_ =	shalt  }
0x87: {  	_ =	shalt  }
.Lfunc_end0:
.L_simem_size_0:
called_computation_lowered:
.L_overlay_start_0:
0x88: {  	s2 =	sld [smem:$0x3FD9]  }
0x89: {  	s3 =	sld [smem:$0x3FFE];
	_ =	sdelay $0x1  }
0x8a: {  	s1 =	srdreg.scid  }
0x8b: {  	s0 =	sand.u32 $0x1, s1  }
0x8c: {  	s14 =	sshll.u32 s0, $0xA;
	s2 =	sadd.s32 s3, s2  }
0x8d: {  	s2 =	sadd.s32 s2, s14  }
0x8e: {  	[smem:$0x3FC6] =	sst s2  }
0x8f: {  	_ = 	snop  }
0x90: {  	s2 =	sld [smem:$0x3FD0];
	_ =	sdelay $0x2  }
0x91: {  	s4 =	simm.s32 $0xA;
	s5 =	simm.s32 $0x10;
	s15 =	sld [smem:$0x3FC8]  }
0x92: {  	[smem:s5], [sflag:s4] =	dma.local [hbm:s2], $0x1  }
0x93: {  	_ =	swait.eq [sflag:s4], $0x1  }
0x94: {  	[sflag:s4] =	ssyncset.done $0x0  }
0x95: {  	s16 =	sld [smem:$0x10];
	[sflag:s4] =	ssyncadd.s32 $0xFFFFFFFF  }
0x96: {  	s17 =	sld [smem:$0x11];
	(tm) =	ssettm $0x1  }
0x97: {  	s18 =	sld [smem:$0x3FFB];
	_ =	sdelay $0x3  }
0x98: {  	_ =	strace s18  }
0x99: {  	s5 =	sld [smem:$0x3FFC];
	_ =	sdelay $0x3  }
0x9a: {  	_ =	strace s5  }
0x9b: {  	s5 =	sld [smem:$0x3FFD];
	_ =	sdelay $0x3  }
0x9c: {  	_ =	strace s5  }
0x9d: {  	_ =	strace $0x8FFFFFFF  }
0x9e: {  	s19 =	sld [smem:$0x3FDB];
	_ =	sdelay $0x1  }
0x9f: {  	s6 =	simm.s32 $_scs_section_size  }
0xa0: {  	s7 =	simm.s32 $_size__tile_overlayer_lowered;
	s8 =	simm.s32 $_tile_overlayer_lowered  }
0xa1: {  	s22 =	simm.s32 $0x1BFF;
	s21 =	sshll.u32 s8, $0x1;
	s5 =	sadd.s32 s6, s19  }
0xa2: {  	s9 =	simm.s32 $0x0;
	s20 =	sshll.u32 s7, $0x1;
	s7 =	sadd.s32 s21, s5  }
0xa3: {  	[timem:s9], [sflag:s22] =	dma.local [hbm:s7], s20  }
0xa4: {  	_ =	swait.ge [sflag:s22], s20  }
0xa5: {  	s6 =	ssub.s32 $0x0, s20;
	[sflag:s22] =	ssyncset.done $0x0  }
0xa6: {  	[sflag:s22] =	ssyncadd.s32 s6;
	_ =	sdelay $0x1  }
0xa7: {  	s23 =	simm.s32 $0x1B8B  }
0xa8: {  	_ =	swait.ge [sflag:s23], $0x1  }
0xa9: {  	[sflag:s23] =	ssyncset.done $0x0  }
0xaa: {  	s25 =	simm.s32 $0x1B8E;
	s24 =	sld [smem:$0x3FFE];
	[sflag:s23] =	ssyncadd.s32 $0xFFFFFFFF  }
0xab: {  	s26 =	simm.s32 $execute0_lowered;
	[smem:$0x3FD2] =	sst s25  }
0xac: {  	s7 =	sshll.u32 s26, $0x1;
	_ =	strace $0x80000046;
	[dreg:$0x1] =	wrdreg $0xFFFFFFFF  }
0xad: {  	s28 =	simm.s32 $_size_execute0_lowered;
	s5 =	sadd.s32 s5, s7;
	[dreg:$0x0] =	wrdreg $0x0  }
0xae: {  	s7 =	sshll.u32 s28, $0x1;
	[dreg:$0x2] =	wrdreg s5  }
0xaf: {  	[dreg:$0x3] =	wrdreg s7  }
0xb0: {  	[dreg:$0x4] =	wrdreg $0xC0  }
0xb1: {  	_ =	task [dreg:s9], $0x5FFFF  }
0xb2: {  	[dreg:$0x1] =	wrdreg $0xFFFFFFFF  }
0xb3: {  	[dreg:$0x0] =	wrdreg $0x60  }
0xb4: {  	[dreg:$0x2] =	wrdreg s24  }
0xb5: {  	[dreg:$0x3] =	wrdreg s15  }
0xb6: {  	[dreg:$0x4] =	wrdreg s17  }
0xb7: {  	[dreg:$0x5] =	wrdreg s16  }
0xb8: {  	[dreg:$0x6] =	wrdreg $0x0  }
0xb9: {  	[dreg:$0x7] =	wrdreg $0x9  }
0xba: {  	_ =	task.clear_ibuf [dreg:s9], $0x8FFFF;
	_ =	strace $0x90000046  }
0xbb: {  	s29 =	simm.s32 $0x9;
	_ =	strace $0x80000048  }
0xbc: {  	_ =	swait.ge [sflag:s29], $0x1  }
0xbd: {  	[sflag:s29] =	ssyncadd.s32 $0xFFFFFFFF  }
0xbe: {  	_ =	strace $0x90000048  }
0xbf: {  	_ =	sfence  }
0xc0: {  	s30 =	sld [smem:$0x0];
	_ =	sdelay $0x2  }
0xc1: {  	s31 =	sshll.u32 s1, $0xD;
	s1 =	sshrl.u32 s1, $0x2  }
0xc2: {  	s3 =	sand.u32 $0x4000, s31;
	s1 =	sadd.s32 s1, s30  }
0xc3: {  	s0 =	sor.u32 s3, s0;
	s1 =	sshll.u32 s1, $0x11  }
0xc4: {  	s0 =	sor.u32 s1, s0  }
0xc5: {  	s0 =	sadd.s32 $0x8F2B, s0  }
0xc6: {  	[sflag:s0] =	ssyncadd.remote.s32 $0x1  }
0xc7: {  	_ =	sfence.sel $0xFFFF  }
0xc8: {  	[dreg:$0x0] =	wrdreg $0xFFFFFFFF;
	(pc) =	sbr.abs _section_cstart, $3  }
0xc9: {  	[dreg:$0x1] =	wrdreg $0xFFFFFFFF  }
0xca: {  	_ =	task.clear_ibuf [dreg:s9], $0x2FFFF;
	_ =	strace $0x9FFFFFFF  }
0xcb: {  	(tm) =	ssettm $0x7FFFFFFF  }
tec
execute0_lowered:
.L_overlay_start_1:
0x0: {  	(tag) =	ssettag $0x1  }
0x1: {  	s0 =	rddreg [dreg:$0x0]  }
0x2: {  	s5 =	rddreg [dreg:$0x1]  }
0x3: {  	s1 =	rddreg [dreg:$0x4]  }
0x4: {  	s2 =	simm.s32 $0x0;
	s14 =	srdreg.scid;
	s6 =	stileid.u32  }
0x5: {  	s31 =	simm.s32 $0x0;
	[smem:$0x7FF] =	sst s2;
	s2 =	sand.u32 $0x1, s14  }
0x6: {  	s3 =	sshll.u32 s6, $0x1;
	s4 =	smul.u32 $0x30000, s6;
	s8 =	sadd.s32 $0xE00, s0  }
0x7: {  	s20 =	sshll.u32 s6, $0x6;
	_ =	strace $0x80000047;
	[dreg:$0x6] =	wrdreg s8  }
0x8: {  	s15 =	ssub.s32 $0x2, s2;
	s9 =	sor.u32 s2, s3;
	[dreg:$0x12] =	wrdreg s31  }
0x9: {  	s23 =	sor.u32 $0x1C01, s20;
	s29 =	sor.u32 $0x1C02, s20;
	[dreg:$0x7] =	wrdreg s9  }
0xa: {  	s17 =	sshrl.u32 s4, $0x2;
	s19 =	smul.u32 $0x180, s9;
	[dreg:$0xa] =	wrdreg s23  }
0xb: {  	s22 =	smul.u32 $0x30, s9;
	[dreg:$0x10] =	wrdreg s29;
	s10 =	sadd.s32 s17, s1  }
0xc: {  	s16 =	sshrl.u32 s15, $0x1;
	s1 =	sadd.s32 s5, s19;
	[dreg:$0x8] =	wrdreg s10  }
0xd: {  	s0 =	ssub.s32 s15, s16;
	s26 =	sadd.s32 s8, s22;
	[dreg:$0x9] =	wrdreg s1  }
0xe: {  	s18 =	smul.u32 $0xC00, s9;
	s0 =	smax.u32 s0, $0x1;
	[dreg:$0xd] =	wrdreg s26  }
.Ltmp0:
0xf: {  	s28 =	sshrl.u32 s10, $0x3;
	[dreg:$0xe] =	wrdreg s0;
	(pc) =	sbr.rel .LBB2_1-.Ltmp0, $4  }
0x10: {  	s21 =	sshrl.u32 s18, $0x3;
	s25 =	sadd.s32 $0x6000, s10;
	[dreg:$0xf] =	wrdreg s28  }
0x11: {  	s24 =	sadd.s32 s5, s21;
	[dreg:$0xb] =	wrdreg s25;
	s30 =	sshrl.u32 s25, $0x3  }
0x12: {  	s1 =	sadd.s32 $0x3000, s24;
	[dreg:$0x11] =	wrdreg s30  }
0x13: {  	s7 =	simm.s32 $0x0;
	v0 =	vimm.s32 $0x0;
	[dreg:$0xc] =	wrdreg s1  }
.LBB2_14:
0x14: {  	s0 =	simm.s32 $0x7  }
0x15: {  	_ =	swait.ge [sflag:s0], $0x180  }
0x16: {  	[sflag:s0] =	ssyncset.done $0x0  }
0x17: {  	[sflag:s0] =	ssyncadd.s32 $0xFFFFFE80  }
0x18: {  	_ =	swait.ge [sflag:s0], $0x180  }
0x19: {  	[sflag:s0] =	ssyncset.done $0x0  }
0x1a: {  	s1 =	simm.s32 $0x8;
	[sflag:s0] =	ssyncadd.s32 $0xFFFFFE80  }
0x1b: {  	_ =	swait.ge [sflag:s1], $0x180  }
0x1c: {  	[sflag:s1] =	ssyncset.done $0x0  }
0x1d: {  	[sflag:s1] =	ssyncadd.s32 $0xFFFFFE80  }
0x1e: {  	_ =	swait.ge [sflag:s1], $0x180  }
0x1f: {  	s2 =	rddreg [dreg:$0x12]  }
0x20: {  	s31 =	rddreg [dreg:$0xe];
	s2 =	sadd.s32 $0x1, s2  }
0x21: {  	p0 =	sne.s32 s2, s31  }
.Ltmp1:
0x22: {  	_ = 	snop;
	(pc) =	sbr.rel @!p0 .LBB2_15-.Ltmp1, $3  }
0x23: {  	_ =	sdelay $0x1  }
0x24: {  	[sflag:s1] =	ssyncset.done $0x0  }
0x25: {  	[sflag:s1] =	ssyncadd.s32 $0xFFFFFE80;
	[dreg:$0x12] =	wrdreg s2  }
.LBB2_1:
0x26: {  	s0 =	rddreg [dreg:$0x9]  }
0x27: {  	s1 =	rddreg [dreg:$0xa]  }
0x28: {  	s2 =	rddreg [dreg:$0xf]  }
0x29: {  	s3 =	simm.s32 $0x18;
	s4 =	simm.s32 $0x180;
	s5 =	simm.s32 $0xC380  }
0x2a: {  	[spmem:s2@s4], [sflag:s1] =	dma.strided [hbm:s0@s5], $0xC00, s3, $0x10   }
0x2b: {  	s0 =	rddreg [dreg:$0xc]  }
0x2c: {  	s1 =	rddreg [dreg:$0x10]  }
0x2d: {  	s26 =	simm.s32 $0x1;
	s2 =	rddreg [dreg:$0x11]  }
0x2e: {  	[spmem:s2@s4], [sflag:s1] =	dma.strided [hbm:s0@s5], $0xC00, s3, $0x10   }
0x2f: {  	_ =	swait.ge [sflag:s26], $0xC00  }
.Ltmp2:
0x30: {  	[sflag:s26] =	ssyncset.done $0x0;
	(pc) =	sbr.rel .LBB2_2-.Ltmp2, $4  }
0x31: {  	s29 =	simm.s32 $0xC000;
	s28 =	rddreg [dreg:$0x8];
	[sflag:s26] =	ssyncadd.s32 $0xFFFFF400  }
0x32: {  	[tilespmem:s29], [sflag:$0x3] =	stream.linear.gather [spmem:s28], $0x6000, $0x38;
	[tilespmem:$0x18900] =	vst v63  }
0x33: {  	s31 =	simm.s32 $0x18000;
	s8 =	simm.s32 $0x0;
	s30 =	rddreg [dreg:$0xd]  }
0x34: {  	[tilespmem:s31], [sflag:$0x5] =	stream.linear.gather [hbm4b:s30+s7], $0x180, $0x38;
	[tilespmem:$0x18900] =	vst v63  }
.LBB2_13:
0x35: {  	s8 =	sadd.s32 $0x1, s8  }
0x36: {  	p0 =	sne.s32 s8, $0x19  }
.Ltmp3:
0x37: {  	_ = 	snop;
	(pc) =	sbr.rel @!p0 .LBB2_14-.Ltmp3, $1  }
0x38: {  	_ =	sdelay $0x3  }
.LBB2_2:
0x39: {  	s0 =	sshll.u32 s8, $0x6;
	s1 =	rddreg [dreg:$0x7]  }
0x3a: {  	s5 =	sor.u32 s1, s0  }
0x3b: {  	p0 =	sgt.u32 s5, $0x617  }
.Ltmp4:
0x3c: {  	_ = 	snop;
	(pc) =	sbr.rel @p0 .LBB2_13-.Ltmp4, $1  }
0x3d: {  	_ =	sdelay $0x3  }
0x3e: {  	p0 =	sgt.u32 s5, $0x5D7  }
0x3f: {  	s0 =	sadd.s32 @!p0 $0x40, s5  }
0x40: {  	s1 =	smul.u32 @!p0 $0xFC1, s0;
	_ =	sdelay $0x1  }
0x41: {  	s1 =	sshrl.u32 @!p0 s1, $0x13  }
0x42: {  	s2 =	smul.u32 @!p0 $0xFFFFFFAB, s1;
	_ =	sdelay $0x1  }
0x43: {  	s2 =	sand.u32 @!p0 $0xFF, s2  }
0x44: {  	p1 =	slt.u32 @!p0 s5, $0x42;
	p2 =	sgt.u32 @!p0 s2, $0x55  }
0x45: {  	p1 =	por @!p0 !p1, !p2  }
0x46: {  	s29 =	simm.s32 $0x3;
	s2 =	smul.u32 @!p0 $0xA80B, s0;
	p1 =	por @!p0 !p1, !p1  }
0x47: {  	s9 =	sor.u32 $0x20, s5;
	s3 =	simm.s32 @!p0 $0x1;
	p1 =	por !p1, p0  }
0x48: {  	s30 =	simm.s32 $0x5;
	s2 =	sshrl.u32 @!p0 s2, $0x18;
	s3 =	simm.s32 @p1 $0x0  }
0x49: {  	_ =	swait.ge [sflag:s29], $0x6000;
	s2 =	ssub.s32 @!p0 s2, s3;
	s3 =	smul.u32 @!p0 $0xFFFFFF7E, s1  }
0x4a: {  	[dreg:$0x15] =	wrdreg s5;
	[sflag:s29] =	ssyncset.done $0x0;
	s4 =	smul.u32 @!p0 $0xFFFFFFFD, s2  }
0x4b: {  	[sflag:s29] =	ssyncadd.s32 $0xFFFFA000;
	s2 =	smul.u32 @!p0 $0x92A000, s2;
	s0 =	sadd.s32 @!p0 s0, s3  }
0x4c: {  	_ =	swait.ge [sflag:s30], $0x180;
	s1 =	sadd.s32 @!p0 s1, s4;
	s0 =	smul.u32 @!p0 $0xC00, s0  }
0x4d: {  	s5 =	simm.s32 @!p0 $0xC380;
	[sflag:s30] =	ssyncset.done $0x0;
	s1 =	smul.u32 @!p0 $0x30E000, s1  }
0x4e: {  	s7 =	rddreg [dreg:$0xa];
	p1 =	sgt.u32 s9, $0x617;
	s0 =	sadd.s32 @!p0 s0, s2  }
0x4f: {  	[sflag:s30] =	ssyncadd.s32 $0xFFFFFE80;
	s0 =	sadd.s32 @!p0 s1, s0;
	s1 =	smul.u32 @!p1 $0xFC1, s9  }
0x50: {  	s3 =	simm.s32 @!p0 $0x18;
	s2 =	rddreg [dreg:$0x1];
	s0 =	sshrl.u32 @!p0 s0, $0x3  }
0x51: {  	s0 =	sadd.s32 @!p0 s2, s0;
	s2 =	rddreg [dreg:$0x8];
	s1 =	sshrl.u32 @!p1 s1, $0x13  }
0x52: {  	s4 =	simm.s32 @!p0 $0x180;
	s2 =	sshrl.u32 @!p0 s2, $0x3;
	s6 =	smul.u32 @!p1 $0xFFFFFFAB, s1  }
0x53: {  	[spmem:s2@s4], [sflag:s7] =	dma.strided @!p0 [hbm:s0@s5], $0xC00, s3, $0x10   }
0x54: {  	s0 =	sand.u32 @!p1 $0xFF, s6  }
0x55: {  	p0 =	slt.u32 @!p1 s9, $0x82;
	p2 =	sgt.u32 @!p1 s0, $0x55  }
0x56: {  	s1 =	smul.u32 @!p1 $0xFFFFFF7E, s1;
	s2 =	simm.s32 @!p1 $0x2;
	p0 =	por @!p1 !p0, !p2  }
0x57: {  	s3 =	simm.s32 @!p1 $0x1;
	s0 =	smul.u32 @!p1 $0xA80B, s9;
	p0 =	por @!p1 !p0, !p0  }
0x58: {  	_ =	swait.ge @!p1 [sflag:s2], $0xC00;
	s1 =	sadd.s32 @!p1 s9, s1;
	p0 =	por !p0, p1  }
0x59: {  	[sflag:s2] =	ssyncset.done @!p1 $0x0;
	s0 =	sshrl.u32 @!p1 s0, $0x18;
	s3 =	simm.s32 @p0 $0x0  }
0x5a: {  	s1 =	smul.u32 @!p1 $0x180, s1;
	[sflag:s2] =	ssyncadd.s32 @!p1 $0xFFFFF400;
	s0 =	ssub.s32 @!p1 s0, s3  }
0x5b: {  	s2 =	simm.s32 @!p1 $0x12000;
	s3 =	rddreg [dreg:$0xb];
	s0 =	smul.u32 @!p1 $0xC350, s0  }
0x5c: {  	[tilespmem:s2], [sflag:$0x4] =	stream.linear.gather @!p1 [spmem:s3], $0x6000, $0x38;
	[tilespmem:$0x18900] =	vst v63  }
0x5d: {  	[dreg:$0x14] =	wrdreg s9;
	s0 =	sadd.s32 @!p1 s1, s0  }
0x5e: {  	p0 =	seq.s32 s8, $0x0;
	s1 =	rddreg [dreg:$0x6];
	s0 =	sshrl.u32 @!p1 s0, $0x3  }
0x5f: {  	s2 =	simm.s32 @!p1 $0x18180;
	s0 =	sadd.s32 @!p1 s1, s0;
	s1 =	simm.s32 @!p1 $0x0  }
0x60: {  	[tilespmem:s2], [sflag:$0x6] =	stream.linear.gather @!p1 [hbm4b:s0+s1], $0x180, $0x38;
	[tilespmem:$0x18900] =	vst v63  }
0x61: {  	[dreg:$0x13] =	wrdreg s8;
	s0 =	simm.s32 @!p0 $0x7  }
0x62: {  	_ =	swait.ge @!p0 [sflag:s0], $0x180  }
0x63: {  	[sflag:s0] =	ssyncset.done @!p0 $0x0  }
0x64: {  	[sflag:s0] =	ssyncadd.s32 @!p0 $0xFFFFFE80  }
0x65: {  	s31 =	simm.s32 $0x0;
	s17 =	simm.s32 $0x18000;
	_ =	swait.ge @!p0 [sflag:s0], $0x180  }
0x66: {  	s18 =	simm.s32 $0x18300;
	s22 =	simm.s32 $0x0;
	[sflag:s0] =	ssyncset.done @!p0 $0x0  }
0x67: {  	s4 =	simm.s32 $0x18600;
	s9 =	simm.s32 $0x0;
	[sflag:s0] =	ssyncadd.s32 @!p0 $0xFFFFFE80  }
.LBB2_4:
0x68: {  	s0 =	sand.u32 $0xC00, s9  }
0x69: {  	s19 =	sand.u32 $0x60, s22;
	s16 =	sor.u32 $0xC000, s0  }
0x6a: {  	v1 =	vld [tilespmem:s17+$0x0];
	s1 =	sor.u32 s19, s16  }
0x6b: {  	v2 =	vld [tilespmem:s1+$0x0]  }
0x6c: {  	v3 =	vld [tilespmem:s1+$0x80]  }
0x6d: {  	v4 =	vld [tilespmem:s1+$0x100]  }
0x6e: {  	s8 =	sadd.s32 $0xCC00, s0;
	v5 =	vld [tilespmem:s1+$0x180]  }
0x6f: {  	s11 =	sadd.s32 $0xCC80, s0;
	s10 =	sor.u32 s19, s8;
	v6 =	vld [tilespmem:s1+$0x200]  }
0x70: {  	s14 =	sadd.s32 $0xCD80, s0;
	s12 =	sor.u32 s19, s11;
	v9 =	vld [tilespmem:s10+$0x0]  }
0x71: {  	s20 =	sadd.s32 $0xCE00, s0;
	s15 =	sor.u32 s19, s14;
	v22 =	vld [tilespmem:s12+$0x0]  }
0x72: {  	s24 =	sadd.s32 $0xCF00, s0;
	s21 =	sor.u32 s19, s20;
	v24 =	vld [tilespmem:s15+$0x0]  }
0x73: {  	s2 =	sand.u32 $0x3, s31;
	s26 =	sadd.s32 $0xCF80, s0;
	s25 =	sor.u32 s19, s24;
	v26 =	vld [tilespmem:s21+$0x0]  }
0x74: {  	s2 =	sshll.u32 s2, $0x5;
	s30 =	sadd.s32 $0xD880, s0;
	s28 =	sor.u32 s19, s26;
	v29 =	vld [tilespmem:s25+$0x0]  }
0x75: {  	s2 =	sadd.s32 s2, s9;
	s3 =	sor.u32 s19, s30;
	v31 =	vld [tilespmem:s28+$0x0]  }
0x76: {  	[dreg:$0x16] =	wrdreg s8;
	s8 =	sadd.s32 $0xDA00, s0;
	s6 =	sor.u32 $0x300, s2;
	v33 =	vld [tilespmem:s3+$0x0]  }
0x77: {  	[dreg:$0x18] =	wrdreg s11;
	s11 =	sadd.s32 $0xDA80, s0;
	s10 =	sor.u32 s19, s8;
	v8 =	vld [tilespmem:s6+$0xC000]  }
0x78: {  	[smem:$0x7DF] =	sst s20;
	s20 =	sadd.s32 $0xE400, s0;
	s12 =	sor.u32 s19, s11;
	v36 =	vld [tilespmem:s10+$0x0]  }
0x79: {  	[smem:$0x7E1] =	sst s24;
	s24 =	sadd.s32 $0xE500, s0;
	s21 =	sor.u32 s19, s20;
	v38 =	vld [tilespmem:s12+$0x0]  }
0x7a: {  	[smem:$0x7E2] =	sst s26;
	s26 =	sadd.s32 $0xE580, s0;
	s25 =	sor.u32 s19, s24;
	v43 =	vld [tilespmem:s21+$0x0]  }
0x7b: {  	s5 =	sadd.s32 $0xD900, s0;
	s28 =	sor.u32 s19, s26;
	v45 =	vld [tilespmem:s25+$0x0]  }
0x7c: {  	[smem:$0x7E7] =	sst s8;
	s8 =	sor.u32 $0xF000, s0;
	s6 =	sor.u32 s19, s5;
	v46 =	vld [tilespmem:s28+$0x0];
	v2 =	vmul.f32 v2, v1;
	v3 =	vmul.f32 v3, v1  }
0x7d: {  	[smem:$0x7E8] =	sst s11;
	s11 =	sor.u32 $0xF080, s0;
	s10 =	sor.u32 s19, s8;
	v34 =	vld [tilespmem:s6+$0x0];
	v4 =	vmul.f32 v4, v1;
	v6 =	vmul.f32 v6, v1  }
0x7e: {  	[smem:$0x7EB] =	sst s20;
	s20 =	sor.u32 $0xF200, s0;
	s12 =	sor.u32 s19, s11;
	v52 =	vld [tilespmem:s10+$0x0];
	v25 =	vmul.f32 v9, v1;
	v27 =	vmul.f32 v22, v1  }
0x7f: {  	s21 =	sor.u32 s19, s20;
	v53 =	vld [tilespmem:s12+$0x0];
	v30 =	vmul.f32 v24, v1;
	v35 =	vmul.f32 v31, v1  }
0x80: {  	v56 =	vld [tilespmem:s21+$0x0];
	v37 =	vmul.f32 v33, v1;
	v23 =	vmul.f32 v8, v1  }
0x81: {  	v42 =	vmul.f32 v36, v1;
	v47 =	vmul.f32 v43, v1  }
0x82: {  	s7 =	sor.u32 s9, s22;
	[smem:$0x7E5] =	sst s5;
	v7 =	vld [tilespmem:s1+$0x280];
	v49 =	vmul.f32 v45, v1;
	v50 =	vmul.f32 v46, v1  }
0x83: {  	s1 =	sor.u32 $0x380, s7;
	[smem:$0x7EE] =	sst s26;
	s26 =	sor.u32 $0xF380, s0;
	vm0 =	vgt.f32 v3, v2;
	v2 =	vmax.f32 v3, v2;
	v3 =	vmul.f32 v5, v1  }
0x84: {  	[smem:$0x7ED] =	sst s24;
	s24 =	sor.u32 $0xF300, s0;
	v21 =	vld [tilespmem:s1+$0xC000];
	s28 =	sor.u32 s19, s26;
	v39 =	vmul.f32 v34, v1;
	v57 =	vmul.f32 v52, v1  }
0x85: {  	s5 =	sadd.s32 $0xE700, s0;
	[smem:$0x7F9] =	sst s24;
	v61 =	vld [tilespmem:s28+$0x0];
	v58 =	vmul.f32 v53, v1;
	v62 =	vmul.f32 v56, v1  }
0x86: {  	s25 =	sor.u32 s19, s24;
	s24 =	sadd.s32 $0x10800, s0;
	s6 =	sor.u32 s19, s5;
	v20 =	vsel vm0, $0x1, v0;
	vm11 =	vgt.f32 v4, v2;
	v2 =	vmax.f32 v4, v2  }
0x87: {  	s13 =	sadd.s32 $0xCD00, s0;
	s12 =	sor.u32 s19, s24;
	v10 =	vld [tilespmem:s6+$0x0];
	vm12 =	vgt.f32 v3, v2;
	v2 =	vmax.f32 v3, v2;
	v3 =	vmul.f32 v7, v1  }
0x88: {  	s1 =	sor.u32 s19, s13;
	v19 =	vld [tilespmem:s12+$0x0];
	v5 =	vsel vm11, $0x2, v20;
	vm13 =	vgt.f32 v6, v2;
	v2 =	vmax.f32 v6, v2  }
0x89: {  	v5 =	vsel vm12, $0x3, v5;
	vm14 =	vgt.f32 v3, v2;
	v2 =	vmax.f32 v3, v2;
	v3 =	vld [tilespmem:s1+$0x0]  }
0x8a: {  	v13 =	vmul.f32 v61, v1;
	v4 =	vmul.f32 v21, v1;
	v5 =	vsel vm13, $0x4, v5  }
0x8b: {  	s23 =	sadd.s32 $0xCE80, s0;
	v5 =	vsel vm14, $0x5, v5;
	vm15 =	vgt.f32 v23, v2;
	v2 =	vmax.f32 v23, v2  }
0x8c: {  	v54 =	vmul.f32 v10, v1;
	s1 =	sor.u32 s19, s23;
	v5 =	vsel vm15, $0x6, v5;
	vm4 =	vgt.f32 v4, v2  }
0x8d: {  	v24 =	vmul.f32 v19, v1;
	v28 =	vld [tilespmem:s1+$0x0];
	v2 =	vmax.f32 v4, v2;
	v5 =	vsel vm4, $0x7, v5  }
0x8e: {  	[smem:$0x7FA] =	sst s26;
	s26 =	sadd.s32 $0xFF00, s0;
	vm5 =	vgt.f32 v25, v2;
	v2 =	vmax.f32 v25, v2;
	v3 =	vmul.f32 v3, v1  }
0x8f: {  	s29 =	sadd.s32 $0xD800, s0;
	s10 =	sor.u32 s19, s26;
	v5 =	vsel vm5, $0x8, v5;
	vm6 =	vgt.f32 v27, v2;
	v2 =	vmax.f32 v27, v2  }
0x90: {  	s28 =	sadd.s32 $0xFE80, s0;
	v18 =	vld [tilespmem:s10+$0x0];
	s1 =	sor.u32 s19, s29;
	v5 =	vsel vm6, $0x9, v5;
	vm7 =	vgt.f32 v3, v2;
	v2 =	vmax.f32 v3, v2  }
0x91: {  	[smem:$0x7F3] =	sst s8;
	s8 =	sor.u32 s19, s28;
	s10 =	sadd.s32 $0x11480, s0;
	v32 =	vld [tilespmem:s1+$0x0];
	v3 =	vmul.f32 v26, v1;
	v5 =	vsel vm7, $0xA, v5;
	vm8 =	vgt.f32 v30, v2  }
0x92: {  	v16 =	vld [tilespmem:s8+$0x0];
	s8 =	sor.u32 s19, s10;
	v6 =	vmul.f32 v28, v1;
	v2 =	vmax.f32 v30, v2;
	v5 =	vsel vm8, $0xB, v5  }
0x93: {  	s7 =	sadd.s32 $0xD980, s0;
	v30 =	vld [tilespmem:s8+$0x0];
	vm9 =	vgt.f32 v3, v2;
	v2 =	vmax.f32 v3, v2;
	v3 =	vmul.f32 v29, v1  }
0x94: {  	[dreg:$0x1b] =	wrdreg s13;
	s13 =	sadd.s32 $0xDB00, s0;
	s1 =	sor.u32 s19, s7;
	v5 =	vsel vm9, $0xC, v5;
	vm10 =	vgt.f32 v6, v2;
	v2 =	vmax.f32 v6, v2  }
0x95: {  	v5 =	vsel vm10, $0xD, v5;
	vm11 =	vgt.f32 v3, v2;
	v2 =	vmax.f32 v3, v2;
	v3 =	vld [tilespmem:s1+$0x0];
	s1 =	sor.u32 s19, s13  }
0x96: {  	[smem:$0x7E0] =	sst s23;
	s23 =	sadd.s32 $0xE480, s0;
	v4 =	vmul.f32 v32, v1;
	v5 =	vsel vm11, $0xE, v5;
	vm12 =	vgt.f32 v35, v2;
	v40 =	vld [tilespmem:s1+$0x0]  }
0x97: {  	[smem:$0x7E3] =	sst s29;
	v20 =	vmul.f32 v16, v1;
	s29 =	sadd.s32 $0xE600, s0;
	v2 =	vmax.f32 v35, v2;
	s1 =	sor.u32 s19, s23;
	v5 =	vsel vm12, $0xF, v5  }
0x98: {  	[dreg:$0x1e] =	wrdreg s14;
	s14 =	sadd.s32 $0xDB80, s0;
	vm13 =	vgt.f32 v4, v2;
	v2 =	vmax.f32 v4, v2;
	v44 =	vld [tilespmem:s1+$0x0];
	s1 =	sor.u32 s19, s29;
	v34 =	vmul.f32 v30, v1  }
0x99: {  	s15 =	sor.u32 s19, s14;
	v5 =	vsel vm13, $0x10, v5;
	vm14 =	vgt.f32 v37, v2;
	v2 =	vmax.f32 v37, v2;
	v48 =	vld [tilespmem:s1+$0x0]  }
0x9a: {  	v41 =	vld [tilespmem:s15+$0x0];
	v5 =	vsel vm14, $0x11, v5;
	vm15 =	vgt.f32 v39, v2;
	v3 =	vmul.f32 v3, v1  }
0x9b: {  	v2 =	vmax.f32 v39, v2;
	v5 =	vsel vm15, $0x12, v5;
	v6 =	vmul.f32 v40, v1  }
0x9c: {  	vm4 =	vgt.f32 v3, v2;
	v2 =	vmax.f32 v3, v2;
	v3 =	vmul.f32 v38, v1  }
0x9d: {  	[smem:$0x7E6] =	sst s7;
	s7 =	sadd.s32 $0xE780, s0;
	v4 =	vmul.f32 v44, v1;
	v5 =	vsel vm4, $0x13, v5;
	vm5 =	vgt.f32 v42, v2  }
0x9e: {  	s1 =	sor.u32 s19, s7;
	v2 =	vmax.f32 v42, v2;
	v8 =	vmul.f32 v48, v1;
	v5 =	vsel vm5, $0x14, v5  }
0x9f: {  	[smem:$0x7E4] =	sst s30;
	s30 =	sadd.s32 $0xE680, s0;
	v51 =	vld [tilespmem:s1+$0x0];
	vm6 =	vgt.f32 v3, v2;
	v2 =	vmax.f32 v3, v2;
	v3 =	vmul.f32 v41, v1  }
0xa0: {  	s3 =	sor.u32 s19, s30;
	[smem:$0x7E9] =	sst s13;
	v60 =	vld [tilespmem:s25+$0x0];
	s13 =	sor.u32 $0xF100, s0;
	v5 =	vsel vm6, $0x15, v5;
	vm7 =	vgt.f32 v6, v2;
	v2 =	vmax.f32 v6, v2  }
0xa1: {  	s21 =	sadd.s32 $0x10880, s0;
	s1 =	sor.u32 s19, s13;
	v5 =	vsel vm7, $0x16, v5;
	vm8 =	vgt.f32 v3, v2;
	v2 =	vmax.f32 v3, v2;
	v3 =	vld [tilespmem:s3+$0x0]  }
0xa2: {  	[smem:$0x7F5] =	sst s13;
	s13 =	sor.u32 s19, s21;
	v55 =	vld [tilespmem:s1+$0x0];
	s3 =	sadd.s32 $0xFD00, s0;
	v5 =	vsel vm8, $0x17, v5;
	vm9 =	vgt.f32 v47, v2;
	v2 =	vmax.f32 v47, v2  }
0xa3: {  	[smem:$0x7F1] =	sst s5;
	v21 =	vld [tilespmem:s13+$0x0];
	s13 =	sadd.s32 $0x10B00, s0;
	s5 =	sor.u32 s19, s3;
	v5 =	vsel vm9, $0x18, v5;
	vm10 =	vgt.f32 v4, v2;
	v2 =	vmax.f32 v4, v2  }
0xa4: {  	v7 =	vmul.f32 v51, v1;
	v12 =	vld [tilespmem:s5+$0x0];
	s5 =	sor.u32 s19, s13;
	v5 =	vsel vm10, $0x19, v5;
	vm11 =	vgt.f32 v49, v2  }
0xa5: {  	v4 =	vmul.f32 v60, v1;
	v2 =	vmax.f32 v49, v2;
	v26 =	vld [tilespmem:s5+$0x0];
	v5 =	vsel vm11, $0x1A, v5  }
0xa6: {  	[smem:$0x7EC] =	sst s23;
	s23 =	sor.u32 $0xF280, s0;
	vm12 =	vgt.f32 v50, v2;
	v2 =	vmax.f32 v50, v2;
	v3 =	vmul.f32 v3, v1  }
0xa7: {  	[smem:$0x7EA] =	sst s14;
	s14 =	sor.u32 $0xF180, s0;
	s1 =	sor.u32 s19, s23;
	v5 =	vsel vm12, $0x1B, v5;
	vm13 =	vgt.f32 v8, v2;
	v2 =	vmax.f32 v8, v2  }
0xa8: {  	s15 =	sor.u32 s19, s14;
	[smem:$0x7EF] =	sst s29;
	s29 =	sadd.s32 $0xFC00, s0;
	v59 =	vld [tilespmem:s1+$0x0];
	v8 =	vmul.f32 v55, v1;
	v5 =	vsel vm13, $0x1C, v5;
	vm14 =	vgt.f32 v3, v2  }
0xa9: {  	s1 =	sor.u32 s19, s29;
	v2 =	vmax.f32 v3, v2;
	v3 =	vld [tilespmem:s15+$0x0];
	v17 =	vmul.f32 v12, v1;
	v5 =	vsel vm14, $0x1D, v5  }
0xaa: {  	v63 =	vld [tilespmem:s1+$0x0];
	vm15 =	vgt.f32 v54, v2;
	v2 =	vmax.f32 v54, v2;
	v31 =	vmul.f32 v26, v1  }
0xab: {  	v5 =	vsel vm15, $0x1E, v5;
	vm4 =	vgt.f32 v7, v2;
	v2 =	vmax.f32 v7, v2  }
0xac: {  	[smem:$0x7F7] =	sst s20;
	s20 =	sadd.s32 $0x10980, s0;
	v5 =	vsel vm4, $0x1F, v5;
	vm5 =	vgt.f32 v57, v2;
	v2 =	vmax.f32 v57, v2  }
0xad: {  	[smem:$0x7FB] =	sst s29;
	s29 =	sadd.s32 $0xFD80, s0;
	s15 =	sor.u32 s19, s20;
	v7 =	vmul.f32 v59, v1;
	v5 =	vsel vm5, $0x20, v5;
	vm6 =	vgt.f32 v58, v2  }
0xae: {  	[smem:$0x7F0] =	sst s30;
	s30 =	sadd.s32 $0xFC80, s0;
	s6 =	sor.u32 s19, s29;
	v23 =	vld [tilespmem:s15+$0x0];
	v2 =	vmax.f32 v58, v2;
	v5 =	vsel vm6, $0x21, v5;
	v3 =	vmul.f32 v3, v1  }
0xaf: {  	[dreg:$0x1a] =	wrdreg s2;
	s2 =	sor.u32 s19, s30;
	v14 =	vld [tilespmem:s6+$0x0];
	vm7 =	vgt.f32 v8, v2;
	v2 =	vmax.f32 v8, v2;
	v8 =	vmul.f32 v63, v1  }
0xb0: {  	v5 =	vsel vm7, $0x22, v5;
	vm8 =	vgt.f32 v3, v2;
	v2 =	vmax.f32 v3, v2;
	v3 =	vld [tilespmem:s2+$0x0]  }
0xb1: {  	[smem:$0x7FC] =	sst s30;
	s30 =	sadd.s32 $0xFE00, s0;
	v5 =	vsel vm8, $0x23, v5;
	vm9 =	vgt.f32 v62, v2;
	v2 =	vmax.f32 v62, v2  }
0xb2: {  	[smem:$0x7F2] =	sst s7;
	s7 =	sor.u32 s19, s30;
	v5 =	vsel vm9, $0x24, v5;
	vm10 =	vgt.f32 v7, v2;
	v2 =	vmax.f32 v7, v2  }
0xb3: {  	v15 =	vld [tilespmem:s7+$0x0];
	v27 =	vmul.f32 v23, v1;
	v5 =	vsel vm10, $0x25, v5;
	vm11 =	vgt.f32 v4, v2  }
0xb4: {  	v7 =	vmul.f32 v14, v1;
	v2 =	vmax.f32 v4, v2;
	v5 =	vsel vm11, $0x26, v5  }
0xb5: {  	[smem:$0x7F8] =	sst s23;
	s23 =	sadd.s32 $0x10900, s0;
	vm12 =	vgt.f32 v13, v2;
	v2 =	vmax.f32 v13, v2;
	v3 =	vmul.f32 v3, v1  }
0xb6: {  	[smem:$0x7F6] =	sst s14;
	s25 =	sadd.s32 $0xFF80, s0;
	s14 =	sor.u32 s19, s23;
	v5 =	vsel vm12, $0x27, v5;
	vm13 =	vgt.f32 v8, v2;
	v2 =	vmax.f32 v8, v2  }
0xb7: {  	[smem:$0x7F4] =	sst s11;
	s11 =	sor.u32 s19, s25;
	v22 =	vld [tilespmem:s14+$0x0];
	s15 =	sadd.s32 $0x10A00, s0;
	v5 =	vsel vm13, $0x28, v5;
	vm14 =	vgt.f32 v3, v2;
	v2 =	vmax.f32 v3, v2  }
0xb8: {  	s2 =	sor.u32 s19, s15;
	v4 =	vmul.f32 v15, v1;
	v3 =	vld [tilespmem:s11+$0x0];
	v5 =	vsel vm14, $0x29, v5;
	vm15 =	vgt.f32 v17, v2  }
0xb9: {  	v25 =	vld [tilespmem:s2+$0x0];
	v8 =	vmul.f32 v18, v1;
	v2 =	vmax.f32 v17, v2;
	v5 =	vsel vm15, $0x2A, v5  }
0xba: {  	vm4 =	vgt.f32 v7, v2;
	v2 =	vmax.f32 v7, v2;
	v7 =	vmul.f32 v21, v1  }
0xbb: {  	s11 =	sadd.s32 $0x10B80, s0;
	v5 =	vsel vm4, $0x2B, v5;
	vm5 =	vgt.f32 v4, v2;
	v2 =	vmax.f32 v4, v2  }
0xbc: {  	s12 =	sadd.s32 $0x11400, s0;
	s6 =	sor.u32 s19, s11;
	v4 =	vmul.f32 v22, v1;
	v5 =	vsel vm5, $0x2C, v5;
	vm6 =	vgt.f32 v20, v2  }
0xbd: {  	s7 =	sor.u32 s19, s12;
	s14 =	sadd.s32 $0x10A80, s0;
	v28 =	vld [tilespmem:s6+$0x0];
	v2 =	vmax.f32 v20, v2;
	v5 =	vsel vm6, $0x2D, v5;
	v3 =	vmul.f32 v3, v1  }
0xbe: {  	v29 =	vld [tilespmem:s7+$0x0];
	[smem:$0x7FD] =	sst s3;
	s3 =	sor.u32 s19, s14;
	vm7 =	vgt.f32 v8, v2;
	v2 =	vmax.f32 v8, v2;
	v8 =	vmul.f32 v25, v1  }
0xbf: {  	v5 =	vsel vm7, $0x2E, v5;
	vm8 =	vgt.f32 v3, v2;
	v2 =	vmax.f32 v3, v2;
	v3 =	vld [tilespmem:s3+$0x0]  }
0xc0: {  	v5 =	vsel vm8, $0x2F, v5;
	vm9 =	vgt.f32 v24, v2;
	v2 =	vmax.f32 v24, v2  }
0xc1: {  	v5 =	vsel vm9, $0x30, v5;
	vm10 =	vgt.f32 v7, v2;
	v2 =	vmax.f32 v7, v2  }
0xc2: {  	s6 =	sadd.s32 $0x11600, s0;
	v7 =	vmul.f32 v28, v1;
	v5 =	vsel vm10, $0x31, v5;
	vm11 =	vgt.f32 v4, v2  }
0xc3: {  	s8 =	sadd.s32 $0x11500, s0;
	s5 =	sor.u32 s19, s6;
	v2 =	vmax.f32 v4, v2;
	v4 =	vmul.f32 v29, v1;
	v5 =	vsel vm11, $0x32, v5  }
0xc4: {  	s7 =	sadd.s32 $0x11580, s0;
	s2 =	sor.u32 s19, s8;
	v33 =	vld [tilespmem:s5+$0x0];
	vm12 =	vgt.f32 v27, v2;
	v2 =	vmax.f32 v27, v2;
	v3 =	vmul.f32 v3, v1  }
0xc5: {  	v32 =	vld [tilespmem:s2+$0x0];
	s3 =	sor.u32 s19, s7;
	v5 =	vsel vm12, $0x33, v5;
	vm13 =	vgt.f32 v8, v2;
	v2 =	vmax.f32 v8, v2  }
0xc6: {  	v5 =	vsel vm13, $0x34, v5;
	vm14 =	vgt.f32 v3, v2;
	v2 =	vmax.f32 v3, v2;
	v3 =	vld [tilespmem:s3+$0x0]  }
0xc7: {  	s3 =	sadd.s32 $0x11680, s0;
	v5 =	vsel vm14, $0x35, v5;
	vm15 =	vgt.f32 v31, v2;
	v2 =	vmax.f32 v31, v2  }
0xc8: {  	s5 =	sadd.s32 $0x11700, s0;
	s2 =	sor.u32 s19, s3;
	v5 =	vsel vm15, $0x36, v5;
	vm4 =	vgt.f32 v7, v2;
	v2 =	vmax.f32 v7, v2  }
0xc9: {  	s1 =	sor.u32 s19, s5;
	v38 =	vmul.f32 v33, v1;
	v35 =	vld [tilespmem:s2+$0x0];
	s2 =	sadd.s32 $0x11780, s0;
	v5 =	vsel vm4, $0x37, v5;
	vm5 =	vgt.f32 v4, v2  }
0xca: {  	v36 =	vld [tilespmem:s1+$0x0];
	v8 =	vmul.f32 v32, v1;
	v2 =	vmax.f32 v4, v2;
	s1 =	sor.u32 s19, s2;
	v5 =	vsel vm5, $0x38, v5  }
0xcb: {  	vm6 =	vgt.f32 v34, v2;
	v37 =	vld [tilespmem:s1+$0x0];
	v2 =	vmax.f32 v34, v2;
	v3 =	vmul.f32 v3, v1  }
0xcc: {  	v5 =	vsel vm6, $0x39, v5;
	vm7 =	vgt.f32 v8, v2;
	v2 =	vmax.f32 v8, v2  }
0xcd: {  	v5 =	vsel vm7, $0x3A, v5;
	vm8 =	vgt.f32 v3, v2;
	v2 =	vmax.f32 v3, v2  }
0xce: {  	v39 =	vmul.f32 v35, v1;
	v3 =	vsel vm8, $0x3B, v5;
	vm9 =	vgt.f32 v38, v2  }
0xcf: {  	v4 =	vmul.f32 v36, v1;
	v2 =	vmax.f32 v38, v2;
	v3 =	vsel vm9, $0x3C, v3  }
0xd0: {  	vm10 =	vgt.f32 v39, v2;
	v2 =	vmax.f32 v39, v2;
	v1 =	vmul.f32 v37, v1  }
0xd1: {  	v3 =	vsel vm10, $0x3D, v3;
	vm11 =	vgt.f32 v4, v2;
	v2 =	vmax.f32 v4, v2  }
0xd2: {  	v3 =	vsel vm11, $0x3E, v3;
	vm12 =	vgt.f32 v1, v2;
	v1 =	vmax.f32 v1, v2  }
0xd3: {  	s0 =	sor.u32 $0x10, s19;
	s1 =	sand.u32 $0x180, s22;
	v2 =	vsel vm12, $0x3F, v3;
	[tilespmem:s18+$0x0] =	vst v1  }
0xd4: {  	s19 =	sor.u32 s1, s0;
	[tilespmem:s4+$0x0] =	vst v2  }
0xd5: {  	s16 =	sor.u32 s0, s16;
	v1 =	vld [tilespmem:s19+$0x18000]  }
0xd6: {  	v2 =	vld [tilespmem:s16+$0x0]  }
0xd7: {  	v3 =	vld [tilespmem:s16+$0x80]  }
0xd8: {  	v40 =	vld [tilespmem:s16+$0x100]  }
0xd9: {  	s1 =	rddreg [dreg:$0x1a];
	v41 =	vld [tilespmem:s16+$0x180]  }
0xda: {  	s1 =	sadd.s32 $0x10, s1;
	v42 =	vld [tilespmem:s16+$0x200]  }
0xdb: {  	v43 =	vld [tilespmem:s16+$0x280];
	s16 =	sor.u32 $0x300, s1  }
0xdc: {  	s1 =	sor.u32 $0x380, s1;
	v44 =	vld [tilespmem:s16+$0xC000];
	s16 =	rddreg [dreg:$0x16]  }
0xdd: {  	v45 =	vld [tilespmem:s1+$0xC000];
	s1 =	sor.u32 s0, s16;
	s16 =	rddreg [dreg:$0x18];
	v2 =	vmul.f32 v2, v1;
	v3 =	vmul.f32 v3, v1  }
0xde: {  	v47 =	vld [tilespmem:s1+$0x0];
	s1 =	sor.u32 s0, s16;
	s16 =	rddreg [dreg:$0x1b];
	v4 =	vmul.f32 v40, v1  }
0xdf: {  	v48 =	vld [tilespmem:s1+$0x0];
	s1 =	sor.u32 s0, s16;
	s16 =	rddreg [dreg:$0x1e];
	vm13 =	vgt.f32 v3, v2;
	v2 =	vmax.f32 v3, v2;
	v3 =	vmul.f32 v41, v1  }
0xe0: {  	v6 =	vmul.f32 v42, v1;
	v50 =	vld [tilespmem:s1+$0x0];
	s1 =	sor.u32 s0, s16;
	s16 =	sld [smem:$0x7DF];
	vm14 =	vgt.f32 v4, v2;
	v2 =	vmax.f32 v4, v2  }
0xe1: {  	vm15 =	vgt.f32 v3, v2;
	v2 =	vmax.f32 v3, v2;
	v3 =	vmul.f32 v43, v1  }
0xe2: {  	vm4 =	vgt.f32 v6, v2;
	v2 =	vmax.f32 v6, v2  }
0xe3: {  	vm5 =	vgt.f32 v3, v2;
	v2 =	vmax.f32 v3, v2;
	v3 =	vld [tilespmem:s1+$0x0];
	s1 =	sor.u32 s0, s16;
	s16 =	sld [smem:$0x7E0];
	_ =	sdelay $0x2  }
0xe4: {  	v52 =	vld [tilespmem:s1+$0x0];
	s1 =	sor.u32 s0, s16;
	s16 =	sld [smem:$0x7E1];
	_ =	sdelay $0x2  }
0xe5: {  	v54 =	vld [tilespmem:s1+$0x0];
	s1 =	sor.u32 s0, s16;
	s16 =	sld [smem:$0x7E2];
	_ =	sdelay $0x2  }
0xe6: {  	v55 =	vld [tilespmem:s1+$0x0];
	s1 =	sor.u32 s0, s16;
	s16 =	sld [smem:$0x7E3];
	_ =	sdelay $0x1  }
0xe7: {  	v49 =	vmul.f32 v44, v1  }
0xe8: {  	v5 =	vmul.f32 v45, v1;
	v56 =	vld [tilespmem:s1+$0x0];
	s1 =	sor.u32 s0, s16;
	s16 =	sld [smem:$0x7E4]  }
0xe9: {  	v4 =	vmul.f32 v47, v1;
	vm6 =	vgt.f32 v49, v2;
	v2 =	vmax.f32 v49, v2  }
0xea: {  	v53 =	vmul.f32 v48, v1;
	vm7 =	vgt.f32 v5, v2;
	v2 =	vmax.f32 v5, v2  }
0xeb: {  	v7 =	vmul.f32 v50, v1;
	vm8 =	vgt.f32 v4, v2;
	v2 =	vmax.f32 v4, v2;
	v58 =	vld [tilespmem:s1+$0x0];
	s1 =	sor.u32 s0, s16;
	s16 =	sld [smem:$0x7E5]  }
0xec: {  	vm9 =	vgt.f32 v53, v2;
	v2 =	vmax.f32 v53, v2;
	v3 =	vmul.f32 v3, v1  }
0xed: {  	vm10 =	vgt.f32 v7, v2;
	v2 =	vmax.f32 v7, v2  }
0xee: {  	vm11 =	vgt.f32 v3, v2;
	v2 =	vmax.f32 v3, v2;
	v3 =	vld [tilespmem:s1+$0x0];
	s1 =	sor.u32 s0, s16;
	s16 =	sld [smem:$0x7E6];
	_ =	sdelay $0x2  }
0xef: {  	v59 =	vld [tilespmem:s1+$0x0];
	s1 =	sor.u32 s0, s16;
	s16 =	sld [smem:$0x7E7];
	_ =	sdelay $0x2  }
0xf0: {  	v61 =	vld [tilespmem:s1+$0x0];
	s1 =	sor.u32 s0, s16;
	s16 =	sld [smem:$0x7E8];
	_ =	sdelay $0x2  }
0xf1: {  	v62 =	vld [tilespmem:s1+$0x0];
	s1 =	sor.u32 s0, s16;
	s16 =	sld [smem:$0x7E9]  }
0xf2: {  	v46 =	vsel vm13, $0x1, v0  }
0xf3: {  	v9 =	vsel vm14, $0x2, v46;
	v57 =	vmul.f32 v52, v1  }
0xf4: {  	v9 =	vsel vm15, $0x3, v9;
	v6 =	vmul.f32 v54, v1;
	v63 =	vld [tilespmem:s1+$0x0];
	s1 =	sor.u32 s0, s16;
	s16 =	sld [smem:$0x7EA]  }
0xf5: {  	vm12 =	vgt.f32 v57, v2;
	v2 =	vmax.f32 v57, v2;
	v4 =	vmul.f32 v55, v1  }
0xf6: {  	vm13 =	vgt.f32 v6, v2;
	v2 =	vmax.f32 v6, v2;
	v60 =	vmul.f32 v56, v1  }
0xf7: {  	vm14 =	vgt.f32 v4, v2;
	v2 =	vmax.f32 v4, v2;
	v7 =	vmul.f32 v58, v1;
	v13 =	vld [tilespmem:s1+$0x0];
	s1 =	sor.u32 s0, s16;
	s16 =	sld [smem:$0x7EB]  }
0xf8: {  	vm15 =	vgt.f32 v60, v2;
	v2 =	vmax.f32 v60, v2;
	v3 =	vmul.f32 v3, v1  }
0xf9: {  	v51 =	vsel vm4, $0x4, v9;
	vm4 =	vgt.f32 v7, v2;
	v2 =	vmax.f32 v7, v2  }
0xfa: {  	v8 =	vsel vm5, $0x5, v51;
	vm5 =	vgt.f32 v3, v2;
	v2 =	vmax.f32 v3, v2;
	v3 =	vld [tilespmem:s1+$0x0];
	s1 =	sor.u32 s0, s16;
	s16 =	sld [smem:$0x7EC];
	_ =	sdelay $0x2  }
0xfb: {  	v14 =	vld [tilespmem:s1+$0x0];
	s1 =	sor.u32 s0, s16;
	s16 =	sld [smem:$0x7ED];
	_ =	sdelay $0x2  }
0xfc: {  	v16 =	vld [tilespmem:s1+$0x0];
	s1 =	sor.u32 s0, s16;
	s16 =	sld [smem:$0x7EE];
	_ =	sdelay $0x2  }
0xfd: {  	v8 =	vsel vm6, $0x6, v8;
	v17 =	vld [tilespmem:s1+$0x0];
	s1 =	sor.u32 s0, s16;
	s16 =	sld [smem:$0x7EF]  }
0xfe: {  	v8 =	vsel vm7, $0x7, v8  }
0xff: {  	v8 =	vsel vm8, $0x8, v8;
	v12 =	vmul.f32 v59, v1  }
0x100: {  	v8 =	vsel vm9, $0x9, v8;
	v6 =	vmul.f32 v61, v1;
	v18 =	vld [tilespmem:s1+$0x0];
	s1 =	sor.u32 s0, s16;
	s16 =	sld [smem:$0x7F0]  }
0x101: {  	vm6 =	vgt.f32 v12, v2;
	v2 =	vmax.f32 v12, v2;
	v4 =	vmul.f32 v62, v1  }
0x102: {  	vm7 =	vgt.f32 v6, v2;
	v2 =	vmax.f32 v6, v2;
	v15 =	vmul.f32 v63, v1  }
0x103: {  	vm8 =	vgt.f32 v4, v2;
	v2 =	vmax.f32 v4, v2;
	v7 =	vmul.f32 v13, v1;
	v20 =	vld [tilespmem:s1+$0x0];
	s1 =	sor.u32 s0, s16;
	s16 =	sld [smem:$0x7F1]  }
0x104: {  	vm9 =	vgt.f32 v15, v2;
	v2 =	vmax.f32 v15, v2;
	v3 =	vmul.f32 v3, v1  }
0x105: {  	v8 =	vsel vm10, $0xA, v8;
	vm10 =	vgt.f32 v7, v2;
	v2 =	vmax.f32 v7, v2  }
0x106: {  	v8 =	vsel vm11, $0xB, v8;
	vm11 =	vgt.f32 v3, v2;
	v2 =	vmax.f32 v3, v2;
	v3 =	vld [tilespmem:s1+$0x0];
	s1 =	sor.u32 s0, s16;
	s16 =	sld [smem:$0x7F2];
	_ =	sdelay $0x2  }
0x107: {  	v21 =	vld [tilespmem:s1+$0x0];
	s1 =	sor.u32 s0, s16;
	s16 =	sld [smem:$0x7F3];
	_ =	sdelay $0x2  }
0x108: {  	v23 =	vld [tilespmem:s1+$0x0];
	s1 =	sor.u32 s0, s16;
	s16 =	sld [smem:$0x7F4];
	_ =	sdelay $0x2  }
0x109: {  	v8 =	vsel vm12, $0xC, v8;
	v24 =	vld [tilespmem:s1+$0x0];
	s1 =	sor.u32 s0, s16;
	s16 =	sld [smem:$0x7F5]  }
0x10a: {  	v8 =	vsel vm13, $0xD, v8  }
0x10b: {  	v8 =	vsel vm14, $0xE, v8;
	v19 =	vmul.f32 v14, v1  }
0x10c: {  	v8 =	vsel vm15, $0xF, v8;
	v6 =	vmul.f32 v16, v1;
	v25 =	vld [tilespmem:s1+$0x0];
	s1 =	sor.u32 s0, s16;
	s16 =	sld [smem:$0x7F6]  }
0x10d: {  	vm12 =	vgt.f32 v19, v2;
	v2 =	vmax.f32 v19, v2;
	v4 =	vmul.f32 v17, v1  }
0x10e: {  	vm13 =	vgt.f32 v6, v2;
	v2 =	vmax.f32 v6, v2;
	v22 =	vmul.f32 v18, v1  }
0x10f: {  	vm14 =	vgt.f32 v4, v2;
	v2 =	vmax.f32 v4, v2;
	v7 =	vmul.f32 v20, v1;
	v27 =	vld [tilespmem:s1+$0x0];
	s1 =	sor.u32 s0, s16;
	s16 =	sld [smem:$0x7F7]  }
0x110: {  	vm15 =	vgt.f32 v22, v2;
	v2 =	vmax.f32 v22, v2;
	v3 =	vmul.f32 v3, v1  }
0x111: {  	v8 =	vsel vm4, $0x10, v8;
	vm4 =	vgt.f32 v7, v2;
	v2 =	vmax.f32 v7, v2  }
0x112: {  	v8 =	vsel vm5, $0x11, v8;
	vm5 =	vgt.f32 v3, v2;
	v2 =	vmax.f32 v3, v2;
	v3 =	vld [tilespmem:s1+$0x0];
	s1 =	sor.u32 s0, s16;
	s16 =	sld [smem:$0x7F8];
	_ =	sdelay $0x2  }
0x113: {  	v8 =	vsel vm6, $0x12, v8;
	v28 =	vld [tilespmem:s1+$0x0];
	s1 =	sor.u32 s0, s16;
	s16 =	sld [smem:$0x7F9]  }
0x114: {  	v8 =	vsel vm7, $0x13, v8  }
0x115: {  	v8 =	vsel vm8, $0x14, v8  }
0x116: {  	v8 =	vsel vm9, $0x15, v8;
	v30 =	vld [tilespmem:s1+$0x0];
	s1 =	sor.u32 s0, s16;
	s16 =	sld [smem:$0x7FA]  }
0x117: {  	v8 =	vsel vm10, $0x16, v8  }
0x118: {  	v8 =	vsel vm11, $0x17, v8  }
0x119: {  	v8 =	vsel vm12, $0x18, v8;
	v31 =	vld [tilespmem:s1+$0x0];
	s1 =	sor.u32 s0, s16;
	s16 =	sld [smem:$0x7FB]  }
0x11a: {  	v8 =	vsel vm13, $0x19, v8  }
0x11b: {  	v8 =	vsel vm14, $0x1A, v8;
	v26 =	vmul.f32 v21, v1  }
0x11c: {  	v8 =	vsel vm15, $0x1B, v8;
	v6 =	vmul.f32 v23, v1;
	v32 =	vld [tilespmem:s1+$0x0];
	s1 =	sor.u32 s0, s16;
	s16 =	sld [smem:$0x7FC]  }
0x11d: {  	vm6 =	vgt.f32 v26, v2;
	v2 =	vmax.f32 v26, v2;
	v4 =	vmul.f32 v24, v1  }
0x11e: {  	vm7 =	vgt.f32 v6, v2;
	v2 =	vmax.f32 v6, v2;
	v29 =	vmul.f32 v25, v1  }
0x11f: {  	vm8 =	vgt.f32 v4, v2;
	v2 =	vmax.f32 v4, v2;
	v7 =	vmul.f32 v27, v1;
	v34 =	vld [tilespmem:s1+$0x0];
	s1 =	sor.u32 s0, s16;
	s16 =	sld [smem:$0x7FD]  }
0x120: {  	vm9 =	vgt.f32 v29, v2;
	v2 =	vmax.f32 v29, v2;
	v3 =	vmul.f32 v3, v1  }
0x121: {  	v8 =	vsel vm4, $0x1C, v8;
	vm10 =	vgt.f32 v7, v2;
	v2 =	vmax.f32 v7, v2  }
0x122: {  	v8 =	vsel vm5, $0x1D, v8;
	vm11 =	vgt.f32 v3, v2;
	v2 =	vmax.f32 v3, v2;
	v3 =	vld [tilespmem:s1+$0x0];
	s1 =	sor.u32 s0, s16  }
0x123: {  	v8 =	vsel vm6, $0x1E, v8;
	s16 =	sor.u32 s0, s29;
	v35 =	vld [tilespmem:s1+$0x0]  }
0x124: {  	v8 =	vsel vm7, $0x1F, v8;
	s29 =	sor.u32 s0, s30;
	v37 =	vld [tilespmem:s16+$0x0]  }
0x125: {  	v8 =	vsel vm8, $0x20, v8;
	s30 =	sor.u32 s0, s28;
	v38 =	vld [tilespmem:s29+$0x0]  }
0x126: {  	v8 =	vsel vm9, $0x21, v8;
	v33 =	vmul.f32 v28, v1;
	s28 =	sor.u32 s0, s21;
	v39 =	vld [tilespmem:s30+$0x0]  }
0x127: {  	v8 =	vsel vm10, $0x22, v8;
	v6 =	vmul.f32 v30, v1;
	s16 =	sor.u32 s0, s26;
	v44 =	vld [tilespmem:s28+$0x0]  }
0x128: {  	v8 =	vsel vm11, $0x23, v8;
	vm12 =	vgt.f32 v33, v2;
	v2 =	vmax.f32 v33, v2;
	s26 =	sor.u32 s0, s24;
	v41 =	vld [tilespmem:s16+$0x0]  }
0x129: {  	v8 =	vsel vm12, $0x24, v8;
	vm13 =	vgt.f32 v6, v2;
	v4 =	vmul.f32 v31, v1;
	s29 =	sor.u32 s0, s23;
	v42 =	vld [tilespmem:s26+$0x0]  }
0x12a: {  	v2 =	vmax.f32 v6, v2;
	v8 =	vsel vm13, $0x25, v8;
	v36 =	vmul.f32 v32, v1;
	s30 =	sor.u32 s0, s20;
	v45 =	vld [tilespmem:s29+$0x0]  }
0x12b: {  	vm14 =	vgt.f32 v4, v2;
	v2 =	vmax.f32 v4, v2;
	v7 =	vmul.f32 v34, v1;
	s20 =	sor.u32 s0, s13;
	v46 =	vld [tilespmem:s30+$0x0]  }
0x12c: {  	v8 =	vsel vm14, $0x26, v8;
	vm15 =	vgt.f32 v36, v2;
	v2 =	vmax.f32 v36, v2;
	s24 =	sor.u32 s0, s10;
	v49 =	vld [tilespmem:s20+$0x0]  }
0x12d: {  	v8 =	vsel vm15, $0x27, v8;
	s28 =	sor.u32 s0, s6;
	vm4 =	vgt.f32 v7, v2;
	v53 =	vld [tilespmem:s24+$0x0]  }
0x12e: {  	v2 =	vmax.f32 v7, v2;
	v56 =	vld [tilespmem:s28+$0x0];
	s29 =	sor.u32 s0, s3;
	v3 =	vmul.f32 v3, v1;
	v40 =	vmul.f32 v35, v1  }
0x12f: {  	v8 =	vsel vm4, $0x28, v8;
	v58 =	vld [tilespmem:s29+$0x0];
	v6 =	vmul.f32 v37, v1;
	v4 =	vmul.f32 v38, v1  }
0x130: {  	s25 =	sor.u32 s0, s25;
	vm5 =	vgt.f32 v3, v2;
	v43 =	vmul.f32 v39, v1;
	v7 =	vmul.f32 v41, v1  }
0x131: {  	v2 =	vmax.f32 v3, v2;
	v3 =	vld [tilespmem:s25+$0x0];
	v47 =	vmul.f32 v42, v1;
	v50 =	vmul.f32 v46, v1  }
0x132: {  	v8 =	vsel vm5, $0x29, v8;
	v54 =	vmul.f32 v49, v1;
	v57 =	vmul.f32 v53, v1  }
0x133: {  	v62 =	vmul.f32 v56, v1;
	vm6 =	vgt.f32 v40, v2;
	v2 =	vmax.f32 v40, v2  }
0x134: {  	v63 =	vmul.f32 v58, v1;
	v8 =	vsel vm6, $0x2A, v8;
	vm7 =	vgt.f32 v6, v2  }
0x135: {  	s15 =	sor.u32 s0, s15;
	v2 =	vmax.f32 v6, v2;
	v6 =	vmul.f32 v44, v1;
	v8 =	vsel vm7, $0x2B, v8  }
0x136: {  	v48 =	vld [tilespmem:s15+$0x0];
	s21 =	sor.u32 s0, s11;
	vm8 =	vgt.f32 v4, v2;
	v2 =	vmax.f32 v4, v2;
	v3 =	vmul.f32 v3, v1  }
0x137: {  	v51 =	vld [tilespmem:s21+$0x0];
	v8 =	vsel vm8, $0x2C, v8;
	vm9 =	vgt.f32 v43, v2;
	v2 =	vmax.f32 v43, v2  }
0x138: {  	s23 =	sor.u32 s0, s12;
	v8 =	vsel vm9, $0x2D, v8;
	vm10 =	vgt.f32 v7, v2;
	v2 =	vmax.f32 v7, v2  }
0x139: {  	s16 =	sor.u32 s0, s14;
	v52 =	vld [tilespmem:s23+$0x0];
	v8 =	vsel vm10, $0x2E, v8;
	vm11 =	vgt.f32 v3, v2;
	v2 =	vmax.f32 v3, v2  }
0x13a: {  	s25 =	sor.u32 s0, s8;
	v4 =	vmul.f32 v45, v1;
	v3 =	vld [tilespmem:s16+$0x0];
	v8 =	vsel vm11, $0x2F, v8;
	vm12 =	vgt.f32 v47, v2  }
0x13b: {  	v55 =	vld [tilespmem:s25+$0x0];
	v7 =	vmul.f32 v48, v1;
	v2 =	vmax.f32 v47, v2;
	v8 =	vsel vm12, $0x30, v8  }
0x13c: {  	vm13 =	vgt.f32 v6, v2;
	v2 =	vmax.f32 v6, v2;
	v6 =	vmul.f32 v51, v1  }
0x13d: {  	v8 =	vsel vm13, $0x31, v8;
	vm14 =	vgt.f32 v4, v2;
	v2 =	vmax.f32 v4, v2  }
0x13e: {  	v4 =	vmul.f32 v52, v1;
	v8 =	vsel vm14, $0x32, v8;
	vm15 =	vgt.f32 v50, v2  }
0x13f: {  	s30 =	sor.u32 s0, s5;
	v2 =	vmax.f32 v50, v2;
	v8 =	vsel vm15, $0x33, v8;
	v3 =	vmul.f32 v3, v1  }
0x140: {  	s26 =	sor.u32 s0, s7;
	v59 =	vld [tilespmem:s30+$0x0];
	vm4 =	vgt.f32 v7, v2;
	v2 =	vmax.f32 v7, v2;
	v7 =	vmul.f32 v55, v1  }
0x141: {  	s0 =	sor.u32 s0, s2;
	v8 =	vsel vm4, $0x34, v8;
	vm5 =	vgt.f32 v3, v2;
	v2 =	vmax.f32 v3, v2;
	v3 =	vld [tilespmem:s26+$0x0]  }
0x142: {  	v60 =	vld [tilespmem:s0+$0x0];
	v8 =	vsel vm5, $0x35, v8;
	vm6 =	vgt.f32 v54, v2;
	v2 =	vmax.f32 v54, v2  }
0x143: {  	v8 =	vsel vm6, $0x36, v8;
	vm7 =	vgt.f32 v6, v2;
	v2 =	vmax.f32 v6, v2  }
0x144: {  	v8 =	vsel vm7, $0x37, v8;
	vm8 =	vgt.f32 v4, v2;
	v2 =	vmax.f32 v4, v2  }
0x145: {  	v4 =	vmul.f32 v59, v1;
	v8 =	vsel vm8, $0x38, v8;
	vm9 =	vgt.f32 v57, v2  }
0x146: {  	v2 =	vmax.f32 v57, v2;
	v61 =	vsel vm9, $0x39, v8;
	v3 =	vmul.f32 v3, v1  }
0x147: {  	vm10 =	vgt.f32 v7, v2;
	v2 =	vmax.f32 v7, v2;
	v1 =	vmul.f32 v60, v1  }
0x148: {  	v5 =	vsel vm10, $0x3A, v61;
	vm11 =	vgt.f32 v3, v2;
	v2 =	vmax.f32 v3, v2  }
0x149: {  	p2 =	sne.s32 s22, $0x160;
	v3 =	vsel vm11, $0x3B, v5;
	vm12 =	vgt.f32 v62, v2;
	v2 =	vmax.f32 v62, v2  }
.Ltmp5:
0x14a: {  	v3 =	vsel vm12, $0x3C, v3;
	vm13 =	vgt.f32 v63, v2;
	v2 =	vmax.f32 v63, v2;
	(pc) =	sbr.rel @p2 .LBB2_4-.Ltmp5, $4  }
0x14b: {  	v3 =	vsel vm13, $0x3D, v3;
	vm14 =	vgt.f32 v4, v2;
	v2 =	vmax.f32 v4, v2  }
0x14c: {  	v3 =	vsel vm14, $0x3E, v3;
	vm15 =	vgt.f32 v1, v2;
	v1 =	vmax.f32 v1, v2  }
0x14d: {  	s31 =	sadd.s32 $0x1, s31;
	s17 =	sadd.s32 $0x20, s17;
	s9 =	sadd.s32 $0x100, s9;
	v2 =	vsel vm15, $0x3F, v3;
	[tilespmem:s19+$0x18300] =	vst v1  }
0x14e: {  	s22 =	sadd.s32 $0x20, s22;
	s18 =	sadd.s32 $0x20, s18;
	s4 =	sadd.s32 $0x20, s4;
	[tilespmem:s19+$0x18600] =	vst v2  }
0x14f: {  	s9 =	rddreg [dreg:$0x15]  }
0x150: {  	s0 =	smul.u32 $0xFC1, s9;
	_ =	sdelay $0x1  }
0x151: {  	s0 =	sshrl.u32 s0, $0x13  }
0x152: {  	s1 =	smul.u32 $0xFFFFFFAB, s0;
	_ =	sdelay $0x1  }
0x153: {  	s1 =	sand.u32 $0xFF, s1  }
0x154: {  	p2 =	slt.u32 s9, $0x82;
	p3 =	sgt.u32 s1, $0x55  }
0x155: {  	s24 =	smul.u32 $0xA80B, s9;
	p2 =	por !p2, !p3  }
0x156: {  	s2 =	simm.s32 $0x1;
	p2 =	por !p2, !p2  }
0x157: {  	s1 =	sshrl.u32 s24, $0x18;
	s2 =	simm.s32 @!p2 $0x0  }
0x158: {  	s25 =	smul.u32 $0xFFFFFF7E, s0;
	s1 =	ssub.s32 s1, s2  }
0x159: {  	s3 =	smul.u32 $0xFFFFFFFD, s1  }
0x15a: {  	s2 =	sadd.s32 s9, s25;
	s1 =	smul.u32 $0x24900, s1  }
0x15b: {  	s2 =	smul.u32 $0x180, s2;
	s0 =	sadd.s32 s0, s3  }
0x15c: {  	s0 =	smul.u32 $0xC300, s0  }
0x15d: {  	s1 =	sadd.s32 s2, s1  }
0x15e: {  	s26 =	rddreg [dreg:$0x2];
	s28 =	simm.s32 $0x0;
	s0 =	sadd.s32 s0, s1  }
.Ltmp6:
0x15f: {  	s29 =	simm.s32 $0x18300;
	s0 =	sshrl.u32 s0, $0x3;
	(pc) =	sbr.rel @p1 .LBB2_13-.Ltmp6, $4  }
0x160: {  	s30 =	rddreg [dreg:$0x3];
	s7 =	simm.s32 $0x0;
	s1 =	sadd.s32 s26, s0  }
0x161: {  	[hbm4b:s1+s28] =	stream.linear.scatter [tilespmem:s29], [sflag:$0x7], $0x180, $0x38;
	[tilespmem:$0x18900] =	vst v63  }
0x162: {  	s31 =	simm.s32 $0x18600;
	s8 =	rddreg [dreg:$0x13];
	s0 =	sadd.s32 s30, s0  }
0x163: {  	[hbm4b:s0+s28] =	stream.linear.scatter [tilespmem:s31], [sflag:$0x7], $0x180, $0x38;
	[tilespmem:$0x18900] =	vst v63  }
0x164: {  	s0 =	simm.s32 $0x4  }
0x165: {  	_ =	swait.ge [sflag:s0], $0x6000  }
0x166: {  	[sflag:s0] =	ssyncset.done $0x0  }
0x167: {  	s31 =	simm.s32 $0x6;
	[sflag:s0] =	ssyncadd.s32 $0xFFFFA000  }
0x168: {  	_ =	swait.ge [sflag:s31], $0x180  }
0x169: {  	s6 =	rddreg [dreg:$0x14]  }
0x16a: {  	p1 =	sgt.u32 s6, $0x5D7  }
.Ltmp7:
0x16b: {  	_ = 	snop;
	(pc) =	sbr.rel @p1 .LBB2_8-.Ltmp7, $3  }
0x16c: {  	_ =	sdelay $0x1  }
0x16d: {  	[sflag:s31] =	ssyncset.done $0x0  }
0x16e: {  	[sflag:s31] =	ssyncadd.s32 $0xFFFFFE80  }
0x16f: {  	s0 =	sadd.s32 $0x60, s9  }
0x170: {  	s1 =	smul.u32 $0xFC1, s0;
	_ =	sdelay $0x1  }
0x171: {  	s1 =	sshrl.u32 s1, $0x13  }
0x172: {  	s2 =	smul.u32 $0xFFFFFFAB, s1;
	_ =	sdelay $0x1  }
0x173: {  	s2 =	sand.u32 $0xFF, s2  }
0x174: {  	p1 =	slt.u32 s6, $0x42;
	p2 =	sgt.u32 s2, $0x55  }
0x175: {  	s24 =	smul.u32 $0xA80B, s0;
	p1 =	por !p1, !p2  }
0x176: {  	s3 =	simm.s32 $0x1;
	p1 =	por !p1, !p1  }
0x177: {  	s25 =	smul.u32 $0xFFFFFF7E, s1;
	s2 =	sshrl.u32 s24, $0x18;
	s3 =	simm.s32 @!p1 $0x0  }
0x178: {  	s2 =	ssub.s32 s2, s3  }
0x179: {  	s0 =	sadd.s32 s0, s25;
	s4 =	smul.u32 $0xFFFFFFFD, s2  }
0x17a: {  	s0 =	smul.u32 $0xC00, s0  }
0x17b: {  	s2 =	smul.u32 $0x92A000, s2;
	s1 =	sadd.s32 s1, s4  }
0x17c: {  	s1 =	smul.u32 $0x30E000, s1  }
.Ltmp8:
0x17d: {  	s0 =	sadd.s32 s0, s2;
	(pc) =	sbr.rel .LBB2_9-.Ltmp8, $4  }
0x17e: {  	s26 =	rddreg [dreg:$0x1];
	s28 =	simm.s32 $0x18;
	s0 =	sadd.s32 s1, s0  }
0x17f: {  	s29 =	simm.s32 $0x180;
	s31 =	rddreg [dreg:$0x10];
	s0 =	sshrl.u32 s0, $0x3  }
0x180: {  	s30 =	simm.s32 $0xC380;
	s5 =	rddreg [dreg:$0x11];
	s0 =	sadd.s32 s26, s0  }
0x181: {  	[spmem:s5@s29], [sflag:s31] =	dma.strided [hbm:s0@s30], $0xC00, s28, $0x10   }
.LBB2_8:
0x182: {  	p1 =	sgt.u32 s6, $0x5F7  }
.Ltmp9:
0x183: {  	_ = 	snop;
	(pc) =	sbr.rel @p1 .LBB2_10-.Ltmp9, $1  }
0x184: {  	_ =	sdelay $0x3  }
.LBB2_9:
0x185: {  	s0 =	sadd.s32 $0x40, s9  }
0x186: {  	s1 =	smul.u32 $0xFC1, s0;
	_ =	sdelay $0x1  }
0x187: {  	s1 =	sshrl.u32 s1, $0x13  }
0x188: {  	s2 =	smul.u32 $0xFFFFFFAB, s1;
	_ =	sdelay $0x1  }
0x189: {  	p1 =	slt.u32 s6, $0x62;
	s2 =	sand.u32 $0xFF, s2  }
0x18a: {  	s3 =	simm.s32 $0x1;
	s26 =	smul.u32 $0xA80B, s0;
	p2 =	sgt.u32 s2, $0x55  }
0x18b: {  	s4 =	simm.s32 $0x1;
	s1 =	smul.u32 $0xFFFFFF7E, s1;
	p1 =	por !p1, !p2  }
0x18c: {  	s29 =	simm.s32 $0xC000;
	_ =	swait.ge [sflag:s4], $0xC00;
	p1 =	por !p1, !p1  }
0x18d: {  	s0 =	sadd.s32 s0, s1;
	s2 =	sshrl.u32 s26, $0x18;
	s3 =	simm.s32 @!p1 $0x0  }
0x18e: {  	[sflag:s4] =	ssyncset.done $0x0;
	s0 =	smul.u32 $0x180, s0;
	s2 =	ssub.s32 s2, s3  }
0x18f: {  	s28 =	rddreg [dreg:$0x8];
	[sflag:s4] =	ssyncadd.s32 $0xFFFFF400;
	s2 =	smul.u32 $0xC350, s2  }
0x190: {  	[tilespmem:s29], [sflag:$0x3] =	stream.linear.gather [spmem:s28], $0x6000, $0x38;
	[tilespmem:$0x18900] =	vst v63  }
0x191: {  	s0 =	sadd.s32 s0, s2  }
0x192: {  	s30 =	rddreg [dreg:$0x6];
	s0 =	sshrl.u32 s0, $0x3  }
0x193: {  	s31 =	simm.s32 $0x18000;
	s0 =	sadd.s32 s30, s0  }
0x194: {  	[tilespmem:s31], [sflag:$0x5] =	stream.linear.gather [hbm4b:s0+s7], $0x180, $0x38;
	[tilespmem:$0x18900] =	vst v63  }
.LBB2_10:
0x195: {  	s0 =	simm.s32 @!p0 $0x8  }
0x196: {  	_ =	swait.ge @!p0 [sflag:s0], $0x180  }
0x197: {  	[sflag:s0] =	ssyncset.done @!p0 $0x0  }
0x198: {  	[sflag:s0] =	ssyncadd.s32 @!p0 $0xFFFFFE80  }
0x199: {  	s31 =	simm.s32 $0x0;
	s16 =	simm.s32 $0x18180;
	_ =	swait.ge @!p0 [sflag:s0], $0x180  }
0x19a: {  	s17 =	simm.s32 $0x18480;
	s4 =	simm.s32 $0x18780;
	[sflag:s0] =	ssyncset.done @!p0 $0x0  }
0x19b: {  	s9 =	simm.s32 $0x0;
	s18 =	simm.s32 $0x0;
	[sflag:s0] =	ssyncadd.s32 @!p0 $0xFFFFFE80  }
.LBB2_11:
0x19c: {  	s0 =	sand.u32 $0xC00, s9  }
0x19d: {  	s12 =	sand.u32 $0x60, s18;
	s15 =	sor.u32 $0x12000, s0  }
0x19e: {  	v1 =	vld [tilespmem:s16+$0x0];
	s1 =	sor.u32 s12, s15  }
0x19f: {  	v2 =	vld [tilespmem:s1+$0x0]  }
0x1a0: {  	v3 =	vld [tilespmem:s1+$0x80]  }
0x1a1: {  	v4 =	vld [tilespmem:s1+$0x100]  }
0x1a2: {  	s8 =	sadd.s32 $0x12C00, s0;
	v5 =	vld [tilespmem:s1+$0x180]  }
0x1a3: {  	s11 =	sadd.s32 $0x12C80, s0;
	s10 =	sor.u32 s12, s8;
	v6 =	vld [tilespmem:s1+$0x200]  }
0x1a4: {  	s19 =	sadd.s32 $0x12D80, s0;
	s13 =	sor.u32 s12, s11;
	v9 =	vld [tilespmem:s10+$0x0]  }
0x1a5: {  	s21 =	sadd.s32 $0x12E00, s0;
	s20 =	sor.u32 s12, s19;
	v22 =	vld [tilespmem:s13+$0x0]  }
0x1a6: {  	s24 =	sadd.s32 $0x12F00, s0;
	s22 =	sor.u32 s12, s21;
	v24 =	vld [tilespmem:s20+$0x0]  }
0x1a7: {  	s2 =	sand.u32 $0x3, s31;
	s26 =	sadd.s32 $0x12F80, s0;
	s25 =	sor.u32 s12, s24;
	v26 =	vld [tilespmem:s22+$0x0]  }
0x1a8: {  	s2 =	sshll.u32 s2, $0x5;
	s30 =	sadd.s32 $0x13880, s0;
	s28 =	sor.u32 s12, s26;
	v29 =	vld [tilespmem:s25+$0x0]  }
0x1a9: {  	s2 =	sadd.s32 s2, s9;
	s3 =	sor.u32 s12, s30;
	v31 =	vld [tilespmem:s28+$0x0]  }
0x1aa: {  	[dreg:$0x17] =	wrdreg s8;
	s8 =	sadd.s32 $0x13A00, s0;
	s6 =	sor.u32 $0x300, s2;
	v33 =	vld [tilespmem:s3+$0x0]  }
0x1ab: {  	[dreg:$0x19] =	wrdreg s11;
	s11 =	sadd.s32 $0x13A80, s0;
	s10 =	sor.u32 s12, s8;
	v8 =	vld [tilespmem:s6+$0x12000]  }
0x1ac: {  	[smem:$0x7C0] =	sst s21;
	s21 =	sadd.s32 $0x14400, s0;
	s13 =	sor.u32 s12, s11;
	v36 =	vld [tilespmem:s10+$0x0]  }
0x1ad: {  	[smem:$0x7C2] =	sst s24;
	s24 =	sadd.s32 $0x14500, s0;
	s22 =	sor.u32 s12, s21;
	v38 =	vld [tilespmem:s13+$0x0]  }
0x1ae: {  	[smem:$0x7C3] =	sst s26;
	s26 =	sadd.s32 $0x14580, s0;
	s25 =	sor.u32 s12, s24;
	v43 =	vld [tilespmem:s22+$0x0]  }
0x1af: {  	s5 =	sadd.s32 $0x13900, s0;
	s28 =	sor.u32 s12, s26;
	v45 =	vld [tilespmem:s25+$0x0]  }
0x1b0: {  	[smem:$0x7C8] =	sst s8;
	s8 =	sor.u32 $0x15000, s0;
	s6 =	sor.u32 s12, s5;
	v46 =	vld [tilespmem:s28+$0x0];
	v2 =	vmul.f32 v2, v1;
	v3 =	vmul.f32 v3, v1  }
0x1b1: {  	[smem:$0x7C9] =	sst s11;
	s11 =	sor.u32 $0x15080, s0;
	s10 =	sor.u32 s12, s8;
	v34 =	vld [tilespmem:s6+$0x0];
	v4 =	vmul.f32 v4, v1;
	v6 =	vmul.f32 v6, v1  }
0x1b2: {  	[smem:$0x7CC] =	sst s21;
	s21 =	sor.u32 $0x15200, s0;
	s13 =	sor.u32 s12, s11;
	v52 =	vld [tilespmem:s10+$0x0];
	v25 =	vmul.f32 v9, v1;
	v27 =	vmul.f32 v22, v1  }
0x1b3: {  	s22 =	sor.u32 s12, s21;
	v53 =	vld [tilespmem:s13+$0x0];
	v30 =	vmul.f32 v24, v1;
	v35 =	vmul.f32 v31, v1  }
0x1b4: {  	v56 =	vld [tilespmem:s22+$0x0];
	v37 =	vmul.f32 v33, v1;
	v23 =	vmul.f32 v8, v1  }
0x1b5: {  	v42 =	vmul.f32 v36, v1;
	v47 =	vmul.f32 v43, v1  }
0x1b6: {  	s7 =	sor.u32 s9, s18;
	[smem:$0x7C6] =	sst s5;
	v7 =	vld [tilespmem:s1+$0x280];
	v49 =	vmul.f32 v45, v1;
	v50 =	vmul.f32 v46, v1  }
0x1b7: {  	s1 =	sor.u32 $0x380, s7;
	[smem:$0x7CF] =	sst s26;
	s26 =	sor.u32 $0x15380, s0;
	vm0 =	vgt.f32 v3, v2;
	v2 =	vmax.f32 v3, v2;
	v3 =	vmul.f32 v5, v1  }
0x1b8: {  	[smem:$0x7CE] =	sst s24;
	s24 =	sor.u32 $0x15300, s0;
	v21 =	vld [tilespmem:s1+$0x12000];
	s28 =	sor.u32 s12, s26;
	v39 =	vmul.f32 v34, v1;
	v57 =	vmul.f32 v52, v1  }
0x1b9: {  	s5 =	sadd.s32 $0x14700, s0;
	[smem:$0x7DA] =	sst s24;
	v61 =	vld [tilespmem:s28+$0x0];
	v58 =	vmul.f32 v53, v1;
	v62 =	vmul.f32 v56, v1  }
0x1ba: {  	s25 =	sor.u32 s12, s24;
	s24 =	sadd.s32 $0x16800, s0;
	s6 =	sor.u32 s12, s5;
	v20 =	vsel vm0, $0x1, v0;
	vm11 =	vgt.f32 v4, v2;
	v2 =	vmax.f32 v4, v2  }
0x1bb: {  	s14 =	sadd.s32 $0x12D00, s0;
	s13 =	sor.u32 s12, s24;
	v10 =	vld [tilespmem:s6+$0x0];
	vm12 =	vgt.f32 v3, v2;
	v2 =	vmax.f32 v3, v2;
	v3 =	vmul.f32 v7, v1  }
0x1bc: {  	s1 =	sor.u32 s12, s14;
	v19 =	vld [tilespmem:s13+$0x0];
	v5 =	vsel vm11, $0x2, v20;
	vm13 =	vgt.f32 v6, v2;
	v2 =	vmax.f32 v6, v2  }
0x1bd: {  	v5 =	vsel vm12, $0x3, v5;
	vm14 =	vgt.f32 v3, v2;
	v2 =	vmax.f32 v3, v2;
	v3 =	vld [tilespmem:s1+$0x0]  }
0x1be: {  	v13 =	vmul.f32 v61, v1;
	v4 =	vmul.f32 v21, v1;
	v5 =	vsel vm13, $0x4, v5  }
0x1bf: {  	s23 =	sadd.s32 $0x12E80, s0;
	v5 =	vsel vm14, $0x5, v5;
	vm15 =	vgt.f32 v23, v2;
	v2 =	vmax.f32 v23, v2  }
0x1c0: {  	v54 =	vmul.f32 v10, v1;
	s1 =	sor.u32 s12, s23;
	v5 =	vsel vm15, $0x6, v5;
	vm4 =	vgt.f32 v4, v2  }
0x1c1: {  	v24 =	vmul.f32 v19, v1;
	v28 =	vld [tilespmem:s1+$0x0];
	v2 =	vmax.f32 v4, v2;
	v5 =	vsel vm4, $0x7, v5  }
0x1c2: {  	[smem:$0x7DB] =	sst s26;
	s26 =	sadd.s32 $0x15F00, s0;
	vm5 =	vgt.f32 v25, v2;
	v2 =	vmax.f32 v25, v2;
	v3 =	vmul.f32 v3, v1  }
0x1c3: {  	s29 =	sadd.s32 $0x13800, s0;
	s10 =	sor.u32 s12, s26;
	v5 =	vsel vm5, $0x8, v5;
	vm6 =	vgt.f32 v27, v2;
	v2 =	vmax.f32 v27, v2  }
0x1c4: {  	s28 =	sadd.s32 $0x15E80, s0;
	v18 =	vld [tilespmem:s10+$0x0];
	s1 =	sor.u32 s12, s29;
	v5 =	vsel vm6, $0x9, v5;
	vm7 =	vgt.f32 v3, v2;
	v2 =	vmax.f32 v3, v2  }
0x1c5: {  	[smem:$0x7D4] =	sst s8;
	s8 =	sor.u32 s12, s28;
	s10 =	sadd.s32 $0x17480, s0;
	v32 =	vld [tilespmem:s1+$0x0];
	v3 =	vmul.f32 v26, v1;
	v5 =	vsel vm7, $0xA, v5;
	vm8 =	vgt.f32 v30, v2  }
0x1c6: {  	v16 =	vld [tilespmem:s8+$0x0];
	s8 =	sor.u32 s12, s10;
	v6 =	vmul.f32 v28, v1;
	v2 =	vmax.f32 v30, v2;
	v5 =	vsel vm8, $0xB, v5  }
0x1c7: {  	s7 =	sadd.s32 $0x13980, s0;
	v30 =	vld [tilespmem:s8+$0x0];
	vm9 =	vgt.f32 v3, v2;
	v2 =	vmax.f32 v3, v2;
	v3 =	vmul.f32 v29, v1  }
0x1c8: {  	[dreg:$0x1d] =	wrdreg s14;
	s14 =	sadd.s32 $0x13B00, s0;
	s1 =	sor.u32 s12, s7;
	v5 =	vsel vm9, $0xC, v5;
	vm10 =	vgt.f32 v6, v2;
	v2 =	vmax.f32 v6, v2  }
0x1c9: {  	v5 =	vsel vm10, $0xD, v5;
	vm11 =	vgt.f32 v3, v2;
	v2 =	vmax.f32 v3, v2;
	v3 =	vld [tilespmem:s1+$0x0];
	s1 =	sor.u32 s12, s14  }
0x1ca: {  	[smem:$0x7C1] =	sst s23;
	s23 =	sadd.s32 $0x14480, s0;
	v4 =	vmul.f32 v32, v1;
	v5 =	vsel vm11, $0xE, v5;
	vm12 =	vgt.f32 v35, v2;
	v40 =	vld [tilespmem:s1+$0x0]  }
0x1cb: {  	[smem:$0x7C4] =	sst s29;
	v20 =	vmul.f32 v16, v1;
	s29 =	sadd.s32 $0x14600, s0;
	v2 =	vmax.f32 v35, v2;
	s1 =	sor.u32 s12, s23;
	v5 =	vsel vm12, $0xF, v5  }
0x1cc: {  	[dreg:$0x1f] =	wrdreg s19;
	s19 =	sadd.s32 $0x13B80, s0;
	vm13 =	vgt.f32 v4, v2;
	v2 =	vmax.f32 v4, v2;
	v44 =	vld [tilespmem:s1+$0x0];
	s1 =	sor.u32 s12, s29;
	v34 =	vmul.f32 v30, v1  }
0x1cd: {  	s20 =	sor.u32 s12, s19;
	v5 =	vsel vm13, $0x10, v5;
	vm14 =	vgt.f32 v37, v2;
	v2 =	vmax.f32 v37, v2;
	v48 =	vld [tilespmem:s1+$0x0]  }
0x1ce: {  	v41 =	vld [tilespmem:s20+$0x0];
	v5 =	vsel vm14, $0x11, v5;
	vm15 =	vgt.f32 v39, v2;
	v3 =	vmul.f32 v3, v1  }
0x1cf: {  	v2 =	vmax.f32 v39, v2;
	v5 =	vsel vm15, $0x12, v5;
	v6 =	vmul.f32 v40, v1  }
0x1d0: {  	vm4 =	vgt.f32 v3, v2;
	v2 =	vmax.f32 v3, v2;
	v3 =	vmul.f32 v38, v1  }
0x1d1: {  	[smem:$0x7C7] =	sst s7;
	s7 =	sadd.s32 $0x14780, s0;
	v4 =	vmul.f32 v44, v1;
	v5 =	vsel vm4, $0x13, v5;
	vm5 =	vgt.f32 v42, v2  }
0x1d2: {  	s1 =	sor.u32 s12, s7;
	v2 =	vmax.f32 v42, v2;
	v8 =	vmul.f32 v48, v1;
	v5 =	vsel vm5, $0x14, v5  }
0x1d3: {  	[smem:$0x7C5] =	sst s30;
	s30 =	sadd.s32 $0x14680, s0;
	v51 =	vld [tilespmem:s1+$0x0];
	vm6 =	vgt.f32 v3, v2;
	v2 =	vmax.f32 v3, v2;
	v3 =	vmul.f32 v41, v1  }
0x1d4: {  	s3 =	sor.u32 s12, s30;
	[smem:$0x7CA] =	sst s14;
	v60 =	vld [tilespmem:s25+$0x0];
	s14 =	sor.u32 $0x15100, s0;
	v5 =	vsel vm6, $0x15, v5;
	vm7 =	vgt.f32 v6, v2;
	v2 =	vmax.f32 v6, v2  }
0x1d5: {  	s22 =	sadd.s32 $0x16880, s0;
	s1 =	sor.u32 s12, s14;
	v5 =	vsel vm7, $0x16, v5;
	vm8 =	vgt.f32 v3, v2;
	v2 =	vmax.f32 v3, v2;
	v3 =	vld [tilespmem:s3+$0x0]  }
0x1d6: {  	[smem:$0x7D6] =	sst s14;
	s14 =	sor.u32 s12, s22;
	v55 =	vld [tilespmem:s1+$0x0];
	s3 =	sadd.s32 $0x15D00, s0;
	v5 =	vsel vm8, $0x17, v5;
	vm9 =	vgt.f32 v47, v2;
	v2 =	vmax.f32 v47, v2  }
0x1d7: {  	[smem:$0x7D2] =	sst s5;
	v21 =	vld [tilespmem:s14+$0x0];
	s14 =	sadd.s32 $0x16B00, s0;
	s5 =	sor.u32 s12, s3;
	v5 =	vsel vm9, $0x18, v5;
	vm10 =	vgt.f32 v4, v2;
	v2 =	vmax.f32 v4, v2  }
0x1d8: {  	v7 =	vmul.f32 v51, v1;
	v12 =	vld [tilespmem:s5+$0x0];
	s5 =	sor.u32 s12, s14;
	v5 =	vsel vm10, $0x19, v5;
	vm11 =	vgt.f32 v49, v2  }
0x1d9: {  	v4 =	vmul.f32 v60, v1;
	v2 =	vmax.f32 v49, v2;
	v26 =	vld [tilespmem:s5+$0x0];
	v5 =	vsel vm11, $0x1A, v5  }
0x1da: {  	[smem:$0x7CD] =	sst s23;
	s23 =	sor.u32 $0x15280, s0;
	vm12 =	vgt.f32 v50, v2;
	v2 =	vmax.f32 v50, v2;
	v3 =	vmul.f32 v3, v1  }
0x1db: {  	[smem:$0x7CB] =	sst s19;
	s19 =	sor.u32 $0x15180, s0;
	s1 =	sor.u32 s12, s23;
	v5 =	vsel vm12, $0x1B, v5;
	vm13 =	vgt.f32 v8, v2;
	v2 =	vmax.f32 v8, v2  }
0x1dc: {  	s20 =	sor.u32 s12, s19;
	[smem:$0x7D0] =	sst s29;
	s29 =	sadd.s32 $0x15C00, s0;
	v59 =	vld [tilespmem:s1+$0x0];
	v8 =	vmul.f32 v55, v1;
	v5 =	vsel vm13, $0x1C, v5;
	vm14 =	vgt.f32 v3, v2  }
0x1dd: {  	s1 =	sor.u32 s12, s29;
	v2 =	vmax.f32 v3, v2;
	v3 =	vld [tilespmem:s20+$0x0];
	v17 =	vmul.f32 v12, v1;
	v5 =	vsel vm14, $0x1D, v5  }
0x1de: {  	v63 =	vld [tilespmem:s1+$0x0];
	vm15 =	vgt.f32 v54, v2;
	v2 =	vmax.f32 v54, v2;
	v31 =	vmul.f32 v26, v1  }
0x1df: {  	v5 =	vsel vm15, $0x1E, v5;
	vm4 =	vgt.f32 v7, v2;
	v2 =	vmax.f32 v7, v2  }
0x1e0: {  	[smem:$0x7D8] =	sst s21;
	s21 =	sadd.s32 $0x16980, s0;
	v5 =	vsel vm4, $0x1F, v5;
	vm5 =	vgt.f32 v57, v2;
	v2 =	vmax.f32 v57, v2  }
0x1e1: {  	[smem:$0x7DC] =	sst s29;
	s29 =	sadd.s32 $0x15D80, s0;
	s20 =	sor.u32 s12, s21;
	v7 =	vmul.f32 v59, v1;
	v5 =	vsel vm5, $0x20, v5;
	vm6 =	vgt.f32 v58, v2  }
0x1e2: {  	[smem:$0x7D1] =	sst s30;
	s30 =	sadd.s32 $0x15C80, s0;
	s6 =	sor.u32 s12, s29;
	v23 =	vld [tilespmem:s20+$0x0];
	v2 =	vmax.f32 v58, v2;
	v5 =	vsel vm6, $0x21, v5;
	v3 =	vmul.f32 v3, v1  }
0x1e3: {  	[dreg:$0x1c] =	wrdreg s2;
	s2 =	sor.u32 s12, s30;
	v14 =	vld [tilespmem:s6+$0x0];
	vm7 =	vgt.f32 v8, v2;
	v2 =	vmax.f32 v8, v2;
	v8 =	vmul.f32 v63, v1  }
0x1e4: {  	v5 =	vsel vm7, $0x22, v5;
	vm8 =	vgt.f32 v3, v2;
	v2 =	vmax.f32 v3, v2;
	v3 =	vld [tilespmem:s2+$0x0]  }
0x1e5: {  	[smem:$0x7DD] =	sst s30;
	s30 =	sadd.s32 $0x15E00, s0;
	v5 =	vsel vm8, $0x23, v5;
	vm9 =	vgt.f32 v62, v2;
	v2 =	vmax.f32 v62, v2  }
0x1e6: {  	[smem:$0x7D3] =	sst s7;
	s7 =	sor.u32 s12, s30;
	v5 =	vsel vm9, $0x24, v5;
	vm10 =	vgt.f32 v7, v2;
	v2 =	vmax.f32 v7, v2  }
0x1e7: {  	v15 =	vld [tilespmem:s7+$0x0];
	v27 =	vmul.f32 v23, v1;
	v5 =	vsel vm10, $0x25, v5;
	vm11 =	vgt.f32 v4, v2  }
0x1e8: {  	v7 =	vmul.f32 v14, v1;
	v2 =	vmax.f32 v4, v2;
	v5 =	vsel vm11, $0x26, v5  }
0x1e9: {  	[smem:$0x7D9] =	sst s23;
	s23 =	sadd.s32 $0x16900, s0;
	vm12 =	vgt.f32 v13, v2;
	v2 =	vmax.f32 v13, v2;
	v3 =	vmul.f32 v3, v1  }
0x1ea: {  	[smem:$0x7D7] =	sst s19;
	s25 =	sadd.s32 $0x15F80, s0;
	s19 =	sor.u32 s12, s23;
	v5 =	vsel vm12, $0x27, v5;
	vm13 =	vgt.f32 v8, v2;
	v2 =	vmax.f32 v8, v2  }
0x1eb: {  	[smem:$0x7D5] =	sst s11;
	s11 =	sor.u32 s12, s25;
	v22 =	vld [tilespmem:s19+$0x0];
	s20 =	sadd.s32 $0x16A00, s0;
	v5 =	vsel vm13, $0x28, v5;
	vm14 =	vgt.f32 v3, v2;
	v2 =	vmax.f32 v3, v2  }
0x1ec: {  	s2 =	sor.u32 s12, s20;
	v4 =	vmul.f32 v15, v1;
	v3 =	vld [tilespmem:s11+$0x0];
	v5 =	vsel vm14, $0x29, v5;
	vm15 =	vgt.f32 v17, v2  }
0x1ed: {  	v25 =	vld [tilespmem:s2+$0x0];
	v8 =	vmul.f32 v18, v1;
	v2 =	vmax.f32 v17, v2;
	v5 =	vsel vm15, $0x2A, v5  }
0x1ee: {  	vm4 =	vgt.f32 v7, v2;
	v2 =	vmax.f32 v7, v2;
	v7 =	vmul.f32 v21, v1  }
0x1ef: {  	s11 =	sadd.s32 $0x16B80, s0;
	v5 =	vsel vm4, $0x2B, v5;
	vm5 =	vgt.f32 v4, v2;
	v2 =	vmax.f32 v4, v2  }
0x1f0: {  	s13 =	sadd.s32 $0x17400, s0;
	s6 =	sor.u32 s12, s11;
	v4 =	vmul.f32 v22, v1;
	v5 =	vsel vm5, $0x2C, v5;
	vm6 =	vgt.f32 v20, v2  }
0x1f1: {  	s7 =	sor.u32 s12, s13;
	s19 =	sadd.s32 $0x16A80, s0;
	v28 =	vld [tilespmem:s6+$0x0];
	v2 =	vmax.f32 v20, v2;
	v5 =	vsel vm6, $0x2D, v5;
	v3 =	vmul.f32 v3, v1  }
0x1f2: {  	v29 =	vld [tilespmem:s7+$0x0];
	[smem:$0x7DE] =	sst s3;
	s3 =	sor.u32 s12, s19;
	vm7 =	vgt.f32 v8, v2;
	v2 =	vmax.f32 v8, v2;
	v8 =	vmul.f32 v25, v1  }
0x1f3: {  	v5 =	vsel vm7, $0x2E, v5;
	vm8 =	vgt.f32 v3, v2;
	v2 =	vmax.f32 v3, v2;
	v3 =	vld [tilespmem:s3+$0x0]  }
0x1f4: {  	v5 =	vsel vm8, $0x2F, v5;
	vm9 =	vgt.f32 v24, v2;
	v2 =	vmax.f32 v24, v2  }
0x1f5: {  	v5 =	vsel vm9, $0x30, v5;
	vm10 =	vgt.f32 v7, v2;
	v2 =	vmax.f32 v7, v2  }
0x1f6: {  	s6 =	sadd.s32 $0x17600, s0;
	v7 =	vmul.f32 v28, v1;
	v5 =	vsel vm10, $0x31, v5;
	vm11 =	vgt.f32 v4, v2  }
0x1f7: {  	s8 =	sadd.s32 $0x17500, s0;
	s5 =	sor.u32 s12, s6;
	v2 =	vmax.f32 v4, v2;
	v4 =	vmul.f32 v29, v1;
	v5 =	vsel vm11, $0x32, v5  }
0x1f8: {  	s7 =	sadd.s32 $0x17580, s0;
	s2 =	sor.u32 s12, s8;
	v33 =	vld [tilespmem:s5+$0x0];
	vm12 =	vgt.f32 v27, v2;
	v2 =	vmax.f32 v27, v2;
	v3 =	vmul.f32 v3, v1  }
0x1f9: {  	v32 =	vld [tilespmem:s2+$0x0];
	s3 =	sor.u32 s12, s7;
	v5 =	vsel vm12, $0x33, v5;
	vm13 =	vgt.f32 v8, v2;
	v2 =	vmax.f32 v8, v2  }
0x1fa: {  	v5 =	vsel vm13, $0x34, v5;
	vm14 =	vgt.f32 v3, v2;
	v2 =	vmax.f32 v3, v2;
	v3 =	vld [tilespmem:s3+$0x0]  }
0x1fb: {  	s3 =	sadd.s32 $0x17680, s0;
	v5 =	vsel vm14, $0x35, v5;
	vm15 =	vgt.f32 v31, v2;
	v2 =	vmax.f32 v31, v2  }
0x1fc: {  	s5 =	sadd.s32 $0x17700, s0;
	s2 =	sor.u32 s12, s3;
	v5 =	vsel vm15, $0x36, v5;
	vm4 =	vgt.f32 v7, v2;
	v2 =	vmax.f32 v7, v2  }
0x1fd: {  	s1 =	sor.u32 s12, s5;
	v38 =	vmul.f32 v33, v1;
	v35 =	vld [tilespmem:s2+$0x0];
	s2 =	sadd.s32 $0x17780, s0;
	v5 =	vsel vm4, $0x37, v5;
	vm5 =	vgt.f32 v4, v2  }
0x1fe: {  	v36 =	vld [tilespmem:s1+$0x0];
	v8 =	vmul.f32 v32, v1;
	v2 =	vmax.f32 v4, v2;
	s1 =	sor.u32 s12, s2;
	v5 =	vsel vm5, $0x38, v5  }
0x1ff: {  	vm6 =	vgt.f32 v34, v2;
	v37 =	vld [tilespmem:s1+$0x0];
	v2 =	vmax.f32 v34, v2;
	v3 =	vmul.f32 v3, v1  }
0x200: {  	v5 =	vsel vm6, $0x39, v5;
	vm7 =	vgt.f32 v8, v2;
	v2 =	vmax.f32 v8, v2  }
0x201: {  	v5 =	vsel vm7, $0x3A, v5;
	vm8 =	vgt.f32 v3, v2;
	v2 =	vmax.f32 v3, v2  }
0x202: {  	v39 =	vmul.f32 v35, v1;
	v3 =	vsel vm8, $0x3B, v5;
	vm9 =	vgt.f32 v38, v2  }
0x203: {  	v4 =	vmul.f32 v36, v1;
	v2 =	vmax.f32 v38, v2;
	v3 =	vsel vm9, $0x3C, v3  }
0x204: {  	vm10 =	vgt.f32 v39, v2;
	v2 =	vmax.f32 v39, v2;
	v1 =	vmul.f32 v37, v1  }
0x205: {  	v3 =	vsel vm10, $0x3D, v3;
	vm11 =	vgt.f32 v4, v2;
	v2 =	vmax.f32 v4, v2  }
0x206: {  	v3 =	vsel vm11, $0x3E, v3;
	vm12 =	vgt.f32 v1, v2;
	v1 =	vmax.f32 v1, v2  }
0x207: {  	s0 =	sor.u32 $0x10, s12;
	s1 =	sand.u32 $0x180, s18;
	v2 =	vsel vm12, $0x3F, v3;
	[tilespmem:s17+$0x0] =	vst v1  }
0x208: {  	s12 =	sor.u32 s1, s0;
	[tilespmem:s4+$0x0] =	vst v2  }
0x209: {  	s15 =	sor.u32 s0, s15;
	v1 =	vld [tilespmem:s12+$0x18180]  }
0x20a: {  	v2 =	vld [tilespmem:s15+$0x0]  }
0x20b: {  	v3 =	vld [tilespmem:s15+$0x80]  }
0x20c: {  	v40 =	vld [tilespmem:s15+$0x100]  }
0x20d: {  	s1 =	rddreg [dreg:$0x1c];
	v41 =	vld [tilespmem:s15+$0x180]  }
0x20e: {  	s1 =	sadd.s32 $0x10, s1;
	v42 =	vld [tilespmem:s15+$0x200]  }
0x20f: {  	v43 =	vld [tilespmem:s15+$0x280];
	s15 =	sor.u32 $0x300, s1  }
0x210: {  	s1 =	sor.u32 $0x380, s1;
	v44 =	vld [tilespmem:s15+$0x12000];
	s15 =	rddreg [dreg:$0x17]  }
0x211: {  	v45 =	vld [tilespmem:s1+$0x12000];
	s1 =	sor.u32 s0, s15;
	s15 =	rddreg [dreg:$0x19];
	v2 =	vmul.f32 v2, v1;
	v3 =	vmul.f32 v3, v1  }
0x212: {  	v47 =	vld [tilespmem:s1+$0x0];
	s1 =	sor.u32 s0, s15;
	s15 =	rddreg [dreg:$0x1d];
	v4 =	vmul.f32 v40, v1  }
0x213: {  	v48 =	vld [tilespmem:s1+$0x0];
	s1 =	sor.u32 s0, s15;
	s15 =	rddreg [dreg:$0x1f];
	vm13 =	vgt.f32 v3, v2;
	v2 =	vmax.f32 v3, v2;
	v3 =	vmul.f32 v41, v1  }
0x214: {  	v6 =	vmul.f32 v42, v1;
	v50 =	vld [tilespmem:s1+$0x0];
	s1 =	sor.u32 s0, s15;
	s15 =	sld [smem:$0x7C0];
	vm14 =	vgt.f32 v4, v2;
	v2 =	vmax.f32 v4, v2  }
0x215: {  	vm15 =	vgt.f32 v3, v2;
	v2 =	vmax.f32 v3, v2;
	v3 =	vmul.f32 v43, v1  }
0x216: {  	vm4 =	vgt.f32 v6, v2;
	v2 =	vmax.f32 v6, v2  }
0x217: {  	vm5 =	vgt.f32 v3, v2;
	v2 =	vmax.f32 v3, v2;
	v3 =	vld [tilespmem:s1+$0x0];
	s1 =	sor.u32 s0, s15;
	s15 =	sld [smem:$0x7C1];
	_ =	sdelay $0x2  }
0x218: {  	v52 =	vld [tilespmem:s1+$0x0];
	s1 =	sor.u32 s0, s15;
	s15 =	sld [smem:$0x7C2];
	_ =	sdelay $0x2  }
0x219: {  	v54 =	vld [tilespmem:s1+$0x0];
	s1 =	sor.u32 s0, s15;
	s15 =	sld [smem:$0x7C3];
	_ =	sdelay $0x2  }
0x21a: {  	v55 =	vld [tilespmem:s1+$0x0];
	s1 =	sor.u32 s0, s15;
	s15 =	sld [smem:$0x7C4];
	_ =	sdelay $0x1  }
0x21b: {  	v49 =	vmul.f32 v44, v1  }
0x21c: {  	v5 =	vmul.f32 v45, v1;
	v56 =	vld [tilespmem:s1+$0x0];
	s1 =	sor.u32 s0, s15;
	s15 =	sld [smem:$0x7C5]  }
0x21d: {  	v4 =	vmul.f32 v47, v1;
	vm6 =	vgt.f32 v49, v2;
	v2 =	vmax.f32 v49, v2  }
0x21e: {  	v53 =	vmul.f32 v48, v1;
	vm7 =	vgt.f32 v5, v2;
	v2 =	vmax.f32 v5, v2  }
0x21f: {  	v7 =	vmul.f32 v50, v1;
	vm8 =	vgt.f32 v4, v2;
	v2 =	vmax.f32 v4, v2;
	v58 =	vld [tilespmem:s1+$0x0];
	s1 =	sor.u32 s0, s15;
	s15 =	sld [smem:$0x7C6]  }
0x220: {  	vm9 =	vgt.f32 v53, v2;
	v2 =	vmax.f32 v53, v2;
	v3 =	vmul.f32 v3, v1  }
0x221: {  	vm10 =	vgt.f32 v7, v2;
	v2 =	vmax.f32 v7, v2  }
0x222: {  	vm11 =	vgt.f32 v3, v2;
	v2 =	vmax.f32 v3, v2;
	v3 =	vld [tilespmem:s1+$0x0];
	s1 =	sor.u32 s0, s15;
	s15 =	sld [smem:$0x7C7];
	_ =	sdelay $0x2  }
0x223: {  	v59 =	vld [tilespmem:s1+$0x0];
	s1 =	sor.u32 s0, s15;
	s15 =	sld [smem:$0x7C8];
	_ =	sdelay $0x2  }
0x224: {  	v61 =	vld [tilespmem:s1+$0x0];
	s1 =	sor.u32 s0, s15;
	s15 =	sld [smem:$0x7C9];
	_ =	sdelay $0x2  }
0x225: {  	v62 =	vld [tilespmem:s1+$0x0];
	s1 =	sor.u32 s0, s15;
	s15 =	sld [smem:$0x7CA]  }
0x226: {  	v46 =	vsel vm13, $0x1, v0  }
0x227: {  	v9 =	vsel vm14, $0x2, v46;
	v57 =	vmul.f32 v52, v1  }
0x228: {  	v9 =	vsel vm15, $0x3, v9;
	v6 =	vmul.f32 v54, v1;
	v63 =	vld [tilespmem:s1+$0x0];
	s1 =	sor.u32 s0, s15;
	s15 =	sld [smem:$0x7CB]  }
0x229: {  	vm12 =	vgt.f32 v57, v2;
	v2 =	vmax.f32 v57, v2;
	v4 =	vmul.f32 v55, v1  }
0x22a: {  	vm13 =	vgt.f32 v6, v2;
	v2 =	vmax.f32 v6, v2;
	v60 =	vmul.f32 v56, v1  }
0x22b: {  	vm14 =	vgt.f32 v4, v2;
	v2 =	vmax.f32 v4, v2;
	v7 =	vmul.f32 v58, v1;
	v13 =	vld [tilespmem:s1+$0x0];
	s1 =	sor.u32 s0, s15;
	s15 =	sld [smem:$0x7CC]  }
0x22c: {  	vm15 =	vgt.f32 v60, v2;
	v2 =	vmax.f32 v60, v2;
	v3 =	vmul.f32 v3, v1  }
0x22d: {  	v51 =	vsel vm4, $0x4, v9;
	vm4 =	vgt.f32 v7, v2;
	v2 =	vmax.f32 v7, v2  }
0x22e: {  	v8 =	vsel vm5, $0x5, v51;
	vm5 =	vgt.f32 v3, v2;
	v2 =	vmax.f32 v3, v2;
	v3 =	vld [tilespmem:s1+$0x0];
	s1 =	sor.u32 s0, s15;
	s15 =	sld [smem:$0x7CD];
	_ =	sdelay $0x2  }
0x22f: {  	v14 =	vld [tilespmem:s1+$0x0];
	s1 =	sor.u32 s0, s15;
	s15 =	sld [smem:$0x7CE];
	_ =	sdelay $0x2  }
0x230: {  	v16 =	vld [tilespmem:s1+$0x0];
	s1 =	sor.u32 s0, s15;
	s15 =	sld [smem:$0x7CF];
	_ =	sdelay $0x2  }
0x231: {  	v8 =	vsel vm6, $0x6, v8;
	v17 =	vld [tilespmem:s1+$0x0];
	s1 =	sor.u32 s0, s15;
	s15 =	sld [smem:$0x7D0]  }
0x232: {  	v8 =	vsel vm7, $0x7, v8  }
0x233: {  	v8 =	vsel vm8, $0x8, v8;
	v12 =	vmul.f32 v59, v1  }
0x234: {  	v8 =	vsel vm9, $0x9, v8;
	v6 =	vmul.f32 v61, v1;
	v18 =	vld [tilespmem:s1+$0x0];
	s1 =	sor.u32 s0, s15;
	s15 =	sld [smem:$0x7D1]  }
0x235: {  	vm6 =	vgt.f32 v12, v2;
	v2 =	vmax.f32 v12, v2;
	v4 =	vmul.f32 v62, v1  }
0x236: {  	vm7 =	vgt.f32 v6, v2;
	v2 =	vmax.f32 v6, v2;
	v15 =	vmul.f32 v63, v1  }
0x237: {  	vm8 =	vgt.f32 v4, v2;
	v2 =	vmax.f32 v4, v2;
	v7 =	vmul.f32 v13, v1;
	v20 =	vld [tilespmem:s1+$0x0];
	s1 =	sor.u32 s0, s15;
	s15 =	sld [smem:$0x7D2]  }
0x238: {  	vm9 =	vgt.f32 v15, v2;
	v2 =	vmax.f32 v15, v2;
	v3 =	vmul.f32 v3, v1  }
0x239: {  	v8 =	vsel vm10, $0xA, v8;
	vm10 =	vgt.f32 v7, v2;
	v2 =	vmax.f32 v7, v2  }
0x23a: {  	v8 =	vsel vm11, $0xB, v8;
	vm11 =	vgt.f32 v3, v2;
	v2 =	vmax.f32 v3, v2;
	v3 =	vld [tilespmem:s1+$0x0];
	s1 =	sor.u32 s0, s15;
	s15 =	sld [smem:$0x7D3];
	_ =	sdelay $0x2  }
0x23b: {  	v21 =	vld [tilespmem:s1+$0x0];
	s1 =	sor.u32 s0, s15;
	s15 =	sld [smem:$0x7D4];
	_ =	sdelay $0x2  }
0x23c: {  	v23 =	vld [tilespmem:s1+$0x0];
	s1 =	sor.u32 s0, s15;
	s15 =	sld [smem:$0x7D5];
	_ =	sdelay $0x2  }
0x23d: {  	v8 =	vsel vm12, $0xC, v8;
	v24 =	vld [tilespmem:s1+$0x0];
	s1 =	sor.u32 s0, s15;
	s15 =	sld [smem:$0x7D6]  }
0x23e: {  	v8 =	vsel vm13, $0xD, v8  }
0x23f: {  	v8 =	vsel vm14, $0xE, v8;
	v19 =	vmul.f32 v14, v1  }
0x240: {  	v8 =	vsel vm15, $0xF, v8;
	v6 =	vmul.f32 v16, v1;
	v25 =	vld [tilespmem:s1+$0x0];
	s1 =	sor.u32 s0, s15;
	s15 =	sld [smem:$0x7D7]  }
0x241: {  	vm12 =	vgt.f32 v19, v2;
	v2 =	vmax.f32 v19, v2;
	v4 =	vmul.f32 v17, v1  }
0x242: {  	vm13 =	vgt.f32 v6, v2;
	v2 =	vmax.f32 v6, v2;
	v22 =	vmul.f32 v18, v1  }
0x243: {  	vm14 =	vgt.f32 v4, v2;
	v2 =	vmax.f32 v4, v2;
	v7 =	vmul.f32 v20, v1;
	v27 =	vld [tilespmem:s1+$0x0];
	s1 =	sor.u32 s0, s15;
	s15 =	sld [smem:$0x7D8]  }
0x244: {  	vm15 =	vgt.f32 v22, v2;
	v2 =	vmax.f32 v22, v2;
	v3 =	vmul.f32 v3, v1  }
0x245: {  	v8 =	vsel vm4, $0x10, v8;
	vm4 =	vgt.f32 v7, v2;
	v2 =	vmax.f32 v7, v2  }
0x246: {  	v8 =	vsel vm5, $0x11, v8;
	vm5 =	vgt.f32 v3, v2;
	v2 =	vmax.f32 v3, v2;
	v3 =	vld [tilespmem:s1+$0x0];
	s1 =	sor.u32 s0, s15;
	s15 =	sld [smem:$0x7D9];
	_ =	sdelay $0x2  }
0x247: {  	v8 =	vsel vm6, $0x12, v8;
	v28 =	vld [tilespmem:s1+$0x0];
	s1 =	sor.u32 s0, s15;
	s15 =	sld [smem:$0x7DA]  }
0x248: {  	v8 =	vsel vm7, $0x13, v8  }
0x249: {  	v8 =	vsel vm8, $0x14, v8  }
0x24a: {  	v8 =	vsel vm9, $0x15, v8;
	v30 =	vld [tilespmem:s1+$0x0];
	s1 =	sor.u32 s0, s15;
	s15 =	sld [smem:$0x7DB]  }
0x24b: {  	v8 =	vsel vm10, $0x16, v8  }
0x24c: {  	v8 =	vsel vm11, $0x17, v8  }
0x24d: {  	v8 =	vsel vm12, $0x18, v8;
	v31 =	vld [tilespmem:s1+$0x0];
	s1 =	sor.u32 s0, s15;
	s15 =	sld [smem:$0x7DC]  }
0x24e: {  	v8 =	vsel vm13, $0x19, v8  }
0x24f: {  	v8 =	vsel vm14, $0x1A, v8;
	v26 =	vmul.f32 v21, v1  }
0x250: {  	v8 =	vsel vm15, $0x1B, v8;
	v6 =	vmul.f32 v23, v1;
	v32 =	vld [tilespmem:s1+$0x0];
	s1 =	sor.u32 s0, s15;
	s15 =	sld [smem:$0x7DD]  }
0x251: {  	vm6 =	vgt.f32 v26, v2;
	v2 =	vmax.f32 v26, v2;
	v4 =	vmul.f32 v24, v1  }
0x252: {  	vm7 =	vgt.f32 v6, v2;
	v2 =	vmax.f32 v6, v2;
	v29 =	vmul.f32 v25, v1  }
0x253: {  	vm8 =	vgt.f32 v4, v2;
	v2 =	vmax.f32 v4, v2;
	v7 =	vmul.f32 v27, v1;
	v34 =	vld [tilespmem:s1+$0x0];
	s1 =	sor.u32 s0, s15;
	s15 =	sld [smem:$0x7DE]  }
0x254: {  	vm9 =	vgt.f32 v29, v2;
	v2 =	vmax.f32 v29, v2;
	v3 =	vmul.f32 v3, v1  }
0x255: {  	v8 =	vsel vm4, $0x1C, v8;
	vm10 =	vgt.f32 v7, v2;
	v2 =	vmax.f32 v7, v2  }
0x256: {  	v8 =	vsel vm5, $0x1D, v8;
	vm11 =	vgt.f32 v3, v2;
	v2 =	vmax.f32 v3, v2;
	v3 =	vld [tilespmem:s1+$0x0];
	s1 =	sor.u32 s0, s15  }
0x257: {  	v8 =	vsel vm6, $0x1E, v8;
	s15 =	sor.u32 s0, s29;
	v35 =	vld [tilespmem:s1+$0x0]  }
0x258: {  	v8 =	vsel vm7, $0x1F, v8;
	s29 =	sor.u32 s0, s30;
	v37 =	vld [tilespmem:s15+$0x0]  }
0x259: {  	v8 =	vsel vm8, $0x20, v8;
	s30 =	sor.u32 s0, s28;
	v38 =	vld [tilespmem:s29+$0x0]  }
0x25a: {  	v8 =	vsel vm9, $0x21, v8;
	v33 =	vmul.f32 v28, v1;
	s28 =	sor.u32 s0, s22;
	v39 =	vld [tilespmem:s30+$0x0]  }
0x25b: {  	v8 =	vsel vm10, $0x22, v8;
	v6 =	vmul.f32 v30, v1;
	s15 =	sor.u32 s0, s26;
	v44 =	vld [tilespmem:s28+$0x0]  }
0x25c: {  	v8 =	vsel vm11, $0x23, v8;
	vm12 =	vgt.f32 v33, v2;
	v2 =	vmax.f32 v33, v2;
	s26 =	sor.u32 s0, s24;
	v41 =	vld [tilespmem:s15+$0x0]  }
0x25d: {  	v8 =	vsel vm12, $0x24, v8;
	vm13 =	vgt.f32 v6, v2;
	v4 =	vmul.f32 v31, v1;
	s29 =	sor.u32 s0, s23;
	v42 =	vld [tilespmem:s26+$0x0]  }
0x25e: {  	v2 =	vmax.f32 v6, v2;
	v8 =	vsel vm13, $0x25, v8;
	v36 =	vmul.f32 v32, v1;
	s30 =	sor.u32 s0, s21;
	v45 =	vld [tilespmem:s29+$0x0]  }
0x25f: {  	vm14 =	vgt.f32 v4, v2;
	v2 =	vmax.f32 v4, v2;
	v7 =	vmul.f32 v34, v1;
	s21 =	sor.u32 s0, s14;
	v46 =	vld [tilespmem:s30+$0x0]  }
0x260: {  	v8 =	vsel vm14, $0x26, v8;
	vm15 =	vgt.f32 v36, v2;
	v2 =	vmax.f32 v36, v2;
	s24 =	sor.u32 s0, s10;
	v49 =	vld [tilespmem:s21+$0x0]  }
0x261: {  	v8 =	vsel vm15, $0x27, v8;
	s28 =	sor.u32 s0, s6;
	vm4 =	vgt.f32 v7, v2;
	v53 =	vld [tilespmem:s24+$0x0]  }
0x262: {  	v2 =	vmax.f32 v7, v2;
	v56 =	vld [tilespmem:s28+$0x0];
	s29 =	sor.u32 s0, s3;
	v3 =	vmul.f32 v3, v1;
	v40 =	vmul.f32 v35, v1  }
0x263: {  	v8 =	vsel vm4, $0x28, v8;
	v58 =	vld [tilespmem:s29+$0x0];
	v6 =	vmul.f32 v37, v1;
	v4 =	vmul.f32 v38, v1  }
0x264: {  	s25 =	sor.u32 s0, s25;
	vm5 =	vgt.f32 v3, v2;
	v43 =	vmul.f32 v39, v1;
	v7 =	vmul.f32 v41, v1  }
0x265: {  	v2 =	vmax.f32 v3, v2;
	v3 =	vld [tilespmem:s25+$0x0];
	v47 =	vmul.f32 v42, v1;
	v50 =	vmul.f32 v46, v1  }
0x266: {  	v8 =	vsel vm5, $0x29, v8;
	v54 =	vmul.f32 v49, v1;
	v57 =	vmul.f32 v53, v1  }
0x267: {  	v62 =	vmul.f32 v56, v1;
	vm6 =	vgt.f32 v40, v2;
	v2 =	vmax.f32 v40, v2  }
0x268: {  	v63 =	vmul.f32 v58, v1;
	v8 =	vsel vm6, $0x2A, v8;
	vm7 =	vgt.f32 v6, v2  }
0x269: {  	s15 =	sor.u32 s0, s20;
	v2 =	vmax.f32 v6, v2;
	v6 =	vmul.f32 v44, v1;
	v8 =	vsel vm7, $0x2B, v8  }
0x26a: {  	s22 =	sor.u32 s0, s11;
	v48 =	vld [tilespmem:s15+$0x0];
	vm8 =	vgt.f32 v4, v2;
	v2 =	vmax.f32 v4, v2;
	v3 =	vmul.f32 v3, v1  }
0x26b: {  	v51 =	vld [tilespmem:s22+$0x0];
	v8 =	vsel vm8, $0x2C, v8;
	vm9 =	vgt.f32 v43, v2;
	v2 =	vmax.f32 v43, v2  }
0x26c: {  	s23 =	sor.u32 s0, s13;
	v8 =	vsel vm9, $0x2D, v8;
	vm10 =	vgt.f32 v7, v2;
	v2 =	vmax.f32 v7, v2  }
0x26d: {  	s20 =	sor.u32 s0, s19;
	v52 =	vld [tilespmem:s23+$0x0];
	v8 =	vsel vm10, $0x2E, v8;
	vm11 =	vgt.f32 v3, v2;
	v2 =	vmax.f32 v3, v2  }
0x26e: {  	s25 =	sor.u32 s0, s8;
	v4 =	vmul.f32 v45, v1;
	v3 =	vld [tilespmem:s20+$0x0];
	v8 =	vsel vm11, $0x2F, v8;
	vm12 =	vgt.f32 v47, v2  }
0x26f: {  	v55 =	vld [tilespmem:s25+$0x0];
	v7 =	vmul.f32 v48, v1;
	v2 =	vmax.f32 v47, v2;
	v8 =	vsel vm12, $0x30, v8  }
0x270: {  	vm13 =	vgt.f32 v6, v2;
	v2 =	vmax.f32 v6, v2;
	v6 =	vmul.f32 v51, v1  }
0x271: {  	v8 =	vsel vm13, $0x31, v8;
	vm14 =	vgt.f32 v4, v2;
	v2 =	vmax.f32 v4, v2  }
0x272: {  	v4 =	vmul.f32 v52, v1;
	v8 =	vsel vm14, $0x32, v8;
	vm15 =	vgt.f32 v50, v2  }
0x273: {  	s30 =	sor.u32 s0, s5;
	v2 =	vmax.f32 v50, v2;
	v8 =	vsel vm15, $0x33, v8;
	v3 =	vmul.f32 v3, v1  }
0x274: {  	s26 =	sor.u32 s0, s7;
	v59 =	vld [tilespmem:s30+$0x0];
	vm4 =	vgt.f32 v7, v2;
	v2 =	vmax.f32 v7, v2;
	v7 =	vmul.f32 v55, v1  }
0x275: {  	s0 =	sor.u32 s0, s2;
	v8 =	vsel vm4, $0x34, v8;
	vm5 =	vgt.f32 v3, v2;
	v2 =	vmax.f32 v3, v2;
	v3 =	vld [tilespmem:s26+$0x0]  }
0x276: {  	v60 =	vld [tilespmem:s0+$0x0];
	v8 =	vsel vm5, $0x35, v8;
	vm6 =	vgt.f32 v54, v2;
	v2 =	vmax.f32 v54, v2  }
0x277: {  	v8 =	vsel vm6, $0x36, v8;
	vm7 =	vgt.f32 v6, v2;
	v2 =	vmax.f32 v6, v2  }
0x278: {  	v8 =	vsel vm7, $0x37, v8;
	vm8 =	vgt.f32 v4, v2;
	v2 =	vmax.f32 v4, v2  }
0x279: {  	v4 =	vmul.f32 v59, v1;
	v8 =	vsel vm8, $0x38, v8;
	vm9 =	vgt.f32 v57, v2  }
0x27a: {  	v2 =	vmax.f32 v57, v2;
	v61 =	vsel vm9, $0x39, v8;
	v3 =	vmul.f32 v3, v1  }
0x27b: {  	vm10 =	vgt.f32 v7, v2;
	v2 =	vmax.f32 v7, v2;
	v1 =	vmul.f32 v60, v1  }
0x27c: {  	v5 =	vsel vm10, $0x3A, v61;
	vm11 =	vgt.f32 v3, v2;
	v2 =	vmax.f32 v3, v2  }
0x27d: {  	p0 =	sne.s32 s18, $0x160;
	v3 =	vsel vm11, $0x3B, v5;
	vm12 =	vgt.f32 v62, v2;
	v2 =	vmax.f32 v62, v2  }
.Ltmp10:
0x27e: {  	v3 =	vsel vm12, $0x3C, v3;
	vm13 =	vgt.f32 v63, v2;
	v2 =	vmax.f32 v63, v2;
	(pc) =	sbr.rel @p0 .LBB2_11-.Ltmp10, $4  }
0x27f: {  	v3 =	vsel vm13, $0x3D, v3;
	vm14 =	vgt.f32 v4, v2;
	v2 =	vmax.f32 v4, v2  }
0x280: {  	v3 =	vsel vm14, $0x3E, v3;
	vm15 =	vgt.f32 v1, v2;
	v1 =	vmax.f32 v1, v2  }
0x281: {  	s31 =	sadd.s32 $0x1, s31;
	s16 =	sadd.s32 $0x20, s16;
	s9 =	sadd.s32 $0x100, s9;
	v2 =	vsel vm15, $0x3F, v3;
	[tilespmem:s12+$0x18480] =	vst v1  }
0x282: {  	s18 =	sadd.s32 $0x20, s18;
	s17 =	sadd.s32 $0x20, s17;
	s4 =	sadd.s32 $0x20, s4;
	[tilespmem:s12+$0x18780] =	vst v2  }
0x283: {  	s4 =	rddreg [dreg:$0x14]  }
0x284: {  	s0 =	smul.u32 $0xFC1, s4;
	_ =	sdelay $0x1  }
0x285: {  	s0 =	sshrl.u32 s0, $0x13  }
0x286: {  	s1 =	smul.u32 $0xFFFFFFAB, s0;
	_ =	sdelay $0x1  }
0x287: {  	s1 =	sand.u32 $0xFF, s1  }
0x288: {  	p0 =	slt.u32 s4, $0x82;
	p1 =	sgt.u32 s1, $0x55  }
0x289: {  	s24 =	smul.u32 $0xA80B, s4;
	p0 =	por !p0, !p1  }
0x28a: {  	s2 =	simm.s32 $0x1;
	p0 =	por !p0, !p0  }
0x28b: {  	s1 =	sshrl.u32 s24, $0x18;
	s2 =	simm.s32 @!p0 $0x0  }
0x28c: {  	s25 =	smul.u32 $0xFFFFFF7E, s0;
	s1 =	ssub.s32 s1, s2  }
0x28d: {  	s3 =	smul.u32 $0xFFFFFFFD, s1  }
0x28e: {  	s2 =	sadd.s32 s4, s25;
	s1 =	smul.u32 $0x24900, s1  }
0x28f: {  	s2 =	smul.u32 $0x180, s2;
	s0 =	sadd.s32 s0, s3  }
0x290: {  	s0 =	smul.u32 $0xC300, s0  }
0x291: {  	s1 =	sadd.s32 s2, s1  }
0x292: {  	s26 =	rddreg [dreg:$0x2];
	s28 =	simm.s32 $0x0;
	s0 =	sadd.s32 s0, s1  }
.Ltmp11:
0x293: {  	s29 =	simm.s32 $0x18480;
	s0 =	sshrl.u32 s0, $0x3;
	(pc) =	sbr.rel .LBB2_13-.Ltmp11, $4  }
0x294: {  	s30 =	rddreg [dreg:$0x3];
	s7 =	simm.s32 $0x0;
	s1 =	sadd.s32 s26, s0  }
0x295: {  	[hbm4b:s1+s28] =	stream.linear.scatter [tilespmem:s29], [sflag:$0x8], $0x180, $0x38;
	[tilespmem:$0x18900] =	vst v63  }
0x296: {  	s31 =	simm.s32 $0x18780;
	s8 =	rddreg [dreg:$0x13];
	s0 =	sadd.s32 s30, s0  }
0x297: {  	[hbm4b:s0+s28] =	stream.linear.scatter [tilespmem:s31], [sflag:$0x8], $0x180, $0x38;
	[tilespmem:$0x18900] =	vst v63  }
.LBB2_15:
0x298: {  	_ =	sfence.sel $0x180000  }
0x299: {  	[bflag:$0x0] =	sbarrier.arrive $0xFFFF  }
0x29a: {  	_ =	strace $0x90000047  }
0x29b: {  	s0 =	stileid.u32;
	[bflag:$0x2] =	sbarrier.arrive $0xFFFF  }
0x29c: {  	p0 =	sne.s32 s0, $0x0;
	s0 =	rddreg [dreg:$0x5]  }
0x29d: {  	s0 =	sadd.s32 @!p0 $0x100000, s0  }
0x29e: {  	[sflag:s0] =	ssyncadd.tile.s32 @!p0 $0x1;
	_ =	shalt  }
.Lfunc_end2:
_tile_overlayer_lowered:
.L_overlay_start_2:
0x29f: {  	(tag) =	ssettag $0x2  }
0x2a0: {  	s0 =	rddreg [dreg:$0x0];
	s2 =	stileid.u32  }
0x2a1: {  	s1 =	rddreg [dreg:$0x1];
	p0 =	sne.s32 s2, $0x0  }
0x2a2: {  	s3 =	rddreg [dreg:$0x2];
	[bflag:$0x3] =	sbarrier.arrive $0xFFFF;
	s2 =	simm.s32 @!p0 $0x1C09  }
0x2a3: {  	[timem:s3], [sflag:s2] =	dma.local @!p0 [hbm:s0], s1  }
0x2a4: {  	s0 =	simm.s32 @!p0 $0x9  }
0x2a5: {  	_ =	swait.ge @!p0 [sflag:s0], s1  }
0x2a6: {  	s1 =	ssub.s32 @!p0 $0x0, s1;
	[sflag:s0] =	ssyncset.done @!p0 $0x0  }
0x2a7: {  	[sflag:s0] =	ssyncadd.s32 @!p0 s1  }
0x2a8: {  	[bflag:$0x3] =	sbarrier.arrive $0xFFFF  }
0x2a9: {  	_ =	shalt  }

</sc_bundles>
